<compile_context>
chip_gen: v7x
topology: tpu7x:2x2x1
jax: 0.10.2.dev20260603
libtpu: 0.0.44.dev20260713+nightly
codegen_flags: <defaults>
</compile_context>

<pallas_src>
import functools

import jax
import jax.numpy as jnp
from jax import lax
from jax.experimental import pallas as pl
from jax.experimental.pallas import tpu as pltpu
from jax.experimental.pallas import tpu_sc as plsc

N = 10000
D = 128
E = 320000
NC, NS = 2, 16
NW = NC * NS
N_PAD = 10240
RPT = N_PAD // NS
CHUNK = 160
EC = 64
ECP = EC + 4
E_PAD = NW * EC * CHUNK

_mesh = plsc.VectorSubcoreMesh(core_axis_name="c", subcore_axis_name="s")


@functools.partial(
    pl.kernel,
    mesh=_mesh,
    out_type=jax.ShapeDtypeStruct((NC, N_PAD), jnp.float32),
    scratch_types=[
        pltpu.VMEM((ECP, 2, 1, CHUNK), jnp.int32),
        pltpu.VMEM((1, CHUNK), jnp.float32),
        pltpu.VMEM_SHARED((N_PAD,), jnp.float32),
    ],
)
def _deg_kernel(ei_hbm, zeros_hbm, out_hbm, idx_v, ones_v, acc):
    cid = lax.axis_index("c")
    sid = lax.axis_index("s")
    wid = cid * NS + sid
    for i in range(CHUNK // 16):
        ones_v[0, pl.ds(i * 16, 16)] = jnp.ones((16,), jnp.float32)
    pltpu.sync_copy(zeros_hbm.at[pl.ds(sid * RPT, RPT)],
                    acc.at[pl.ds(sid * RPT, RPT)])
    pltpu.sync_copy(ei_hbm.at[wid], idx_v)
    plsc.subcore_barrier()

    def body(j, c):
        pltpu.sync_copy(ones_v.at[0], acc.at[idx_v.at[j, 1, 0]], add=True)
        return c

    lax.fori_loop(0, EC, body, 0)
    plsc.subcore_barrier()
    pltpu.sync_copy(acc.at[pl.ds(sid * RPT, RPT)],
                    out_hbm.at[cid, pl.ds(sid * RPT, RPT)])


@functools.partial(
    pl.kernel,
    mesh=_mesh,
    out_type=jax.ShapeDtypeStruct((NC, N_PAD, D), jnp.float32),
    scratch_types=[
        pltpu.VMEM((4, 2, 1, CHUNK), jnp.int32),
        pltpu.VMEM((2, CHUNK, D), jnp.float32),
        pltpu.VMEM_SHARED((N_PAD, D), jnp.float32),
        pltpu.SemaphoreType.DMA,
        pltpu.SemaphoreType.DMA,
        pltpu.SemaphoreType.DMA,
        pltpu.SemaphoreType.DMA,
        pltpu.SemaphoreType.DMA,
        pltpu.SemaphoreType.DMA,
    ],
)
def _agg_kernel(y_hbm, ei_hbm, out_hbm, ring, rows_v, acc,
                isem0, isem1, isem2, isem3, gsem0, gsem1):
    cid = lax.axis_index("c")
    sid = lax.axis_index("s")
    wid = cid * NS + sid
    isems = (isem0, isem1, isem2, isem3)
    gsems = (gsem0, gsem1)
    pltpu.sync_copy(y_hbm.at[pl.ds(sid * RPT, RPT)],
                    acc.at[pl.ds(sid * RPT, RPT)])
    plsc.subcore_barrier()

    for s in range(4):
        pltpu.async_copy(ei_hbm.at[wid, s], ring.at[s], isems[s])
    for s in range(2):
        pltpu.make_async_copy(ei_hbm.at[wid, s], ring.at[s], isems[s]).wait()
        pltpu.async_copy(y_hbm.at[ring.at[s, 0, 0]], rows_v.at[s], gsems[s])

    def body(i, c):
        for b in range(4):
            j = 4 * i + b
            p = b & 1
            b2 = (b + 2) % 4
            pltpu.make_async_copy(y_hbm.at[ring.at[b, 0, 0]], rows_v.at[p],
                                  gsems[p]).wait()
            pltpu.sync_copy(rows_v.at[p], acc.at[ring.at[b, 1, 0]], add=True)
            pltpu.async_copy(ei_hbm.at[wid, j + 4], ring.at[b], isems[b])
            pltpu.make_async_copy(ei_hbm.at[wid, j + 2], ring.at[b2],
                                  isems[b2]).wait()
            pltpu.async_copy(y_hbm.at[ring.at[b2, 0, 0]], rows_v.at[p],
                             gsems[p])
        return c

    lax.fori_loop(0, EC // 4, body, 0)
    pltpu.make_async_copy(y_hbm.at[ring.at[0, 0, 0]], rows_v.at[0],
                          gsem0).wait()
    pltpu.make_async_copy(y_hbm.at[ring.at[1, 0, 0]], rows_v.at[1],
                          gsem1).wait()
    pltpu.make_async_copy(ei_hbm.at[wid, 0], ring.at[2], isem2).wait()
    pltpu.make_async_copy(ei_hbm.at[wid, 0], ring.at[3], isem3).wait()
    plsc.subcore_barrier()
    pltpu.sync_copy(acc.at[pl.ds(sid * RPT, RPT)],
                    out_hbm.at[cid, pl.ds(sid * RPT, RPT)])


def _prep_body(degp_ref, o_ref):
    deg = degp_ref[0] + degp_ref[1] + 1.0
    dv = lax.rsqrt(deg)
    row = lax.broadcasted_iota(jnp.int32, (N_PAD // 128, 128), 0)
    col = lax.broadcasted_iota(jnp.int32, (N_PAD // 128, 128), 1)
    o_ref[...] = jnp.where(row * 128 + col < N, dv, 0.0)


_prep_call = pl.pallas_call(
    _prep_body,
    out_shape=jax.ShapeDtypeStruct((N_PAD // 128, 128), jnp.float32),
)

BR = 256
GRID = N_PAD // BR


def _y1_body(x_ref, dinv_ref, w_ref, o_ref):
    o_ref[...] = jnp.dot(x_ref[...] * dinv_ref[...], w_ref[...],
                         preferred_element_type=jnp.float32)


_y1_call = pl.pallas_call(
    _y1_body,
    grid=(GRID,),
    in_specs=[
        pl.BlockSpec((BR, D), lambda i: (i, 0)),
        pl.BlockSpec((BR, 1), lambda i: (i, 0)),
        pl.BlockSpec((D, D), lambda i: (0, 0)),
    ],
    out_specs=pl.BlockSpec((BR, D), lambda i: (i, 0)),
    out_shape=jax.ShapeDtypeStruct((N_PAD, D), jnp.float32),
)


def _mid_body(a_ref, yp_ref, dinv_ref, b_ref, w_ref, o_ref):
    t = a_ref[0] + a_ref[1] - yp_ref[...]
    t = t * dinv_ref[...] + b_ref[...]
    t = jnp.maximum(t, 0.0)
    o_ref[...] = jnp.dot(t * dinv_ref[...], w_ref[...],
                         preferred_element_type=jnp.float32)


_mid_call = pl.pallas_call(
    _mid_body,
    grid=(GRID,),
    in_specs=[
        pl.BlockSpec((NC, BR, D), lambda i: (0, i, 0)),
        pl.BlockSpec((BR, D), lambda i: (i, 0)),
        pl.BlockSpec((BR, 1), lambda i: (i, 0)),
        pl.BlockSpec((1, D), lambda i: (0, 0)),
        pl.BlockSpec((D, D), lambda i: (0, 0)),
    ],
    out_specs=pl.BlockSpec((BR, D), lambda i: (i, 0)),
    out_shape=jax.ShapeDtypeStruct((N_PAD, D), jnp.float32),
)


def _fin_body(a_ref, yp_ref, dinv_ref, b_ref, o_ref):
    t = a_ref[0] + a_ref[1] - yp_ref[...]
    o_ref[...] = t * dinv_ref[...] + b_ref[...]


_fin_call = pl.pallas_call(
    _fin_body,
    grid=(GRID,),
    in_specs=[
        pl.BlockSpec((NC, BR, D), lambda i: (0, i, 0)),
        pl.BlockSpec((BR, D), lambda i: (i, 0)),
        pl.BlockSpec((BR, 1), lambda i: (i, 0)),
        pl.BlockSpec((1, D), lambda i: (0, 0)),
    ],
    out_specs=pl.BlockSpec((BR, D), lambda i: (i, 0)),
    out_shape=jax.ShapeDtypeStruct((N_PAD, D), jnp.float32),
)


def kernel(x, edge_index, W1, b1, W2, b2, W3, b3):
    src = edge_index[0].astype(jnp.int32)
    dst = edge_index[1].astype(jnp.int32)
    npad = E_PAD - E
    pad_src = jnp.arange(npad, dtype=jnp.int32) % N_PAD
    pad_dst = N + jnp.arange(npad, dtype=jnp.int32) % (N_PAD - N)
    src_all = jnp.concatenate([src, pad_src]).reshape(NW, EC, 1, CHUNK)
    dst_all = jnp.concatenate([dst, pad_dst]).reshape(NW, EC, 1, CHUNK)
    ncp = NW * (ECP - EC) * CHUNK
    padc = jnp.stack(
        [(jnp.arange(ncp, dtype=jnp.int32) % N_PAD).reshape(
            NW, ECP - EC, 1, CHUNK),
         (N + jnp.arange(ncp, dtype=jnp.int32) % (N_PAD - N)).reshape(
            NW, ECP - EC, 1, CHUNK)], axis=2)
    eip = jnp.concatenate(
        [jnp.stack([src_all, dst_all], axis=2), padc], axis=1)
    xp = jnp.pad(x, ((0, N_PAD - N), (0, 0)))
    zeros = jnp.zeros((N_PAD,), jnp.float32)

    degp = _deg_kernel(eip, zeros)
    dinv = _prep_call(degp.reshape(NC, N_PAD // 128, 128)).reshape(N_PAD, 1)

    b1r, b2r, b3r = (b.reshape(1, D) for b in (b1, b2, b3))
    y1 = _y1_call(xp, dinv, W1)
    a1 = _agg_kernel(y1, eip)
    y2 = _mid_call(a1, y1, dinv, b1r, W2)
    a2 = _agg_kernel(y2, eip)
    y3 = _mid_call(a2, y2, dinv, b2r, W3)
    a3 = _agg_kernel(y3, eip)
    out = _fin_call(a3, y3, dinv, b3r)
    return out[:N]

# --- scband reference (transcript-rebuilt; emitter-appended) ---
"""Pipeline reference for scband-gcnencoder-13288628814617 (READ-ONLY COPY).

The authoritative reference and input builder live on the scoring server;
editing this copy changes nothing except your own understanding.
"""

import jax, jax.numpy as jnp
import numpy as np

N_NODES = 10000
N_EDGES = 320000
D = 128

def setup_inputs(seed: int = 0) -> dict:
    key = jax.random.key(seed)
    ks = jax.random.split(key, 8)
    x = jax.random.normal(ks[0], (N_NODES, D), dtype=jnp.float32)
    edge_index = jax.random.randint(ks[1], (2, N_EDGES), 0, N_NODES, dtype=jnp.int64)
    # GCN layer weights (glorot-like) and biases for 3 layers: 128->128->128->128
    def glorot(k, shp):
        lim = float(np.sqrt(6.0 / (shp[0] + shp[1])))
        return jax.random.uniform(k, shp, dtype=jnp.float32, minval=-lim, maxval=lim)
    W1 = glorot(ks[2], (D, D)); b1 = jnp.zeros((D,), jnp.float32)
    W2 = glorot(ks[3], (D, D)); b2 = jnp.zeros((D,), jnp.float32)
    W3 = glorot(ks[4], (D, D)); b3 = jnp.zeros((D,), jnp.float32)
    return {"x": x, "edge_index": edge_index, "W1": W1, "b1": b1, "W2": W2, "b2": b2, "W3": W3, "b3": b3}

def _gcn_conv(x, src, dst, norm, W, b, n):
    # x' = D^{-1/2} (A + I) D^{-1/2} x W + b   (self-loops already folded into src/dst/norm)
    xw = x @ W
    msg = xw[src] * norm[:, None]
    out = jnp.zeros((n, xw.shape[1]), dtype=xw.dtype).at[dst].add(msg)
    return out + b

def _build_norm(edge_index, n):
    loop = jnp.arange(n, dtype=edge_index.dtype)
    src = jnp.concatenate([edge_index[0], loop])
    dst = jnp.concatenate([edge_index[1], loop])
    deg = jnp.zeros((n,), jnp.float32).at[dst].add(1.0)
    dinv = jnp.where(deg > 0, 1.0 / jnp.sqrt(deg), 0.0)
    norm = dinv[src] * dinv[dst]
    return src, dst, norm

def reference(x, edge_index, W1, b1, W2, b2, W3, b3):
    n = x.shape[0]
    src, dst, norm = _build_norm(edge_index, n)
    h = _gcn_conv(x, src, dst, norm, W1, b1, n)
    h = jax.nn.relu(h)  # dropout=0.0 -> identity
    h = _gcn_conv(h, src, dst, norm, W2, b2, n)
    h = jax.nn.relu(h)
    h = _gcn_conv(h, src, dst, norm, W3, b3, n)
    return h

if __name__ == "__main__":
    import jax
    _d = setup_inputs()
    print(jax.jit(kernel)(*tuple(_d.values())))

</pallas_src>

<mosaic_0001>
#map = affine_map<(d0, d1) -> (0, 0)>
#map1 = affine_map<(d0, d1) -> (0, 0, 0, 0, 0)>
#map2 = affine_map<(d0, d1) -> (0, 0, 0)>
module attributes {stable_mosaic.version = 14 : i64} {
  func.func @_agg_kernel(%arg0: i32, %arg1: i32, %arg2: memref<10240x128xf32, #tpu.memory_space<hbm>>, %arg3: memref<32x68x2x1x160xi32, #tpu.memory_space<hbm>>, %arg4: memref<2x10240x128xf32, #tpu.memory_space<hbm>>, %arg5: memref<4x2x1x160xi32, #tpu.memory_space<vmem>>, %arg6: memref<2x160x128xf32, #tpu.memory_space<vmem>>, %arg7: memref<10240x128xf32, #tpu.memory_space<vmem_shared>>, %arg8: memref<!tpu.dma_semaphore, #tpu.memory_space<semaphore_mem>>, %arg9: memref<!tpu.dma_semaphore, #tpu.memory_space<semaphore_mem>>, %arg10: memref<!tpu.dma_semaphore, #tpu.memory_space<semaphore_mem>>, %arg11: memref<!tpu.dma_semaphore, #tpu.memory_space<semaphore_mem>>, %arg12: memref<!tpu.dma_semaphore, #tpu.memory_space<semaphore_mem>>, %arg13: memref<!tpu.dma_semaphore, #tpu.memory_space<semaphore_mem>>) attributes {dimension_semantics = [#tpu.dimension_semantics<core_parallel>, #tpu.dimension_semantics<subcore_parallel>], iteration_bounds = array<i64: 2, 16>, scalar_prefetch = 0 : i64, scratch_operands = 9 : i64, tpu.core_type = #tpu.core_type<sc_vector_subcore>, window_params = [{transform_indices = #map}, {transform_indices = #map1}, {transform_indices = #map2}]} {
    %mul3A = arith.constant 16 : i32
    %mul3A_0 = arith.muli %arg0, %mul3A : i32
    %add3A = arith.addi %mul3A_0, %arg1 : i32
    %mul3A_1 = arith.constant 640 : i32
    %mul3A_2 = arith.muli %arg1, %mul3A_1 : i32
    %mul3A_3 = arith.constant 640 : i32
    %mul3A_4 = arith.muli %arg1, %mul3A_3 : i32
    "tpu.region"() ({
      %run_scoped3A = tpu.sem_alloc : memref<!tpu.dma_semaphore, #tpu.memory_space<semaphore_mem>>
      %dma_start3A_245 = arith.constant 0 : i32
      %dma_start3A_246 = tpu.memref_slice %arg7[%mul3A_4, %dma_start3A_245] : memref<10240x128xf32, #tpu.memory_space<vmem_shared>> -> memref<640x128xf32, #tpu.memory_space<vmem_shared>>
      %dma_start3A_247 = arith.constant 0 : i32
      %dma_start3A_248 = tpu.memref_slice %arg2[%mul3A_2, %dma_start3A_247] : memref<10240x128xf32, #tpu.memory_space<hbm>> -> memref<640x128xf32, #tpu.memory_space<hbm>>
      tpu.enqueue_dma source(%dma_start3A_248 : memref<640x128xf32, #tpu.memory_space<hbm>>) target(%dma_start3A_246 : memref<640x128xf32, #tpu.memory_space<vmem_shared>>) target_semaphore(%run_scoped3A : memref<!tpu.dma_semaphore, #tpu.memory_space<semaphore_mem>>)
      %dma_wait3A_249 = arith.constant 0 : i32
      %dma_wait3A_250 = tpu.memref_slice %arg7[%mul3A_4, %dma_wait3A_249] : memref<10240x128xf32, #tpu.memory_space<vmem_shared>> -> memref<640x128xf32, #tpu.memory_space<vmem_shared>>
      %dma_wait3A_251 = arith.constant 0 : i32
      %dma_wait3A_252 = tpu.memref_slice %arg2[%mul3A_2, %dma_wait3A_251] : memref<10240x128xf32, #tpu.memory_space<hbm>> -> memref<640x128xf32, #tpu.memory_space<hbm>>
      tpu.wait_dma2 semaphore(%run_scoped3A : memref<!tpu.dma_semaphore, #tpu.memory_space<semaphore_mem>>) src(%dma_wait3A_252 : memref<640x128xf32, #tpu.memory_space<hbm>>) dst(%dma_wait3A_250 : memref<640x128xf32, #tpu.memory_space<vmem_shared>>)
      tpu.yield
    }) : () -> ()
    %barrier3A = arith.constant 0 : index
    tpu.barrier barrier_id(%barrier3A)
    %dma_start3A = arith.constant 0 : i32
    %dma_start3A_5 = arith.constant 0 : i32
    %dma_start3A_6 = arith.constant 0 : i32
    %dma_start3A_7 = arith.constant 0 : i32
    %dma_start3A_8 = arith.constant 0 : i32
    %dma_start3A_9 = tpu.memref_slice %arg5[%dma_start3A_5, %dma_start3A_6, %dma_start3A_7, %dma_start3A_8] : memref<4x2x1x160xi32, #tpu.memory_space<vmem>> -> memref<1x2x1x160xi32, #tpu.memory_space<vmem>>
    %dma_start3A_10 = tpu.memref_squeeze %dma_start3A_9 : memref<1x2x1x160xi32, #tpu.memory_space<vmem>> -> memref<2x1x160xi32, #tpu.memory_space<vmem>>
    %dma_start3A_11 = arith.constant 0 : i32
    %dma_start3A_12 = arith.constant 0 : i32
    %dma_start3A_13 = arith.constant 0 : i32
    %dma_start3A_14 = tpu.memref_slice %arg3[%add3A, %dma_start3A, %dma_start3A_11, %dma_start3A_12, %dma_start3A_13] : memref<32x68x2x1x160xi32, #tpu.memory_space<hbm>> -> memref<1x1x2x1x160xi32, #tpu.memory_space<hbm>>
    %dma_start3A_15 = tpu.memref_squeeze %dma_start3A_14 : memref<1x1x2x1x160xi32, #tpu.memory_space<hbm>> -> memref<2x1x160xi32, #tpu.memory_space<hbm>>
    %dma_start3A_16 = arith.constant 0 : i32
    %dma_start3A_17 = arith.constant 0 : i32
    %dma_start3A_18 = arith.constant 0 : i32
    %dma_start3A_19 = tpu.memref_slice %arg5[%dma_start3A_5, %dma_start3A_16, %dma_start3A_17, %dma_start3A_18] : memref<4x2x1x160xi32, #tpu.memory_space<vmem>> -> memref<1x2x1x160xi32, #tpu.memory_space<vmem>>
    %dma_start3A_20 = tpu.memref_squeeze %dma_start3A_19 : memref<1x2x1x160xi32, #tpu.memory_space<vmem>> -> memref<2x1x160xi32, #tpu.memory_space<vmem>>
    %dma_start3A_21 = arith.constant 0 : i32
    %dma_start3A_22 = arith.constant 0 : i32
    %dma_start3A_23 = arith.constant 0 : i32
    %dma_start3A_24 = tpu.memref_slice %arg3[%add3A, %dma_start3A, %dma_start3A_21, %dma_start3A_22, %dma_start3A_23] : memref<32x68x2x1x160xi32, #tpu.memory_space<hbm>> -> memref<1x1x2x1x160xi32, #tpu.memory_space<hbm>>
    %dma_start3A_25 = tpu.memref_squeeze %dma_start3A_24 : memref<1x1x2x1x160xi32, #tpu.memory_space<hbm>> -> memref<2x1x160xi32, #tpu.memory_space<hbm>>
    tpu.enqueue_dma source(%dma_start3A_25 : memref<2x1x160xi32, #tpu.memory_space<hbm>>) target(%dma_start3A_20 : memref<2x1x160xi32, #tpu.memory_space<vmem>>) target_semaphore(%arg8 : memref<!tpu.dma_semaphore, #tpu.memory_space<semaphore_mem>>)
    %dma_start3A_26 = arith.constant 1 : i32
    %dma_start3A_27 = arith.constant 1 : i32
    %dma_start3A_28 = arith.constant 0 : i32
    %dma_start3A_29 = arith.constant 0 : i32
    %dma_start3A_30 = arith.constant 0 : i32
    %dma_start3A_31 = tpu.memref_slice %arg5[%dma_start3A_27, %dma_start3A_28, %dma_start3A_29, %dma_start3A_30] : memref<4x2x1x160xi32, #tpu.memory_space<vmem>> -> memref<1x2x1x160xi32, #tpu.memory_space<vmem>>
    %dma_start3A_32 = tpu.memref_squeeze %dma_start3A_31 : memref<1x2x1x160xi32, #tpu.memory_space<vmem>> -> memref<2x1x160xi32, #tpu.memory_space<vmem>>
    %dma_start3A_33 = arith.constant 0 : i32
    %dma_start3A_34 = arith.constant 0 : i32
    %dma_start3A_35 = arith.constant 0 : i32
    %dma_start3A_36 = tpu.memref_slice %arg3[%add3A, %dma_start3A_26, %dma_start3A_33, %dma_start3A_34, %dma_start3A_35] : memref<32x68x2x1x160xi32, #tpu.memory_space<hbm>> -> memref<1x1x2x1x160xi32, #tpu.memory_space<hbm>>
    %dma_start3A_37 = tpu.memref_squeeze %dma_start3A_36 : memref<1x1x2x1x160xi32, #tpu.memory_space<hbm>> -> memref<2x1x160xi32, #tpu.memory_space<hbm>>
    %dma_start3A_38 = arith.constant 0 : i32
    %dma_start3A_39 = arith.constant 0 : i32
    %dma_start3A_40 = arith.constant 0 : i32
    %dma_start3A_41 = tpu.memref_slice %arg5[%dma_start3A_27, %dma_start3A_38, %dma_start3A_39, %dma_start3A_40] : memref<4x2x1x160xi32, #tpu.memory_space<vmem>> -> memref<1x2x1x160xi32, #tpu.memory_space<vmem>>
    %dma_start3A_42 = tpu.memref_squeeze %dma_start3A_41 : memref<1x2x1x160xi32, #tpu.memory_space<vmem>> -> memref<2x1x160xi32, #tpu.memory_space<vmem>>
    %dma_start3A_43 = arith.constant 0 : i32
    %dma_start3A_44 = arith.constant 0 : i32
    %dma_start3A_45 = arith.constant 0 : i32
    %dma_start3A_46 = tpu.memref_slice %arg3[%add3A, %dma_start3A_26, %dma_start3A_43, %dma_start3A_44, %dma_start3A_45] : memref<32x68x2x1x160xi32, #tpu.memory_space<hbm>> -> memref<1x1x2x1x160xi32, #tpu.memory_space<hbm>>
    %dma_start3A_47 = tpu.memref_squeeze %dma_start3A_46 : memref<1x1x2x1x160xi32, #tpu.memory_space<hbm>> -> memref<2x1x160xi32, #tpu.memory_space<hbm>>
    tpu.enqueue_dma source(%dma_start3A_47 : memref<2x1x160xi32, #tpu.memory_space<hbm>>) target(%dma_start3A_42 : memref<2x1x160xi32, #tpu.memory_space<vmem>>) target_semaphore(%arg9 : memref<!tpu.dma_semaphore, #tpu.memory_space<semaphore_mem>>)
    %dma_start3A_48 = arith.constant 2 : i32
    %dma_start3A_49 = arith.constant 2 : i32
    %dma_start3A_50 = arith.constant 0 : i32
    %dma_start3A_51 = arith.constant 0 : i32
    %dma_start3A_52 = arith.constant 0 : i32
    %dma_start3A_53 = tpu.memref_slice %arg5[%dma_start3A_49, %dma_start3A_50, %dma_start3A_51, %dma_start3A_52] : memref<4x2x1x160xi32, #tpu.memory_space<vmem>> -> memref<1x2x1x160xi32, #tpu.memory_space<vmem>>
    %dma_start3A_54 = tpu.memref_squeeze %dma_start3A_53 : memref<1x2x1x160xi32, #tpu.memory_space<vmem>> -> memref<2x1x160xi32, #tpu.memory_space<vmem>>
    %dma_start3A_55 = arith.constant 0 : i32
    %dma_start3A_56 = arith.constant 0 : i32
    %dma_start3A_57 = arith.constant 0 : i32
    %dma_start3A_58 = tpu.memref_slice %arg3[%add3A, %dma_start3A_48, %dma_start3A_55, %dma_start3A_56, %dma_start3A_57] : memref<32x68x2x1x160xi32, #tpu.memory_space<hbm>> -> memref<1x1x2x1x160xi32, #tpu.memory_space<hbm>>
    %dma_start3A_59 = tpu.memref_squeeze %dma_start3A_58 : memref<1x1x2x1x160xi32, #tpu.memory_space<hbm>> -> memref<2x1x160xi32, #tpu.memory_space<hbm>>
    %dma_start3A_60 = arith.constant 0 : i32
    %dma_start3A_61 = arith.constant 0 : i32
    %dma_start3A_62 = arith.constant 0 : i32
    %dma_start3A_63 = tpu.memref_slice %arg5[%dma_start3A_49, %dma_start3A_60, %dma_start3A_61, %dma_start3A_62] : memref<4x2x1x160xi32, #tpu.memory_space<vmem>> -> memref<1x2x1x160xi32, #tpu.memory_space<vmem>>
    %dma_start3A_64 = tpu.memref_squeeze %dma_start3A_63 : memref<1x2x1x160xi32, #tpu.memory_space<vmem>> -> memref<2x1x160xi32, #tpu.memory_space<vmem>>
    %dma_start3A_65 = arith.constant 0 : i32
    %dma_start3A_66 = arith.constant 0 : i32
    %dma_start3A_67 = arith.constant 0 : i32
    %dma_start3A_68 = tpu.memref_slice %arg3[%add3A, %dma_start3A_48, %dma_start3A_65, %dma_start3A_66, %dma_start3A_67] : memref<32x68x2x1x160xi32, #tpu.memory_space<hbm>> -> memref<1x1x2x1x160xi32, #tpu.memory_space<hbm>>
    %dma_start3A_69 = tpu.memref_squeeze %dma_start3A_68 : memref<1x1x2x1x160xi32, #tpu.memory_space<hbm>> -> memref<2x1x160xi32, #tpu.memory_space<hbm>>
    tpu.enqueue_dma source(%dma_start3A_69 : memref<2x1x160xi32, #tpu.memory_space<hbm>>) target(%dma_start3A_64 : memref<2x1x160xi32, #tpu.memory_space<vmem>>) target_semaphore(%arg10 : memref<!tpu.dma_semaphore, #tpu.memory_space<semaphore_mem>>)
    %dma_start3A_70 = arith.constant 3 : i32
    %dma_start3A_71 = arith.constant 3 : i32
    %dma_start3A_72 = arith.constant 0 : i32
    %dma_start3A_73 = arith.constant 0 : i32
    %dma_start3A_74 = arith.constant 0 : i32
    %dma_start3A_75 = tpu.memref_slice %arg5[%dma_start3A_71, %dma_start3A_72, %dma_start3A_73, %dma_start3A_74] : memref<4x2x1x160xi32, #tpu.memory_space<vmem>> -> memref<1x2x1x160xi32, #tpu.memory_space<vmem>>
    %dma_start3A_76 = tpu.memref_squeeze %dma_start3A_75 : memref<1x2x1x160xi32, #tpu.memory_space<vmem>> -> memref<2x1x160xi32, #tpu.memory_space<vmem>>
    %dma_start3A_77 = arith.constant 0 : i32
    %dma_start3A_78 = arith.constant 0 : i32
    %dma_start3A_79 = arith.constant 0 : i32
    %dma_start3A_80 = tpu.memref_slice %arg3[%add3A, %dma_start3A_70, %dma_start3A_77, %dma_start3A_78, %dma_start3A_79] : memref<32x68x2x1x160xi32, #tpu.memory_space<hbm>> -> memref<1x1x2x1x160xi32, #tpu.memory_space<hbm>>
    %dma_start3A_81 = tpu.memref_squeeze %dma_start3A_80 : memref<1x1x2x1x160xi32, #tpu.memory_space<hbm>> -> memref<2x1x160xi32, #tpu.memory_space<hbm>>
    %dma_start3A_82 = arith.constant 0 : i32
    %dma_start3A_83 = arith.constant 0 : i32
    %dma_start3A_84 = arith.constant 0 : i32
    %dma_start3A_85 = tpu.memref_slice %arg5[%dma_start3A_71, %dma_start3A_82, %dma_start3A_83, %dma_start3A_84] : memref<4x2x1x160xi32, #tpu.memory_space<vmem>> -> memref<1x2x1x160xi32, #tpu.memory_space<vmem>>
    %dma_start3A_86 = tpu.memref_squeeze %dma_start3A_85 : memref<1x2x1x160xi32, #tpu.memory_space<vmem>> -> memref<2x1x160xi32, #tpu.memory_space<vmem>>
    %dma_start3A_87 = arith.constant 0 : i32
    %dma_start3A_88 = arith.constant 0 : i32
    %dma_start3A_89 = arith.constant 0 : i32
    %dma_start3A_90 = tpu.memref_slice %arg3[%add3A, %dma_start3A_70, %dma_start3A_87, %dma_start3A_88, %dma_start3A_89] : memref<32x68x2x1x160xi32, #tpu.memory_space<hbm>> -> memref<1x1x2x1x160xi32, #tpu.memory_space<hbm>>
    %dma_start3A_91 = tpu.memref_squeeze %dma_start3A_90 : memref<1x1x2x1x160xi32, #tpu.memory_space<hbm>> -> memref<2x1x160xi32, #tpu.memory_space<hbm>>
    tpu.enqueue_dma source(%dma_start3A_91 : memref<2x1x160xi32, #tpu.memory_space<hbm>>) target(%dma_start3A_86 : memref<2x1x160xi32, #tpu.memory_space<vmem>>) target_semaphore(%arg11 : memref<!tpu.dma_semaphore, #tpu.memory_space<semaphore_mem>>)
    %dma_wait3A = arith.constant 0 : i32
    %dma_wait3A_92 = arith.constant 0 : i32
    %dma_wait3A_93 = arith.constant 0 : i32
    %dma_wait3A_94 = arith.constant 0 : i32
    %dma_wait3A_95 = arith.constant 0 : i32
    %dma_wait3A_96 = tpu.memref_slice %arg5[%dma_wait3A_92, %dma_wait3A_93, %dma_wait3A_94, %dma_wait3A_95] : memref<4x2x1x160xi32, #tpu.memory_space<vmem>> -> memref<1x2x1x160xi32, #tpu.memory_space<vmem>>
    %dma_wait3A_97 = tpu.memref_squeeze %dma_wait3A_96 : memref<1x2x1x160xi32, #tpu.memory_space<vmem>> -> memref<2x1x160xi32, #tpu.memory_space<vmem>>
    %dma_wait3A_98 = arith.constant 0 : i32
    %dma_wait3A_99 = arith.constant 0 : i32
    %dma_wait3A_100 = arith.constant 0 : i32
    %dma_wait3A_101 = tpu.memref_slice %arg3[%add3A, %dma_wait3A, %dma_wait3A_98, %dma_wait3A_99, %dma_wait3A_100] : memref<32x68x2x1x160xi32, #tpu.memory_space<hbm>> -> memref<1x1x2x1x160xi32, #tpu.memory_space<hbm>>
    %dma_wait3A_102 = tpu.memref_squeeze %dma_wait3A_101 : memref<1x1x2x1x160xi32, #tpu.memory_space<hbm>> -> memref<2x1x160xi32, #tpu.memory_space<hbm>>
    %dma_wait3A_103 = arith.constant 0 : i32
    %dma_wait3A_104 = arith.constant 0 : i32
    %dma_wait3A_105 = arith.constant 0 : i32
    %dma_wait3A_106 = tpu.memref_slice %arg5[%dma_wait3A_92, %dma_wait3A_103, %dma_wait3A_104, %dma_wait3A_105] : memref<4x2x1x160xi32, #tpu.memory_space<vmem>> -> memref<1x2x1x160xi32, #tpu.memory_space<vmem>>
    %dma_wait3A_107 = tpu.memref_squeeze %dma_wait3A_106 : memref<1x2x1x160xi32, #tpu.memory_space<vmem>> -> memref<2x1x160xi32, #tpu.memory_space<vmem>>
    %dma_wait3A_108 = arith.constant 0 : i32
    %dma_wait3A_109 = arith.constant 0 : i32
    %dma_wait3A_110 = arith.constant 0 : i32
    %dma_wait3A_111 = tpu.memref_slice %arg3[%add3A, %dma_wait3A, %dma_wait3A_108, %dma_wait3A_109, %dma_wait3A_110] : memref<32x68x2x1x160xi32, #tpu.memory_space<hbm>> -> memref<1x1x2x1x160xi32, #tpu.memory_space<hbm>>
    %dma_wait3A_112 = tpu.memref_squeeze %dma_wait3A_111 : memref<1x1x2x1x160xi32, #tpu.memory_space<hbm>> -> memref<2x1x160xi32, #tpu.memory_space<hbm>>
    tpu.wait_dma2 semaphore(%arg8 : memref<!tpu.dma_semaphore, #tpu.memory_space<semaphore_mem>>) src(%dma_wait3A_112 : memref<2x1x160xi32, #tpu.memory_space<hbm>>) dst(%dma_wait3A_107 : memref<2x1x160xi32, #tpu.memory_space<vmem>>)
    %dma_start3A_113 = arith.constant 0 : i32
    %dma_start3A_114 = arith.constant 0 : i32
    %dma_start3A_115 = arith.constant 0 : i32
    %dma_start3A_116 = arith.constant 0 : i32
    %dma_start3A_117 = arith.constant 0 : i32
    %dma_start3A_118 = arith.constant 0 : i32
    %dma_start3A_119 = tpu.memref_slice %arg6[%dma_start3A_116, %dma_start3A_117, %dma_start3A_118] : memref<2x160x128xf32, #tpu.memory_space<vmem>> -> memref<1x160x128xf32, #tpu.memory_space<vmem>>
    %dma_start3A_120 = tpu.memref_squeeze %dma_start3A_119 : memref<1x160x128xf32, #tpu.memory_space<vmem>> -> memref<160x128xf32, #tpu.memory_space<vmem>>
    %dma_start3A_121 = arith.constant 0 : i32
    %dma_start3A_122 = tpu.memref_slice %arg5[%dma_start3A_113, %dma_start3A_114, %dma_start3A_115, %dma_start3A_121] : memref<4x2x1x160xi32, #tpu.memory_space<vmem>> -> memref<1x1x1x160xi32, #tpu.memory_space<vmem>>
    %dma_start3A_123 = tpu.memref_squeeze %dma_start3A_122 : memref<1x1x1x160xi32, #tpu.memory_space<vmem>> -> memref<160xi32, #tpu.memory_space<vmem>>
    %dma_start3A_124 = arith.constant 0 : i32
    %dma_start3A_125 = arith.constant 0 : i32
    %dma_start3A_126 = tpu.memref_slice %arg2[%dma_start3A_124, %dma_start3A_125] : memref<10240x128xf32, #tpu.memory_space<hbm>> -> memref<10240x128xf32, #tpu.memory_space<hbm>>
    tpu.enqueue_indirect_dma source(%dma_start3A_126 : memref<10240x128xf32, #tpu.memory_space<hbm>>) target(%dma_start3A_120 : memref<160x128xf32, #tpu.memory_space<vmem>>) offsets(%dma_start3A_123 : memref<160xi32, #tpu.memory_space<vmem>>) semaphore(%arg12 : memref<!tpu.dma_semaphore, #tpu.memory_space<semaphore_mem>>)
    %dma_wait3A_127 = arith.constant 1 : i32
    %dma_wait3A_128 = arith.constant 1 : i32
    %dma_wait3A_129 = arith.constant 0 : i32
    %dma_wait3A_130 = arith.constant 0 : i32
    %dma_wait3A_131 = arith.constant 0 : i32
    %dma_wait3A_132 = tpu.memref_slice %arg5[%dma_wait3A_128, %dma_wait3A_129, %dma_wait3A_130, %dma_wait3A_131] : memref<4x2x1x160xi32, #tpu.memory_space<vmem>> -> memref<1x2x1x160xi32, #tpu.memory_space<vmem>>
    %dma_wait3A_133 = tpu.memref_squeeze %dma_wait3A_132 : memref<1x2x1x160xi32, #tpu.memory_space<vmem>> -> memref<2x1x160xi32, #tpu.memory_space<vmem>>
    %dma_wait3A_134 = arith.constant 0 : i32
    %dma_wait3A_135 = arith.constant 0 : i32
    %dma_wait3A_136 = arith.constant 0 : i32
    %dma_wait3A_137 = tpu.memref_slice %arg3[%add3A, %dma_wait3A_127, %dma_wait3A_134, %dma_wait3A_135, %dma_wait3A_136] : memref<32x68x2x1x160xi32, #tpu.memory_space<hbm>> -> memref<1x1x2x1x160xi32, #tpu.memory_space<hbm>>
    %dma_wait3A_138 = tpu.memref_squeeze %dma_wait3A_137 : memref<1x1x2x1x160xi32, #tpu.memory_space<hbm>> -> memref<2x1x160xi32, #tpu.memory_space<hbm>>
    %dma_wait3A_139 = arith.constant 0 : i32
    %dma_wait3A_140 = arith.constant 0 : i32
    %dma_wait3A_141 = arith.constant 0 : i32
    %dma_wait3A_142 = tpu.memref_slice %arg5[%dma_wait3A_128, %dma_wait3A_139, %dma_wait3A_140, %dma_wait3A_141] : memref<4x2x1x160xi32, #tpu.memory_space<vmem>> -> memref<1x2x1x160xi32, #tpu.memory_space<vmem>>
    %dma_wait3A_143 = tpu.memref_squeeze %dma_wait3A_142 : memref<1x2x1x160xi32, #tpu.memory_space<vmem>> -> memref<2x1x160xi32, #tpu.memory_space<vmem>>
    %dma_wait3A_144 = arith.constant 0 : i32
    %dma_wait3A_145 = arith.constant 0 : i32
    %dma_wait3A_146 = arith.constant 0 : i32
    %dma_wait3A_147 = tpu.memref_slice %arg3[%add3A, %dma_wait3A_127, %dma_wait3A_144, %dma_wait3A_145, %dma_wait3A_146] : memref<32x68x2x1x160xi32, #tpu.memory_space<hbm>> -> memref<1x1x2x1x160xi32, #tpu.memory_space<hbm>>
    %dma_wait3A_148 = tpu.memref_squeeze %dma_wait3A_147 : memref<1x1x2x1x160xi32, #tpu.memory_space<hbm>> -> memref<2x1x160xi32, #tpu.memory_space<hbm>>
    tpu.wait_dma2 semaphore(%arg9 : memref<!tpu.dma_semaphore, #tpu.memory_space<semaphore_mem>>) src(%dma_wait3A_148 : memref<2x1x160xi32, #tpu.memory_space<hbm>>) dst(%dma_wait3A_143 : memref<2x1x160xi32, #tpu.memory_space<vmem>>)
    %dma_start3A_149 = arith.constant 1 : i32
    %dma_start3A_150 = arith.constant 0 : i32
    %dma_start3A_151 = arith.constant 0 : i32
    %dma_start3A_152 = arith.constant 1 : i32
    %dma_start3A_153 = arith.constant 0 : i32
    %dma_start3A_154 = arith.constant 0 : i32
    %dma_start3A_155 = tpu.memref_slice %arg6[%dma_start3A_152, %dma_start3A_153, %dma_start3A_154] : memref<2x160x128xf32, #tpu.memory_space<vmem>> -> memref<1x160x128xf32, #tpu.memory_space<vmem>>
    %dma_start3A_156 = tpu.memref_squeeze %dma_start3A_155 : memref<1x160x128xf32, #tpu.memory_space<vmem>> -> memref<160x128xf32, #tpu.memory_space<vmem>>
    %dma_start3A_157 = arith.constant 0 : i32
    %dma_start3A_158 = tpu.memref_slice %arg5[%dma_start3A_149, %dma_start3A_150, %dma_start3A_151, %dma_start3A_157] : memref<4x2x1x160xi32, #tpu.memory_space<vmem>> -> memref<1x1x1x160xi32, #tpu.memory_space<vmem>>
    %dma_start3A_159 = tpu.memref_squeeze %dma_start3A_158 : memref<1x1x1x160xi32, #tpu.memory_space<vmem>> -> memref<160xi32, #tpu.memory_space<vmem>>
    %dma_start3A_160 = arith.constant 0 : i32
    %dma_start3A_161 = arith.constant 0 : i32
    %dma_start3A_162 = tpu.memref_slice %arg2[%dma_start3A_160, %dma_start3A_161] : memref<10240x128xf32, #tpu.memory_space<hbm>> -> memref<10240x128xf32, #tpu.memory_space<hbm>>
    tpu.enqueue_indirect_dma source(%dma_start3A_162 : memref<10240x128xf32, #tpu.memory_space<hbm>>) target(%dma_start3A_156 : memref<160x128xf32, #tpu.memory_space<vmem>>) offsets(%dma_start3A_159 : memref<160xi32, #tpu.memory_space<vmem>>) semaphore(%arg13 : memref<!tpu.dma_semaphore, #tpu.memory_space<semaphore_mem>>)
    %scan3A = arith.constant 0 : i32
    %scan3A_163 = arith.constant 0 : i32
    %scan3A_164 = arith.constant 16 : i32
    %scan3A_165 = arith.addi %scan3A_163, %scan3A_164 : i32
    %scan3A_166 = arith.constant 1 : i32
    scf.for %scan3A_245 = %scan3A_163 to %scan3A_165 step %scan3A_166  : i32 {
      %mul3A_246 = arith.constant 4 : i32
      %mul3A_247 = arith.muli %mul3A_246, %scan3A_245 : i32
      %add3A_248 = arith.constant 0 : i32
      %add3A_249 = arith.addi %mul3A_247, %add3A_248 : i32
      %dma_wait3A_250 = arith.constant 0 : i32
      %dma_wait3A_251 = arith.constant 0 : i32
      %dma_wait3A_252 = arith.constant 0 : i32
      %dma_wait3A_253 = arith.constant 0 : i32
      %dma_wait3A_254 = arith.constant 0 : i32
      %dma_wait3A_255 = arith.constant 0 : i32
      %dma_wait3A_256 = tpu.memref_slice %arg6[%dma_wait3A_253, %dma_wait3A_254, %dma_wait3A_255] : memref<2x160x128xf32, #tpu.memory_space<vmem>> -> memref<1x160x128xf32, #tpu.memory_space<vmem>>
      %dma_wait3A_257 = tpu.memref_squeeze %dma_wait3A_256 : memref<1x160x128xf32, #tpu.memory_space<vmem>> -> memref<160x128xf32, #tpu.memory_space<vmem>>
      %dma_wait3A_258 = arith.constant 0 : i32
      %dma_wait3A_259 = tpu.memref_slice %arg5[%dma_wait3A_250, %dma_wait3A_251, %dma_wait3A_252, %dma_wait3A_258] : memref<4x2x1x160xi32, #tpu.memory_space<vmem>> -> memref<1x1x1x160xi32, #tpu.memory_space<vmem>>
      %dma_wait3A_260 = tpu.memref_squeeze %dma_wait3A_259 : memref<1x1x1x160xi32, #tpu.memory_space<vmem>> -> memref<160xi32, #tpu.memory_space<vmem>>
      %dma_wait3A_261 = arith.constant 0 : i32
      %dma_wait3A_262 = arith.constant 0 : i32
      %dma_wait3A_263 = tpu.memref_slice %arg2[%dma_wait3A_261, %dma_wait3A_262] : memref<10240x128xf32, #tpu.memory_space<hbm>> -> memref<10240x128xf32, #tpu.memory_space<hbm>>
      tpu.wait_indirect_dma semaphore(%arg12 : memref<!tpu.dma_semaphore, #tpu.memory_space<semaphore_mem>>) src(%dma_wait3A_263 : memref<10240x128xf32, #tpu.memory_space<hbm>>) dst(%dma_wait3A_257 : memref<160x128xf32, #tpu.memory_space<vmem>>)
      %run_scoped3A = arith.constant 0 : i32
      %run_scoped3A_264 = arith.constant 0 : i32
      %run_scoped3A_265 = arith.constant 1 : i32
      %run_scoped3A_266 = arith.constant 0 : i32
      "tpu.region"() ({
        %run_scoped3A_573 = tpu.sem_alloc : memref<!tpu.dma_semaphore, #tpu.memory_space<semaphore_mem>>
        %dma_start3A_574 = arith.constant 0 : i32
        %dma_start3A_575 = arith.constant 0 : i32
        %dma_start3A_576 = tpu.memref_slice %arg6[%run_scoped3A, %dma_start3A_574, %dma_start3A_575] : memref<2x160x128xf32, #tpu.memory_space<vmem>> -> memref<1x160x128xf32, #tpu.memory_space<vmem>>
        %dma_start3A_577 = tpu.memref_squeeze %dma_start3A_576 : memref<1x160x128xf32, #tpu.memory_space<vmem>> -> memref<160x128xf32, #tpu.memory_space<vmem>>
        %dma_start3A_578 = arith.constant 0 : i32
        %dma_start3A_579 = tpu.memref_slice %arg5[%run_scoped3A_264, %run_scoped3A_265, %run_scoped3A_266, %dma_start3A_578] : memref<4x2x1x160xi32, #tpu.memory_space<vmem>> -> memref<1x1x1x160xi32, #tpu.memory_space<vmem>>
        %dma_start3A_580 = tpu.memref_squeeze %dma_start3A_579 : memref<1x1x1x160xi32, #tpu.memory_space<vmem>> -> memref<160xi32, #tpu.memory_space<vmem>>
        %dma_start3A_581 = arith.constant 0 : i32
        %dma_start3A_582 = arith.constant 0 : i32
        %dma_start3A_583 = tpu.memref_slice %arg7[%dma_start3A_581, %dma_start3A_582] : memref<10240x128xf32, #tpu.memory_space<vmem_shared>> -> memref<10240x128xf32, #tpu.memory_space<vmem_shared>>
        tpu.enqueue_indirect_dma source(%dma_start3A_577 : memref<160x128xf32, #tpu.memory_space<vmem>>) target(%dma_start3A_583 : memref<10240x128xf32, #tpu.memory_space<vmem_shared>>) offsets(%dma_start3A_580 : memref<160xi32, #tpu.memory_space<vmem>>) semaphore(%run_scoped3A_573 : memref<!tpu.dma_semaphore, #tpu.memory_space<semaphore_mem>>) {add = true}
        %dma_wait3A_584 = arith.constant 0 : i32
        %dma_wait3A_585 = arith.constant 0 : i32
        %dma_wait3A_586 = tpu.memref_slice %arg6[%run_scoped3A, %dma_wait3A_584, %dma_wait3A_585] : memref<2x160x128xf32, #tpu.memory_space<vmem>> -> memref<1x160x128xf32, #tpu.memory_space<vmem>>
        %dma_wait3A_587 = tpu.memref_squeeze %dma_wait3A_586 : memref<1x160x128xf32, #tpu.memory_space<vmem>> -> memref<160x128xf32, #tpu.memory_space<vmem>>
        %dma_wait3A_588 = arith.constant 0 : i32
        %dma_wait3A_589 = tpu.memref_slice %arg5[%run_scoped3A_264, %run_scoped3A_265, %run_scoped3A_266, %dma_wait3A_588] : memref<4x2x1x160xi32, #tpu.memory_space<vmem>> -> memref<1x1x1x160xi32, #tpu.memory_space<vmem>>
        %dma_wait3A_590 = tpu.memref_squeeze %dma_wait3A_589 : memref<1x1x1x160xi32, #tpu.memory_space<vmem>> -> memref<160xi32, #tpu.memory_space<vmem>>
        %dma_wait3A_591 = arith.constant 0 : i32
        %dma_wait3A_592 = arith.constant 0 : i32
        %dma_wait3A_593 = tpu.memref_slice %arg7[%dma_wait3A_591, %dma_wait3A_592] : memref<10240x128xf32, #tpu.memory_space<vmem_shared>> -> memref<10240x128xf32, #tpu.memory_space<vmem_shared>>
        tpu.wait_indirect_dma semaphore(%run_scoped3A_573 : memref<!tpu.dma_semaphore, #tpu.memory_space<semaphore_mem>>) src(%dma_wait3A_587 : memref<160x128xf32, #tpu.memory_space<vmem>>) dst(%dma_wait3A_593 : memref<10240x128xf32, #tpu.memory_space<vmem_shared>>)
        tpu.yield
      }) : () -> ()
      %add3A_267 = arith.constant 4 : i32
      %add3A_268 = arith.addi %add3A_249, %add3A_267 : i32
      %dma_start3A_269 = arith.constant 0 : i32
      %dma_start3A_270 = arith.constant 0 : i32
      %dma_start3A_271 = arith.constant 0 : i32
      %dma_start3A_272 = arith.constant 0 : i32
      %dma_start3A_273 = tpu.memref_slice %arg5[%dma_start3A_269, %dma_start3A_270, %dma_start3A_271, %dma_start3A_272] : memref<4x2x1x160xi32, #tpu.memory_space<vmem>> -> memref<1x2x1x160xi32, #tpu.memory_space<vmem>>
      %dma_start3A_274 = tpu.memref_squeeze %dma_start3A_273 : memref<1x2x1x160xi32, #tpu.memory_space<vmem>> -> memref<2x1x160xi32, #tpu.memory_space<vmem>>
      %dma_start3A_275 = arith.constant 0 : i32
      %dma_start3A_276 = arith.constant 0 : i32
      %dma_start3A_277 = arith.constant 0 : i32
      %dma_start3A_278 = tpu.memref_slice %arg3[%add3A, %add3A_268, %dma_start3A_275, %dma_start3A_276, %dma_start3A_277] : memref<32x68x2x1x160xi32, #tpu.memory_space<hbm>> -> memref<1x1x2x1x160xi32, #tpu.memory_space<hbm>>
      %dma_start3A_279 = tpu.memref_squeeze %dma_start3A_278 : memref<1x1x2x1x160xi32, #tpu.memory_space<hbm>> -> memref<2x1x160xi32, #tpu.memory_space<hbm>>
      %dma_start3A_280 = arith.constant 0 : i32
      %dma_start3A_281 = arith.constant 0 : i32
      %dma_start3A_282 = arith.constant 0 : i32
      %dma_start3A_283 = tpu.memref_slice %arg5[%dma_start3A_269, %dma_start3A_280, %dma_start3A_281, %dma_start3A_282] : memref<4x2x1x160xi32, #tpu.memory_space<vmem>> -> memref<1x2x1x160xi32, #tpu.memory_space<vmem>>
      %dma_start3A_284 = tpu.memref_squeeze %dma_start3A_283 : memref<1x2x1x160xi32, #tpu.memory_space<vmem>> -> memref<2x1x160xi32, #tpu.memory_space<vmem>>
      %dma_start3A_285 = arith.constant 0 : i32
      %dma_start3A_286 = arith.constant 0 : i32
      %dma_start3A_287 = arith.constant 0 : i32
      %dma_start3A_288 = tpu.memref_slice %arg3[%add3A, %add3A_268, %dma_start3A_285, %dma_start3A_286, %dma_start3A_287] : memref<32x68x2x1x160xi32, #tpu.memory_space<hbm>> -> memref<1x1x2x1x160xi32, #tpu.memory_space<hbm>>
      %dma_start3A_289 = tpu.memref_squeeze %dma_start3A_288 : memref<1x1x2x1x160xi32, #tpu.memory_space<hbm>> -> memref<2x1x160xi32, #tpu.memory_space<hbm>>
      tpu.enqueue_dma source(%dma_start3A_289 : memref<2x1x160xi32, #tpu.memory_space<hbm>>) target(%dma_start3A_284 : memref<2x1x160xi32, #tpu.memory_space<vmem>>) target_semaphore(%arg8 : memref<!tpu.dma_semaphore, #tpu.memory_space<semaphore_mem>>)
      %add3A_290 = arith.constant 2 : i32
      %add3A_291 = arith.addi %add3A_249, %add3A_290 : i32
      %dma_wait3A_292 = arith.constant 2 : i32
      %dma_wait3A_293 = arith.constant 0 : i32
      %dma_wait3A_294 = arith.constant 0 : i32
      %dma_wait3A_295 = arith.constant 0 : i32
      %dma_wait3A_296 = tpu.memref_slice %arg5[%dma_wait3A_292, %dma_wait3A_293, %dma_wait3A_294, %dma_wait3A_295] : memref<4x2x1x160xi32, #tpu.memory_space<vmem>> -> memref<1x2x1x160xi32, #tpu.memory_space<vmem>>
      %dma_wait3A_297 = tpu.memref_squeeze %dma_wait3A_296 : memref<1x2x1x160xi32, #tpu.memory_space<vmem>> -> memref<2x1x160xi32, #tpu.memory_space<vmem>>
      %dma_wait3A_298 = arith.constant 0 : i32
      %dma_wait3A_299 = arith.constant 0 : i32
      %dma_wait3A_300 = arith.constant 0 : i32
      %dma_wait3A_301 = tpu.memref_slice %arg3[%add3A, %add3A_291, %dma_wait3A_298, %dma_wait3A_299, %dma_wait3A_300] : memref<32x68x2x1x160xi32, #tpu.memory_space<hbm>> -> memref<1x1x2x1x160xi32, #tpu.memory_space<hbm>>
      %dma_wait3A_302 = tpu.memref_squeeze %dma_wait3A_301 : memref<1x1x2x1x160xi32, #tpu.memory_space<hbm>> -> memref<2x1x160xi32, #tpu.memory_space<hbm>>
      %dma_wait3A_303 = arith.constant 0 : i32
      %dma_wait3A_304 = arith.constant 0 : i32
      %dma_wait3A_305 = arith.constant 0 : i32
      %dma_wait3A_306 = tpu.memref_slice %arg5[%dma_wait3A_292, %dma_wait3A_303, %dma_wait3A_304, %dma_wait3A_305] : memref<4x2x1x160xi32, #tpu.memory_space<vmem>> -> memref<1x2x1x160xi32, #tpu.memory_space<vmem>>
      %dma_wait3A_307 = tpu.memref_squeeze %dma_wait3A_306 : memref<1x2x1x160xi32, #tpu.memory_space<vmem>> -> memref<2x1x160xi32, #tpu.memory_space<vmem>>
      %dma_wait3A_308 = arith.constant 0 : i32
      %dma_wait3A_309 = arith.constant 0 : i32
      %dma_wait3A_310 = arith.constant 0 : i32
      %dma_wait3A_311 = tpu.memref_slice %arg3[%add3A, %add3A_291, %dma_wait3A_308, %dma_wait3A_309, %dma_wait3A_310] : memref<32x68x2x1x160xi32, #tpu.memory_space<hbm>> -> memref<1x1x2x1x160xi32, #tpu.memory_space<hbm>>
      %dma_wait3A_312 = tpu.memref_squeeze %dma_wait3A_311 : memref<1x1x2x1x160xi32, #tpu.memory_space<hbm>> -> memref<2x1x160xi32, #tpu.memory_space<hbm>>
      tpu.wait_dma2 semaphore(%arg10 : memref<!tpu.dma_semaphore, #tpu.memory_space<semaphore_mem>>) src(%dma_wait3A_312 : memref<2x1x160xi32, #tpu.memory_space<hbm>>) dst(%dma_wait3A_307 : memref<2x1x160xi32, #tpu.memory_space<vmem>>)
      %dma_start3A_313 = arith.constant 2 : i32
      %dma_start3A_314 = arith.constant 0 : i32
      %dma_start3A_315 = arith.constant 0 : i32
      %dma_start3A_316 = arith.constant 0 : i32
      %dma_start3A_317 = arith.constant 0 : i32
      %dma_start3A_318 = arith.constant 0 : i32
      %dma_start3A_319 = tpu.memref_slice %arg6[%dma_start3A_316, %dma_start3A_317, %dma_start3A_318] : memref<2x160x128xf32, #tpu.memory_space<vmem>> -> memref<1x160x128xf32, #tpu.memory_space<vmem>>
      %dma_start3A_320 = tpu.memref_squeeze %dma_start3A_319 : memref<1x160x128xf32, #tpu.memory_space<vmem>> -> memref<160x128xf32, #tpu.memory_space<vmem>>
      %dma_start3A_321 = arith.constant 0 : i32
      %dma_start3A_322 = tpu.memref_slice %arg5[%dma_start3A_313, %dma_start3A_314, %dma_start3A_315, %dma_start3A_321] : memref<4x2x1x160xi32, #tpu.memory_space<vmem>> -> memref<1x1x1x160xi32, #tpu.memory_space<vmem>>
      %dma_start3A_323 = tpu.memref_squeeze %dma_start3A_322 : memref<1x1x1x160xi32, #tpu.memory_space<vmem>> -> memref<160xi32, #tpu.memory_space<vmem>>
      %dma_start3A_324 = arith.constant 0 : i32
      %dma_start3A_325 = arith.constant 0 : i32
      %dma_start3A_326 = tpu.memref_slice %arg2[%dma_start3A_324, %dma_start3A_325] : memref<10240x128xf32, #tpu.memory_space<hbm>> -> memref<10240x128xf32, #tpu.memory_space<hbm>>
      tpu.enqueue_indirect_dma source(%dma_start3A_326 : memref<10240x128xf32, #tpu.memory_space<hbm>>) target(%dma_start3A_320 : memref<160x128xf32, #tpu.memory_space<vmem>>) offsets(%dma_start3A_323 : memref<160xi32, #tpu.memory_space<vmem>>) semaphore(%arg12 : memref<!tpu.dma_semaphore, #tpu.memory_space<semaphore_mem>>)
      %mul3A_327 = arith.constant 4 : i32
      %mul3A_328 = arith.muli %mul3A_327, %scan3A_245 : i32
      %add3A_329 = arith.constant 1 : i32
      %add3A_330 = arith.addi %mul3A_328, %add3A_329 : i32
      %dma_wait3A_331 = arith.constant 1 : i32
      %dma_wait3A_332 = arith.constant 0 : i32
      %dma_wait3A_333 = arith.constant 0 : i32
      %dma_wait3A_334 = arith.constant 1 : i32
      %dma_wait3A_335 = arith.constant 0 : i32
      %dma_wait3A_336 = arith.constant 0 : i32
      %dma_wait3A_337 = tpu.memref_slice %arg6[%dma_wait3A_334, %dma_wait3A_335, %dma_wait3A_336] : memref<2x160x128xf32, #tpu.memory_space<vmem>> -> memref<1x160x128xf32, #tpu.memory_space<vmem>>
      %dma_wait3A_338 = tpu.memref_squeeze %dma_wait3A_337 : memref<1x160x128xf32, #tpu.memory_space<vmem>> -> memref<160x128xf32, #tpu.memory_space<vmem>>
      %dma_wait3A_339 = arith.constant 0 : i32
      %dma_wait3A_340 = tpu.memref_slice %arg5[%dma_wait3A_331, %dma_wait3A_332, %dma_wait3A_333, %dma_wait3A_339] : memref<4x2x1x160xi32, #tpu.memory_space<vmem>> -> memref<1x1x1x160xi32, #tpu.memory_space<vmem>>
      %dma_wait3A_341 = tpu.memref_squeeze %dma_wait3A_340 : memref<1x1x1x160xi32, #tpu.memory_space<vmem>> -> memref<160xi32, #tpu.memory_space<vmem>>
      %dma_wait3A_342 = arith.constant 0 : i32
      %dma_wait3A_343 = arith.constant 0 : i32
      %dma_wait3A_344 = tpu.memref_slice %arg2[%dma_wait3A_342, %dma_wait3A_343] : memref<10240x128xf32, #tpu.memory_space<hbm>> -> memref<10240x128xf32, #tpu.memory_space<hbm>>
      tpu.wait_indirect_dma semaphore(%arg13 : memref<!tpu.dma_semaphore, #tpu.memory_space<semaphore_mem>>) src(%dma_wait3A_344 : memref<10240x128xf32, #tpu.memory_space<hbm>>) dst(%dma_wait3A_338 : memref<160x128xf32, #tpu.memory_space<vmem>>)
      %run_scoped3A_345 = arith.constant 1 : i32
      %run_scoped3A_346 = arith.constant 1 : i32
      %run_scoped3A_347 = arith.constant 1 : i32
      %run_scoped3A_348 = arith.constant 0 : i32
      "tpu.region"() ({
        %run_scoped3A_573 = tpu.sem_alloc : memref<!tpu.dma_semaphore, #tpu.memory_space<semaphore_mem>>
        %dma_start3A_574 = arith.constant 0 : i32
        %dma_start3A_575 = arith.constant 0 : i32
        %dma_start3A_576 = tpu.memref_slice %arg6[%run_scoped3A_345, %dma_start3A_574, %dma_start3A_575] : memref<2x160x128xf32, #tpu.memory_space<vmem>> -> memref<1x160x128xf32, #tpu.memory_space<vmem>>
        %dma_start3A_577 = tpu.memref_squeeze %dma_start3A_576 : memref<1x160x128xf32, #tpu.memory_space<vmem>> -> memref<160x128xf32, #tpu.memory_space<vmem>>
        %dma_start3A_578 = arith.constant 0 : i32
        %dma_start3A_579 = tpu.memref_slice %arg5[%run_scoped3A_346, %run_scoped3A_347, %run_scoped3A_348, %dma_start3A_578] : memref<4x2x1x160xi32, #tpu.memory_space<vmem>> -> memref<1x1x1x160xi32, #tpu.memory_space<vmem>>
        %dma_start3A_580 = tpu.memref_squeeze %dma_start3A_579 : memref<1x1x1x160xi32, #tpu.memory_space<vmem>> -> memref<160xi32, #tpu.memory_space<vmem>>
        %dma_start3A_581 = arith.constant 0 : i32
        %dma_start3A_582 = arith.constant 0 : i32
        %dma_start3A_583 = tpu.memref_slice %arg7[%dma_start3A_581, %dma_start3A_582] : memref<10240x128xf32, #tpu.memory_space<vmem_shared>> -> memref<10240x128xf32, #tpu.memory_space<vmem_shared>>
        tpu.enqueue_indirect_dma source(%dma_start3A_577 : memref<160x128xf32, #tpu.memory_space<vmem>>) target(%dma_start3A_583 : memref<10240x128xf32, #tpu.memory_space<vmem_shared>>) offsets(%dma_start3A_580 : memref<160xi32, #tpu.memory_space<vmem>>) semaphore(%run_scoped3A_573 : memref<!tpu.dma_semaphore, #tpu.memory_space<semaphore_mem>>) {add = true}
        %dma_wait3A_584 = arith.constant 0 : i32
        %dma_wait3A_585 = arith.constant 0 : i32
        %dma_wait3A_586 = tpu.memref_slice %arg6[%run_scoped3A_345, %dma_wait3A_584, %dma_wait3A_585] : memref<2x160x128xf32, #tpu.memory_space<vmem>> -> memref<1x160x128xf32, #tpu.memory_space<vmem>>
        %dma_wait3A_587 = tpu.memref_squeeze %dma_wait3A_586 : memref<1x160x128xf32, #tpu.memory_space<vmem>> -> memref<160x128xf32, #tpu.memory_space<vmem>>
        %dma_wait3A_588 = arith.constant 0 : i32
        %dma_wait3A_589 = tpu.memref_slice %arg5[%run_scoped3A_346, %run_scoped3A_347, %run_scoped3A_348, %dma_wait3A_588] : memref<4x2x1x160xi32, #tpu.memory_space<vmem>> -> memref<1x1x1x160xi32, #tpu.memory_space<vmem>>
        %dma_wait3A_590 = tpu.memref_squeeze %dma_wait3A_589 : memref<1x1x1x160xi32, #tpu.memory_space<vmem>> -> memref<160xi32, #tpu.memory_space<vmem>>
        %dma_wait3A_591 = arith.constant 0 : i32
        %dma_wait3A_592 = arith.constant 0 : i32
        %dma_wait3A_593 = tpu.memref_slice %arg7[%dma_wait3A_591, %dma_wait3A_592] : memref<10240x128xf32, #tpu.memory_space<vmem_shared>> -> memref<10240x128xf32, #tpu.memory_space<vmem_shared>>
        tpu.wait_indirect_dma semaphore(%run_scoped3A_573 : memref<!tpu.dma_semaphore, #tpu.memory_space<semaphore_mem>>) src(%dma_wait3A_587 : memref<160x128xf32, #tpu.memory_space<vmem>>) dst(%dma_wait3A_593 : memref<10240x128xf32, #tpu.memory_space<vmem_shared>>)
        tpu.yield
      }) : () -> ()
      %add3A_349 = arith.constant 4 : i32
      %add3A_350 = arith.addi %add3A_330, %add3A_349 : i32
      %dma_start3A_351 = arith.constant 1 : i32
      %dma_start3A_352 = arith.constant 0 : i32
      %dma_start3A_353 = arith.constant 0 : i32
      %dma_start3A_354 = arith.constant 0 : i32
      %dma_start3A_355 = tpu.memref_slice %arg5[%dma_start3A_351, %dma_start3A_352, %dma_start3A_353, %dma_start3A_354] : memref<4x2x1x160xi32, #tpu.memory_space<vmem>> -> memref<1x2x1x160xi32, #tpu.memory_space<vmem>>
      %dma_start3A_356 = tpu.memref_squeeze %dma_start3A_355 : memref<1x2x1x160xi32, #tpu.memory_space<vmem>> -> memref<2x1x160xi32, #tpu.memory_space<vmem>>
      %dma_start3A_357 = arith.constant 0 : i32
      %dma_start3A_358 = arith.constant 0 : i32
      %dma_start3A_359 = arith.constant 0 : i32
      %dma_start3A_360 = tpu.memref_slice %arg3[%add3A, %add3A_350, %dma_start3A_357, %dma_start3A_358, %dma_start3A_359] : memref<32x68x2x1x160xi32, #tpu.memory_space<hbm>> -> memref<1x1x2x1x160xi32, #tpu.memory_space<hbm>>
      %dma_start3A_361 = tpu.memref_squeeze %dma_start3A_360 : memref<1x1x2x1x160xi32, #tpu.memory_space<hbm>> -> memref<2x1x160xi32, #tpu.memory_space<hbm>>
      %dma_start3A_362 = arith.constant 0 : i32
      %dma_start3A_363 = arith.constant 0 : i32
      %dma_start3A_364 = arith.constant 0 : i32
      %dma_start3A_365 = tpu.memref_slice %arg5[%dma_start3A_351, %dma_start3A_362, %dma_start3A_363, %dma_start3A_364] : memref<4x2x1x160xi32, #tpu.memory_space<vmem>> -> memref<1x2x1x160xi32, #tpu.memory_space<vmem>>
      %dma_start3A_366 = tpu.memref_squeeze %dma_start3A_365 : memref<1x2x1x160xi32, #tpu.memory_space<vmem>> -> memref<2x1x160xi32, #tpu.memory_space<vmem>>
      %dma_start3A_367 = arith.constant 0 : i32
      %dma_start3A_368 = arith.constant 0 : i32
      %dma_start3A_369 = arith.constant 0 : i32
      %dma_start3A_370 = tpu.memref_slice %arg3[%add3A, %add3A_350, %dma_start3A_367, %dma_start3A_368, %dma_start3A_369] : memref<32x68x2x1x160xi32, #tpu.memory_space<hbm>> -> memref<1x1x2x1x160xi32, #tpu.memory_space<hbm>>
      %dma_start3A_371 = tpu.memref_squeeze %dma_start3A_370 : memref<1x1x2x1x160xi32, #tpu.memory_space<hbm>> -> memref<2x1x160xi32, #tpu.memory_space<hbm>>
      tpu.enqueue_dma source(%dma_start3A_371 : memref<2x1x160xi32, #tpu.memory_space<hbm>>) target(%dma_start3A_366 : memref<2x1x160xi32, #tpu.memory_space<vmem>>) target_semaphore(%arg9 : memref<!tpu.dma_semaphore, #tpu.memory_space<semaphore_mem>>)
      %add3A_372 = arith.constant 2 : i32
      %add3A_373 = arith.addi %add3A_330, %add3A_372 : i32
      %dma_wait3A_374 = arith.constant 3 : i32
      %dma_wait3A_375 = arith.constant 0 : i32
      %dma_wait3A_376 = arith.constant 0 : i32
      %dma_wait3A_377 = arith.constant 0 : i32
      %dma_wait3A_378 = tpu.memref_slice %arg5[%dma_wait3A_374, %dma_wait3A_375, %dma_wait3A_376, %dma_wait3A_377] : memref<4x2x1x160xi32, #tpu.memory_space<vmem>> -> memref<1x2x1x160xi32, #tpu.memory_space<vmem>>
      %dma_wait3A_379 = tpu.memref_squeeze %dma_wait3A_378 : memref<1x2x1x160xi32, #tpu.memory_space<vmem>> -> memref<2x1x160xi32, #tpu.memory_space<vmem>>
      %dma_wait3A_380 = arith.constant 0 : i32
      %dma_wait3A_381 = arith.constant 0 : i32
      %dma_wait3A_382 = arith.constant 0 : i32
      %dma_wait3A_383 = tpu.memref_slice %arg3[%add3A, %add3A_373, %dma_wait3A_380, %dma_wait3A_381, %dma_wait3A_382] : memref<32x68x2x1x160xi32, #tpu.memory_space<hbm>> -> memref<1x1x2x1x160xi32, #tpu.memory_space<hbm>>
      %dma_wait3A_384 = tpu.memref_squeeze %dma_wait3A_383 : memref<1x1x2x1x160xi32, #tpu.memory_space<hbm>> -> memref<2x1x160xi32, #tpu.memory_space<hbm>>
      %dma_wait3A_385 = arith.constant 0 : i32
      %dma_wait3A_386 = arith.constant 0 : i32
      %dma_wait3A_387 = arith.constant 0 : i32
      %dma_wait3A_388 = tpu.memref_slice %arg5[%dma_wait3A_374, %dma_wait3A_385, %dma_wait3A_386, %dma_wait3A_387] : memref<4x2x1x160xi32, #tpu.memory_space<vmem>> -> memref<1x2x1x160xi32, #tpu.memory_space<vmem>>
      %dma_wait3A_389 = tpu.memref_squeeze %dma_wait3A_388 : memref<1x2x1x160xi32, #tpu.memory_space<vmem>> -> memref<2x1x160xi32, #tpu.memory_space<vmem>>
      %dma_wait3A_390 = arith.constant 0 : i32
      %dma_wait3A_391 = arith.constant 0 : i32
      %dma_wait3A_392 = arith.constant 0 : i32
      %dma_wait3A_393 = tpu.memref_slice %arg3[%add3A, %add3A_373, %dma_wait3A_390, %dma_wait3A_391, %dma_wait3A_392] : memref<32x68x2x1x160xi32, #tpu.memory_space<hbm>> -> memref<1x1x2x1x160xi32, #tpu.memory_space<hbm>>
      %dma_wait3A_394 = tpu.memref_squeeze %dma_wait3A_393 : memref<1x1x2x1x160xi32, #tpu.memory_space<hbm>> -> memref<2x1x160xi32, #tpu.memory_space<hbm>>
      tpu.wait_dma2 semaphore(%arg11 : memref<!tpu.dma_semaphore, #tpu.memory_space<semaphore_mem>>) src(%dma_wait3A_394 : memref<2x1x160xi32, #tpu.memory_space<hbm>>) dst(%dma_wait3A_389 : memref<2x1x160xi32, #tpu.memory_space<vmem>>)
      %dma_start3A_395 = arith.constant 3 : i32
      %dma_start3A_396 = arith.constant 0 : i32
      %dma_start3A_397 = arith.constant 0 : i32
      %dma_start3A_398 = arith.constant 1 : i32
      %dma_start3A_399 = arith.constant 0 : i32
      %dma_start3A_400 = arith.constant 0 : i32
      %dma_start3A_401 = tpu.memref_slice %arg6[%dma_start3A_398, %dma_start3A_399, %dma_start3A_400] : memref<2x160x128xf32, #tpu.memory_space<vmem>> -> memref<1x160x128xf32, #tpu.memory_space<vmem>>
      %dma_start3A_402 = tpu.memref_squeeze %dma_start3A_401 : memref<1x160x128xf32, #tpu.memory_space<vmem>> -> memref<160x128xf32, #tpu.memory_space<vmem>>
      %dma_start3A_403 = arith.constant 0 : i32
      %dma_start3A_404 = tpu.memref_slice %arg5[%dma_start3A_395, %dma_start3A_396, %dma_start3A_397, %dma_start3A_403] : memref<4x2x1x160xi32, #tpu.memory_space<vmem>> -> memref<1x1x1x160xi32, #tpu.memory_space<vmem>>
      %dma_start3A_405 = tpu.memref_squeeze %dma_start3A_404 : memref<1x1x1x160xi32, #tpu.memory_space<vmem>> -> memref<160xi32, #tpu.memory_space<vmem>>
      %dma_start3A_406 = arith.constant 0 : i32
      %dma_start3A_407 = arith.constant 0 : i32
      %dma_start3A_408 = tpu.memref_slice %arg2[%dma_start3A_406, %dma_start3A_407] : memref<10240x128xf32, #tpu.memory_space<hbm>> -> memref<10240x128xf32, #tpu.memory_space<hbm>>
      tpu.enqueue_indirect_dma source(%dma_start3A_408 : memref<10240x128xf32, #tpu.memory_space<hbm>>) target(%dma_start3A_402 : memref<160x128xf32, #tpu.memory_space<vmem>>) offsets(%dma_start3A_405 : memref<160xi32, #tpu.memory_space<vmem>>) semaphore(%arg13 : memref<!tpu.dma_semaphore, #tpu.memory_space<semaphore_mem>>)
      %mul3A_409 = arith.constant 4 : i32
      %mul3A_410 = arith.muli %mul3A_409, %scan3A_245 : i32
      %add3A_411 = arith.constant 2 : i32
      %add3A_412 = arith.addi %mul3A_410, %add3A_411 : i32
      %dma_wait3A_413 = arith.constant 2 : i32
      %dma_wait3A_414 = arith.constant 0 : i32
      %dma_wait3A_415 = arith.constant 0 : i32
      %dma_wait3A_416 = arith.constant 0 : i32
      %dma_wait3A_417 = arith.constant 0 : i32
      %dma_wait3A_418 = arith.constant 0 : i32
      %dma_wait3A_419 = tpu.memref_slice %arg6[%dma_wait3A_416, %dma_wait3A_417, %dma_wait3A_418] : memref<2x160x128xf32, #tpu.memory_space<vmem>> -> memref<1x160x128xf32, #tpu.memory_space<vmem>>
      %dma_wait3A_420 = tpu.memref_squeeze %dma_wait3A_419 : memref<1x160x128xf32, #tpu.memory_space<vmem>> -> memref<160x128xf32, #tpu.memory_space<vmem>>
      %dma_wait3A_421 = arith.constant 0 : i32
      %dma_wait3A_422 = tpu.memref_slice %arg5[%dma_wait3A_413, %dma_wait3A_414, %dma_wait3A_415, %dma_wait3A_421] : memref<4x2x1x160xi32, #tpu.memory_space<vmem>> -> memref<1x1x1x160xi32, #tpu.memory_space<vmem>>
      %dma_wait3A_423 = tpu.memref_squeeze %dma_wait3A_422 : memref<1x1x1x160xi32, #tpu.memory_space<vmem>> -> memref<160xi32, #tpu.memory_space<vmem>>
      %dma_wait3A_424 = arith.constant 0 : i32
      %dma_wait3A_425 = arith.constant 0 : i32
      %dma_wait3A_426 = tpu.memref_slice %arg2[%dma_wait3A_424, %dma_wait3A_425] : memref<10240x128xf32, #tpu.memory_space<hbm>> -> memref<10240x128xf32, #tpu.memory_space<hbm>>
      tpu.wait_indirect_dma semaphore(%arg12 : memref<!tpu.dma_semaphore, #tpu.memory_space<semaphore_mem>>) src(%dma_wait3A_426 : memref<10240x128xf32, #tpu.memory_space<hbm>>) dst(%dma_wait3A_420 : memref<160x128xf32, #tpu.memory_space<vmem>>)
      %run_scoped3A_427 = arith.constant 0 : i32
      %run_scoped3A_428 = arith.constant 2 : i32
      %run_scoped3A_429 = arith.constant 1 : i32
      %run_scoped3A_430 = arith.constant 0 : i32
      "tpu.region"() ({
        %run_scoped3A_573 = tpu.sem_alloc : memref<!tpu.dma_semaphore, #tpu.memory_space<semaphore_mem>>
        %dma_start3A_574 = arith.constant 0 : i32
        %dma_start3A_575 = arith.constant 0 : i32
        %dma_start3A_576 = tpu.memref_slice %arg6[%run_scoped3A_427, %dma_start3A_574, %dma_start3A_575] : memref<2x160x128xf32, #tpu.memory_space<vmem>> -> memref<1x160x128xf32, #tpu.memory_space<vmem>>
        %dma_start3A_577 = tpu.memref_squeeze %dma_start3A_576 : memref<1x160x128xf32, #tpu.memory_space<vmem>> -> memref<160x128xf32, #tpu.memory_space<vmem>>
        %dma_start3A_578 = arith.constant 0 : i32
        %dma_start3A_579 = tpu.memref_slice %arg5[%run_scoped3A_428, %run_scoped3A_429, %run_scoped3A_430, %dma_start3A_578] : memref<4x2x1x160xi32, #tpu.memory_space<vmem>> -> memref<1x1x1x160xi32, #tpu.memory_space<vmem>>
        %dma_start3A_580 = tpu.memref_squeeze %dma_start3A_579 : memref<1x1x1x160xi32, #tpu.memory_space<vmem>> -> memref<160xi32, #tpu.memory_space<vmem>>
        %dma_start3A_581 = arith.constant 0 : i32
        %dma_start3A_582 = arith.constant 0 : i32
        %dma_start3A_583 = tpu.memref_slice %arg7[%dma_start3A_581, %dma_start3A_582] : memref<10240x128xf32, #tpu.memory_space<vmem_shared>> -> memref<10240x128xf32, #tpu.memory_space<vmem_shared>>
        tpu.enqueue_indirect_dma source(%dma_start3A_577 : memref<160x128xf32, #tpu.memory_space<vmem>>) target(%dma_start3A_583 : memref<10240x128xf32, #tpu.memory_space<vmem_shared>>) offsets(%dma_start3A_580 : memref<160xi32, #tpu.memory_space<vmem>>) semaphore(%run_scoped3A_573 : memref<!tpu.dma_semaphore, #tpu.memory_space<semaphore_mem>>) {add = true}
        %dma_wait3A_584 = arith.constant 0 : i32
        %dma_wait3A_585 = arith.constant 0 : i32
        %dma_wait3A_586 = tpu.memref_slice %arg6[%run_scoped3A_427, %dma_wait3A_584, %dma_wait3A_585] : memref<2x160x128xf32, #tpu.memory_space<vmem>> -> memref<1x160x128xf32, #tpu.memory_space<vmem>>
        %dma_wait3A_587 = tpu.memref_squeeze %dma_wait3A_586 : memref<1x160x128xf32, #tpu.memory_space<vmem>> -> memref<160x128xf32, #tpu.memory_space<vmem>>
        %dma_wait3A_588 = arith.constant 0 : i32
        %dma_wait3A_589 = tpu.memref_slice %arg5[%run_scoped3A_428, %run_scoped3A_429, %run_scoped3A_430, %dma_wait3A_588] : memref<4x2x1x160xi32, #tpu.memory_space<vmem>> -> memref<1x1x1x160xi32, #tpu.memory_space<vmem>>
        %dma_wait3A_590 = tpu.memref_squeeze %dma_wait3A_589 : memref<1x1x1x160xi32, #tpu.memory_space<vmem>> -> memref<160xi32, #tpu.memory_space<vmem>>
        %dma_wait3A_591 = arith.constant 0 : i32
        %dma_wait3A_592 = arith.constant 0 : i32
        %dma_wait3A_593 = tpu.memref_slice %arg7[%dma_wait3A_591, %dma_wait3A_592] : memref<10240x128xf32, #tpu.memory_space<vmem_shared>> -> memref<10240x128xf32, #tpu.memory_space<vmem_shared>>
        tpu.wait_indirect_dma semaphore(%run_scoped3A_573 : memref<!tpu.dma_semaphore, #tpu.memory_space<semaphore_mem>>) src(%dma_wait3A_587 : memref<160x128xf32, #tpu.memory_space<vmem>>) dst(%dma_wait3A_593 : memref<10240x128xf32, #tpu.memory_space<vmem_shared>>)
        tpu.yield
      }) : () -> ()
      %add3A_431 = arith.constant 4 : i32
      %add3A_432 = arith.addi %add3A_412, %add3A_431 : i32
      %dma_start3A_433 = arith.constant 2 : i32
      %dma_start3A_434 = arith.constant 0 : i32
      %dma_start3A_435 = arith.constant 0 : i32
      %dma_start3A_436 = arith.constant 0 : i32
      %dma_start3A_437 = tpu.memref_slice %arg5[%dma_start3A_433, %dma_start3A_434, %dma_start3A_435, %dma_start3A_436] : memref<4x2x1x160xi32, #tpu.memory_space<vmem>> -> memref<1x2x1x160xi32, #tpu.memory_space<vmem>>
      %dma_start3A_438 = tpu.memref_squeeze %dma_start3A_437 : memref<1x2x1x160xi32, #tpu.memory_space<vmem>> -> memref<2x1x160xi32, #tpu.memory_space<vmem>>
      %dma_start3A_439 = arith.constant 0 : i32
      %dma_start3A_440 = arith.constant 0 : i32
      %dma_start3A_441 = arith.constant 0 : i32
      %dma_start3A_442 = tpu.memref_slice %arg3[%add3A, %add3A_432, %dma_start3A_439, %dma_start3A_440, %dma_start3A_441] : memref<32x68x2x1x160xi32, #tpu.memory_space<hbm>> -> memref<1x1x2x1x160xi32, #tpu.memory_space<hbm>>
      %dma_start3A_443 = tpu.memref_squeeze %dma_start3A_442 : memref<1x1x2x1x160xi32, #tpu.memory_space<hbm>> -> memref<2x1x160xi32, #tpu.memory_space<hbm>>
      %dma_start3A_444 = arith.constant 0 : i32
      %dma_start3A_445 = arith.constant 0 : i32
      %dma_start3A_446 = arith.constant 0 : i32
      %dma_start3A_447 = tpu.memref_slice %arg5[%dma_start3A_433, %dma_start3A_444, %dma_start3A_445, %dma_start3A_446] : memref<4x2x1x160xi32, #tpu.memory_space<vmem>> -> memref<1x2x1x160xi32, #tpu.memory_space<vmem>>
      %dma_start3A_448 = tpu.memref_squeeze %dma_start3A_447 : memref<1x2x1x160xi32, #tpu.memory_space<vmem>> -> memref<2x1x160xi32, #tpu.memory_space<vmem>>
      %dma_start3A_449 = arith.constant 0 : i32
      %dma_start3A_450 = arith.constant 0 : i32
      %dma_start3A_451 = arith.constant 0 : i32
      %dma_start3A_452 = tpu.memref_slice %arg3[%add3A, %add3A_432, %dma_start3A_449, %dma_start3A_450, %dma_start3A_451] : memref<32x68x2x1x160xi32, #tpu.memory_space<hbm>> -> memref<1x1x2x1x160xi32, #tpu.memory_space<hbm>>
      %dma_start3A_453 = tpu.memref_squeeze %dma_start3A_452 : memref<1x1x2x1x160xi32, #tpu.memory_space<hbm>> -> memref<2x1x160xi32, #tpu.memory_space<hbm>>
      tpu.enqueue_dma source(%dma_start3A_453 : memref<2x1x160xi32, #tpu.memory_space<hbm>>) target(%dma_start3A_448 : memref<2x1x160xi32, #tpu.memory_space<vmem>>) target_semaphore(%arg10 : memref<!tpu.dma_semaphore, #tpu.memory_space<semaphore_mem>>)
      %add3A_454 = arith.constant 2 : i32
      %add3A_455 = arith.addi %add3A_412, %add3A_454 : i32
      %dma_wait3A_456 = arith.constant 0 : i32
      %dma_wait3A_457 = arith.constant 0 : i32
      %dma_wait3A_458 = arith.constant 0 : i32
      %dma_wait3A_459 = arith.constant 0 : i32
      %dma_wait3A_460 = tpu.memref_slice %arg5[%dma_wait3A_456, %dma_wait3A_457, %dma_wait3A_458, %dma_wait3A_459] : memref<4x2x1x160xi32, #tpu.memory_space<vmem>> -> memref<1x2x1x160xi32, #tpu.memory_space<vmem>>
      %dma_wait3A_461 = tpu.memref_squeeze %dma_wait3A_460 : memref<1x2x1x160xi32, #tpu.memory_space<vmem>> -> memref<2x1x160xi32, #tpu.memory_space<vmem>>
      %dma_wait3A_462 = arith.constant 0 : i32
      %dma_wait3A_463 = arith.constant 0 : i32
      %dma_wait3A_464 = arith.constant 0 : i32
      %dma_wait3A_465 = tpu.memref_slice %arg3[%add3A, %add3A_455, %dma_wait3A_462, %dma_wait3A_463, %dma_wait3A_464] : memref<32x68x2x1x160xi32, #tpu.memory_space<hbm>> -> memref<1x1x2x1x160xi32, #tpu.memory_space<hbm>>
      %dma_wait3A_466 = tpu.memref_squeeze %dma_wait3A_465 : memref<1x1x2x1x160xi32, #tpu.memory_space<hbm>> -> memref<2x1x160xi32, #tpu.memory_space<hbm>>
      %dma_wait3A_467 = arith.constant 0 : i32
      %dma_wait3A_468 = arith.constant 0 : i32
      %dma_wait3A_469 = arith.constant 0 : i32
      %dma_wait3A_470 = tpu.memref_slice %arg5[%dma_wait3A_456, %dma_wait3A_467, %dma_wait3A_468, %dma_wait3A_469] : memref<4x2x1x160xi32, #tpu.memory_space<vmem>> -> memref<1x2x1x160xi32, #tpu.memory_space<vmem>>
      %dma_wait3A_471 = tpu.memref_squeeze %dma_wait3A_470 : memref<1x2x1x160xi32, #tpu.memory_space<vmem>> -> memref<2x1x160xi32, #tpu.memory_space<vmem>>
      %dma_wait3A_472 = arith.constant 0 : i32
      %dma_wait3A_473 = arith.constant 0 : i32
      %dma_wait3A_474 = arith.constant 0 : i32
      %dma_wait3A_475 = tpu.memref_slice %arg3[%add3A, %add3A_455, %dma_wait3A_472, %dma_wait3A_473, %dma_wait3A_474] : memref<32x68x2x1x160xi32, #tpu.memory_space<hbm>> -> memref<1x1x2x1x160xi32, #tpu.memory_space<hbm>>
      %dma_wait3A_476 = tpu.memref_squeeze %dma_wait3A_475 : memref<1x1x2x1x160xi32, #tpu.memory_space<hbm>> -> memref<2x1x160xi32, #tpu.memory_space<hbm>>
      tpu.wait_dma2 semaphore(%arg8 : memref<!tpu.dma_semaphore, #tpu.memory_space<semaphore_mem>>) src(%dma_wait3A_476 : memref<2x1x160xi32, #tpu.memory_space<hbm>>) dst(%dma_wait3A_471 : memref<2x1x160xi32, #tpu.memory_space<vmem>>)
      %dma_start3A_477 = arith.constant 0 : i32
      %dma_start3A_478 = arith.constant 0 : i32
      %dma_start3A_479 = arith.constant 0 : i32
      %dma_start3A_480 = arith.constant 0 : i32
      %dma_start3A_481 = arith.constant 0 : i32
      %dma_start3A_482 = arith.constant 0 : i32
      %dma_start3A_483 = tpu.memref_slice %arg6[%dma_start3A_480, %dma_start3A_481, %dma_start3A_482] : memref<2x160x128xf32, #tpu.memory_space<vmem>> -> memref<1x160x128xf32, #tpu.memory_space<vmem>>
      %dma_start3A_484 = tpu.memref_squeeze %dma_start3A_483 : memref<1x160x128xf32, #tpu.memory_space<vmem>> -> memref<160x128xf32, #tpu.memory_space<vmem>>
      %dma_start3A_485 = arith.constant 0 : i32
      %dma_start3A_486 = tpu.memref_slice %arg5[%dma_start3A_477, %dma_start3A_478, %dma_start3A_479, %dma_start3A_485] : memref<4x2x1x160xi32, #tpu.memory_space<vmem>> -> memref<1x1x1x160xi32, #tpu.memory_space<vmem>>
      %dma_start3A_487 = tpu.memref_squeeze %dma_start3A_486 : memref<1x1x1x160xi32, #tpu.memory_space<vmem>> -> memref<160xi32, #tpu.memory_space<vmem>>
      %dma_start3A_488 = arith.constant 0 : i32
      %dma_start3A_489 = arith.constant 0 : i32
      %dma_start3A_490 = tpu.memref_slice %arg2[%dma_start3A_488, %dma_start3A_489] : memref<10240x128xf32, #tpu.memory_space<hbm>> -> memref<10240x128xf32, #tpu.memory_space<hbm>>
      tpu.enqueue_indirect_dma source(%dma_start3A_490 : memref<10240x128xf32, #tpu.memory_space<hbm>>) target(%dma_start3A_484 : memref<160x128xf32, #tpu.memory_space<vmem>>) offsets(%dma_start3A_487 : memref<160xi32, #tpu.memory_space<vmem>>) semaphore(%arg12 : memref<!tpu.dma_semaphore, #tpu.memory_space<semaphore_mem>>)
      %mul3A_491 = arith.constant 4 : i32
      %mul3A_492 = arith.muli %mul3A_491, %scan3A_245 : i32
      %add3A_493 = arith.constant 3 : i32
      %add3A_494 = arith.addi %mul3A_492, %add3A_493 : i32
      %dma_wait3A_495 = arith.constant 3 : i32
      %dma_wait3A_496 = arith.constant 0 : i32
      %dma_wait3A_497 = arith.constant 0 : i32
      %dma_wait3A_498 = arith.constant 1 : i32
      %dma_wait3A_499 = arith.constant 0 : i32
      %dma_wait3A_500 = arith.constant 0 : i32
      %dma_wait3A_501 = tpu.memref_slice %arg6[%dma_wait3A_498, %dma_wait3A_499, %dma_wait3A_500] : memref<2x160x128xf32, #tpu.memory_space<vmem>> -> memref<1x160x128xf32, #tpu.memory_space<vmem>>
      %dma_wait3A_502 = tpu.memref_squeeze %dma_wait3A_501 : memref<1x160x128xf32, #tpu.memory_space<vmem>> -> memref<160x128xf32, #tpu.memory_space<vmem>>
      %dma_wait3A_503 = arith.constant 0 : i32
      %dma_wait3A_504 = tpu.memref_slice %arg5[%dma_wait3A_495, %dma_wait3A_496, %dma_wait3A_497, %dma_wait3A_503] : memref<4x2x1x160xi32, #tpu.memory_space<vmem>> -> memref<1x1x1x160xi32, #tpu.memory_space<vmem>>
      %dma_wait3A_505 = tpu.memref_squeeze %dma_wait3A_504 : memref<1x1x1x160xi32, #tpu.memory_space<vmem>> -> memref<160xi32, #tpu.memory_space<vmem>>
      %dma_wait3A_506 = arith.constant 0 : i32
      %dma_wait3A_507 = arith.constant 0 : i32
      %dma_wait3A_508 = tpu.memref_slice %arg2[%dma_wait3A_506, %dma_wait3A_507] : memref<10240x128xf32, #tpu.memory_space<hbm>> -> memref<10240x128xf32, #tpu.memory_space<hbm>>
      tpu.wait_indirect_dma semaphore(%arg13 : memref<!tpu.dma_semaphore, #tpu.memory_space<semaphore_mem>>) src(%dma_wait3A_508 : memref<10240x128xf32, #tpu.memory_space<hbm>>) dst(%dma_wait3A_502 : memref<160x128xf32, #tpu.memory_space<vmem>>)
      %run_scoped3A_509 = arith.constant 1 : i32
      %run_scoped3A_510 = arith.constant 3 : i32
      %run_scoped3A_511 = arith.constant 1 : i32
      %run_scoped3A_512 = arith.constant 0 : i32
      "tpu.region"() ({
        %run_scoped3A_573 = tpu.sem_alloc : memref<!tpu.dma_semaphore, #tpu.memory_space<semaphore_mem>>
        %dma_start3A_574 = arith.constant 0 : i32
        %dma_start3A_575 = arith.constant 0 : i32
        %dma_start3A_576 = tpu.memref_slice %arg6[%run_scoped3A_509, %dma_start3A_574, %dma_start3A_575] : memref<2x160x128xf32, #tpu.memory_space<vmem>> -> memref<1x160x128xf32, #tpu.memory_space<vmem>>
        %dma_start3A_577 = tpu.memref_squeeze %dma_start3A_576 : memref<1x160x128xf32, #tpu.memory_space<vmem>> -> memref<160x128xf32, #tpu.memory_space<vmem>>
        %dma_start3A_578 = arith.constant 0 : i32
        %dma_start3A_579 = tpu.memref_slice %arg5[%run_scoped3A_510, %run_scoped3A_511, %run_scoped3A_512, %dma_start3A_578] : memref<4x2x1x160xi32, #tpu.memory_space<vmem>> -> memref<1x1x1x160xi32, #tpu.memory_space<vmem>>
        %dma_start3A_580 = tpu.memref_squeeze %dma_start3A_579 : memref<1x1x1x160xi32, #tpu.memory_space<vmem>> -> memref<160xi32, #tpu.memory_space<vmem>>
        %dma_start3A_581 = arith.constant 0 : i32
        %dma_start3A_582 = arith.constant 0 : i32
        %dma_start3A_583 = tpu.memref_slice %arg7[%dma_start3A_581, %dma_start3A_582] : memref<10240x128xf32, #tpu.memory_space<vmem_shared>> -> memref<10240x128xf32, #tpu.memory_space<vmem_shared>>
        tpu.enqueue_indirect_dma source(%dma_start3A_577 : memref<160x128xf32, #tpu.memory_space<vmem>>) target(%dma_start3A_583 : memref<10240x128xf32, #tpu.memory_space<vmem_shared>>) offsets(%dma_start3A_580 : memref<160xi32, #tpu.memory_space<vmem>>) semaphore(%run_scoped3A_573 : memref<!tpu.dma_semaphore, #tpu.memory_space<semaphore_mem>>) {add = true}
        %dma_wait3A_584 = arith.constant 0 : i32
        %dma_wait3A_585 = arith.constant 0 : i32
        %dma_wait3A_586 = tpu.memref_slice %arg6[%run_scoped3A_509, %dma_wait3A_584, %dma_wait3A_585] : memref<2x160x128xf32, #tpu.memory_space<vmem>> -> memref<1x160x128xf32, #tpu.memory_space<vmem>>
        %dma_wait3A_587 = tpu.memref_squeeze %dma_wait3A_586 : memref<1x160x128xf32, #tpu.memory_space<vmem>> -> memref<160x128xf32, #tpu.memory_space<vmem>>
        %dma_wait3A_588 = arith.constant 0 : i32
        %dma_wait3A_589 = tpu.memref_slice %arg5[%run_scoped3A_510, %run_scoped3A_511, %run_scoped3A_512, %dma_wait3A_588] : memref<4x2x1x160xi32, #tpu.memory_space<vmem>> -> memref<1x1x1x160xi32, #tpu.memory_space<vmem>>
        %dma_wait3A_590 = tpu.memref_squeeze %dma_wait3A_589 : memref<1x1x1x160xi32, #tpu.memory_space<vmem>> -> memref<160xi32, #tpu.memory_space<vmem>>
        %dma_wait3A_591 = arith.constant 0 : i32
        %dma_wait3A_592 = arith.constant 0 : i32
        %dma_wait3A_593 = tpu.memref_slice %arg7[%dma_wait3A_591, %dma_wait3A_592] : memref<10240x128xf32, #tpu.memory_space<vmem_shared>> -> memref<10240x128xf32, #tpu.memory_space<vmem_shared>>
        tpu.wait_indirect_dma semaphore(%run_scoped3A_573 : memref<!tpu.dma_semaphore, #tpu.memory_space<semaphore_mem>>) src(%dma_wait3A_587 : memref<160x128xf32, #tpu.memory_space<vmem>>) dst(%dma_wait3A_593 : memref<10240x128xf32, #tpu.memory_space<vmem_shared>>)
        tpu.yield
      }) : () -> ()
      %add3A_513 = arith.constant 4 : i32
      %add3A_514 = arith.addi %add3A_494, %add3A_513 : i32
      %dma_start3A_515 = arith.constant 3 : i32
      %dma_start3A_516 = arith.constant 0 : i32
      %dma_start3A_517 = arith.constant 0 : i32
      %dma_start3A_518 = arith.constant 0 : i32
      %dma_start3A_519 = tpu.memref_slice %arg5[%dma_start3A_515, %dma_start3A_516, %dma_start3A_517, %dma_start3A_518] : memref<4x2x1x160xi32, #tpu.memory_space<vmem>> -> memref<1x2x1x160xi32, #tpu.memory_space<vmem>>
      %dma_start3A_520 = tpu.memref_squeeze %dma_start3A_519 : memref<1x2x1x160xi32, #tpu.memory_space<vmem>> -> memref<2x1x160xi32, #tpu.memory_space<vmem>>
      %dma_start3A_521 = arith.constant 0 : i32
      %dma_start3A_522 = arith.constant 0 : i32
      %dma_start3A_523 = arith.constant 0 : i32
      %dma_start3A_524 = tpu.memref_slice %arg3[%add3A, %add3A_514, %dma_start3A_521, %dma_start3A_522, %dma_start3A_523] : memref<32x68x2x1x160xi32, #tpu.memory_space<hbm>> -> memref<1x1x2x1x160xi32, #tpu.memory_space<hbm>>
      %dma_start3A_525 = tpu.memref_squeeze %dma_start3A_524 : memref<1x1x2x1x160xi32, #tpu.memory_space<hbm>> -> memref<2x1x160xi32, #tpu.memory_space<hbm>>
      %dma_start3A_526 = arith.constant 0 : i32
      %dma_start3A_527 = arith.constant 0 : i32
      %dma_start3A_528 = arith.constant 0 : i32
      %dma_start3A_529 = tpu.memref_slice %arg5[%dma_start3A_515, %dma_start3A_526, %dma_start3A_527, %dma_start3A_528] : memref<4x2x1x160xi32, #tpu.memory_space<vmem>> -> memref<1x2x1x160xi32, #tpu.memory_space<vmem>>
      %dma_start3A_530 = tpu.memref_squeeze %dma_start3A_529 : memref<1x2x1x160xi32, #tpu.memory_space<vmem>> -> memref<2x1x160xi32, #tpu.memory_space<vmem>>
      %dma_start3A_531 = arith.constant 0 : i32
      %dma_start3A_532 = arith.constant 0 : i32
      %dma_start3A_533 = arith.constant 0 : i32
      %dma_start3A_534 = tpu.memref_slice %arg3[%add3A, %add3A_514, %dma_start3A_531, %dma_start3A_532, %dma_start3A_533] : memref<32x68x2x1x160xi32, #tpu.memory_space<hbm>> -> memref<1x1x2x1x160xi32, #tpu.memory_space<hbm>>
      %dma_start3A_535 = tpu.memref_squeeze %dma_start3A_534 : memref<1x1x2x1x160xi32, #tpu.memory_space<hbm>> -> memref<2x1x160xi32, #tpu.memory_space<hbm>>
      tpu.enqueue_dma source(%dma_start3A_535 : memref<2x1x160xi32, #tpu.memory_space<hbm>>) target(%dma_start3A_530 : memref<2x1x160xi32, #tpu.memory_space<vmem>>) target_semaphore(%arg11 : memref<!tpu.dma_semaphore, #tpu.memory_space<semaphore_mem>>)
      %add3A_536 = arith.constant 2 : i32
      %add3A_537 = arith.addi %add3A_494, %add3A_536 : i32
      %dma_wait3A_538 = arith.constant 1 : i32
      %dma_wait3A_539 = arith.constant 0 : i32
      %dma_wait3A_540 = arith.constant 0 : i32
      %dma_wait3A_541 = arith.constant 0 : i32
      %dma_wait3A_542 = tpu.memref_slice %arg5[%dma_wait3A_538, %dma_wait3A_539, %dma_wait3A_540, %dma_wait3A_541] : memref<4x2x1x160xi32, #tpu.memory_space<vmem>> -> memref<1x2x1x160xi32, #tpu.memory_space<vmem>>
      %dma_wait3A_543 = tpu.memref_squeeze %dma_wait3A_542 : memref<1x2x1x160xi32, #tpu.memory_space<vmem>> -> memref<2x1x160xi32, #tpu.memory_space<vmem>>
      %dma_wait3A_544 = arith.constant 0 : i32
      %dma_wait3A_545 = arith.constant 0 : i32
      %dma_wait3A_546 = arith.constant 0 : i32
      %dma_wait3A_547 = tpu.memref_slice %arg3[%add3A, %add3A_537, %dma_wait3A_544, %dma_wait3A_545, %dma_wait3A_546] : memref<32x68x2x1x160xi32, #tpu.memory_space<hbm>> -> memref<1x1x2x1x160xi32, #tpu.memory_space<hbm>>
      %dma_wait3A_548 = tpu.memref_squeeze %dma_wait3A_547 : memref<1x1x2x1x160xi32, #tpu.memory_space<hbm>> -> memref<2x1x160xi32, #tpu.memory_space<hbm>>
      %dma_wait3A_549 = arith.constant 0 : i32
      %dma_wait3A_550 = arith.constant 0 : i32
      %dma_wait3A_551 = arith.constant 0 : i32
      %dma_wait3A_552 = tpu.memref_slice %arg5[%dma_wait3A_538, %dma_wait3A_549, %dma_wait3A_550, %dma_wait3A_551] : memref<4x2x1x160xi32, #tpu.memory_space<vmem>> -> memref<1x2x1x160xi32, #tpu.memory_space<vmem>>
      %dma_wait3A_553 = tpu.memref_squeeze %dma_wait3A_552 : memref<1x2x1x160xi32, #tpu.memory_space<vmem>> -> memref<2x1x160xi32, #tpu.memory_space<vmem>>
      %dma_wait3A_554 = arith.constant 0 : i32
      %dma_wait3A_555 = arith.constant 0 : i32
      %dma_wait3A_556 = arith.constant 0 : i32
      %dma_wait3A_557 = tpu.memref_slice %arg3[%add3A, %add3A_537, %dma_wait3A_554, %dma_wait3A_555, %dma_wait3A_556] : memref<32x68x2x1x160xi32, #tpu.memory_space<hbm>> -> memref<1x1x2x1x160xi32, #tpu.memory_space<hbm>>
      %dma_wait3A_558 = tpu.memref_squeeze %dma_wait3A_557 : memref<1x1x2x1x160xi32, #tpu.memory_space<hbm>> -> memref<2x1x160xi32, #tpu.memory_space<hbm>>
      tpu.wait_dma2 semaphore(%arg9 : memref<!tpu.dma_semaphore, #tpu.memory_space<semaphore_mem>>) src(%dma_wait3A_558 : memref<2x1x160xi32, #tpu.memory_space<hbm>>) dst(%dma_wait3A_553 : memref<2x1x160xi32, #tpu.memory_space<vmem>>)
      %dma_start3A_559 = arith.constant 1 : i32
      %dma_start3A_560 = arith.constant 0 : i32
      %dma_start3A_561 = arith.constant 0 : i32
      %dma_start3A_562 = arith.constant 1 : i32
      %dma_start3A_563 = arith.constant 0 : i32
      %dma_start3A_564 = arith.constant 0 : i32
      %dma_start3A_565 = tpu.memref_slice %arg6[%dma_start3A_562, %dma_start3A_563, %dma_start3A_564] : memref<2x160x128xf32, #tpu.memory_space<vmem>> -> memref<1x160x128xf32, #tpu.memory_space<vmem>>
      %dma_start3A_566 = tpu.memref_squeeze %dma_start3A_565 : memref<1x160x128xf32, #tpu.memory_space<vmem>> -> memref<160x128xf32, #tpu.memory_space<vmem>>
      %dma_start3A_567 = arith.constant 0 : i32
      %dma_start3A_568 = tpu.memref_slice %arg5[%dma_start3A_559, %dma_start3A_560, %dma_start3A_561, %dma_start3A_567] : memref<4x2x1x160xi32, #tpu.memory_space<vmem>> -> memref<1x1x1x160xi32, #tpu.memory_space<vmem>>
      %dma_start3A_569 = tpu.memref_squeeze %dma_start3A_568 : memref<1x1x1x160xi32, #tpu.memory_space<vmem>> -> memref<160xi32, #tpu.memory_space<vmem>>
      %dma_start3A_570 = arith.constant 0 : i32
      %dma_start3A_571 = arith.constant 0 : i32
      %dma_start3A_572 = tpu.memref_slice %arg2[%dma_start3A_570, %dma_start3A_571] : memref<10240x128xf32, #tpu.memory_space<hbm>> -> memref<10240x128xf32, #tpu.memory_space<hbm>>
      tpu.enqueue_indirect_dma source(%dma_start3A_572 : memref<10240x128xf32, #tpu.memory_space<hbm>>) target(%dma_start3A_566 : memref<160x128xf32, #tpu.memory_space<vmem>>) offsets(%dma_start3A_569 : memref<160xi32, #tpu.memory_space<vmem>>) semaphore(%arg13 : memref<!tpu.dma_semaphore, #tpu.memory_space<semaphore_mem>>)
    }
    %scan3A_167 = arith.constant 16 : i32
    %dma_wait3A_168 = arith.constant 0 : i32
    %dma_wait3A_169 = arith.constant 0 : i32
    %dma_wait3A_170 = arith.constant 0 : i32
    %dma_wait3A_171 = arith.constant 0 : i32
    %dma_wait3A_172 = arith.constant 0 : i32
    %dma_wait3A_173 = arith.constant 0 : i32
    %dma_wait3A_174 = tpu.memref_slice %arg6[%dma_wait3A_171, %dma_wait3A_172, %dma_wait3A_173] : memref<2x160x128xf32, #tpu.memory_space<vmem>> -> memref<1x160x128xf32, #tpu.memory_space<vmem>>
    %dma_wait3A_175 = tpu.memref_squeeze %dma_wait3A_174 : memref<1x160x128xf32, #tpu.memory_space<vmem>> -> memref<160x128xf32, #tpu.memory_space<vmem>>
    %dma_wait3A_176 = arith.constant 0 : i32
    %dma_wait3A_177 = tpu.memref_slice %arg5[%dma_wait3A_168, %dma_wait3A_169, %dma_wait3A_170, %dma_wait3A_176] : memref<4x2x1x160xi32, #tpu.memory_space<vmem>> -> memref<1x1x1x160xi32, #tpu.memory_space<vmem>>
    %dma_wait3A_178 = tpu.memref_squeeze %dma_wait3A_177 : memref<1x1x1x160xi32, #tpu.memory_space<vmem>> -> memref<160xi32, #tpu.memory_space<vmem>>
    %dma_wait3A_179 = arith.constant 0 : i32
    %dma_wait3A_180 = arith.constant 0 : i32
    %dma_wait3A_181 = tpu.memref_slice %arg2[%dma_wait3A_179, %dma_wait3A_180] : memref<10240x128xf32, #tpu.memory_space<hbm>> -> memref<10240x128xf32, #tpu.memory_space<hbm>>
    tpu.wait_indirect_dma semaphore(%arg12 : memref<!tpu.dma_semaphore, #tpu.memory_space<semaphore_mem>>) src(%dma_wait3A_181 : memref<10240x128xf32, #tpu.memory_space<hbm>>) dst(%dma_wait3A_175 : memref<160x128xf32, #tpu.memory_space<vmem>>)
    %dma_wait3A_182 = arith.constant 1 : i32
    %dma_wait3A_183 = arith.constant 0 : i32
    %dma_wait3A_184 = arith.constant 0 : i32
    %dma_wait3A_185 = arith.constant 1 : i32
    %dma_wait3A_186 = arith.constant 0 : i32
    %dma_wait3A_187 = arith.constant 0 : i32
    %dma_wait3A_188 = tpu.memref_slice %arg6[%dma_wait3A_185, %dma_wait3A_186, %dma_wait3A_187] : memref<2x160x128xf32, #tpu.memory_space<vmem>> -> memref<1x160x128xf32, #tpu.memory_space<vmem>>
    %dma_wait3A_189 = tpu.memref_squeeze %dma_wait3A_188 : memref<1x160x128xf32, #tpu.memory_space<vmem>> -> memref<160x128xf32, #tpu.memory_space<vmem>>
    %dma_wait3A_190 = arith.constant 0 : i32
    %dma_wait3A_191 = tpu.memref_slice %arg5[%dma_wait3A_182, %dma_wait3A_183, %dma_wait3A_184, %dma_wait3A_190] : memref<4x2x1x160xi32, #tpu.memory_space<vmem>> -> memref<1x1x1x160xi32, #tpu.memory_space<vmem>>
    %dma_wait3A_192 = tpu.memref_squeeze %dma_wait3A_191 : memref<1x1x1x160xi32, #tpu.memory_space<vmem>> -> memref<160xi32, #tpu.memory_space<vmem>>
    %dma_wait3A_193 = arith.constant 0 : i32
    %dma_wait3A_194 = arith.constant 0 : i32
    %dma_wait3A_195 = tpu.memref_slice %arg2[%dma_wait3A_193, %dma_wait3A_194] : memref<10240x128xf32, #tpu.memory_space<hbm>> -> memref<10240x128xf32, #tpu.memory_space<hbm>>
    tpu.wait_indirect_dma semaphore(%arg13 : memref<!tpu.dma_semaphore, #tpu.memory_space<semaphore_mem>>) src(%dma_wait3A_195 : memref<10240x128xf32, #tpu.memory_space<hbm>>) dst(%dma_wait3A_189 : memref<160x128xf32, #tpu.memory_space<vmem>>)
    %dma_wait3A_196 = arith.constant 0 : i32
    %dma_wait3A_197 = arith.constant 2 : i32
    %dma_wait3A_198 = arith.constant 0 : i32
    %dma_wait3A_199 = arith.constant 0 : i32
    %dma_wait3A_200 = arith.constant 0 : i32
    %dma_wait3A_201 = tpu.memref_slice %arg5[%dma_wait3A_197, %dma_wait3A_198, %dma_wait3A_199, %dma_wait3A_200] : memref<4x2x1x160xi32, #tpu.memory_space<vmem>> -> memref<1x2x1x160xi32, #tpu.memory_space<vmem>>
    %dma_wait3A_202 = tpu.memref_squeeze %dma_wait3A_201 : memref<1x2x1x160xi32, #tpu.memory_space<vmem>> -> memref<2x1x160xi32, #tpu.memory_space<vmem>>
    %dma_wait3A_203 = arith.constant 0 : i32
    %dma_wait3A_204 = arith.constant 0 : i32
    %dma_wait3A_205 = arith.constant 0 : i32
    %dma_wait3A_206 = tpu.memref_slice %arg3[%add3A, %dma_wait3A_196, %dma_wait3A_203, %dma_wait3A_204, %dma_wait3A_205] : memref<32x68x2x1x160xi32, #tpu.memory_space<hbm>> -> memref<1x1x2x1x160xi32, #tpu.memory_space<hbm>>
    %dma_wait3A_207 = tpu.memref_squeeze %dma_wait3A_206 : memref<1x1x2x1x160xi32, #tpu.memory_space<hbm>> -> memref<2x1x160xi32, #tpu.memory_space<hbm>>
    %dma_wait3A_208 = arith.constant 0 : i32
    %dma_wait3A_209 = arith.constant 0 : i32
    %dma_wait3A_210 = arith.constant 0 : i32
    %dma_wait3A_211 = tpu.memref_slice %arg5[%dma_wait3A_197, %dma_wait3A_208, %dma_wait3A_209, %dma_wait3A_210] : memref<4x2x1x160xi32, #tpu.memory_space<vmem>> -> memref<1x2x1x160xi32, #tpu.memory_space<vmem>>
    %dma_wait3A_212 = tpu.memref_squeeze %dma_wait3A_211 : memref<1x2x1x160xi32, #tpu.memory_space<vmem>> -> memref<2x1x160xi32, #tpu.memory_space<vmem>>
    %dma_wait3A_213 = arith.constant 0 : i32
    %dma_wait3A_214 = arith.constant 0 : i32
    %dma_wait3A_215 = arith.constant 0 : i32
    %dma_wait3A_216 = tpu.memref_slice %arg3[%add3A, %dma_wait3A_196, %dma_wait3A_213, %dma_wait3A_214, %dma_wait3A_215] : memref<32x68x2x1x160xi32, #tpu.memory_space<hbm>> -> memref<1x1x2x1x160xi32, #tpu.memory_space<hbm>>
    %dma_wait3A_217 = tpu.memref_squeeze %dma_wait3A_216 : memref<1x1x2x1x160xi32, #tpu.memory_space<hbm>> -> memref<2x1x160xi32, #tpu.memory_space<hbm>>
    tpu.wait_dma2 semaphore(%arg10 : memref<!tpu.dma_semaphore, #tpu.memory_space<semaphore_mem>>) src(%dma_wait3A_217 : memref<2x1x160xi32, #tpu.memory_space<hbm>>) dst(%dma_wait3A_212 : memref<2x1x160xi32, #tpu.memory_space<vmem>>)
    %dma_wait3A_218 = arith.constant 0 : i32
    %dma_wait3A_219 = arith.constant 3 : i32
    %dma_wait3A_220 = arith.constant 0 : i32
    %dma_wait3A_221 = arith.constant 0 : i32
    %dma_wait3A_222 = arith.constant 0 : i32
    %dma_wait3A_223 = tpu.memref_slice %arg5[%dma_wait3A_219, %dma_wait3A_220, %dma_wait3A_221, %dma_wait3A_222] : memref<4x2x1x160xi32, #tpu.memory_space<vmem>> -> memref<1x2x1x160xi32, #tpu.memory_space<vmem>>
    %dma_wait3A_224 = tpu.memref_squeeze %dma_wait3A_223 : memref<1x2x1x160xi32, #tpu.memory_space<vmem>> -> memref<2x1x160xi32, #tpu.memory_space<vmem>>
    %dma_wait3A_225 = arith.constant 0 : i32
    %dma_wait3A_226 = arith.constant 0 : i32
    %dma_wait3A_227 = arith.constant 0 : i32
    %dma_wait3A_228 = tpu.memref_slice %arg3[%add3A, %dma_wait3A_218, %dma_wait3A_225, %dma_wait3A_226, %dma_wait3A_227] : memref<32x68x2x1x160xi32, #tpu.memory_space<hbm>> -> memref<1x1x2x1x160xi32, #tpu.memory_space<hbm>>
    %dma_wait3A_229 = tpu.memref_squeeze %dma_wait3A_228 : memref<1x1x2x1x160xi32, #tpu.memory_space<hbm>> -> memref<2x1x160xi32, #tpu.memory_space<hbm>>
    %dma_wait3A_230 = arith.constant 0 : i32
    %dma_wait3A_231 = arith.constant 0 : i32
    %dma_wait3A_232 = arith.constant 0 : i32
    %dma_wait3A_233 = tpu.memref_slice %arg5[%dma_wait3A_219, %dma_wait3A_230, %dma_wait3A_231, %dma_wait3A_232] : memref<4x2x1x160xi32, #tpu.memory_space<vmem>> -> memref<1x2x1x160xi32, #tpu.memory_space<vmem>>
    %dma_wait3A_234 = tpu.memref_squeeze %dma_wait3A_233 : memref<1x2x1x160xi32, #tpu.memory_space<vmem>> -> memref<2x1x160xi32, #tpu.memory_space<vmem>>
    %dma_wait3A_235 = arith.constant 0 : i32
    %dma_wait3A_236 = arith.constant 0 : i32
    %dma_wait3A_237 = arith.constant 0 : i32
    %dma_wait3A_238 = tpu.memref_slice %arg3[%add3A, %dma_wait3A_218, %dma_wait3A_235, %dma_wait3A_236, %dma_wait3A_237] : memref<32x68x2x1x160xi32, #tpu.memory_space<hbm>> -> memref<1x1x2x1x160xi32, #tpu.memory_space<hbm>>
    %dma_wait3A_239 = tpu.memref_squeeze %dma_wait3A_238 : memref<1x1x2x1x160xi32, #tpu.memory_space<hbm>> -> memref<2x1x160xi32, #tpu.memory_space<hbm>>
    tpu.wait_dma2 semaphore(%arg11 : memref<!tpu.dma_semaphore, #tpu.memory_space<semaphore_mem>>) src(%dma_wait3A_239 : memref<2x1x160xi32, #tpu.memory_space<hbm>>) dst(%dma_wait3A_234 : memref<2x1x160xi32, #tpu.memory_space<vmem>>)
    %barrier3A_240 = arith.constant 0 : index
    tpu.barrier barrier_id(%barrier3A_240)
    %mul3A_241 = arith.constant 640 : i32
    %mul3A_242 = arith.muli %arg1, %mul3A_241 : i32
    %mul3A_243 = arith.constant 640 : i32
    %mul3A_244 = arith.muli %arg1, %mul3A_243 : i32
    "tpu.region"() ({
      %run_scoped3A = tpu.sem_alloc : memref<!tpu.dma_semaphore, #tpu.memory_space<semaphore_mem>>
      %dma_start3A_245 = arith.constant 0 : i32
      %dma_start3A_246 = tpu.memref_slice %arg4[%arg0, %mul3A_244, %dma_start3A_245] : memref<2x10240x128xf32, #tpu.memory_space<hbm>> -> memref<1x640x128xf32, #tpu.memory_space<hbm>>
      %dma_start3A_247 = tpu.memref_squeeze %dma_start3A_246 : memref<1x640x128xf32, #tpu.memory_space<hbm>> -> memref<640x128xf32, #tpu.memory_space<hbm>>
      %dma_start3A_248 = arith.constant 0 : i32
      %dma_start3A_249 = tpu.memref_slice %arg7[%mul3A_242, %dma_start3A_248] : memref<10240x128xf32, #tpu.memory_space<vmem_shared>> -> memref<640x128xf32, #tpu.memory_space<vmem_shared>>
      tpu.enqueue_dma source(%dma_start3A_249 : memref<640x128xf32, #tpu.memory_space<vmem_shared>>) target(%dma_start3A_247 : memref<640x128xf32, #tpu.memory_space<hbm>>) target_semaphore(%run_scoped3A : memref<!tpu.dma_semaphore, #tpu.memory_space<semaphore_mem>>)
      %dma_wait3A_250 = arith.constant 0 : i32
      %dma_wait3A_251 = tpu.memref_slice %arg4[%arg0, %mul3A_244, %dma_wait3A_250] : memref<2x10240x128xf32, #tpu.memory_space<hbm>> -> memref<1x640x128xf32, #tpu.memory_space<hbm>>
      %dma_wait3A_252 = tpu.memref_squeeze %dma_wait3A_251 : memref<1x640x128xf32, #tpu.memory_space<hbm>> -> memref<640x128xf32, #tpu.memory_space<hbm>>
      %dma_wait3A_253 = arith.constant 0 : i32
      %dma_wait3A_254 = tpu.memref_slice %arg7[%mul3A_242, %dma_wait3A_253] : memref<10240x128xf32, #tpu.memory_space<vmem_shared>> -> memref<640x128xf32, #tpu.memory_space<vmem_shared>>
      tpu.wait_dma2 semaphore(%run_scoped3A : memref<!tpu.dma_semaphore, #tpu.memory_space<semaphore_mem>>) src(%dma_wait3A_254 : memref<640x128xf32, #tpu.memory_space<vmem_shared>>) dst(%dma_wait3A_252 : memref<640x128xf32, #tpu.memory_space<hbm>>)
      tpu.yield
    }) : () -> ()
    return
  }
}

#map = affine_map<(d0, d1) -> (0, 0, 0, 0, 0)>
#map1 = affine_map<(d0, d1) -> (0)>
#map2 = affine_map<(d0, d1) -> (0, 0)>
module attributes {stable_mosaic.version = 14 : i64} {
  func.func @_deg_kernel(%arg0: i32, %arg1: i32, %arg2: memref<32x68x2x1x160xi32, #tpu.memory_space<hbm>>, %arg3: memref<10240xf32, #tpu.memory_space<hbm>>, %arg4: memref<2x10240xf32, #tpu.memory_space<hbm>>, %arg5: memref<68x2x1x160xi32, #tpu.memory_space<vmem>>, %arg6: memref<1x160xf32, #tpu.memory_space<vmem>>, %arg7: memref<10240xf32, #tpu.memory_space<vmem_shared>>) attributes {dimension_semantics = [#tpu.dimension_semantics<core_parallel>, #tpu.dimension_semantics<subcore_parallel>], iteration_bounds = array<i64: 2, 16>, scalar_prefetch = 0 : i64, scratch_operands = 3 : i64, tpu.core_type = #tpu.core_type<sc_vector_subcore>, window_params = [{transform_indices = #map}, {transform_indices = #map1}, {transform_indices = #map2}]} {
    %mul3A = arith.constant 16 : i32
    %mul3A_0 = arith.muli %arg0, %mul3A : i32
    %add3A = arith.addi %mul3A_0, %arg1 : i32
    %broadcast_in_dim3A = arith.constant 1.000000e+00 : f32
    %broadcast_in_dim3A_1 = vector.broadcast %broadcast_in_dim3A : f32 to vector<16xf32>
    %swap3A = arith.constant 0 : i32
    %swap3A_2 = arith.index_cast %swap3A : i32 to index
    %swap3A_3 = arith.constant 0 : index
    %swap3A_4 = tpu.vector_load %arg6[%swap3A_2, %swap3A_3] {strides = array<i32>} : memref<1x160xf32, #tpu.memory_space<vmem>>, vector<1x16xf32>,
    %swap3A_5 = vector.shape_cast %swap3A_4 : vector<1x16xf32> to vector<16xf32>
    %swap3A_6 = vector.shape_cast %broadcast_in_dim3A_1 : vector<16xf32> to vector<1x16xf32>
    tpu.vector_store %arg6[%swap3A_2, %swap3A_3], %swap3A_6 {strides = array<i32>} : memref<1x160xf32, #tpu.memory_space<vmem>>, vector<1x16xf32>,
    %broadcast_in_dim3A_7 = arith.constant 1.000000e+00 : f32
    %broadcast_in_dim3A_8 = vector.broadcast %broadcast_in_dim3A_7 : f32 to vector<16xf32>
    %swap3A_9 = arith.constant 0 : i32
    %swap3A_10 = arith.index_cast %swap3A_9 : i32 to index
    %swap3A_11 = arith.constant 16 : index
    %swap3A_12 = tpu.vector_load %arg6[%swap3A_10, %swap3A_11] {strides = array<i32>} : memref<1x160xf32, #tpu.memory_space<vmem>>, vector<1x16xf32>,
    %swap3A_13 = vector.shape_cast %swap3A_12 : vector<1x16xf32> to vector<16xf32>
    %swap3A_14 = vector.shape_cast %broadcast_in_dim3A_8 : vector<16xf32> to vector<1x16xf32>
    tpu.vector_store %arg6[%swap3A_10, %swap3A_11], %swap3A_14 {strides = array<i32>} : memref<1x160xf32, #tpu.memory_space<vmem>>, vector<1x16xf32>,
    %broadcast_in_dim3A_15 = arith.constant 1.000000e+00 : f32
    %broadcast_in_dim3A_16 = vector.broadcast %broadcast_in_dim3A_15 : f32 to vector<16xf32>
    %swap3A_17 = arith.constant 0 : i32
    %swap3A_18 = arith.index_cast %swap3A_17 : i32 to index
    %swap3A_19 = arith.constant 32 : index
    %swap3A_20 = tpu.vector_load %arg6[%swap3A_18, %swap3A_19] {strides = array<i32>} : memref<1x160xf32, #tpu.memory_space<vmem>>, vector<1x16xf32>,
    %swap3A_21 = vector.shape_cast %swap3A_20 : vector<1x16xf32> to vector<16xf32>
    %swap3A_22 = vector.shape_cast %broadcast_in_dim3A_16 : vector<16xf32> to vector<1x16xf32>
    tpu.vector_store %arg6[%swap3A_18, %swap3A_19], %swap3A_22 {strides = array<i32>} : memref<1x160xf32, #tpu.memory_space<vmem>>, vector<1x16xf32>,
    %broadcast_in_dim3A_23 = arith.constant 1.000000e+00 : f32
    %broadcast_in_dim3A_24 = vector.broadcast %broadcast_in_dim3A_23 : f32 to vector<16xf32>
    %swap3A_25 = arith.constant 0 : i32
    %swap3A_26 = arith.index_cast %swap3A_25 : i32 to index
    %swap3A_27 = arith.constant 48 : index
    %swap3A_28 = tpu.vector_load %arg6[%swap3A_26, %swap3A_27] {strides = array<i32>} : memref<1x160xf32, #tpu.memory_space<vmem>>, vector<1x16xf32>,
    %swap3A_29 = vector.shape_cast %swap3A_28 : vector<1x16xf32> to vector<16xf32>
    %swap3A_30 = vector.shape_cast %broadcast_in_dim3A_24 : vector<16xf32> to vector<1x16xf32>
    tpu.vector_store %arg6[%swap3A_26, %swap3A_27], %swap3A_30 {strides = array<i32>} : memref<1x160xf32, #tpu.memory_space<vmem>>, vector<1x16xf32>,
    %broadcast_in_dim3A_31 = arith.constant 1.000000e+00 : f32
    %broadcast_in_dim3A_32 = vector.broadcast %broadcast_in_dim3A_31 : f32 to vector<16xf32>
    %swap3A_33 = arith.constant 0 : i32
    %swap3A_34 = arith.index_cast %swap3A_33 : i32 to index
    %swap3A_35 = arith.constant 64 : index
    %swap3A_36 = tpu.vector_load %arg6[%swap3A_34, %swap3A_35] {strides = array<i32>} : memref<1x160xf32, #tpu.memory_space<vmem>>, vector<1x16xf32>,
    %swap3A_37 = vector.shape_cast %swap3A_36 : vector<1x16xf32> to vector<16xf32>
    %swap3A_38 = vector.shape_cast %broadcast_in_dim3A_32 : vector<16xf32> to vector<1x16xf32>
    tpu.vector_store %arg6[%swap3A_34, %swap3A_35], %swap3A_38 {strides = array<i32>} : memref<1x160xf32, #tpu.memory_space<vmem>>, vector<1x16xf32>,
    %broadcast_in_dim3A_39 = arith.constant 1.000000e+00 : f32
    %broadcast_in_dim3A_40 = vector.broadcast %broadcast_in_dim3A_39 : f32 to vector<16xf32>
    %swap3A_41 = arith.constant 0 : i32
    %swap3A_42 = arith.index_cast %swap3A_41 : i32 to index
    %swap3A_43 = arith.constant 80 : index
    %swap3A_44 = tpu.vector_load %arg6[%swap3A_42, %swap3A_43] {strides = array<i32>} : memref<1x160xf32, #tpu.memory_space<vmem>>, vector<1x16xf32>,
    %swap3A_45 = vector.shape_cast %swap3A_44 : vector<1x16xf32> to vector<16xf32>
    %swap3A_46 = vector.shape_cast %broadcast_in_dim3A_40 : vector<16xf32> to vector<1x16xf32>
    tpu.vector_store %arg6[%swap3A_42, %swap3A_43], %swap3A_46 {strides = array<i32>} : memref<1x160xf32, #tpu.memory_space<vmem>>, vector<1x16xf32>,
    %broadcast_in_dim3A_47 = arith.constant 1.000000e+00 : f32
    %broadcast_in_dim3A_48 = vector.broadcast %broadcast_in_dim3A_47 : f32 to vector<16xf32>
    %swap3A_49 = arith.constant 0 : i32
    %swap3A_50 = arith.index_cast %swap3A_49 : i32 to index
    %swap3A_51 = arith.constant 96 : index
    %swap3A_52 = tpu.vector_load %arg6[%swap3A_50, %swap3A_51] {strides = array<i32>} : memref<1x160xf32, #tpu.memory_space<vmem>>, vector<1x16xf32>,
    %swap3A_53 = vector.shape_cast %swap3A_52 : vector<1x16xf32> to vector<16xf32>
    %swap3A_54 = vector.shape_cast %broadcast_in_dim3A_48 : vector<16xf32> to vector<1x16xf32>
    tpu.vector_store %arg6[%swap3A_50, %swap3A_51], %swap3A_54 {strides = array<i32>} : memref<1x160xf32, #tpu.memory_space<vmem>>, vector<1x16xf32>,
    %broadcast_in_dim3A_55 = arith.constant 1.000000e+00 : f32
    %broadcast_in_dim3A_56 = vector.broadcast %broadcast_in_dim3A_55 : f32 to vector<16xf32>
    %swap3A_57 = arith.constant 0 : i32
    %swap3A_58 = arith.index_cast %swap3A_57 : i32 to index
    %swap3A_59 = arith.constant 112 : index
    %swap3A_60 = tpu.vector_load %arg6[%swap3A_58, %swap3A_59] {strides = array<i32>} : memref<1x160xf32, #tpu.memory_space<vmem>>, vector<1x16xf32>,
    %swap3A_61 = vector.shape_cast %swap3A_60 : vector<1x16xf32> to vector<16xf32>
    %swap3A_62 = vector.shape_cast %broadcast_in_dim3A_56 : vector<16xf32> to vector<1x16xf32>
    tpu.vector_store %arg6[%swap3A_58, %swap3A_59], %swap3A_62 {strides = array<i32>} : memref<1x160xf32, #tpu.memory_space<vmem>>, vector<1x16xf32>,
    %broadcast_in_dim3A_63 = arith.constant 1.000000e+00 : f32
    %broadcast_in_dim3A_64 = vector.broadcast %broadcast_in_dim3A_63 : f32 to vector<16xf32>
    %swap3A_65 = arith.constant 0 : i32
    %swap3A_66 = arith.index_cast %swap3A_65 : i32 to index
    %swap3A_67 = arith.constant 128 : index
    %swap3A_68 = tpu.vector_load %arg6[%swap3A_66, %swap3A_67] {strides = array<i32>} : memref<1x160xf32, #tpu.memory_space<vmem>>, vector<1x16xf32>,
    %swap3A_69 = vector.shape_cast %swap3A_68 : vector<1x16xf32> to vector<16xf32>
    %swap3A_70 = vector.shape_cast %broadcast_in_dim3A_64 : vector<16xf32> to vector<1x16xf32>
    tpu.vector_store %arg6[%swap3A_66, %swap3A_67], %swap3A_70 {strides = array<i32>} : memref<1x160xf32, #tpu.memory_space<vmem>>, vector<1x16xf32>,
    %broadcast_in_dim3A_71 = arith.constant 1.000000e+00 : f32
    %broadcast_in_dim3A_72 = vector.broadcast %broadcast_in_dim3A_71 : f32 to vector<16xf32>
    %swap3A_73 = arith.constant 0 : i32
    %swap3A_74 = arith.index_cast %swap3A_73 : i32 to index
    %swap3A_75 = arith.constant 144 : index
    %swap3A_76 = tpu.vector_load %arg6[%swap3A_74, %swap3A_75] {strides = array<i32>} : memref<1x160xf32, #tpu.memory_space<vmem>>, vector<1x16xf32>,
    %swap3A_77 = vector.shape_cast %swap3A_76 : vector<1x16xf32> to vector<16xf32>
    %swap3A_78 = vector.shape_cast %broadcast_in_dim3A_72 : vector<16xf32> to vector<1x16xf32>
    tpu.vector_store %arg6[%swap3A_74, %swap3A_75], %swap3A_78 {strides = array<i32>} : memref<1x160xf32, #tpu.memory_space<vmem>>, vector<1x16xf32>,
    %mul3A_79 = arith.constant 640 : i32
    %mul3A_80 = arith.muli %arg1, %mul3A_79 : i32
    %mul3A_81 = arith.constant 640 : i32
    %mul3A_82 = arith.muli %arg1, %mul3A_81 : i32
    "tpu.region"() ({
      %run_scoped3A = tpu.sem_alloc : memref<!tpu.dma_semaphore, #tpu.memory_space<semaphore_mem>>
      %dma_start3A = tpu.memref_slice %arg7[%mul3A_82] : memref<10240xf32, #tpu.memory_space<vmem_shared>> -> memref<640xf32, #tpu.memory_space<vmem_shared>>
      %dma_start3A_93 = tpu.memref_slice %arg3[%mul3A_80] : memref<10240xf32, #tpu.memory_space<hbm>> -> memref<640xf32, #tpu.memory_space<hbm>>
      tpu.enqueue_dma source(%dma_start3A_93 : memref<640xf32, #tpu.memory_space<hbm>>) target(%dma_start3A : memref<640xf32, #tpu.memory_space<vmem_shared>>) target_semaphore(%run_scoped3A : memref<!tpu.dma_semaphore, #tpu.memory_space<semaphore_mem>>)
      %dma_wait3A = tpu.memref_slice %arg7[%mul3A_82] : memref<10240xf32, #tpu.memory_space<vmem_shared>> -> memref<640xf32, #tpu.memory_space<vmem_shared>>
      %dma_wait3A_94 = tpu.memref_slice %arg3[%mul3A_80] : memref<10240xf32, #tpu.memory_space<hbm>> -> memref<640xf32, #tpu.memory_space<hbm>>
      tpu.wait_dma2 semaphore(%run_scoped3A : memref<!tpu.dma_semaphore, #tpu.memory_space<semaphore_mem>>) src(%dma_wait3A_94 : memref<640xf32, #tpu.memory_space<hbm>>) dst(%dma_wait3A : memref<640xf32, #tpu.memory_space<vmem_shared>>)
      tpu.yield
    }) : () -> ()
    "tpu.region"() ({
      %run_scoped3A = tpu.sem_alloc : memref<!tpu.dma_semaphore, #tpu.memory_space<semaphore_mem>>
      %dma_start3A = arith.constant 0 : i32
      %dma_start3A_93 = arith.constant 0 : i32
      %dma_start3A_94 = arith.constant 0 : i32
      %dma_start3A_95 = arith.constant 0 : i32
      %dma_start3A_96 = tpu.memref_slice %arg2[%add3A, %dma_start3A, %dma_start3A_93, %dma_start3A_94, %dma_start3A_95] : memref<32x68x2x1x160xi32, #tpu.memory_space<hbm>> -> memref<1x68x2x1x160xi32, #tpu.memory_space<hbm>>
      %dma_start3A_97 = tpu.memref_squeeze %dma_start3A_96 : memref<1x68x2x1x160xi32, #tpu.memory_space<hbm>> -> memref<68x2x1x160xi32, #tpu.memory_space<hbm>>
      %dma_start3A_98 = arith.constant 0 : i32
      %dma_start3A_99 = arith.constant 0 : i32
      %dma_start3A_100 = arith.constant 0 : i32
      %dma_start3A_101 = arith.constant 0 : i32
      %dma_start3A_102 = tpu.memref_slice %arg2[%add3A, %dma_start3A_98, %dma_start3A_99, %dma_start3A_100, %dma_start3A_101] : memref<32x68x2x1x160xi32, #tpu.memory_space<hbm>> -> memref<1x68x2x1x160xi32, #tpu.memory_space<hbm>>
      %dma_start3A_103 = tpu.memref_squeeze %dma_start3A_102 : memref<1x68x2x1x160xi32, #tpu.memory_space<hbm>> -> memref<68x2x1x160xi32, #tpu.memory_space<hbm>>
      tpu.enqueue_dma source(%dma_start3A_103 : memref<68x2x1x160xi32, #tpu.memory_space<hbm>>) target(%arg5 : memref<68x2x1x160xi32, #tpu.memory_space<vmem>>) target_semaphore(%run_scoped3A : memref<!tpu.dma_semaphore, #tpu.memory_space<semaphore_mem>>)
      %dma_wait3A = arith.constant 0 : i32
      %dma_wait3A_104 = arith.constant 0 : i32
      %dma_wait3A_105 = arith.constant 0 : i32
      %dma_wait3A_106 = arith.constant 0 : i32
      %dma_wait3A_107 = tpu.memref_slice %arg2[%add3A, %dma_wait3A, %dma_wait3A_104, %dma_wait3A_105, %dma_wait3A_106] : memref<32x68x2x1x160xi32, #tpu.memory_space<hbm>> -> memref<1x68x2x1x160xi32, #tpu.memory_space<hbm>>
      %dma_wait3A_108 = tpu.memref_squeeze %dma_wait3A_107 : memref<1x68x2x1x160xi32, #tpu.memory_space<hbm>> -> memref<68x2x1x160xi32, #tpu.memory_space<hbm>>
      %dma_wait3A_109 = arith.constant 0 : i32
      %dma_wait3A_110 = arith.constant 0 : i32
      %dma_wait3A_111 = arith.constant 0 : i32
      %dma_wait3A_112 = arith.constant 0 : i32
      %dma_wait3A_113 = tpu.memref_slice %arg2[%add3A, %dma_wait3A_109, %dma_wait3A_110, %dma_wait3A_111, %dma_wait3A_112] : memref<32x68x2x1x160xi32, #tpu.memory_space<hbm>> -> memref<1x68x2x1x160xi32, #tpu.memory_space<hbm>>
      %dma_wait3A_114 = tpu.memref_squeeze %dma_wait3A_113 : memref<1x68x2x1x160xi32, #tpu.memory_space<hbm>> -> memref<68x2x1x160xi32, #tpu.memory_space<hbm>>
      tpu.wait_dma2 semaphore(%run_scoped3A : memref<!tpu.dma_semaphore, #tpu.memory_space<semaphore_mem>>) src(%dma_wait3A_114 : memref<68x2x1x160xi32, #tpu.memory_space<hbm>>) dst(%arg5 : memref<68x2x1x160xi32, #tpu.memory_space<vmem>>)
      tpu.yield
    }) : () -> ()
    %barrier3A = arith.constant 0 : index
    tpu.barrier barrier_id(%barrier3A)
    %scan3A = arith.constant 0 : i32
    %scan3A_83 = arith.constant 0 : i32
    %scan3A_84 = arith.constant 64 : i32
    %scan3A_85 = arith.addi %scan3A_83, %scan3A_84 : i32
    %scan3A_86 = arith.constant 1 : i32
    scf.for %scan3A_93 = %scan3A_83 to %scan3A_85 step %scan3A_86  : i32 {
      %run_scoped3A = arith.constant 0 : i32
      %run_scoped3A_94 = arith.constant 1 : i32
      %run_scoped3A_95 = arith.constant 0 : i32
      "tpu.region"() ({
        %run_scoped3A_96 = tpu.sem_alloc : memref<!tpu.dma_semaphore, #tpu.memory_space<semaphore_mem>>
        %dma_start3A = arith.constant 0 : i32
        %dma_start3A_97 = tpu.memref_slice %arg6[%run_scoped3A, %dma_start3A] : memref<1x160xf32, #tpu.memory_space<vmem>> -> memref<1x160xf32, #tpu.memory_space<vmem>>
        %dma_start3A_98 = tpu.memref_squeeze %dma_start3A_97 : memref<1x160xf32, #tpu.memory_space<vmem>> -> memref<160xf32, #tpu.memory_space<vmem>>
        %dma_start3A_99 = arith.constant 0 : i32
        %dma_start3A_100 = tpu.memref_slice %arg5[%scan3A_93, %run_scoped3A_94, %run_scoped3A_95, %dma_start3A_99] : memref<68x2x1x160xi32, #tpu.memory_space<vmem>> -> memref<1x1x1x160xi32, #tpu.memory_space<vmem>>
        %dma_start3A_101 = tpu.memref_squeeze %dma_start3A_100 : memref<1x1x1x160xi32, #tpu.memory_space<vmem>> -> memref<160xi32, #tpu.memory_space<vmem>>
        %dma_start3A_102 = arith.constant 0 : i32
        %dma_start3A_103 = tpu.memref_slice %arg7[%dma_start3A_102] : memref<10240xf32, #tpu.memory_space<vmem_shared>> -> memref<10240xf32, #tpu.memory_space<vmem_shared>>
        tpu.enqueue_indirect_dma source(%dma_start3A_98 : memref<160xf32, #tpu.memory_space<vmem>>) target(%dma_start3A_103 : memref<10240xf32, #tpu.memory_space<vmem_shared>>) offsets(%dma_start3A_101 : memref<160xi32, #tpu.memory_space<vmem>>) semaphore(%run_scoped3A_96 : memref<!tpu.dma_semaphore, #tpu.memory_space<semaphore_mem>>) {add = true}
        %dma_wait3A = arith.constant 0 : i32
        %dma_wait3A_104 = tpu.memref_slice %arg6[%run_scoped3A, %dma_wait3A] : memref<1x160xf32, #tpu.memory_space<vmem>> -> memref<1x160xf32, #tpu.memory_space<vmem>>
        %dma_wait3A_105 = tpu.memref_squeeze %dma_wait3A_104 : memref<1x160xf32, #tpu.memory_space<vmem>> -> memref<160xf32, #tpu.memory_space<vmem>>
        %dma_wait3A_106 = arith.constant 0 : i32
        %dma_wait3A_107 = tpu.memref_slice %arg5[%scan3A_93, %run_scoped3A_94, %run_scoped3A_95, %dma_wait3A_106] : memref<68x2x1x160xi32, #tpu.memory_space<vmem>> -> memref<1x1x1x160xi32, #tpu.memory_space<vmem>>
        %dma_wait3A_108 = tpu.memref_squeeze %dma_wait3A_107 : memref<1x1x1x160xi32, #tpu.memory_space<vmem>> -> memref<160xi32, #tpu.memory_space<vmem>>
        %dma_wait3A_109 = arith.constant 0 : i32
        %dma_wait3A_110 = tpu.memref_slice %arg7[%dma_wait3A_109] : memref<10240xf32, #tpu.memory_space<vmem_shared>> -> memref<10240xf32, #tpu.memory_space<vmem_shared>>
        tpu.wait_indirect_dma semaphore(%run_scoped3A_96 : memref<!tpu.dma_semaphore, #tpu.memory_space<semaphore_mem>>) src(%dma_wait3A_105 : memref<160xf32, #tpu.memory_space<vmem>>) dst(%dma_wait3A_110 : memref<10240xf32, #tpu.memory_space<vmem_shared>>)
        tpu.yield
      }) : () -> ()
    }
    %scan3A_87 = arith.constant 64 : i32
    %barrier3A_88 = arith.constant 0 : index
    tpu.barrier barrier_id(%barrier3A_88)
    %mul3A_89 = arith.constant 640 : i32
    %mul3A_90 = arith.muli %arg1, %mul3A_89 : i32
    %mul3A_91 = arith.constant 640 : i32
    %mul3A_92 = arith.muli %arg1, %mul3A_91 : i32
    "tpu.region"() ({
      %run_scoped3A = tpu.sem_alloc : memref<!tpu.dma_semaphore, #tpu.memory_space<semaphore_mem>>
      %dma_start3A = tpu.memref_slice %arg4[%arg0, %mul3A_92] : memref<2x10240xf32, #tpu.memory_space<hbm>> -> memref<1x640xf32, #tpu.memory_space<hbm>>
      %dma_start3A_93 = tpu.memref_squeeze %dma_start3A : memref<1x640xf32, #tpu.memory_space<hbm>> -> memref<640xf32, #tpu.memory_space<hbm>>
      %dma_start3A_94 = tpu.memref_slice %arg7[%mul3A_90] : memref<10240xf32, #tpu.memory_space<vmem_shared>> -> memref<640xf32, #tpu.memory_space<vmem_shared>>
      tpu.enqueue_dma source(%dma_start3A_94 : memref<640xf32, #tpu.memory_space<vmem_shared>>) target(%dma_start3A_93 : memref<640xf32, #tpu.memory_space<hbm>>) target_semaphore(%run_scoped3A : memref<!tpu.dma_semaphore, #tpu.memory_space<semaphore_mem>>)
      %dma_wait3A = tpu.memref_slice %arg4[%arg0, %mul3A_92] : memref<2x10240xf32, #tpu.memory_space<hbm>> -> memref<1x640xf32, #tpu.memory_space<hbm>>
      %dma_wait3A_95 = tpu.memref_squeeze %dma_wait3A : memref<1x640xf32, #tpu.memory_space<hbm>> -> memref<640xf32, #tpu.memory_space<hbm>>
      %dma_wait3A_96 = tpu.memref_slice %arg7[%mul3A_90] : memref<10240xf32, #tpu.memory_space<vmem_shared>> -> memref<640xf32, #tpu.memory_space<vmem_shared>>
      tpu.wait_dma2 semaphore(%run_scoped3A : memref<!tpu.dma_semaphore, #tpu.memory_space<semaphore_mem>>) src(%dma_wait3A_96 : memref<640xf32, #tpu.memory_space<vmem_shared>>) dst(%dma_wait3A_95 : memref<640xf32, #tpu.memory_space<hbm>>)
      tpu.yield
    }) : () -> ()
    return
  }
}

#map = affine_map<(d0, d1) -> (0, 0)>
#map1 = affine_map<(d0, d1) -> (0, 0, 0, 0, 0)>
#map2 = affine_map<(d0, d1) -> (0, 0, 0)>
module attributes {stable_mosaic.version = 14 : i64} {
  func.func @_agg_kernel(%arg0: i32, %arg1: i32, %arg2: memref<10240x128xf32, #tpu.memory_space<hbm>>, %arg3: memref<32x68x2x1x160xi32, #tpu.memory_space<hbm>>, %arg4: memref<2x10240x128xf32, #tpu.memory_space<hbm>>, %arg5: memref<4x2x1x160xi32, #tpu.memory_space<vmem>>, %arg6: memref<2x160x128xf32, #tpu.memory_space<vmem>>, %arg7: memref<10240x128xf32, #tpu.memory_space<vmem_shared>>, %arg8: memref<!tpu.dma_semaphore, #tpu.memory_space<semaphore_mem>>, %arg9: memref<!tpu.dma_semaphore, #tpu.memory_space<semaphore_mem>>, %arg10: memref<!tpu.dma_semaphore, #tpu.memory_space<semaphore_mem>>, %arg11: memref<!tpu.dma_semaphore, #tpu.memory_space<semaphore_mem>>, %arg12: memref<!tpu.dma_semaphore, #tpu.memory_space<semaphore_mem>>, %arg13: memref<!tpu.dma_semaphore, #tpu.memory_space<semaphore_mem>>) attributes {dimension_semantics = [#tpu.dimension_semantics<core_parallel>, #tpu.dimension_semantics<subcore_parallel>], iteration_bounds = array<i64: 2, 16>, scalar_prefetch = 0 : i64, scratch_operands = 9 : i64, tpu.core_type = #tpu.core_type<sc_vector_subcore>, window_params = [{transform_indices = #map}, {transform_indices = #map1}, {transform_indices = #map2}]} {
    %mul3A = arith.constant 16 : i32
    %mul3A_0 = arith.muli %arg0, %mul3A : i32
    %add3A = arith.addi %mul3A_0, %arg1 : i32
    %mul3A_1 = arith.constant 640 : i32
    %mul3A_2 = arith.muli %arg1, %mul3A_1 : i32
    %mul3A_3 = arith.constant 640 : i32
    %mul3A_4 = arith.muli %arg1, %mul3A_3 : i32
    "tpu.region"() ({
      %run_scoped3A = tpu.sem_alloc : memref<!tpu.dma_semaphore, #tpu.memory_space<semaphore_mem>>
      %dma_start3A_245 = arith.constant 0 : i32
      %dma_start3A_246 = tpu.memref_slice %arg7[%mul3A_4, %dma_start3A_245] : memref<10240x128xf32, #tpu.memory_space<vmem_shared>> -> memref<640x128xf32, #tpu.memory_space<vmem_shared>>
      %dma_start3A_247 = arith.constant 0 : i32
      %dma_start3A_248 = tpu.memref_slice %arg2[%mul3A_2, %dma_start3A_247] : memref<10240x128xf32, #tpu.memory_space<hbm>> -> memref<640x128xf32, #tpu.memory_space<hbm>>
      tpu.enqueue_dma source(%dma_start3A_248 : memref<640x128xf32, #tpu.memory_space<hbm>>) target(%dma_start3A_246 : memref<640x128xf32, #tpu.memory_space<vmem_shared>>) target_semaphore(%run_scoped3A : memref<!tpu.dma_semaphore, #tpu.memory_space<semaphore_mem>>)
      %dma_wait3A_249 = arith.constant 0 : i32
      %dma_wait3A_250 = tpu.memref_slice %arg7[%mul3A_4, %dma_wait3A_249] : memref<10240x128xf32, #tpu.memory_space<vmem_shared>> -> memref<640x128xf32, #tpu.memory_space<vmem_shared>>
      %dma_wait3A_251 = arith.constant 0 : i32
      %dma_wait3A_252 = tpu.memref_slice %arg2[%mul3A_2, %dma_wait3A_251] : memref<10240x128xf32, #tpu.memory_space<hbm>> -> memref<640x128xf32, #tpu.memory_space<hbm>>
      tpu.wait_dma2 semaphore(%run_scoped3A : memref<!tpu.dma_semaphore, #tpu.memory_space<semaphore_mem>>) src(%dma_wait3A_252 : memref<640x128xf32, #tpu.memory_space<hbm>>) dst(%dma_wait3A_250 : memref<640x128xf32, #tpu.memory_space<vmem_shared>>)
      tpu.yield
    }) : () -> ()
    %barrier3A = arith.constant 0 : index
    tpu.barrier barrier_id(%barrier3A)
    %dma_start3A = arith.constant 0 : i32
    %dma_start3A_5 = arith.constant 0 : i32
    %dma_start3A_6 = arith.constant 0 : i32
    %dma_start3A_7 = arith.constant 0 : i32
    %dma_start3A_8 = arith.constant 0 : i32
    %dma_start3A_9 = tpu.memref_slice %arg5[%dma_start3A_5, %dma_start3A_6, %dma_start3A_7, %dma_start3A_8] : memref<4x2x1x160xi32, #tpu.memory_space<vmem>> -> memref<1x2x1x160xi32, #tpu.memory_space<vmem>>
    %dma_start3A_10 = tpu.memref_squeeze %dma_start3A_9 : memref<1x2x1x160xi32, #tpu.memory_space<vmem>> -> memref<2x1x160xi32, #tpu.memory_space<vmem>>
    %dma_start3A_11 = arith.constant 0 : i32
    %dma_start3A_12 = arith.constant 0 : i32
    %dma_start3A_13 = arith.constant 0 : i32
    %dma_start3A_14 = tpu.memref_slice %arg3[%add3A, %dma_start3A, %dma_start3A_11, %dma_start3A_12, %dma_start3A_13] : memref<32x68x2x1x160xi32, #tpu.memory_space<hbm>> -> memref<1x1x2x1x160xi32, #tpu.memory_space<hbm>>
    %dma_start3A_15 = tpu.memref_squeeze %dma_start3A_14 : memref<1x1x2x1x160xi32, #tpu.memory_space<hbm>> -> memref<2x1x160xi32, #tpu.memory_space<hbm>>
    %dma_start3A_16 = arith.constant 0 : i32
    %dma_start3A_17 = arith.constant 0 : i32
    %dma_start3A_18 = arith.constant 0 : i32
    %dma_start3A_19 = tpu.memref_slice %arg5[%dma_start3A_5, %dma_start3A_16, %dma_start3A_17, %dma_start3A_18] : memref<4x2x1x160xi32, #tpu.memory_space<vmem>> -> memref<1x2x1x160xi32, #tpu.memory_space<vmem>>
    %dma_start3A_20 = tpu.memref_squeeze %dma_start3A_19 : memref<1x2x1x160xi32, #tpu.memory_space<vmem>> -> memref<2x1x160xi32, #tpu.memory_space<vmem>>
    %dma_start3A_21 = arith.constant 0 : i32
    %dma_start3A_22 = arith.constant 0 : i32
    %dma_start3A_23 = arith.constant 0 : i32
    %dma_start3A_24 = tpu.memref_slice %arg3[%add3A, %dma_start3A, %dma_start3A_21, %dma_start3A_22, %dma_start3A_23] : memref<32x68x2x1x160xi32, #tpu.memory_space<hbm>> -> memref<1x1x2x1x160xi32, #tpu.memory_space<hbm>>
    %dma_start3A_25 = tpu.memref_squeeze %dma_start3A_24 : memref<1x1x2x1x160xi32, #tpu.memory_space<hbm>> -> memref<2x1x160xi32, #tpu.memory_space<hbm>>
    tpu.enqueue_dma source(%dma_start3A_25 : memref<2x1x160xi32, #tpu.memory_space<hbm>>) target(%dma_start3A_20 : memref<2x1x160xi32, #tpu.memory_space<vmem>>) target_semaphore(%arg8 : memref<!tpu.dma_semaphore, #tpu.memory_space<semaphore_mem>>)
    %dma_start3A_26 = arith.constant 1 : i32
    %dma_start3A_27 = arith.constant 1 : i32
    %dma_start3A_28 = arith.constant 0 : i32
    %dma_start3A_29 = arith.constant 0 : i32
    %dma_start3A_30 = arith.constant 0 : i32
    %dma_start3A_31 = tpu.memref_slice %arg5[%dma_start3A_27, %dma_start3A_28, %dma_start3A_29, %dma_start3A_30] : memref<4x2x1x160xi32, #tpu.memory_space<vmem>> -> memref<1x2x1x160xi32, #tpu.memory_space<vmem>>
    %dma_start3A_32 = tpu.memref_squeeze %dma_start3A_31 : memref<1x2x1x160xi32, #tpu.memory_space<vmem>> -> memref<2x1x160xi32, #tpu.memory_space<vmem>>
    %dma_start3A_33 = arith.constant 0 : i32
    %dma_start3A_34 = arith.constant 0 : i32
    %dma_start3A_35 = arith.constant 0 : i32
    %dma_start3A_36 = tpu.memref_slice %arg3[%add3A, %dma_start3A_26, %dma_start3A_33, %dma_start3A_34, %dma_start3A_35] : memref<32x68x2x1x160xi32, #tpu.memory_space<hbm>> -> memref<1x1x2x1x160xi32, #tpu.memory_space<hbm>>
    %dma_start3A_37 = tpu.memref_squeeze %dma_start3A_36 : memref<1x1x2x1x160xi32, #tpu.memory_space<hbm>> -> memref<2x1x160xi32, #tpu.memory_space<hbm>>
    %dma_start3A_38 = arith.constant 0 : i32
    %dma_start3A_39 = arith.constant 0 : i32
    %dma_start3A_40 = arith.constant 0 : i32
    %dma_start3A_41 = tpu.memref_slice %arg5[%dma_start3A_27, %dma_start3A_38, %dma_start3A_39, %dma_start3A_40] : memref<4x2x1x160xi32, #tpu.memory_space<vmem>> -> memref<1x2x1x160xi32, #tpu.memory_space<vmem>>
    %dma_start3A_42 = tpu.memref_squeeze %dma_start3A_41 : memref<1x2x1x160xi32, #tpu.memory_space<vmem>> -> memref<2x1x160xi32, #tpu.memory_space<vmem>>
    %dma_start3A_43 = arith.constant 0 : i32
    %dma_start3A_44 = arith.constant 0 : i32
    %dma_start3A_45 = arith.constant 0 : i32
    %dma_start3A_46 = tpu.memref_slice %arg3[%add3A, %dma_start3A_26, %dma_start3A_43, %dma_start3A_44, %dma_start3A_45] : memref<32x68x2x1x160xi32, #tpu.memory_space<hbm>> -> memref<1x1x2x1x160xi32, #tpu.memory_space<hbm>>
    %dma_start3A_47 = tpu.memref_squeeze %dma_start3A_46 : memref<1x1x2x1x160xi32, #tpu.memory_space<hbm>> -> memref<2x1x160xi32, #tpu.memory_space<hbm>>
    tpu.enqueue_dma source(%dma_start3A_47 : memref<2x1x160xi32, #tpu.memory_space<hbm>>) target(%dma_start3A_42 : memref<2x1x160xi32, #tpu.memory_space<vmem>>) target_semaphore(%arg9 : memref<!tpu.dma_semaphore, #tpu.memory_space<semaphore_mem>>)
    %dma_start3A_48 = arith.constant 2 : i32
    %dma_start3A_49 = arith.constant 2 : i32
    %dma_start3A_50 = arith.constant 0 : i32
    %dma_start3A_51 = arith.constant 0 : i32
    %dma_start3A_52 = arith.constant 0 : i32
    %dma_start3A_53 = tpu.memref_slice %arg5[%dma_start3A_49, %dma_start3A_50, %dma_start3A_51, %dma_start3A_52] : memref<4x2x1x160xi32, #tpu.memory_space<vmem>> -> memref<1x2x1x160xi32, #tpu.memory_space<vmem>>
    %dma_start3A_54 = tpu.memref_squeeze %dma_start3A_53 : memref<1x2x1x160xi32, #tpu.memory_space<vmem>> -> memref<2x1x160xi32, #tpu.memory_space<vmem>>
    %dma_start3A_55 = arith.constant 0 : i32
    %dma_start3A_56 = arith.constant 0 : i32
    %dma_start3A_57 = arith.constant 0 : i32
    %dma_start3A_58 = tpu.memref_slice %arg3[%add3A, %dma_start3A_48, %dma_start3A_55, %dma_start3A_56, %dma_start3A_57] : memref<32x68x2x1x160xi32, #tpu.memory_space<hbm>> -> memref<1x1x2x1x160xi32, #tpu.memory_space<hbm>>
    %dma_start3A_59 = tpu.memref_squeeze %dma_start3A_58 : memref<1x1x2x1x160xi32, #tpu.memory_space<hbm>> -> memref<2x1x160xi32, #tpu.memory_space<hbm>>
    %dma_start3A_60 = arith.constant 0 : i32
    %dma_start3A_61 = arith.constant 0 : i32
    %dma_start3A_62 = arith.constant 0 : i32
    %dma_start3A_63 = tpu.memref_slice %arg5[%dma_start3A_49, %dma_start3A_60, %dma_start3A_61, %dma_start3A_62] : memref<4x2x1x160xi32, #tpu.memory_space<vmem>> -> memref<1x2x1x160xi32, #tpu.memory_space<vmem>>
    %dma_start3A_64 = tpu.memref_squeeze %dma_start3A_63 : memref<1x2x1x160xi32, #tpu.memory_space<vmem>> -> memref<2x1x160xi32, #tpu.memory_space<vmem>>
    %dma_start3A_65 = arith.constant 0 : i32
    %dma_start3A_66 = arith.constant 0 : i32
    %dma_start3A_67 = arith.constant 0 : i32
    %dma_start3A_68 = tpu.memref_slice %arg3[%add3A, %dma_start3A_48, %dma_start3A_65, %dma_start3A_66, %dma_start3A_67] : memref<32x68x2x1x160xi32, #tpu.memory_space<hbm>> -> memref<1x1x2x1x160xi32, #tpu.memory_space<hbm>>
    %dma_start3A_69 = tpu.memref_squeeze %dma_start3A_68 : memref<1x1x2x1x160xi32, #tpu.memory_space<hbm>> -> memref<2x1x160xi32, #tpu.memory_space<hbm>>
    tpu.enqueue_dma source(%dma_start3A_69 : memref<2x1x160xi32, #tpu.memory_space<hbm>>) target(%dma_start3A_64 : memref<2x1x160xi32, #tpu.memory_space<vmem>>) target_semaphore(%arg10 : memref<!tpu.dma_semaphore, #tpu.memory_space<semaphore_mem>>)
    %dma_start3A_70 = arith.constant 3 : i32
    %dma_start3A_71 = arith.constant 3 : i32
    %dma_start3A_72 = arith.constant 0 : i32
    %dma_start3A_73 = arith.constant 0 : i32
    %dma_start3A_74 = arith.constant 0 : i32
    %dma_start3A_75 = tpu.memref_slice %arg5[%dma_start3A_71, %dma_start3A_72, %dma_start3A_73, %dma_start3A_74] : memref<4x2x1x160xi32, #tpu.memory_space<vmem>> -> memref<1x2x1x160xi32, #tpu.memory_space<vmem>>
    %dma_start3A_76 = tpu.memref_squeeze %dma_start3A_75 : memref<1x2x1x160xi32, #tpu.memory_space<vmem>> -> memref<2x1x160xi32, #tpu.memory_space<vmem>>
    %dma_start3A_77 = arith.constant 0 : i32
    %dma_start3A_78 = arith.constant 0 : i32
    %dma_start3A_79 = arith.constant 0 : i32
    %dma_start3A_80 = tpu.memref_slice %arg3[%add3A, %dma_start3A_70, %dma_start3A_77, %dma_start3A_78, %dma_start3A_79] : memref<32x68x2x1x160xi32, #tpu.memory_space<hbm>> -> memref<1x1x2x1x160xi32, #tpu.memory_space<hbm>>
    %dma_start3A_81 = tpu.memref_squeeze %dma_start3A_80 : memref<1x1x2x1x160xi32, #tpu.memory_space<hbm>> -> memref<2x1x160xi32, #tpu.memory_space<hbm>>
    %dma_start3A_82 = arith.constant 0 : i32
    %dma_start3A_83 = arith.constant 0 : i32
    %dma_start3A_84 = arith.constant 0 : i32
    %dma_start3A_85 = tpu.memref_slice %arg5[%dma_start3A_71, %dma_start3A_82, %dma_start3A_83, %dma_start3A_84] : memref<4x2x1x160xi32, #tpu.memory_space<vmem>> -> memref<1x2x1x160xi32, #tpu.memory_space<vmem>>
    %dma_start3A_86 = tpu.memref_squeeze %dma_start3A_85 : memref<1x2x1x160xi32, #tpu.memory_space<vmem>> -> memref<2x1x160xi32, #tpu.memory_space<vmem>>
    %dma_start3A_87 = arith.constant 0 : i32
    %dma_start3A_88 = arith.constant 0 : i32
    %dma_start3A_89 = arith.constant 0 : i32
    %dma_start3A_90 = tpu.memref_slice %arg3[%add3A, %dma_start3A_70, %dma_start3A_87, %dma_start3A_88, %dma_start3A_89] : memref<32x68x2x1x160xi32, #tpu.memory_space<hbm>> -> memref<1x1x2x1x160xi32, #tpu.memory_space<hbm>>
    %dma_start3A_91 = tpu.memref_squeeze %dma_start3A_90 : memref<1x1x2x1x160xi32, #tpu.memory_space<hbm>> -> memref<2x1x160xi32, #tpu.memory_space<hbm>>
    tpu.enqueue_dma source(%dma_start3A_91 : memref<2x1x160xi32, #tpu.memory_space<hbm>>) target(%dma_start3A_86 : memref<2x1x160xi32, #tpu.memory_space<vmem>>) target_semaphore(%arg11 : memref<!tpu.dma_semaphore, #tpu.memory_space<semaphore_mem>>)
    %dma_wait3A = arith.constant 0 : i32
    %dma_wait3A_92 = arith.constant 0 : i32
    %dma_wait3A_93 = arith.constant 0 : i32
    %dma_wait3A_94 = arith.constant 0 : i32
    %dma_wait3A_95 = arith.constant 0 : i32
    %dma_wait3A_96 = tpu.memref_slice %arg5[%dma_wait3A_92, %dma_wait3A_93, %dma_wait3A_94, %dma_wait3A_95] : memref<4x2x1x160xi32, #tpu.memory_space<vmem>> -> memref<1x2x1x160xi32, #tpu.memory_space<vmem>>
    %dma_wait3A_97 = tpu.memref_squeeze %dma_wait3A_96 : memref<1x2x1x160xi32, #tpu.memory_space<vmem>> -> memref<2x1x160xi32, #tpu.memory_space<vmem>>
    %dma_wait3A_98 = arith.constant 0 : i32
    %dma_wait3A_99 = arith.constant 0 : i32
    %dma_wait3A_100 = arith.constant 0 : i32
    %dma_wait3A_101 = tpu.memref_slice %arg3[%add3A, %dma_wait3A, %dma_wait3A_98, %dma_wait3A_99, %dma_wait3A_100] : memref<32x68x2x1x160xi32, #tpu.memory_space<hbm>> -> memref<1x1x2x1x160xi32, #tpu.memory_space<hbm>>
    %dma_wait3A_102 = tpu.memref_squeeze %dma_wait3A_101 : memref<1x1x2x1x160xi32, #tpu.memory_space<hbm>> -> memref<2x1x160xi32, #tpu.memory_space<hbm>>
    %dma_wait3A_103 = arith.constant 0 : i32
    %dma_wait3A_104 = arith.constant 0 : i32
    %dma_wait3A_105 = arith.constant 0 : i32
    %dma_wait3A_106 = tpu.memref_slice %arg5[%dma_wait3A_92, %dma_wait3A_103, %dma_wait3A_104, %dma_wait3A_105] : memref<4x2x1x160xi32, #tpu.memory_space<vmem>> -> memref<1x2x1x160xi32, #tpu.memory_space<vmem>>
    %dma_wait3A_107 = tpu.memref_squeeze %dma_wait3A_106 : memref<1x2x1x160xi32, #tpu.memory_space<vmem>> -> memref<2x1x160xi32, #tpu.memory_space<vmem>>
    %dma_wait3A_108 = arith.constant 0 : i32
    %dma_wait3A_109 = arith.constant 0 : i32
    %dma_wait3A_110 = arith.constant 0 : i32
    %dma_wait3A_111 = tpu.memref_slice %arg3[%add3A, %dma_wait3A, %dma_wait3A_108, %dma_wait3A_109, %dma_wait3A_110] : memref<32x68x2x1x160xi32, #tpu.memory_space<hbm>> -> memref<1x1x2x1x160xi32, #tpu.memory_space<hbm>>
    %dma_wait3A_112 = tpu.memref_squeeze %dma_wait3A_111 : memref<1x1x2x1x160xi32, #tpu.memory_space<hbm>> -> memref<2x1x160xi32, #tpu.memory_space<hbm>>
    tpu.wait_dma2 semaphore(%arg8 : memref<!tpu.dma_semaphore, #tpu.memory_space<semaphore_mem>>) src(%dma_wait3A_112 : memref<2x1x160xi32, #tpu.memory_space<hbm>>) dst(%dma_wait3A_107 : memref<2x1x160xi32, #tpu.memory_space<vmem>>)
    %dma_start3A_113 = arith.constant 0 : i32
    %dma_start3A_114 = arith.constant 0 : i32
    %dma_start3A_115 = arith.constant 0 : i32
    %dma_start3A_116 = arith.constant 0 : i32
    %dma_start3A_117 = arith.constant 0 : i32
    %dma_start3A_118 = arith.constant 0 : i32
    %dma_start3A_119 = tpu.memref_slice %arg6[%dma_start3A_116, %dma_start3A_117, %dma_start3A_118] : memref<2x160x128xf32, #tpu.memory_space<vmem>> -> memref<1x160x128xf32, #tpu.memory_space<vmem>>
    %dma_start3A_120 = tpu.memref_squeeze %dma_start3A_119 : memref<1x160x128xf32, #tpu.memory_space<vmem>> -> memref<160x128xf32, #tpu.memory_space<vmem>>
    %dma_start3A_121 = arith.constant 0 : i32
    %dma_start3A_122 = tpu.memref_slice %arg5[%dma_start3A_113, %dma_start3A_114, %dma_start3A_115, %dma_start3A_121] : memref<4x2x1x160xi32, #tpu.memory_space<vmem>> -> memref<1x1x1x160xi32, #tpu.memory_space<vmem>>
    %dma_start3A_123 = tpu.memref_squeeze %dma_start3A_122 : memref<1x1x1x160xi32, #tpu.memory_space<vmem>> -> memref<160xi32, #tpu.memory_space<vmem>>
    %dma_start3A_124 = arith.constant 0 : i32
    %dma_start3A_125 = arith.constant 0 : i32
    %dma_start3A_126 = tpu.memref_slice %arg2[%dma_start3A_124, %dma_start3A_125] : memref<10240x128xf32, #tpu.memory_space<hbm>> -> memref<10240x128xf32, #tpu.memory_space<hbm>>
    tpu.enqueue_indirect_dma source(%dma_start3A_126 : memref<10240x128xf32, #tpu.memory_space<hbm>>) target(%dma_start3A_120 : memref<160x128xf32, #tpu.memory_space<vmem>>) offsets(%dma_start3A_123 : memref<160xi32, #tpu.memory_space<vmem>>) semaphore(%arg12 : memref<!tpu.dma_semaphore, #tpu.memory_space<semaphore_mem>>)
    %dma_wait3A_127 = arith.constant 1 : i32
    %dma_wait3A_128 = arith.constant 1 : i32
    %dma_wait3A_129 = arith.constant 0 : i32
    %dma_wait3A_130 = arith.constant 0 : i32
    %dma_wait3A_131 = arith.constant 0 : i32
    %dma_wait3A_132 = tpu.memref_slice %arg5[%dma_wait3A_128, %dma_wait3A_129, %dma_wait3A_130, %dma_wait3A_131] : memref<4x2x1x160xi32, #tpu.memory_space<vmem>> -> memref<1x2x1x160xi32, #tpu.memory_space<vmem>>
    %dma_wait3A_133 = tpu.memref_squeeze %dma_wait3A_132 : memref<1x2x1x160xi32, #tpu.memory_space<vmem>> -> memref<2x1x160xi32, #tpu.memory_space<vmem>>
    %dma_wait3A_134 = arith.constant 0 : i32
    %dma_wait3A_135 = arith.constant 0 : i32
    %dma_wait3A_136 = arith.constant 0 : i32
    %dma_wait3A_137 = tpu.memref_slice %arg3[%add3A, %dma_wait3A_127, %dma_wait3A_134, %dma_wait3A_135, %dma_wait3A_136] : memref<32x68x2x1x160xi32, #tpu.memory_space<hbm>> -> memref<1x1x2x1x160xi32, #tpu.memory_space<hbm>>
    %dma_wait3A_138 = tpu.memref_squeeze %dma_wait3A_137 : memref<1x1x2x1x160xi32, #tpu.memory_space<hbm>> -> memref<2x1x160xi32, #tpu.memory_space<hbm>>
    %dma_wait3A_139 = arith.constant 0 : i32
    %dma_wait3A_140 = arith.constant 0 : i32
    %dma_wait3A_141 = arith.constant 0 : i32
    %dma_wait3A_142 = tpu.memref_slice %arg5[%dma_wait3A_128, %dma_wait3A_139, %dma_wait3A_140, %dma_wait3A_141] : memref<4x2x1x160xi32, #tpu.memory_space<vmem>> -> memref<1x2x1x160xi32, #tpu.memory_space<vmem>>
    %dma_wait3A_143 = tpu.memref_squeeze %dma_wait3A_142 : memref<1x2x1x160xi32, #tpu.memory_space<vmem>> -> memref<2x1x160xi32, #tpu.memory_space<vmem>>
    %dma_wait3A_144 = arith.constant 0 : i32
    %dma_wait3A_145 = arith.constant 0 : i32
    %dma_wait3A_146 = arith.constant 0 : i32
    %dma_wait3A_147 = tpu.memref_slice %arg3[%add3A, %dma_wait3A_127, %dma_wait3A_144, %dma_wait3A_145, %dma_wait3A_146] : memref<32x68x2x1x160xi32, #tpu.memory_space<hbm>> -> memref<1x1x2x1x160xi32, #tpu.memory_space<hbm>>
    %dma_wait3A_148 = tpu.memref_squeeze %dma_wait3A_147 : memref<1x1x2x1x160xi32, #tpu.memory_space<hbm>> -> memref<2x1x160xi32, #tpu.memory_space<hbm>>
    tpu.wait_dma2 semaphore(%arg9 : memref<!tpu.dma_semaphore, #tpu.memory_space<semaphore_mem>>) src(%dma_wait3A_148 : memref<2x1x160xi32, #tpu.memory_space<hbm>>) dst(%dma_wait3A_143 : memref<2x1x160xi32, #tpu.memory_space<vmem>>)
    %dma_start3A_149 = arith.constant 1 : i32
    %dma_start3A_150 = arith.constant 0 : i32
    %dma_start3A_151 = arith.constant 0 : i32
    %dma_start3A_152 = arith.constant 1 : i32
    %dma_start3A_153 = arith.constant 0 : i32
    %dma_start3A_154 = arith.constant 0 : i32
    %dma_start3A_155 = tpu.memref_slice %arg6[%dma_start3A_152, %dma_start3A_153, %dma_start3A_154] : memref<2x160x128xf32, #tpu.memory_space<vmem>> -> memref<1x160x128xf32, #tpu.memory_space<vmem>>
    %dma_start3A_156 = tpu.memref_squeeze %dma_start3A_155 : memref<1x160x128xf32, #tpu.memory_space<vmem>> -> memref<160x128xf32, #tpu.memory_space<vmem>>
    %dma_start3A_157 = arith.constant 0 : i32
    %dma_start3A_158 = tpu.memref_slice %arg5[%dma_start3A_149, %dma_start3A_150, %dma_start3A_151, %dma_start3A_157] : memref<4x2x1x160xi32, #tpu.memory_space<vmem>> -> memref<1x1x1x160xi32, #tpu.memory_space<vmem>>
    %dma_start3A_159 = tpu.memref_squeeze %dma_start3A_158 : memref<1x1x1x160xi32, #tpu.memory_space<vmem>> -> memref<160xi32, #tpu.memory_space<vmem>>
    %dma_start3A_160 = arith.constant 0 : i32
    %dma_start3A_161 = arith.constant 0 : i32
    %dma_start3A_162 = tpu.memref_slice %arg2[%dma_start3A_160, %dma_start3A_161] : memref<10240x128xf32, #tpu.memory_space<hbm>> -> memref<10240x128xf32, #tpu.memory_space<hbm>>
    tpu.enqueue_indirect_dma source(%dma_start3A_162 : memref<10240x128xf32, #tpu.memory_space<hbm>>) target(%dma_start3A_156 : memref<160x128xf32, #tpu.memory_space<vmem>>) offsets(%dma_start3A_159 : memref<160xi32, #tpu.memory_space<vmem>>) semaphore(%arg13 : memref<!tpu.dma_semaphore, #tpu.memory_space<semaphore_mem>>)
    %scan3A = arith.constant 0 : i32
    %scan3A_163 = arith.constant 0 : i32
    %scan3A_164 = arith.constant 16 : i32
    %scan3A_165 = arith.addi %scan3A_163, %scan3A_164 : i32
    %scan3A_166 = arith.constant 1 : i32
    scf.for %scan3A_245 = %scan3A_163 to %scan3A_165 step %scan3A_166  : i32 {
      %mul3A_246 = arith.constant 4 : i32
      %mul3A_247 = arith.muli %mul3A_246, %scan3A_245 : i32
      %add3A_248 = arith.constant 0 : i32
      %add3A_249 = arith.addi %mul3A_247, %add3A_248 : i32
      %dma_wait3A_250 = arith.constant 0 : i32
      %dma_wait3A_251 = arith.constant 0 : i32
      %dma_wait3A_252 = arith.constant 0 : i32
      %dma_wait3A_253 = arith.constant 0 : i32
      %dma_wait3A_254 = arith.constant 0 : i32
      %dma_wait3A_255 = arith.constant 0 : i32
      %dma_wait3A_256 = tpu.memref_slice %arg6[%dma_wait3A_253, %dma_wait3A_254, %dma_wait3A_255] : memref<2x160x128xf32, #tpu.memory_space<vmem>> -> memref<1x160x128xf32, #tpu.memory_space<vmem>>
      %dma_wait3A_257 = tpu.memref_squeeze %dma_wait3A_256 : memref<1x160x128xf32, #tpu.memory_space<vmem>> -> memref<160x128xf32, #tpu.memory_space<vmem>>
      %dma_wait3A_258 = arith.constant 0 : i32
      %dma_wait3A_259 = tpu.memref_slice %arg5[%dma_wait3A_250, %dma_wait3A_251, %dma_wait3A_252, %dma_wait3A_258] : memref<4x2x1x160xi32, #tpu.memory_space<vmem>> -> memref<1x1x1x160xi32, #tpu.memory_space<vmem>>
      %dma_wait3A_260 = tpu.memref_squeeze %dma_wait3A_259 : memref<1x1x1x160xi32, #tpu.memory_space<vmem>> -> memref<160xi32, #tpu.memory_space<vmem>>
      %dma_wait3A_261 = arith.constant 0 : i32
      %dma_wait3A_262 = arith.constant 0 : i32
      %dma_wait3A_263 = tpu.memref_slice %arg2[%dma_wait3A_261, %dma_wait3A_262] : memref<10240x128xf32, #tpu.memory_space<hbm>> -> memref<10240x128xf32, #tpu.memory_space<hbm>>
      tpu.wait_indirect_dma semaphore(%arg12 : memref<!tpu.dma_semaphore, #tpu.memory_space<semaphore_mem>>) src(%dma_wait3A_263 : memref<10240x128xf32, #tpu.memory_space<hbm>>) dst(%dma_wait3A_257 : memref<160x128xf32, #tpu.memory_space<vmem>>)
      %run_scoped3A = arith.constant 0 : i32
      %run_scoped3A_264 = arith.constant 0 : i32
      %run_scoped3A_265 = arith.constant 1 : i32
      %run_scoped3A_266 = arith.constant 0 : i32
      "tpu.region"() ({
        %run_scoped3A_573 = tpu.sem_alloc : memref<!tpu.dma_semaphore, #tpu.memory_space<semaphore_mem>>
        %dma_start3A_574 = arith.constant 0 : i32
        %dma_start3A_575 = arith.constant 0 : i32
        %dma_start3A_576 = tpu.memref_slice %arg6[%run_scoped3A, %dma_start3A_574, %dma_start3A_575] : memref<2x160x128xf32, #tpu.memory_space<vmem>> -> memref<1x160x128xf32, #tpu.memory_space<vmem>>
        %dma_start3A_577 = tpu.memref_squeeze %dma_start3A_576 : memref<1x160x128xf32, #tpu.memory_space<vmem>> -> memref<160x128xf32, #tpu.memory_space<vmem>>
        %dma_start3A_578 = arith.constant 0 : i32
        %dma_start3A_579 = tpu.memref_slice %arg5[%run_scoped3A_264, %run_scoped3A_265, %run_scoped3A_266, %dma_start3A_578] : memref<4x2x1x160xi32, #tpu.memory_space<vmem>> -> memref<1x1x1x160xi32, #tpu.memory_space<vmem>>
        %dma_start3A_580 = tpu.memref_squeeze %dma_start3A_579 : memref<1x1x1x160xi32, #tpu.memory_space<vmem>> -> memref<160xi32, #tpu.memory_space<vmem>>
        %dma_start3A_581 = arith.constant 0 : i32
        %dma_start3A_582 = arith.constant 0 : i32
        %dma_start3A_583 = tpu.memref_slice %arg7[%dma_start3A_581, %dma_start3A_582] : memref<10240x128xf32, #tpu.memory_space<vmem_shared>> -> memref<10240x128xf32, #tpu.memory_space<vmem_shared>>
        tpu.enqueue_indirect_dma source(%dma_start3A_577 : memref<160x128xf32, #tpu.memory_space<vmem>>) target(%dma_start3A_583 : memref<10240x128xf32, #tpu.memory_space<vmem_shared>>) offsets(%dma_start3A_580 : memref<160xi32, #tpu.memory_space<vmem>>) semaphore(%run_scoped3A_573 : memref<!tpu.dma_semaphore, #tpu.memory_space<semaphore_mem>>) {add = true}
        %dma_wait3A_584 = arith.constant 0 : i32
        %dma_wait3A_585 = arith.constant 0 : i32
        %dma_wait3A_586 = tpu.memref_slice %arg6[%run_scoped3A, %dma_wait3A_584, %dma_wait3A_585] : memref<2x160x128xf32, #tpu.memory_space<vmem>> -> memref<1x160x128xf32, #tpu.memory_space<vmem>>
        %dma_wait3A_587 = tpu.memref_squeeze %dma_wait3A_586 : memref<1x160x128xf32, #tpu.memory_space<vmem>> -> memref<160x128xf32, #tpu.memory_space<vmem>>
        %dma_wait3A_588 = arith.constant 0 : i32
        %dma_wait3A_589 = tpu.memref_slice %arg5[%run_scoped3A_264, %run_scoped3A_265, %run_scoped3A_266, %dma_wait3A_588] : memref<4x2x1x160xi32, #tpu.memory_space<vmem>> -> memref<1x1x1x160xi32, #tpu.memory_space<vmem>>
        %dma_wait3A_590 = tpu.memref_squeeze %dma_wait3A_589 : memref<1x1x1x160xi32, #tpu.memory_space<vmem>> -> memref<160xi32, #tpu.memory_space<vmem>>
        %dma_wait3A_591 = arith.constant 0 : i32
        %dma_wait3A_592 = arith.constant 0 : i32
        %dma_wait3A_593 = tpu.memref_slice %arg7[%dma_wait3A_591, %dma_wait3A_592] : memref<10240x128xf32, #tpu.memory_space<vmem_shared>> -> memref<10240x128xf32, #tpu.memory_space<vmem_shared>>
        tpu.wait_indirect_dma semaphore(%run_scoped3A_573 : memref<!tpu.dma_semaphore, #tpu.memory_space<semaphore_mem>>) src(%dma_wait3A_587 : memref<160x128xf32, #tpu.memory_space<vmem>>) dst(%dma_wait3A_593 : memref<10240x128xf32, #tpu.memory_space<vmem_shared>>)
        tpu.yield
      }) : () -> ()
      %add3A_267 = arith.constant 4 : i32
      %add3A_268 = arith.addi %add3A_249, %add3A_267 : i32
      %dma_start3A_269 = arith.constant 0 : i32
      %dma_start3A_270 = arith.constant 0 : i32
      %dma_start3A_271 = arith.constant 0 : i32
      %dma_start3A_272 = arith.constant 0 : i32
      %dma_start3A_273 = tpu.memref_slice %arg5[%dma_start3A_269, %dma_start3A_270, %dma_start3A_271, %dma_start3A_272] : memref<4x2x1x160xi32, #tpu.memory_space<vmem>> -> memref<1x2x1x160xi32, #tpu.memory_space<vmem>>
      %dma_start3A_274 = tpu.memref_squeeze %dma_start3A_273 : memref<1x2x1x160xi32, #tpu.memory_space<vmem>> -> memref<2x1x160xi32, #tpu.memory_space<vmem>>
      %dma_start3A_275 = arith.constant 0 : i32
      %dma_start3A_276 = arith.constant 0 : i32
      %dma_start3A_277 = arith.constant 0 : i32
      %dma_start3A_278 = tpu.memref_slice %arg3[%add3A, %add3A_268, %dma_start3A_275, %dma_start3A_276, %dma_start3A_277] : memref<32x68x2x1x160xi32, #tpu.memory_space<hbm>> -> memref<1x1x2x1x160xi32, #tpu.memory_space<hbm>>
      %dma_start3A_279 = tpu.memref_squeeze %dma_start3A_278 : memref<1x1x2x1x160xi32, #tpu.memory_space<hbm>> -> memref<2x1x160xi32, #tpu.memory_space<hbm>>
      %dma_start3A_280 = arith.constant 0 : i32
      %dma_start3A_281 = arith.constant 0 : i32
      %dma_start3A_282 = arith.constant 0 : i32
      %dma_start3A_283 = tpu.memref_slice %arg5[%dma_start3A_269, %dma_start3A_280, %dma_start3A_281, %dma_start3A_282] : memref<4x2x1x160xi32, #tpu.memory_space<vmem>> -> memref<1x2x1x160xi32, #tpu.memory_space<vmem>>
      %dma_start3A_284 = tpu.memref_squeeze %dma_start3A_283 : memref<1x2x1x160xi32, #tpu.memory_space<vmem>> -> memref<2x1x160xi32, #tpu.memory_space<vmem>>
      %dma_start3A_285 = arith.constant 0 : i32
      %dma_start3A_286 = arith.constant 0 : i32
      %dma_start3A_287 = arith.constant 0 : i32
      %dma_start3A_288 = tpu.memref_slice %arg3[%add3A, %add3A_268, %dma_start3A_285, %dma_start3A_286, %dma_start3A_287] : memref<32x68x2x1x160xi32, #tpu.memory_space<hbm>> -> memref<1x1x2x1x160xi32, #tpu.memory_space<hbm>>
      %dma_start3A_289 = tpu.memref_squeeze %dma_start3A_288 : memref<1x1x2x1x160xi32, #tpu.memory_space<hbm>> -> memref<2x1x160xi32, #tpu.memory_space<hbm>>
      tpu.enqueue_dma source(%dma_start3A_289 : memref<2x1x160xi32, #tpu.memory_space<hbm>>) target(%dma_start3A_284 : memref<2x1x160xi32, #tpu.memory_space<vmem>>) target_semaphore(%arg8 : memref<!tpu.dma_semaphore, #tpu.memory_space<semaphore_mem>>)
      %add3A_290 = arith.constant 2 : i32
      %add3A_291 = arith.addi %add3A_249, %add3A_290 : i32
      %dma_wait3A_292 = arith.constant 2 : i32
      %dma_wait3A_293 = arith.constant 0 : i32
      %dma_wait3A_294 = arith.constant 0 : i32
      %dma_wait3A_295 = arith.constant 0 : i32
      %dma_wait3A_296 = tpu.memref_slice %arg5[%dma_wait3A_292, %dma_wait3A_293, %dma_wait3A_294, %dma_wait3A_295] : memref<4x2x1x160xi32, #tpu.memory_space<vmem>> -> memref<1x2x1x160xi32, #tpu.memory_space<vmem>>
      %dma_wait3A_297 = tpu.memref_squeeze %dma_wait3A_296 : memref<1x2x1x160xi32, #tpu.memory_space<vmem>> -> memref<2x1x160xi32, #tpu.memory_space<vmem>>
      %dma_wait3A_298 = arith.constant 0 : i32
      %dma_wait3A_299 = arith.constant 0 : i32
      %dma_wait3A_300 = arith.constant 0 : i32
      %dma_wait3A_301 = tpu.memref_slice %arg3[%add3A, %add3A_291, %dma_wait3A_298, %dma_wait3A_299, %dma_wait3A_300] : memref<32x68x2x1x160xi32, #tpu.memory_space<hbm>> -> memref<1x1x2x1x160xi32, #tpu.memory_space<hbm>>
      %dma_wait3A_302 = tpu.memref_squeeze %dma_wait3A_301 : memref<1x1x2x1x160xi32, #tpu.memory_space<hbm>> -> memref<2x1x160xi32, #tpu.memory_space<hbm>>
      %dma_wait3A_303 = arith.constant 0 : i32
      %dma_wait3A_304 = arith.constant 0 : i32
      %dma_wait3A_305 = arith.constant 0 : i32
      %dma_wait3A_306 = tpu.memref_slice %arg5[%dma_wait3A_292, %dma_wait3A_303, %dma_wait3A_304, %dma_wait3A_305] : memref<4x2x1x160xi32, #tpu.memory_space<vmem>> -> memref<1x2x1x160xi32, #tpu.memory_space<vmem>>
      %dma_wait3A_307 = tpu.memref_squeeze %dma_wait3A_306 : memref<1x2x1x160xi32, #tpu.memory_space<vmem>> -> memref<2x1x160xi32, #tpu.memory_space<vmem>>
      %dma_wait3A_308 = arith.constant 0 : i32
      %dma_wait3A_309 = arith.constant 0 : i32
      %dma_wait3A_310 = arith.constant 0 : i32
      %dma_wait3A_311 = tpu.memref_slice %arg3[%add3A, %add3A_291, %dma_wait3A_308, %dma_wait3A_309, %dma_wait3A_310] : memref<32x68x2x1x160xi32, #tpu.memory_space<hbm>> -> memref<1x1x2x1x160xi32, #tpu.memory_space<hbm>>
      %dma_wait3A_312 = tpu.memref_squeeze %dma_wait3A_311 : memref<1x1x2x1x160xi32, #tpu.memory_space<hbm>> -> memref<2x1x160xi32, #tpu.memory_space<hbm>>
      tpu.wait_dma2 semaphore(%arg10 : memref<!tpu.dma_semaphore, #tpu.memory_space<semaphore_mem>>) src(%dma_wait3A_312 : memref<2x1x160xi32, #tpu.memory_space<hbm>>) dst(%dma_wait3A_307 : memref<2x1x160xi32, #tpu.memory_space<vmem>>)
      %dma_start3A_313 = arith.constant 2 : i32
      %dma_start3A_314 = arith.constant 0 : i32
      %dma_start3A_315 = arith.constant 0 : i32
      %dma_start3A_316 = arith.constant 0 : i32
      %dma_start3A_317 = arith.constant 0 : i32
      %dma_start3A_318 = arith.constant 0 : i32
      %dma_start3A_319 = tpu.memref_slice %arg6[%dma_start3A_316, %dma_start3A_317, %dma_start3A_318] : memref<2x160x128xf32, #tpu.memory_space<vmem>> -> memref<1x160x128xf32, #tpu.memory_space<vmem>>
      %dma_start3A_320 = tpu.memref_squeeze %dma_start3A_319 : memref<1x160x128xf32, #tpu.memory_space<vmem>> -> memref<160x128xf32, #tpu.memory_space<vmem>>
      %dma_start3A_321 = arith.constant 0 : i32
      %dma_start3A_322 = tpu.memref_slice %arg5[%dma_start3A_313, %dma_start3A_314, %dma_start3A_315, %dma_start3A_321] : memref<4x2x1x160xi32, #tpu.memory_space<vmem>> -> memref<1x1x1x160xi32, #tpu.memory_space<vmem>>
      %dma_start3A_323 = tpu.memref_squeeze %dma_start3A_322 : memref<1x1x1x160xi32, #tpu.memory_space<vmem>> -> memref<160xi32, #tpu.memory_space<vmem>>
      %dma_start3A_324 = arith.constant 0 : i32
      %dma_start3A_325 = arith.constant 0 : i32
      %dma_start3A_326 = tpu.memref_slice %arg2[%dma_start3A_324, %dma_start3A_325] : memref<10240x128xf32, #tpu.memory_space<hbm>> -> memref<10240x128xf32, #tpu.memory_space<hbm>>
      tpu.enqueue_indirect_dma source(%dma_start3A_326 : memref<10240x128xf32, #tpu.memory_space<hbm>>) target(%dma_start3A_320 : memref<160x128xf32, #tpu.memory_space<vmem>>) offsets(%dma_start3A_323 : memref<160xi32, #tpu.memory_space<vmem>>) semaphore(%arg12 : memref<!tpu.dma_semaphore, #tpu.memory_space<semaphore_mem>>)
      %mul3A_327 = arith.constant 4 : i32
      %mul3A_328 = arith.muli %mul3A_327, %scan3A_245 : i32
      %add3A_329 = arith.constant 1 : i32
      %add3A_330 = arith.addi %mul3A_328, %add3A_329 : i32
      %dma_wait3A_331 = arith.constant 1 : i32
      %dma_wait3A_332 = arith.constant 0 : i32
      %dma_wait3A_333 = arith.constant 0 : i32
      %dma_wait3A_334 = arith.constant 1 : i32
      %dma_wait3A_335 = arith.constant 0 : i32
      %dma_wait3A_336 = arith.constant 0 : i32
      %dma_wait3A_337 = tpu.memref_slice %arg6[%dma_wait3A_334, %dma_wait3A_335, %dma_wait3A_336] : memref<2x160x128xf32, #tpu.memory_space<vmem>> -> memref<1x160x128xf32, #tpu.memory_space<vmem>>
      %dma_wait3A_338 = tpu.memref_squeeze %dma_wait3A_337 : memref<1x160x128xf32, #tpu.memory_space<vmem>> -> memref<160x128xf32, #tpu.memory_space<vmem>>
      %dma_wait3A_339 = arith.constant 0 : i32
      %dma_wait3A_340 = tpu.memref_slice %arg5[%dma_wait3A_331, %dma_wait3A_332, %dma_wait3A_333, %dma_wait3A_339] : memref<4x2x1x160xi32, #tpu.memory_space<vmem>> -> memref<1x1x1x160xi32, #tpu.memory_space<vmem>>
      %dma_wait3A_341 = tpu.memref_squeeze %dma_wait3A_340 : memref<1x1x1x160xi32, #tpu.memory_space<vmem>> -> memref<160xi32, #tpu.memory_space<vmem>>
      %dma_wait3A_342 = arith.constant 0 : i32
      %dma_wait3A_343 = arith.constant 0 : i32
      %dma_wait3A_344 = tpu.memref_slice %arg2[%dma_wait3A_342, %dma_wait3A_343] : memref<10240x128xf32, #tpu.memory_space<hbm>> -> memref<10240x128xf32, #tpu.memory_space<hbm>>
      tpu.wait_indirect_dma semaphore(%arg13 : memref<!tpu.dma_semaphore, #tpu.memory_space<semaphore_mem>>) src(%dma_wait3A_344 : memref<10240x128xf32, #tpu.memory_space<hbm>>) dst(%dma_wait3A_338 : memref<160x128xf32, #tpu.memory_space<vmem>>)
      %run_scoped3A_345 = arith.constant 1 : i32
      %run_scoped3A_346 = arith.constant 1 : i32
      %run_scoped3A_347 = arith.constant 1 : i32
      %run_scoped3A_348 = arith.constant 0 : i32
      "tpu.region"() ({
        %run_scoped3A_573 = tpu.sem_alloc : memref<!tpu.dma_semaphore, #tpu.memory_space<semaphore_mem>>
        %dma_start3A_574 = arith.constant 0 : i32
        %dma_start3A_575 = arith.constant 0 : i32
        %dma_start3A_576 = tpu.memref_slice %arg6[%run_scoped3A_345, %dma_start3A_574, %dma_start3A_575] : memref<2x160x128xf32, #tpu.memory_space<vmem>> -> memref<1x160x128xf32, #tpu.memory_space<vmem>>
        %dma_start3A_577 = tpu.memref_squeeze %dma_start3A_576 : memref<1x160x128xf32, #tpu.memory_space<vmem>> -> memref<160x128xf32, #tpu.memory_space<vmem>>
        %dma_start3A_578 = arith.constant 0 : i32
        %dma_start3A_579 = tpu.memref_slice %arg5[%run_scoped3A_346, %run_scoped3A_347, %run_scoped3A_348, %dma_start3A_578] : memref<4x2x1x160xi32, #tpu.memory_space<vmem>> -> memref<1x1x1x160xi32, #tpu.memory_space<vmem>>
        %dma_start3A_580 = tpu.memref_squeeze %dma_start3A_579 : memref<1x1x1x160xi32, #tpu.memory_space<vmem>> -> memref<160xi32, #tpu.memory_space<vmem>>
        %dma_start3A_581 = arith.constant 0 : i32
        %dma_start3A_582 = arith.constant 0 : i32
        %dma_start3A_583 = tpu.memref_slice %arg7[%dma_start3A_581, %dma_start3A_582] : memref<10240x128xf32, #tpu.memory_space<vmem_shared>> -> memref<10240x128xf32, #tpu.memory_space<vmem_shared>>
        tpu.enqueue_indirect_dma source(%dma_start3A_577 : memref<160x128xf32, #tpu.memory_space<vmem>>) target(%dma_start3A_583 : memref<10240x128xf32, #tpu.memory_space<vmem_shared>>) offsets(%dma_start3A_580 : memref<160xi32, #tpu.memory_space<vmem>>) semaphore(%run_scoped3A_573 : memref<!tpu.dma_semaphore, #tpu.memory_space<semaphore_mem>>) {add = true}
        %dma_wait3A_584 = arith.constant 0 : i32
        %dma_wait3A_585 = arith.constant 0 : i32
        %dma_wait3A_586 = tpu.memref_slice %arg6[%run_scoped3A_345, %dma_wait3A_584, %dma_wait3A_585] : memref<2x160x128xf32, #tpu.memory_space<vmem>> -> memref<1x160x128xf32, #tpu.memory_space<vmem>>
        %dma_wait3A_587 = tpu.memref_squeeze %dma_wait3A_586 : memref<1x160x128xf32, #tpu.memory_space<vmem>> -> memref<160x128xf32, #tpu.memory_space<vmem>>
        %dma_wait3A_588 = arith.constant 0 : i32
        %dma_wait3A_589 = tpu.memref_slice %arg5[%run_scoped3A_346, %run_scoped3A_347, %run_scoped3A_348, %dma_wait3A_588] : memref<4x2x1x160xi32, #tpu.memory_space<vmem>> -> memref<1x1x1x160xi32, #tpu.memory_space<vmem>>
        %dma_wait3A_590 = tpu.memref_squeeze %dma_wait3A_589 : memref<1x1x1x160xi32, #tpu.memory_space<vmem>> -> memref<160xi32, #tpu.memory_space<vmem>>
        %dma_wait3A_591 = arith.constant 0 : i32
        %dma_wait3A_592 = arith.constant 0 : i32
        %dma_wait3A_593 = tpu.memref_slice %arg7[%dma_wait3A_591, %dma_wait3A_592] : memref<10240x128xf32, #tpu.memory_space<vmem_shared>> -> memref<10240x128xf32, #tpu.memory_space<vmem_shared>>
        tpu.wait_indirect_dma semaphore(%run_scoped3A_573 : memref<!tpu.dma_semaphore, #tpu.memory_space<semaphore_mem>>) src(%dma_wait3A_587 : memref<160x128xf32, #tpu.memory_space<vmem>>) dst(%dma_wait3A_593 : memref<10240x128xf32, #tpu.memory_space<vmem_shared>>)
        tpu.yield
      }) : () -> ()
      %add3A_349 = arith.constant 4 : i32
      %add3A_350 = arith.addi %add3A_330, %add3A_349 : i32
      %dma_start3A_351 = arith.constant 1 : i32
      %dma_start3A_352 = arith.constant 0 : i32
      %dma_start3A_353 = arith.constant 0 : i32
      %dma_start3A_354 = arith.constant 0 : i32
      %dma_start3A_355 = tpu.memref_slice %arg5[%dma_start3A_351, %dma_start3A_352, %dma_start3A_353, %dma_start3A_354] : memref<4x2x1x160xi32, #tpu.memory_space<vmem>> -> memref<1x2x1x160xi32, #tpu.memory_space<vmem>>
      %dma_start3A_356 = tpu.memref_squeeze %dma_start3A_355 : memref<1x2x1x160xi32, #tpu.memory_space<vmem>> -> memref<2x1x160xi32, #tpu.memory_space<vmem>>
      %dma_start3A_357 = arith.constant 0 : i32
      %dma_start3A_358 = arith.constant 0 : i32
      %dma_start3A_359 = arith.constant 0 : i32
      %dma_start3A_360 = tpu.memref_slice %arg3[%add3A, %add3A_350, %dma_start3A_357, %dma_start3A_358, %dma_start3A_359] : memref<32x68x2x1x160xi32, #tpu.memory_space<hbm>> -> memref<1x1x2x1x160xi32, #tpu.memory_space<hbm>>
      %dma_start3A_361 = tpu.memref_squeeze %dma_start3A_360 : memref<1x1x2x1x160xi32, #tpu.memory_space<hbm>> -> memref<2x1x160xi32, #tpu.memory_space<hbm>>
      %dma_start3A_362 = arith.constant 0 : i32
      %dma_start3A_363 = arith.constant 0 : i32
      %dma_start3A_364 = arith.constant 0 : i32
      %dma_start3A_365 = tpu.memref_slice %arg5[%dma_start3A_351, %dma_start3A_362, %dma_start3A_363, %dma_start3A_364] : memref<4x2x1x160xi32, #tpu.memory_space<vmem>> -> memref<1x2x1x160xi32, #tpu.memory_space<vmem>>
      %dma_start3A_366 = tpu.memref_squeeze %dma_start3A_365 : memref<1x2x1x160xi32, #tpu.memory_space<vmem>> -> memref<2x1x160xi32, #tpu.memory_space<vmem>>
      %dma_start3A_367 = arith.constant 0 : i32
      %dma_start3A_368 = arith.constant 0 : i32
      %dma_start3A_369 = arith.constant 0 : i32
      %dma_start3A_370 = tpu.memref_slice %arg3[%add3A, %add3A_350, %dma_start3A_367, %dma_start3A_368, %dma_start3A_369] : memref<32x68x2x1x160xi32, #tpu.memory_space<hbm>> -> memref<1x1x2x1x160xi32, #tpu.memory_space<hbm>>
      %dma_start3A_371 = tpu.memref_squeeze %dma_start3A_370 : memref<1x1x2x1x160xi32, #tpu.memory_space<hbm>> -> memref<2x1x160xi32, #tpu.memory_space<hbm>>
      tpu.enqueue_dma source(%dma_start3A_371 : memref<2x1x160xi32, #tpu.memory_space<hbm>>) target(%dma_start3A_366 : memref<2x1x160xi32, #tpu.memory_space<vmem>>) target_semaphore(%arg9 : memref<!tpu.dma_semaphore, #tpu.memory_space<semaphore_mem>>)
      %add3A_372 = arith.constant 2 : i32
      %add3A_373 = arith.addi %add3A_330, %add3A_372 : i32
      %dma_wait3A_374 = arith.constant 3 : i32
      %dma_wait3A_375 = arith.constant 0 : i32
      %dma_wait3A_376 = arith.constant 0 : i32
      %dma_wait3A_377 = arith.constant 0 : i32
      %dma_wait3A_378 = tpu.memref_slice %arg5[%dma_wait3A_374, %dma_wait3A_375, %dma_wait3A_376, %dma_wait3A_377] : memref<4x2x1x160xi32, #tpu.memory_space<vmem>> -> memref<1x2x1x160xi32, #tpu.memory_space<vmem>>
      %dma_wait3A_379 = tpu.memref_squeeze %dma_wait3A_378 : memref<1x2x1x160xi32, #tpu.memory_space<vmem>> -> memref<2x1x160xi32, #tpu.memory_space<vmem>>
      %dma_wait3A_380 = arith.constant 0 : i32
      %dma_wait3A_381 = arith.constant 0 : i32
      %dma_wait3A_382 = arith.constant 0 : i32
      %dma_wait3A_383 = tpu.memref_slice %arg3[%add3A, %add3A_373, %dma_wait3A_380, %dma_wait3A_381, %dma_wait3A_382] : memref<32x68x2x1x160xi32, #tpu.memory_space<hbm>> -> memref<1x1x2x1x160xi32, #tpu.memory_space<hbm>>
      %dma_wait3A_384 = tpu.memref_squeeze %dma_wait3A_383 : memref<1x1x2x1x160xi32, #tpu.memory_space<hbm>> -> memref<2x1x160xi32, #tpu.memory_space<hbm>>
      %dma_wait3A_385 = arith.constant 0 : i32
      %dma_wait3A_386 = arith.constant 0 : i32
      %dma_wait3A_387 = arith.constant 0 : i32
      %dma_wait3A_388 = tpu.memref_slice %arg5[%dma_wait3A_374, %dma_wait3A_385, %dma_wait3A_386, %dma_wait3A_387] : memref<4x2x1x160xi32, #tpu.memory_space<vmem>> -> memref<1x2x1x160xi32, #tpu.memory_space<vmem>>
      %dma_wait3A_389 = tpu.memref_squeeze %dma_wait3A_388 : memref<1x2x1x160xi32, #tpu.memory_space<vmem>> -> memref<2x1x160xi32, #tpu.memory_space<vmem>>
      %dma_wait3A_390 = arith.constant 0 : i32
      %dma_wait3A_391 = arith.constant 0 : i32
      %dma_wait3A_392 = arith.constant 0 : i32
      %dma_wait3A_393 = tpu.memref_slice %arg3[%add3A, %add3A_373, %dma_wait3A_390, %dma_wait3A_391, %dma_wait3A_392] : memref<32x68x2x1x160xi32, #tpu.memory_space<hbm>> -> memref<1x1x2x1x160xi32, #tpu.memory_space<hbm>>
      %dma_wait3A_394 = tpu.memref_squeeze %dma_wait3A_393 : memref<1x1x2x1x160xi32, #tpu.memory_space<hbm>> -> memref<2x1x160xi32, #tpu.memory_space<hbm>>
      tpu.wait_dma2 semaphore(%arg11 : memref<!tpu.dma_semaphore, #tpu.memory_space<semaphore_mem>>) src(%dma_wait3A_394 : memref<2x1x160xi32, #tpu.memory_space<hbm>>) dst(%dma_wait3A_389 : memref<2x1x160xi32, #tpu.memory_space<vmem>>)
      %dma_start3A_395 = arith.constant 3 : i32
      %dma_start3A_396 = arith.constant 0 : i32
      %dma_start3A_397 = arith.constant 0 : i32
      %dma_start3A_398 = arith.constant 1 : i32
      %dma_start3A_399 = arith.constant 0 : i32
      %dma_start3A_400 = arith.constant 0 : i32
      %dma_start3A_401 = tpu.memref_slice %arg6[%dma_start3A_398, %dma_start3A_399, %dma_start3A_400] : memref<2x160x128xf32, #tpu.memory_space<vmem>> -> memref<1x160x128xf32, #tpu.memory_space<vmem>>
      %dma_start3A_402 = tpu.memref_squeeze %dma_start3A_401 : memref<1x160x128xf32, #tpu.memory_space<vmem>> -> memref<160x128xf32, #tpu.memory_space<vmem>>
      %dma_start3A_403 = arith.constant 0 : i32
      %dma_start3A_404 = tpu.memref_slice %arg5[%dma_start3A_395, %dma_start3A_396, %dma_start3A_397, %dma_start3A_403] : memref<4x2x1x160xi32, #tpu.memory_space<vmem>> -> memref<1x1x1x160xi32, #tpu.memory_space<vmem>>
      %dma_start3A_405 = tpu.memref_squeeze %dma_start3A_404 : memref<1x1x1x160xi32, #tpu.memory_space<vmem>> -> memref<160xi32, #tpu.memory_space<vmem>>
      %dma_start3A_406 = arith.constant 0 : i32
      %dma_start3A_407 = arith.constant 0 : i32
      %dma_start3A_408 = tpu.memref_slice %arg2[%dma_start3A_406, %dma_start3A_407] : memref<10240x128xf32, #tpu.memory_space<hbm>> -> memref<10240x128xf32, #tpu.memory_space<hbm>>
      tpu.enqueue_indirect_dma source(%dma_start3A_408 : memref<10240x128xf32, #tpu.memory_space<hbm>>) target(%dma_start3A_402 : memref<160x128xf32, #tpu.memory_space<vmem>>) offsets(%dma_start3A_405 : memref<160xi32, #tpu.memory_space<vmem>>) semaphore(%arg13 : memref<!tpu.dma_semaphore, #tpu.memory_space<semaphore_mem>>)
      %mul3A_409 = arith.constant 4 : i32
      %mul3A_410 = arith.muli %mul3A_409, %scan3A_245 : i32
      %add3A_411 = arith.constant 2 : i32
      %add3A_412 = arith.addi %mul3A_410, %add3A_411 : i32
      %dma_wait3A_413 = arith.constant 2 : i32
      %dma_wait3A_414 = arith.constant 0 : i32
      %dma_wait3A_415 = arith.constant 0 : i32
      %dma_wait3A_416 = arith.constant 0 : i32
      %dma_wait3A_417 = arith.constant 0 : i32
      %dma_wait3A_418 = arith.constant 0 : i32
      %dma_wait3A_419 = tpu.memref_slice %arg6[%dma_wait3A_416, %dma_wait3A_417, %dma_wait3A_418] : memref<2x160x128xf32, #tpu.memory_space<vmem>> -> memref<1x160x128xf32, #tpu.memory_space<vmem>>
      %dma_wait3A_420 = tpu.memref_squeeze %dma_wait3A_419 : memref<1x160x128xf32, #tpu.memory_space<vmem>> -> memref<160x128xf32, #tpu.memory_space<vmem>>
      %dma_wait3A_421 = arith.constant 0 : i32
      %dma_wait3A_422 = tpu.memref_slice %arg5[%dma_wait3A_413, %dma_wait3A_414, %dma_wait3A_415, %dma_wait3A_421] : memref<4x2x1x160xi32, #tpu.memory_space<vmem>> -> memref<1x1x1x160xi32, #tpu.memory_space<vmem>>
      %dma_wait3A_423 = tpu.memref_squeeze %dma_wait3A_422 : memref<1x1x1x160xi32, #tpu.memory_space<vmem>> -> memref<160xi32, #tpu.memory_space<vmem>>
      %dma_wait3A_424 = arith.constant 0 : i32
      %dma_wait3A_425 = arith.constant 0 : i32
      %dma_wait3A_426 = tpu.memref_slice %arg2[%dma_wait3A_424, %dma_wait3A_425] : memref<10240x128xf32, #tpu.memory_space<hbm>> -> memref<10240x128xf32, #tpu.memory_space<hbm>>
      tpu.wait_indirect_dma semaphore(%arg12 : memref<!tpu.dma_semaphore, #tpu.memory_space<semaphore_mem>>) src(%dma_wait3A_426 : memref<10240x128xf32, #tpu.memory_space<hbm>>) dst(%dma_wait3A_420 : memref<160x128xf32, #tpu.memory_space<vmem>>)
      %run_scoped3A_427 = arith.constant 0 : i32
      %run_scoped3A_428 = arith.constant 2 : i32
      %run_scoped3A_429 = arith.constant 1 : i32
      %run_scoped3A_430 = arith.constant 0 : i32
      "tpu.region"() ({
        %run_scoped3A_573 = tpu.sem_alloc : memref<!tpu.dma_semaphore, #tpu.memory_space<semaphore_mem>>
        %dma_start3A_574 = arith.constant 0 : i32
        %dma_start3A_575 = arith.constant 0 : i32
        %dma_start3A_576 = tpu.memref_slice %arg6[%run_scoped3A_427, %dma_start3A_574, %dma_start3A_575] : memref<2x160x128xf32, #tpu.memory_space<vmem>> -> memref<1x160x128xf32, #tpu.memory_space<vmem>>
        %dma_start3A_577 = tpu.memref_squeeze %dma_start3A_576 : memref<1x160x128xf32, #tpu.memory_space<vmem>> -> memref<160x128xf32, #tpu.memory_space<vmem>>
        %dma_start3A_578 = arith.constant 0 : i32
        %dma_start3A_579 = tpu.memref_slice %arg5[%run_scoped3A_428, %run_scoped3A_429, %run_scoped3A_430, %dma_start3A_578] : memref<4x2x1x160xi32, #tpu.memory_space<vmem>> -> memref<1x1x1x160xi32, #tpu.memory_space<vmem>>
        %dma_start3A_580 = tpu.memref_squeeze %dma_start3A_579 : memref<1x1x1x160xi32, #tpu.memory_space<vmem>> -> memref<160xi32, #tpu.memory_space<vmem>>
        %dma_start3A_581 = arith.constant 0 : i32
        %dma_start3A_582 = arith.constant 0 : i32
        %dma_start3A_583 = tpu.memref_slice %arg7[%dma_start3A_581, %dma_start3A_582] : memref<10240x128xf32, #tpu.memory_space<vmem_shared>> -> memref<10240x128xf32, #tpu.memory_space<vmem_shared>>
        tpu.enqueue_indirect_dma source(%dma_start3A_577 : memref<160x128xf32, #tpu.memory_space<vmem>>) target(%dma_start3A_583 : memref<10240x128xf32, #tpu.memory_space<vmem_shared>>) offsets(%dma_start3A_580 : memref<160xi32, #tpu.memory_space<vmem>>) semaphore(%run_scoped3A_573 : memref<!tpu.dma_semaphore, #tpu.memory_space<semaphore_mem>>) {add = true}
        %dma_wait3A_584 = arith.constant 0 : i32
        %dma_wait3A_585 = arith.constant 0 : i32
        %dma_wait3A_586 = tpu.memref_slice %arg6[%run_scoped3A_427, %dma_wait3A_584, %dma_wait3A_585] : memref<2x160x128xf32, #tpu.memory_space<vmem>> -> memref<1x160x128xf32, #tpu.memory_space<vmem>>
        %dma_wait3A_587 = tpu.memref_squeeze %dma_wait3A_586 : memref<1x160x128xf32, #tpu.memory_space<vmem>> -> memref<160x128xf32, #tpu.memory_space<vmem>>
        %dma_wait3A_588 = arith.constant 0 : i32
        %dma_wait3A_589 = tpu.memref_slice %arg5[%run_scoped3A_428, %run_scoped3A_429, %run_scoped3A_430, %dma_wait3A_588] : memref<4x2x1x160xi32, #tpu.memory_space<vmem>> -> memref<1x1x1x160xi32, #tpu.memory_space<vmem>>
        %dma_wait3A_590 = tpu.memref_squeeze %dma_wait3A_589 : memref<1x1x1x160xi32, #tpu.memory_space<vmem>> -> memref<160xi32, #tpu.memory_space<vmem>>
        %dma_wait3A_591 = arith.constant 0 : i32
        %dma_wait3A_592 = arith.constant 0 : i32
        %dma_wait3A_593 = tpu.memref_slice %arg7[%dma_wait3A_591, %dma_wait3A_592] : memref<10240x128xf32, #tpu.memory_space<vmem_shared>> -> memref<10240x128xf32, #tpu.memory_space<vmem_shared>>
        tpu.wait_indirect_dma semaphore(%run_scoped3A_573 : memref<!tpu.dma_semaphore, #tpu.memory_space<semaphore_mem>>) src(%dma_wait3A_587 : memref<160x128xf32, #tpu.memory_space<vmem>>) dst(%dma_wait3A_593 : memref<10240x128xf32, #tpu.memory_space<vmem_shared>>)
        tpu.yield
      }) : () -> ()
      %add3A_431 = arith.constant 4 : i32
      %add3A_432 = arith.addi %add3A_412, %add3A_431 : i32
      %dma_start3A_433 = arith.constant 2 : i32
      %dma_start3A_434 = arith.constant 0 : i32
      %dma_start3A_435 = arith.constant 0 : i32
      %dma_start3A_436 = arith.constant 0 : i32
      %dma_start3A_437 = tpu.memref_slice %arg5[%dma_start3A_433, %dma_start3A_434, %dma_start3A_435, %dma_start3A_436] : memref<4x2x1x160xi32, #tpu.memory_space<vmem>> -> memref<1x2x1x160xi32, #tpu.memory_space<vmem>>
      %dma_start3A_438 = tpu.memref_squeeze %dma_start3A_437 : memref<1x2x1x160xi32, #tpu.memory_space<vmem>> -> memref<2x1x160xi32, #tpu.memory_space<vmem>>
      %dma_start3A_439 = arith.constant 0 : i32
      %dma_start3A_440 = arith.constant 0 : i32
      %dma_start3A_441 = arith.constant 0 : i32
      %dma_start3A_442 = tpu.memref_slice %arg3[%add3A, %add3A_432, %dma_start3A_439, %dma_start3A_440, %dma_start3A_441] : memref<32x68x2x1x160xi32, #tpu.memory_space<hbm>> -> memref<1x1x2x1x160xi32, #tpu.memory_space<hbm>>
      %dma_start3A_443 = tpu.memref_squeeze %dma_start3A_442 : memref<1x1x2x1x160xi32, #tpu.memory_space<hbm>> -> memref<2x1x160xi32, #tpu.memory_space<hbm>>
      %dma_start3A_444 = arith.constant 0 : i32
      %dma_start3A_445 = arith.constant 0 : i32
      %dma_start3A_446 = arith.constant 0 : i32
      %dma_start3A_447 = tpu.memref_slice %arg5[%dma_start3A_433, %dma_start3A_444, %dma_start3A_445, %dma_start3A_446] : memref<4x2x1x160xi32, #tpu.memory_space<vmem>> -> memref<1x2x1x160xi32, #tpu.memory_space<vmem>>
      %dma_start3A_448 = tpu.memref_squeeze %dma_start3A_447 : memref<1x2x1x160xi32, #tpu.memory_space<vmem>> -> memref<2x1x160xi32, #tpu.memory_space<vmem>>
      %dma_start3A_449 = arith.constant 0 : i32
      %dma_start3A_450 = arith.constant 0 : i32
      %dma_start3A_451 = arith.constant 0 : i32
      %dma_start3A_452 = tpu.memref_slice %arg3[%add3A, %add3A_432, %dma_start3A_449, %dma_start3A_450, %dma_start3A_451] : memref<32x68x2x1x160xi32, #tpu.memory_space<hbm>> -> memref<1x1x2x1x160xi32, #tpu.memory_space<hbm>>
      %dma_start3A_453 = tpu.memref_squeeze %dma_start3A_452 : memref<1x1x2x1x160xi32, #tpu.memory_space<hbm>> -> memref<2x1x160xi32, #tpu.memory_space<hbm>>
      tpu.enqueue_dma source(%dma_start3A_453 : memref<2x1x160xi32, #tpu.memory_space<hbm>>) target(%dma_start3A_448 : memref<2x1x160xi32, #tpu.memory_space<vmem>>) target_semaphore(%arg10 : memref<!tpu.dma_semaphore, #tpu.memory_space<semaphore_mem>>)
      %add3A_454 = arith.constant 2 : i32
      %add3A_455 = arith.addi %add3A_412, %add3A_454 : i32
      %dma_wait3A_456 = arith.constant 0 : i32
      %dma_wait3A_457 = arith.constant 0 : i32
      %dma_wait3A_458 = arith.constant 0 : i32
      %dma_wait3A_459 = arith.constant 0 : i32
      %dma_wait3A_460 = tpu.memref_slice %arg5[%dma_wait3A_456, %dma_wait3A_457, %dma_wait3A_458, %dma_wait3A_459] : memref<4x2x1x160xi32, #tpu.memory_space<vmem>> -> memref<1x2x1x160xi32, #tpu.memory_space<vmem>>
      %dma_wait3A_461 = tpu.memref_squeeze %dma_wait3A_460 : memref<1x2x1x160xi32, #tpu.memory_space<vmem>> -> memref<2x1x160xi32, #tpu.memory_space<vmem>>
      %dma_wait3A_462 = arith.constant 0 : i32
      %dma_wait3A_463 = arith.constant 0 : i32
      %dma_wait3A_464 = arith.constant 0 : i32
      %dma_wait3A_465 = tpu.memref_slice %arg3[%add3A, %add3A_455, %dma_wait3A_462, %dma_wait3A_463, %dma_wait3A_464] : memref<32x68x2x1x160xi32, #tpu.memory_space<hbm>> -> memref<1x1x2x1x160xi32, #tpu.memory_space<hbm>>
      %dma_wait3A_466 = tpu.memref_squeeze %dma_wait3A_465 : memref<1x1x2x1x160xi32, #tpu.memory_space<hbm>> -> memref<2x1x160xi32, #tpu.memory_space<hbm>>
      %dma_wait3A_467 = arith.constant 0 : i32
      %dma_wait3A_468 = arith.constant 0 : i32
      %dma_wait3A_469 = arith.constant 0 : i32
      %dma_wait3A_470 = tpu.memref_slice %arg5[%dma_wait3A_456, %dma_wait3A_467, %dma_wait3A_468, %dma_wait3A_469] : memref<4x2x1x160xi32, #tpu.memory_space<vmem>> -> memref<1x2x1x160xi32, #tpu.memory_space<vmem>>
      %dma_wait3A_471 = tpu.memref_squeeze %dma_wait3A_470 : memref<1x2x1x160xi32, #tpu.memory_space<vmem>> -> memref<2x1x160xi32, #tpu.memory_space<vmem>>
      %dma_wait3A_472 = arith.constant 0 : i32
      %dma_wait3A_473 = arith.constant 0 : i32
      %dma_wait3A_474 = arith.constant 0 : i32
      %dma_wait3A_475 = tpu.memref_slice %arg3[%add3A, %add3A_455, %dma_wait3A_472, %dma_wait3A_473, %dma_wait3A_474] : memref<32x68x2x1x160xi32, #tpu.memory_space<hbm>> -> memref<1x1x2x1x160xi32, #tpu.memory_space<hbm>>
      %dma_wait3A_476 = tpu.memref_squeeze %dma_wait3A_475 : memref<1x1x2x1x160xi32, #tpu.memory_space<hbm>> -> memref<2x1x160xi32, #tpu.memory_space<hbm>>
      tpu.wait_dma2 semaphore(%arg8 : memref<!tpu.dma_semaphore, #tpu.memory_space<semaphore_mem>>) src(%dma_wait3A_476 : memref<2x1x160xi32, #tpu.memory_space<hbm>>) dst(%dma_wait3A_471 : memref<2x1x160xi32, #tpu.memory_space<vmem>>)
      %dma_start3A_477 = arith.constant 0 : i32
      %dma_start3A_478 = arith.constant 0 : i32
      %dma_start3A_479 = arith.constant 0 : i32
      %dma_start3A_480 = arith.constant 0 : i32
      %dma_start3A_481 = arith.constant 0 : i32
      %dma_start3A_482 = arith.constant 0 : i32
      %dma_start3A_483 = tpu.memref_slice %arg6[%dma_start3A_480, %dma_start3A_481, %dma_start3A_482] : memref<2x160x128xf32, #tpu.memory_space<vmem>> -> memref<1x160x128xf32, #tpu.memory_space<vmem>>
      %dma_start3A_484 = tpu.memref_squeeze %dma_start3A_483 : memref<1x160x128xf32, #tpu.memory_space<vmem>> -> memref<160x128xf32, #tpu.memory_space<vmem>>
      %dma_start3A_485 = arith.constant 0 : i32
      %dma_start3A_486 = tpu.memref_slice %arg5[%dma_start3A_477, %dma_start3A_478, %dma_start3A_479, %dma_start3A_485] : memref<4x2x1x160xi32, #tpu.memory_space<vmem>> -> memref<1x1x1x160xi32, #tpu.memory_space<vmem>>
      %dma_start3A_487 = tpu.memref_squeeze %dma_start3A_486 : memref<1x1x1x160xi32, #tpu.memory_space<vmem>> -> memref<160xi32, #tpu.memory_space<vmem>>
      %dma_start3A_488 = arith.constant 0 : i32
      %dma_start3A_489 = arith.constant 0 : i32
      %dma_start3A_490 = tpu.memref_slice %arg2[%dma_start3A_488, %dma_start3A_489] : memref<10240x128xf32, #tpu.memory_space<hbm>> -> memref<10240x128xf32, #tpu.memory_space<hbm>>
      tpu.enqueue_indirect_dma source(%dma_start3A_490 : memref<10240x128xf32, #tpu.memory_space<hbm>>) target(%dma_start3A_484 : memref<160x128xf32, #tpu.memory_space<vmem>>) offsets(%dma_start3A_487 : memref<160xi32, #tpu.memory_space<vmem>>) semaphore(%arg12 : memref<!tpu.dma_semaphore, #tpu.memory_space<semaphore_mem>>)
      %mul3A_491 = arith.constant 4 : i32
      %mul3A_492 = arith.muli %mul3A_491, %scan3A_245 : i32
      %add3A_493 = arith.constant 3 : i32
      %add3A_494 = arith.addi %mul3A_492, %add3A_493 : i32
      %dma_wait3A_495 = arith.constant 3 : i32
      %dma_wait3A_496 = arith.constant 0 : i32
      %dma_wait3A_497 = arith.constant 0 : i32
      %dma_wait3A_498 = arith.constant 1 : i32
      %dma_wait3A_499 = arith.constant 0 : i32
      %dma_wait3A_500 = arith.constant 0 : i32
      %dma_wait3A_501 = tpu.memref_slice %arg6[%dma_wait3A_498, %dma_wait3A_499, %dma_wait3A_500] : memref<2x160x128xf32, #tpu.memory_space<vmem>> -> memref<1x160x128xf32, #tpu.memory_space<vmem>>
      %dma_wait3A_502 = tpu.memref_squeeze %dma_wait3A_501 : memref<1x160x128xf32, #tpu.memory_space<vmem>> -> memref<160x128xf32, #tpu.memory_space<vmem>>
      %dma_wait3A_503 = arith.constant 0 : i32
      %dma_wait3A_504 = tpu.memref_slice %arg5[%dma_wait3A_495, %dma_wait3A_496, %dma_wait3A_497, %dma_wait3A_503] : memref<4x2x1x160xi32, #tpu.memory_space<vmem>> -> memref<1x1x1x160xi32, #tpu.memory_space<vmem>>
      %dma_wait3A_505 = tpu.memref_squeeze %dma_wait3A_504 : memref<1x1x1x160xi32, #tpu.memory_space<vmem>> -> memref<160xi32, #tpu.memory_space<vmem>>
      %dma_wait3A_506 = arith.constant 0 : i32
      %dma_wait3A_507 = arith.constant 0 : i32
      %dma_wait3A_508 = tpu.memref_slice %arg2[%dma_wait3A_506, %dma_wait3A_507] : memref<10240x128xf32, #tpu.memory_space<hbm>> -> memref<10240x128xf32, #tpu.memory_space<hbm>>
      tpu.wait_indirect_dma semaphore(%arg13 : memref<!tpu.dma_semaphore, #tpu.memory_space<semaphore_mem>>) src(%dma_wait3A_508 : memref<10240x128xf32, #tpu.memory_space<hbm>>) dst(%dma_wait3A_502 : memref<160x128xf32, #tpu.memory_space<vmem>>)
      %run_scoped3A_509 = arith.constant 1 : i32
      %run_scoped3A_510 = arith.constant 3 : i32
      %run_scoped3A_511 = arith.constant 1 : i32
      %run_scoped3A_512 = arith.constant 0 : i32
      "tpu.region"() ({
        %run_scoped3A_573 = tpu.sem_alloc : memref<!tpu.dma_semaphore, #tpu.memory_space<semaphore_mem>>
        %dma_start3A_574 = arith.constant 0 : i32
        %dma_start3A_575 = arith.constant 0 : i32
        %dma_start3A_576 = tpu.memref_slice %arg6[%run_scoped3A_509, %dma_start3A_574, %dma_start3A_575] : memref<2x160x128xf32, #tpu.memory_space<vmem>> -> memref<1x160x128xf32, #tpu.memory_space<vmem>>
        %dma_start3A_577 = tpu.memref_squeeze %dma_start3A_576 : memref<1x160x128xf32, #tpu.memory_space<vmem>> -> memref<160x128xf32, #tpu.memory_space<vmem>>
        %dma_start3A_578 = arith.constant 0 : i32
        %dma_start3A_579 = tpu.memref_slice %arg5[%run_scoped3A_510, %run_scoped3A_511, %run_scoped3A_512, %dma_start3A_578] : memref<4x2x1x160xi32, #tpu.memory_space<vmem>> -> memref<1x1x1x160xi32, #tpu.memory_space<vmem>>
        %dma_start3A_580 = tpu.memref_squeeze %dma_start3A_579 : memref<1x1x1x160xi32, #tpu.memory_space<vmem>> -> memref<160xi32, #tpu.memory_space<vmem>>
        %dma_start3A_581 = arith.constant 0 : i32
        %dma_start3A_582 = arith.constant 0 : i32
        %dma_start3A_583 = tpu.memref_slice %arg7[%dma_start3A_581, %dma_start3A_582] : memref<10240x128xf32, #tpu.memory_space<vmem_shared>> -> memref<10240x128xf32, #tpu.memory_space<vmem_shared>>
        tpu.enqueue_indirect_dma source(%dma_start3A_577 : memref<160x128xf32, #tpu.memory_space<vmem>>) target(%dma_start3A_583 : memref<10240x128xf32, #tpu.memory_space<vmem_shared>>) offsets(%dma_start3A_580 : memref<160xi32, #tpu.memory_space<vmem>>) semaphore(%run_scoped3A_573 : memref<!tpu.dma_semaphore, #tpu.memory_space<semaphore_mem>>) {add = true}
        %dma_wait3A_584 = arith.constant 0 : i32
        %dma_wait3A_585 = arith.constant 0 : i32
        %dma_wait3A_586 = tpu.memref_slice %arg6[%run_scoped3A_509, %dma_wait3A_584, %dma_wait3A_585] : memref<2x160x128xf32, #tpu.memory_space<vmem>> -> memref<1x160x128xf32, #tpu.memory_space<vmem>>
        %dma_wait3A_587 = tpu.memref_squeeze %dma_wait3A_586 : memref<1x160x128xf32, #tpu.memory_space<vmem>> -> memref<160x128xf32, #tpu.memory_space<vmem>>
        %dma_wait3A_588 = arith.constant 0 : i32
        %dma_wait3A_589 = tpu.memref_slice %arg5[%run_scoped3A_510, %run_scoped3A_511, %run_scoped3A_512, %dma_wait3A_588] : memref<4x2x1x160xi32, #tpu.memory_space<vmem>> -> memref<1x1x1x160xi32, #tpu.memory_space<vmem>>
        %dma_wait3A_590 = tpu.memref_squeeze %dma_wait3A_589 : memref<1x1x1x160xi32, #tpu.memory_space<vmem>> -> memref<160xi32, #tpu.memory_space<vmem>>
        %dma_wait3A_591 = arith.constant 0 : i32
        %dma_wait3A_592 = arith.constant 0 : i32
        %dma_wait3A_593 = tpu.memref_slice %arg7[%dma_wait3A_591, %dma_wait3A_592] : memref<10240x128xf32, #tpu.memory_space<vmem_shared>> -> memref<10240x128xf32, #tpu.memory_space<vmem_shared>>
        tpu.wait_indirect_dma semaphore(%run_scoped3A_573 : memref<!tpu.dma_semaphore, #tpu.memory_space<semaphore_mem>>) src(%dma_wait3A_587 : memref<160x128xf32, #tpu.memory_space<vmem>>) dst(%dma_wait3A_593 : memref<10240x128xf32, #tpu.memory_space<vmem_shared>>)
        tpu.yield
      }) : () -> ()
      %add3A_513 = arith.constant 4 : i32
      %add3A_514 = arith.addi %add3A_494, %add3A_513 : i32
      %dma_start3A_515 = arith.constant 3 : i32
      %dma_start3A_516 = arith.constant 0 : i32
      %dma_start3A_517 = arith.constant 0 : i32
      %dma_start3A_518 = arith.constant 0 : i32
      %dma_start3A_519 = tpu.memref_slice %arg5[%dma_start3A_515, %dma_start3A_516, %dma_start3A_517, %dma_start3A_518] : memref<4x2x1x160xi32, #tpu.memory_space<vmem>> -> memref<1x2x1x160xi32, #tpu.memory_space<vmem>>
      %dma_start3A_520 = tpu.memref_squeeze %dma_start3A_519 : memref<1x2x1x160xi32, #tpu.memory_space<vmem>> -> memref<2x1x160xi32, #tpu.memory_space<vmem>>
      %dma_start3A_521 = arith.constant 0 : i32
      %dma_start3A_522 = arith.constant 0 : i32
      %dma_start3A_523 = arith.constant 0 : i32
      %dma_start3A_524 = tpu.memref_slice %arg3[%add3A, %add3A_514, %dma_start3A_521, %dma_start3A_522, %dma_start3A_523] : memref<32x68x2x1x160xi32, #tpu.memory_space<hbm>> -> memref<1x1x2x1x160xi32, #tpu.memory_space<hbm>>
      %dma_start3A_525 = tpu.memref_squeeze %dma_start3A_524 : memref<1x1x2x1x160xi32, #tpu.memory_space<hbm>> -> memref<2x1x160xi32, #tpu.memory_space<hbm>>
      %dma_start3A_526 = arith.constant 0 : i32
      %dma_start3A_527 = arith.constant 0 : i32
      %dma_start3A_528 = arith.constant 0 : i32
      %dma_start3A_529 = tpu.memref_slice %arg5[%dma_start3A_515, %dma_start3A_526, %dma_start3A_527, %dma_start3A_528] : memref<4x2x1x160xi32, #tpu.memory_space<vmem>> -> memref<1x2x1x160xi32, #tpu.memory_space<vmem>>
      %dma_start3A_530 = tpu.memref_squeeze %dma_start3A_529 : memref<1x2x1x160xi32, #tpu.memory_space<vmem>> -> memref<2x1x160xi32, #tpu.memory_space<vmem>>
      %dma_start3A_531 = arith.constant 0 : i32
      %dma_start3A_532 = arith.constant 0 : i32
      %dma_start3A_533 = arith.constant 0 : i32
      %dma_start3A_534 = tpu.memref_slice %arg3[%add3A, %add3A_514, %dma_start3A_531, %dma_start3A_532, %dma_start3A_533] : memref<32x68x2x1x160xi32, #tpu.memory_space<hbm>> -> memref<1x1x2x1x160xi32, #tpu.memory_space<hbm>>
      %dma_start3A_535 = tpu.memref_squeeze %dma_start3A_534 : memref<1x1x2x1x160xi32, #tpu.memory_space<hbm>> -> memref<2x1x160xi32, #tpu.memory_space<hbm>>
      tpu.enqueue_dma source(%dma_start3A_535 : memref<2x1x160xi32, #tpu.memory_space<hbm>>) target(%dma_start3A_530 : memref<2x1x160xi32, #tpu.memory_space<vmem>>) target_semaphore(%arg11 : memref<!tpu.dma_semaphore, #tpu.memory_space<semaphore_mem>>)
      %add3A_536 = arith.constant 2 : i32
      %add3A_537 = arith.addi %add3A_494, %add3A_536 : i32
      %dma_wait3A_538 = arith.constant 1 : i32
      %dma_wait3A_539 = arith.constant 0 : i32
      %dma_wait3A_540 = arith.constant 0 : i32
      %dma_wait3A_541 = arith.constant 0 : i32
      %dma_wait3A_542 = tpu.memref_slice %arg5[%dma_wait3A_538, %dma_wait3A_539, %dma_wait3A_540, %dma_wait3A_541] : memref<4x2x1x160xi32, #tpu.memory_space<vmem>> -> memref<1x2x1x160xi32, #tpu.memory_space<vmem>>
      %dma_wait3A_543 = tpu.memref_squeeze %dma_wait3A_542 : memref<1x2x1x160xi32, #tpu.memory_space<vmem>> -> memref<2x1x160xi32, #tpu.memory_space<vmem>>
      %dma_wait3A_544 = arith.constant 0 : i32
      %dma_wait3A_545 = arith.constant 0 : i32
      %dma_wait3A_546 = arith.constant 0 : i32
      %dma_wait3A_547 = tpu.memref_slice %arg3[%add3A, %add3A_537, %dma_wait3A_544, %dma_wait3A_545, %dma_wait3A_546] : memref<32x68x2x1x160xi32, #tpu.memory_space<hbm>> -> memref<1x1x2x1x160xi32, #tpu.memory_space<hbm>>
      %dma_wait3A_548 = tpu.memref_squeeze %dma_wait3A_547 : memref<1x1x2x1x160xi32, #tpu.memory_space<hbm>> -> memref<2x1x160xi32, #tpu.memory_space<hbm>>
      %dma_wait3A_549 = arith.constant 0 : i32
      %dma_wait3A_550 = arith.constant 0 : i32
      %dma_wait3A_551 = arith.constant 0 : i32
      %dma_wait3A_552 = tpu.memref_slice %arg5[%dma_wait3A_538, %dma_wait3A_549, %dma_wait3A_550, %dma_wait3A_551] : memref<4x2x1x160xi32, #tpu.memory_space<vmem>> -> memref<1x2x1x160xi32, #tpu.memory_space<vmem>>
      %dma_wait3A_553 = tpu.memref_squeeze %dma_wait3A_552 : memref<1x2x1x160xi32, #tpu.memory_space<vmem>> -> memref<2x1x160xi32, #tpu.memory_space<vmem>>
      %dma_wait3A_554 = arith.constant 0 : i32
      %dma_wait3A_555 = arith.constant 0 : i32
      %dma_wait3A_556 = arith.constant 0 : i32
      %dma_wait3A_557 = tpu.memref_slice %arg3[%add3A, %add3A_537, %dma_wait3A_554, %dma_wait3A_555, %dma_wait3A_556] : memref<32x68x2x1x160xi32, #tpu.memory_space<hbm>> -> memref<1x1x2x1x160xi32, #tpu.memory_space<hbm>>
      %dma_wait3A_558 = tpu.memref_squeeze %dma_wait3A_557 : memref<1x1x2x1x160xi32, #tpu.memory_space<hbm>> -> memref<2x1x160xi32, #tpu.memory_space<hbm>>
      tpu.wait_dma2 semaphore(%arg9 : memref<!tpu.dma_semaphore, #tpu.memory_space<semaphore_mem>>) src(%dma_wait3A_558 : memref<2x1x160xi32, #tpu.memory_space<hbm>>) dst(%dma_wait3A_553 : memref<2x1x160xi32, #tpu.memory_space<vmem>>)
      %dma_start3A_559 = arith.constant 1 : i32
      %dma_start3A_560 = arith.constant 0 : i32
      %dma_start3A_561 = arith.constant 0 : i32
      %dma_start3A_562 = arith.constant 1 : i32
      %dma_start3A_563 = arith.constant 0 : i32
      %dma_start3A_564 = arith.constant 0 : i32
      %dma_start3A_565 = tpu.memref_slice %arg6[%dma_start3A_562, %dma_start3A_563, %dma_start3A_564] : memref<2x160x128xf32, #tpu.memory_space<vmem>> -> memref<1x160x128xf32, #tpu.memory_space<vmem>>
      %dma_start3A_566 = tpu.memref_squeeze %dma_start3A_565 : memref<1x160x128xf32, #tpu.memory_space<vmem>> -> memref<160x128xf32, #tpu.memory_space<vmem>>
      %dma_start3A_567 = arith.constant 0 : i32
      %dma_start3A_568 = tpu.memref_slice %arg5[%dma_start3A_559, %dma_start3A_560, %dma_start3A_561, %dma_start3A_567] : memref<4x2x1x160xi32, #tpu.memory_space<vmem>> -> memref<1x1x1x160xi32, #tpu.memory_space<vmem>>
      %dma_start3A_569 = tpu.memref_squeeze %dma_start3A_568 : memref<1x1x1x160xi32, #tpu.memory_space<vmem>> -> memref<160xi32, #tpu.memory_space<vmem>>
      %dma_start3A_570 = arith.constant 0 : i32
      %dma_start3A_571 = arith.constant 0 : i32
      %dma_start3A_572 = tpu.memref_slice %arg2[%dma_start3A_570, %dma_start3A_571] : memref<10240x128xf32, #tpu.memory_space<hbm>> -> memref<10240x128xf32, #tpu.memory_space<hbm>>
      tpu.enqueue_indirect_dma source(%dma_start3A_572 : memref<10240x128xf32, #tpu.memory_space<hbm>>) target(%dma_start3A_566 : memref<160x128xf32, #tpu.memory_space<vmem>>) offsets(%dma_start3A_569 : memref<160xi32, #tpu.memory_space<vmem>>) semaphore(%arg13 : memref<!tpu.dma_semaphore, #tpu.memory_space<semaphore_mem>>)
    }
    %scan3A_167 = arith.constant 16 : i32
    %dma_wait3A_168 = arith.constant 0 : i32
    %dma_wait3A_169 = arith.constant 0 : i32
    %dma_wait3A_170 = arith.constant 0 : i32
    %dma_wait3A_171 = arith.constant 0 : i32
    %dma_wait3A_172 = arith.constant 0 : i32
    %dma_wait3A_173 = arith.constant 0 : i32
    %dma_wait3A_174 = tpu.memref_slice %arg6[%dma_wait3A_171, %dma_wait3A_172, %dma_wait3A_173] : memref<2x160x128xf32, #tpu.memory_space<vmem>> -> memref<1x160x128xf32, #tpu.memory_space<vmem>>
    %dma_wait3A_175 = tpu.memref_squeeze %dma_wait3A_174 : memref<1x160x128xf32, #tpu.memory_space<vmem>> -> memref<160x128xf32, #tpu.memory_space<vmem>>
    %dma_wait3A_176 = arith.constant 0 : i32
    %dma_wait3A_177 = tpu.memref_slice %arg5[%dma_wait3A_168, %dma_wait3A_169, %dma_wait3A_170, %dma_wait3A_176] : memref<4x2x1x160xi32, #tpu.memory_space<vmem>> -> memref<1x1x1x160xi32, #tpu.memory_space<vmem>>
    %dma_wait3A_178 = tpu.memref_squeeze %dma_wait3A_177 : memref<1x1x1x160xi32, #tpu.memory_space<vmem>> -> memref<160xi32, #tpu.memory_space<vmem>>
    %dma_wait3A_179 = arith.constant 0 : i32
    %dma_wait3A_180 = arith.constant 0 : i32
    %dma_wait3A_181 = tpu.memref_slice %arg2[%dma_wait3A_179, %dma_wait3A_180] : memref<10240x128xf32, #tpu.memory_space<hbm>> -> memref<10240x128xf32, #tpu.memory_space<hbm>>
    tpu.wait_indirect_dma semaphore(%arg12 : memref<!tpu.dma_semaphore, #tpu.memory_space<semaphore_mem>>) src(%dma_wait3A_181 : memref<10240x128xf32, #tpu.memory_space<hbm>>) dst(%dma_wait3A_175 : memref<160x128xf32, #tpu.memory_space<vmem>>)
    %dma_wait3A_182 = arith.constant 1 : i32
    %dma_wait3A_183 = arith.constant 0 : i32
    %dma_wait3A_184 = arith.constant 0 : i32
    %dma_wait3A_185 = arith.constant 1 : i32
    %dma_wait3A_186 = arith.constant 0 : i32
    %dma_wait3A_187 = arith.constant 0 : i32
    %dma_wait3A_188 = tpu.memref_slice %arg6[%dma_wait3A_185, %dma_wait3A_186, %dma_wait3A_187] : memref<2x160x128xf32, #tpu.memory_space<vmem>> -> memref<1x160x128xf32, #tpu.memory_space<vmem>>
    %dma_wait3A_189 = tpu.memref_squeeze %dma_wait3A_188 : memref<1x160x128xf32, #tpu.memory_space<vmem>> -> memref<160x128xf32, #tpu.memory_space<vmem>>
    %dma_wait3A_190 = arith.constant 0 : i32
    %dma_wait3A_191 = tpu.memref_slice %arg5[%dma_wait3A_182, %dma_wait3A_183, %dma_wait3A_184, %dma_wait3A_190] : memref<4x2x1x160xi32, #tpu.memory_space<vmem>> -> memref<1x1x1x160xi32, #tpu.memory_space<vmem>>
    %dma_wait3A_192 = tpu.memref_squeeze %dma_wait3A_191 : memref<1x1x1x160xi32, #tpu.memory_space<vmem>> -> memref<160xi32, #tpu.memory_space<vmem>>
    %dma_wait3A_193 = arith.constant 0 : i32
    %dma_wait3A_194 = arith.constant 0 : i32
    %dma_wait3A_195 = tpu.memref_slice %arg2[%dma_wait3A_193, %dma_wait3A_194] : memref<10240x128xf32, #tpu.memory_space<hbm>> -> memref<10240x128xf32, #tpu.memory_space<hbm>>
    tpu.wait_indirect_dma semaphore(%arg13 : memref<!tpu.dma_semaphore, #tpu.memory_space<semaphore_mem>>) src(%dma_wait3A_195 : memref<10240x128xf32, #tpu.memory_space<hbm>>) dst(%dma_wait3A_189 : memref<160x128xf32, #tpu.memory_space<vmem>>)
    %dma_wait3A_196 = arith.constant 0 : i32
    %dma_wait3A_197 = arith.constant 2 : i32
    %dma_wait3A_198 = arith.constant 0 : i32
    %dma_wait3A_199 = arith.constant 0 : i32
    %dma_wait3A_200 = arith.constant 0 : i32
    %dma_wait3A_201 = tpu.memref_slice %arg5[%dma_wait3A_197, %dma_wait3A_198, %dma_wait3A_199, %dma_wait3A_200] : memref<4x2x1x160xi32, #tpu.memory_space<vmem>> -> memref<1x2x1x160xi32, #tpu.memory_space<vmem>>
    %dma_wait3A_202 = tpu.memref_squeeze %dma_wait3A_201 : memref<1x2x1x160xi32, #tpu.memory_space<vmem>> -> memref<2x1x160xi32, #tpu.memory_space<vmem>>
    %dma_wait3A_203 = arith.constant 0 : i32
    %dma_wait3A_204 = arith.constant 0 : i32
    %dma_wait3A_205 = arith.constant 0 : i32
    %dma_wait3A_206 = tpu.memref_slice %arg3[%add3A, %dma_wait3A_196, %dma_wait3A_203, %dma_wait3A_204, %dma_wait3A_205] : memref<32x68x2x1x160xi32, #tpu.memory_space<hbm>> -> memref<1x1x2x1x160xi32, #tpu.memory_space<hbm>>
    %dma_wait3A_207 = tpu.memref_squeeze %dma_wait3A_206 : memref<1x1x2x1x160xi32, #tpu.memory_space<hbm>> -> memref<2x1x160xi32, #tpu.memory_space<hbm>>
    %dma_wait3A_208 = arith.constant 0 : i32
    %dma_wait3A_209 = arith.constant 0 : i32
    %dma_wait3A_210 = arith.constant 0 : i32
    %dma_wait3A_211 = tpu.memref_slice %arg5[%dma_wait3A_197, %dma_wait3A_208, %dma_wait3A_209, %dma_wait3A_210] : memref<4x2x1x160xi32, #tpu.memory_space<vmem>> -> memref<1x2x1x160xi32, #tpu.memory_space<vmem>>
    %dma_wait3A_212 = tpu.memref_squeeze %dma_wait3A_211 : memref<1x2x1x160xi32, #tpu.memory_space<vmem>> -> memref<2x1x160xi32, #tpu.memory_space<vmem>>
    %dma_wait3A_213 = arith.constant 0 : i32
    %dma_wait3A_214 = arith.constant 0 : i32
    %dma_wait3A_215 = arith.constant 0 : i32
    %dma_wait3A_216 = tpu.memref_slice %arg3[%add3A, %dma_wait3A_196, %dma_wait3A_213, %dma_wait3A_214, %dma_wait3A_215] : memref<32x68x2x1x160xi32, #tpu.memory_space<hbm>> -> memref<1x1x2x1x160xi32, #tpu.memory_space<hbm>>
    %dma_wait3A_217 = tpu.memref_squeeze %dma_wait3A_216 : memref<1x1x2x1x160xi32, #tpu.memory_space<hbm>> -> memref<2x1x160xi32, #tpu.memory_space<hbm>>
    tpu.wait_dma2 semaphore(%arg10 : memref<!tpu.dma_semaphore, #tpu.memory_space<semaphore_mem>>) src(%dma_wait3A_217 : memref<2x1x160xi32, #tpu.memory_space<hbm>>) dst(%dma_wait3A_212 : memref<2x1x160xi32, #tpu.memory_space<vmem>>)
    %dma_wait3A_218 = arith.constant 0 : i32
    %dma_wait3A_219 = arith.constant 3 : i32
    %dma_wait3A_220 = arith.constant 0 : i32
    %dma_wait3A_221 = arith.constant 0 : i32
    %dma_wait3A_222 = arith.constant 0 : i32
    %dma_wait3A_223 = tpu.memref_slice %arg5[%dma_wait3A_219, %dma_wait3A_220, %dma_wait3A_221, %dma_wait3A_222] : memref<4x2x1x160xi32, #tpu.memory_space<vmem>> -> memref<1x2x1x160xi32, #tpu.memory_space<vmem>>
    %dma_wait3A_224 = tpu.memref_squeeze %dma_wait3A_223 : memref<1x2x1x160xi32, #tpu.memory_space<vmem>> -> memref<2x1x160xi32, #tpu.memory_space<vmem>>
    %dma_wait3A_225 = arith.constant 0 : i32
    %dma_wait3A_226 = arith.constant 0 : i32
    %dma_wait3A_227 = arith.constant 0 : i32
    %dma_wait3A_228 = tpu.memref_slice %arg3[%add3A, %dma_wait3A_218, %dma_wait3A_225, %dma_wait3A_226, %dma_wait3A_227] : memref<32x68x2x1x160xi32, #tpu.memory_space<hbm>> -> memref<1x1x2x1x160xi32, #tpu.memory_space<hbm>>
    %dma_wait3A_229 = tpu.memref_squeeze %dma_wait3A_228 : memref<1x1x2x1x160xi32, #tpu.memory_space<hbm>> -> memref<2x1x160xi32, #tpu.memory_space<hbm>>
    %dma_wait3A_230 = arith.constant 0 : i32
    %dma_wait3A_231 = arith.constant 0 : i32
    %dma_wait3A_232 = arith.constant 0 : i32
    %dma_wait3A_233 = tpu.memref_slice %arg5[%dma_wait3A_219, %dma_wait3A_230, %dma_wait3A_231, %dma_wait3A_232] : memref<4x2x1x160xi32, #tpu.memory_space<vmem>> -> memref<1x2x1x160xi32, #tpu.memory_space<vmem>>
    %dma_wait3A_234 = tpu.memref_squeeze %dma_wait3A_233 : memref<1x2x1x160xi32, #tpu.memory_space<vmem>> -> memref<2x1x160xi32, #tpu.memory_space<vmem>>
    %dma_wait3A_235 = arith.constant 0 : i32
    %dma_wait3A_236 = arith.constant 0 : i32
    %dma_wait3A_237 = arith.constant 0 : i32
    %dma_wait3A_238 = tpu.memref_slice %arg3[%add3A, %dma_wait3A_218, %dma_wait3A_235, %dma_wait3A_236, %dma_wait3A_237] : memref<32x68x2x1x160xi32, #tpu.memory_space<hbm>> -> memref<1x1x2x1x160xi32, #tpu.memory_space<hbm>>
    %dma_wait3A_239 = tpu.memref_squeeze %dma_wait3A_238 : memref<1x1x2x1x160xi32, #tpu.memory_space<hbm>> -> memref<2x1x160xi32, #tpu.memory_space<hbm>>
    tpu.wait_dma2 semaphore(%arg11 : memref<!tpu.dma_semaphore, #tpu.memory_space<semaphore_mem>>) src(%dma_wait3A_239 : memref<2x1x160xi32, #tpu.memory_space<hbm>>) dst(%dma_wait3A_234 : memref<2x1x160xi32, #tpu.memory_space<vmem>>)
    %barrier3A_240 = arith.constant 0 : index
    tpu.barrier barrier_id(%barrier3A_240)
    %mul3A_241 = arith.constant 640 : i32
    %mul3A_242 = arith.muli %arg1, %mul3A_241 : i32
    %mul3A_243 = arith.constant 640 : i32
    %mul3A_244 = arith.muli %arg1, %mul3A_243 : i32
    "tpu.region"() ({
      %run_scoped3A = tpu.sem_alloc : memref<!tpu.dma_semaphore, #tpu.memory_space<semaphore_mem>>
      %dma_start3A_245 = arith.constant 0 : i32
      %dma_start3A_246 = tpu.memref_slice %arg4[%arg0, %mul3A_244, %dma_start3A_245] : memref<2x10240x128xf32, #tpu.memory_space<hbm>> -> memref<1x640x128xf32, #tpu.memory_space<hbm>>
      %dma_start3A_247 = tpu.memref_squeeze %dma_start3A_246 : memref<1x640x128xf32, #tpu.memory_space<hbm>> -> memref<640x128xf32, #tpu.memory_space<hbm>>
      %dma_start3A_248 = arith.constant 0 : i32
      %dma_start3A_249 = tpu.memref_slice %arg7[%mul3A_242, %dma_start3A_248] : memref<10240x128xf32, #tpu.memory_space<vmem_shared>> -> memref<640x128xf32, #tpu.memory_space<vmem_shared>>
      tpu.enqueue_dma source(%dma_start3A_249 : memref<640x128xf32, #tpu.memory_space<vmem_shared>>) target(%dma_start3A_247 : memref<640x128xf32, #tpu.memory_space<hbm>>) target_semaphore(%run_scoped3A : memref<!tpu.dma_semaphore, #tpu.memory_space<semaphore_mem>>)
      %dma_wait3A_250 = arith.constant 0 : i32
      %dma_wait3A_251 = tpu.memref_slice %arg4[%arg0, %mul3A_244, %dma_wait3A_250] : memref<2x10240x128xf32, #tpu.memory_space<hbm>> -> memref<1x640x128xf32, #tpu.memory_space<hbm>>
      %dma_wait3A_252 = tpu.memref_squeeze %dma_wait3A_251 : memref<1x640x128xf32, #tpu.memory_space<hbm>> -> memref<640x128xf32, #tpu.memory_space<hbm>>
      %dma_wait3A_253 = arith.constant 0 : i32
      %dma_wait3A_254 = tpu.memref_slice %arg7[%mul3A_242, %dma_wait3A_253] : memref<10240x128xf32, #tpu.memory_space<vmem_shared>> -> memref<640x128xf32, #tpu.memory_space<vmem_shared>>
      tpu.wait_dma2 semaphore(%run_scoped3A : memref<!tpu.dma_semaphore, #tpu.memory_space<semaphore_mem>>) src(%dma_wait3A_254 : memref<640x128xf32, #tpu.memory_space<vmem_shared>>) dst(%dma_wait3A_252 : memref<640x128xf32, #tpu.memory_space<hbm>>)
      tpu.yield
    }) : () -> ()
    return
  }
}

#map = affine_map<(d0, d1) -> (0, 0)>
#map1 = affine_map<(d0, d1) -> (0, 0, 0, 0, 0)>
#map2 = affine_map<(d0, d1) -> (0, 0, 0)>
module attributes {stable_mosaic.version = 14 : i64} {
  func.func @_agg_kernel(%arg0: i32, %arg1: i32, %arg2: memref<10240x128xf32, #tpu.memory_space<hbm>>, %arg3: memref<32x68x2x1x160xi32, #tpu.memory_space<hbm>>, %arg4: memref<2x10240x128xf32, #tpu.memory_space<hbm>>, %arg5: memref<4x2x1x160xi32, #tpu.memory_space<vmem>>, %arg6: memref<2x160x128xf32, #tpu.memory_space<vmem>>, %arg7: memref<10240x128xf32, #tpu.memory_space<vmem_shared>>, %arg8: memref<!tpu.dma_semaphore, #tpu.memory_space<semaphore_mem>>, %arg9: memref<!tpu.dma_semaphore, #tpu.memory_space<semaphore_mem>>, %arg10: memref<!tpu.dma_semaphore, #tpu.memory_space<semaphore_mem>>, %arg11: memref<!tpu.dma_semaphore, #tpu.memory_space<semaphore_mem>>, %arg12: memref<!tpu.dma_semaphore, #tpu.memory_space<semaphore_mem>>, %arg13: memref<!tpu.dma_semaphore, #tpu.memory_space<semaphore_mem>>) attributes {dimension_semantics = [#tpu.dimension_semantics<core_parallel>, #tpu.dimension_semantics<subcore_parallel>], iteration_bounds = array<i64: 2, 16>, scalar_prefetch = 0 : i64, scratch_operands = 9 : i64, tpu.core_type = #tpu.core_type<sc_vector_subcore>, window_params = [{transform_indices = #map}, {transform_indices = #map1}, {transform_indices = #map2}]} {
    %mul3A = arith.constant 16 : i32
    %mul3A_0 = arith.muli %arg0, %mul3A : i32
    %add3A = arith.addi %mul3A_0, %arg1 : i32
    %mul3A_1 = arith.constant 640 : i32
    %mul3A_2 = arith.muli %arg1, %mul3A_1 : i32
    %mul3A_3 = arith.constant 640 : i32
    %mul3A_4 = arith.muli %arg1, %mul3A_3 : i32
    "tpu.region"() ({
      %run_scoped3A = tpu.sem_alloc : memref<!tpu.dma_semaphore, #tpu.memory_space<semaphore_mem>>
      %dma_start3A_245 = arith.constant 0 : i32
      %dma_start3A_246 = tpu.memref_slice %arg7[%mul3A_4, %dma_start3A_245] : memref<10240x128xf32, #tpu.memory_space<vmem_shared>> -> memref<640x128xf32, #tpu.memory_space<vmem_shared>>
      %dma_start3A_247 = arith.constant 0 : i32
      %dma_start3A_248 = tpu.memref_slice %arg2[%mul3A_2, %dma_start3A_247] : memref<10240x128xf32, #tpu.memory_space<hbm>> -> memref<640x128xf32, #tpu.memory_space<hbm>>
      tpu.enqueue_dma source(%dma_start3A_248 : memref<640x128xf32, #tpu.memory_space<hbm>>) target(%dma_start3A_246 : memref<640x128xf32, #tpu.memory_space<vmem_shared>>) target_semaphore(%run_scoped3A : memref<!tpu.dma_semaphore, #tpu.memory_space<semaphore_mem>>)
      %dma_wait3A_249 = arith.constant 0 : i32
      %dma_wait3A_250 = tpu.memref_slice %arg7[%mul3A_4, %dma_wait3A_249] : memref<10240x128xf32, #tpu.memory_space<vmem_shared>> -> memref<640x128xf32, #tpu.memory_space<vmem_shared>>
      %dma_wait3A_251 = arith.constant 0 : i32
      %dma_wait3A_252 = tpu.memref_slice %arg2[%mul3A_2, %dma_wait3A_251] : memref<10240x128xf32, #tpu.memory_space<hbm>> -> memref<640x128xf32, #tpu.memory_space<hbm>>
      tpu.wait_dma2 semaphore(%run_scoped3A : memref<!tpu.dma_semaphore, #tpu.memory_space<semaphore_mem>>) src(%dma_wait3A_252 : memref<640x128xf32, #tpu.memory_space<hbm>>) dst(%dma_wait3A_250 : memref<640x128xf32, #tpu.memory_space<vmem_shared>>)
      tpu.yield
    }) : () -> ()
    %barrier3A = arith.constant 0 : index
    tpu.barrier barrier_id(%barrier3A)
    %dma_start3A = arith.constant 0 : i32
    %dma_start3A_5 = arith.constant 0 : i32
    %dma_start3A_6 = arith.constant 0 : i32
    %dma_start3A_7 = arith.constant 0 : i32
    %dma_start3A_8 = arith.constant 0 : i32
    %dma_start3A_9 = tpu.memref_slice %arg5[%dma_start3A_5, %dma_start3A_6, %dma_start3A_7, %dma_start3A_8] : memref<4x2x1x160xi32, #tpu.memory_space<vmem>> -> memref<1x2x1x160xi32, #tpu.memory_space<vmem>>
    %dma_start3A_10 = tpu.memref_squeeze %dma_start3A_9 : memref<1x2x1x160xi32, #tpu.memory_space<vmem>> -> memref<2x1x160xi32, #tpu.memory_space<vmem>>
    %dma_start3A_11 = arith.constant 0 : i32
    %dma_start3A_12 = arith.constant 0 : i32
    %dma_start3A_13 = arith.constant 0 : i32
    %dma_start3A_14 = tpu.memref_slice %arg3[%add3A, %dma_start3A, %dma_start3A_11, %dma_start3A_12, %dma_start3A_13] : memref<32x68x2x1x160xi32, #tpu.memory_space<hbm>> -> memref<1x1x2x1x160xi32, #tpu.memory_space<hbm>>
    %dma_start3A_15 = tpu.memref_squeeze %dma_start3A_14 : memref<1x1x2x1x160xi32, #tpu.memory_space<hbm>> -> memref<2x1x160xi32, #tpu.memory_space<hbm>>
    %dma_start3A_16 = arith.constant 0 : i32
    %dma_start3A_17 = arith.constant 0 : i32
    %dma_start3A_18 = arith.constant 0 : i32
    %dma_start3A_19 = tpu.memref_slice %arg5[%dma_start3A_5, %dma_start3A_16, %dma_start3A_17, %dma_start3A_18] : memref<4x2x1x160xi32, #tpu.memory_space<vmem>> -> memref<1x2x1x160xi32, #tpu.memory_space<vmem>>
    %dma_start3A_20 = tpu.memref_squeeze %dma_start3A_19 : memref<1x2x1x160xi32, #tpu.memory_space<vmem>> -> memref<2x1x160xi32, #tpu.memory_space<vmem>>
    %dma_start3A_21 = arith.constant 0 : i32
    %dma_start3A_22 = arith.constant 0 : i32
    %dma_start3A_23 = arith.constant 0 : i32
    %dma_start3A_24 = tpu.memref_slice %arg3[%add3A, %dma_start3A, %dma_start3A_21, %dma_start3A_22, %dma_start3A_23] : memref<32x68x2x1x160xi32, #tpu.memory_space<hbm>> -> memref<1x1x2x1x160xi32, #tpu.memory_space<hbm>>
    %dma_start3A_25 = tpu.memref_squeeze %dma_start3A_24 : memref<1x1x2x1x160xi32, #tpu.memory_space<hbm>> -> memref<2x1x160xi32, #tpu.memory_space<hbm>>
    tpu.enqueue_dma source(%dma_start3A_25 : memref<2x1x160xi32, #tpu.memory_space<hbm>>) target(%dma_start3A_20 : memref<2x1x160xi32, #tpu.memory_space<vmem>>) target_semaphore(%arg8 : memref<!tpu.dma_semaphore, #tpu.memory_space<semaphore_mem>>)
    %dma_start3A_26 = arith.constant 1 : i32
    %dma_start3A_27 = arith.constant 1 : i32
    %dma_start3A_28 = arith.constant 0 : i32
    %dma_start3A_29 = arith.constant 0 : i32
    %dma_start3A_30 = arith.constant 0 : i32
    %dma_start3A_31 = tpu.memref_slice %arg5[%dma_start3A_27, %dma_start3A_28, %dma_start3A_29, %dma_start3A_30] : memref<4x2x1x160xi32, #tpu.memory_space<vmem>> -> memref<1x2x1x160xi32, #tpu.memory_space<vmem>>
    %dma_start3A_32 = tpu.memref_squeeze %dma_start3A_31 : memref<1x2x1x160xi32, #tpu.memory_space<vmem>> -> memref<2x1x160xi32, #tpu.memory_space<vmem>>
    %dma_start3A_33 = arith.constant 0 : i32
    %dma_start3A_34 = arith.constant 0 : i32
    %dma_start3A_35 = arith.constant 0 : i32
    %dma_start3A_36 = tpu.memref_slice %arg3[%add3A, %dma_start3A_26, %dma_start3A_33, %dma_start3A_34, %dma_start3A_35] : memref<32x68x2x1x160xi32, #tpu.memory_space<hbm>> -> memref<1x1x2x1x160xi32, #tpu.memory_space<hbm>>
    %dma_start3A_37 = tpu.memref_squeeze %dma_start3A_36 : memref<1x1x2x1x160xi32, #tpu.memory_space<hbm>> -> memref<2x1x160xi32, #tpu.memory_space<hbm>>
    %dma_start3A_38 = arith.constant 0 : i32
    %dma_start3A_39 = arith.constant 0 : i32
    %dma_start3A_40 = arith.constant 0 : i32
    %dma_start3A_41 = tpu.memref_slice %arg5[%dma_start3A_27, %dma_start3A_38, %dma_start3A_39, %dma_start3A_40] : memref<4x2x1x160xi32, #tpu.memory_space<vmem>> -> memref<1x2x1x160xi32, #tpu.memory_space<vmem>>
    %dma_start3A_42 = tpu.memref_squeeze %dma_start3A_41 : memref<1x2x1x160xi32, #tpu.memory_space<vmem>> -> memref<2x1x160xi32, #tpu.memory_space<vmem>>
    %dma_start3A_43 = arith.constant 0 : i32
    %dma_start3A_44 = arith.constant 0 : i32
    %dma_start3A_45 = arith.constant 0 : i32
    %dma_start3A_46 = tpu.memref_slice %arg3[%add3A, %dma_start3A_26, %dma_start3A_43, %dma_start3A_44, %dma_start3A_45] : memref<32x68x2x1x160xi32, #tpu.memory_space<hbm>> -> memref<1x1x2x1x160xi32, #tpu.memory_space<hbm>>
    %dma_start3A_47 = tpu.memref_squeeze %dma_start3A_46 : memref<1x1x2x1x160xi32, #tpu.memory_space<hbm>> -> memref<2x1x160xi32, #tpu.memory_space<hbm>>
    tpu.enqueue_dma source(%dma_start3A_47 : memref<2x1x160xi32, #tpu.memory_space<hbm>>) target(%dma_start3A_42 : memref<2x1x160xi32, #tpu.memory_space<vmem>>) target_semaphore(%arg9 : memref<!tpu.dma_semaphore, #tpu.memory_space<semaphore_mem>>)
    %dma_start3A_48 = arith.constant 2 : i32
    %dma_start3A_49 = arith.constant 2 : i32
    %dma_start3A_50 = arith.constant 0 : i32
    %dma_start3A_51 = arith.constant 0 : i32
    %dma_start3A_52 = arith.constant 0 : i32
    %dma_start3A_53 = tpu.memref_slice %arg5[%dma_start3A_49, %dma_start3A_50, %dma_start3A_51, %dma_start3A_52] : memref<4x2x1x160xi32, #tpu.memory_space<vmem>> -> memref<1x2x1x160xi32, #tpu.memory_space<vmem>>
    %dma_start3A_54 = tpu.memref_squeeze %dma_start3A_53 : memref<1x2x1x160xi32, #tpu.memory_space<vmem>> -> memref<2x1x160xi32, #tpu.memory_space<vmem>>
    %dma_start3A_55 = arith.constant 0 : i32
    %dma_start3A_56 = arith.constant 0 : i32
    %dma_start3A_57 = arith.constant 0 : i32
    %dma_start3A_58 = tpu.memref_slice %arg3[%add3A, %dma_start3A_48, %dma_start3A_55, %dma_start3A_56, %dma_start3A_57] : memref<32x68x2x1x160xi32, #tpu.memory_space<hbm>> -> memref<1x1x2x1x160xi32, #tpu.memory_space<hbm>>
    %dma_start3A_59 = tpu.memref_squeeze %dma_start3A_58 : memref<1x1x2x1x160xi32, #tpu.memory_space<hbm>> -> memref<2x1x160xi32, #tpu.memory_space<hbm>>
    %dma_start3A_60 = arith.constant 0 : i32
    %dma_start3A_61 = arith.constant 0 : i32
    %dma_start3A_62 = arith.constant 0 : i32
    %dma_start3A_63 = tpu.memref_slice %arg5[%dma_start3A_49, %dma_start3A_60, %dma_start3A_61, %dma_start3A_62] : memref<4x2x1x160xi32, #tpu.memory_space<vmem>> -> memref<1x2x1x160xi32, #tpu.memory_space<vmem>>
    %dma_start3A_64 = tpu.memref_squeeze %dma_start3A_63 : memref<1x2x1x160xi32, #tpu.memory_space<vmem>> -> memref<2x1x160xi32, #tpu.memory_space<vmem>>
    %dma_start3A_65 = arith.constant 0 : i32
    %dma_start3A_66 = arith.constant 0 : i32
    %dma_start3A_67 = arith.constant 0 : i32
    %dma_start3A_68 = tpu.memref_slice %arg3[%add3A, %dma_start3A_48, %dma_start3A_65, %dma_start3A_66, %dma_start3A_67] : memref<32x68x2x1x160xi32, #tpu.memory_space<hbm>> -> memref<1x1x2x1x160xi32, #tpu.memory_space<hbm>>
    %dma_start3A_69 = tpu.memref_squeeze %dma_start3A_68 : memref<1x1x2x1x160xi32, #tpu.memory_space<hbm>> -> memref<2x1x160xi32, #tpu.memory_space<hbm>>
    tpu.enqueue_dma source(%dma_start3A_69 : memref<2x1x160xi32, #tpu.memory_space<hbm>>) target(%dma_start3A_64 : memref<2x1x160xi32, #tpu.memory_space<vmem>>) target_semaphore(%arg10 : memref<!tpu.dma_semaphore, #tpu.memory_space<semaphore_mem>>)
    %dma_start3A_70 = arith.constant 3 : i32
    %dma_start3A_71 = arith.constant 3 : i32
    %dma_start3A_72 = arith.constant 0 : i32
    %dma_start3A_73 = arith.constant 0 : i32
    %dma_start3A_74 = arith.constant 0 : i32
    %dma_start3A_75 = tpu.memref_slice %arg5[%dma_start3A_71, %dma_start3A_72, %dma_start3A_73, %dma_start3A_74] : memref<4x2x1x160xi32, #tpu.memory_space<vmem>> -> memref<1x2x1x160xi32, #tpu.memory_space<vmem>>
    %dma_start3A_76 = tpu.memref_squeeze %dma_start3A_75 : memref<1x2x1x160xi32, #tpu.memory_space<vmem>> -> memref<2x1x160xi32, #tpu.memory_space<vmem>>
    %dma_start3A_77 = arith.constant 0 : i32
    %dma_start3A_78 = arith.constant 0 : i32
    %dma_start3A_79 = arith.constant 0 : i32
    %dma_start3A_80 = tpu.memref_slice %arg3[%add3A, %dma_start3A_70, %dma_start3A_77, %dma_start3A_78, %dma_start3A_79] : memref<32x68x2x1x160xi32, #tpu.memory_space<hbm>> -> memref<1x1x2x1x160xi32, #tpu.memory_space<hbm>>
    %dma_start3A_81 = tpu.memref_squeeze %dma_start3A_80 : memref<1x1x2x1x160xi32, #tpu.memory_space<hbm>> -> memref<2x1x160xi32, #tpu.memory_space<hbm>>
    %dma_start3A_82 = arith.constant 0 : i32
    %dma_start3A_83 = arith.constant 0 : i32
    %dma_start3A_84 = arith.constant 0 : i32
    %dma_start3A_85 = tpu.memref_slice %arg5[%dma_start3A_71, %dma_start3A_82, %dma_start3A_83, %dma_start3A_84] : memref<4x2x1x160xi32, #tpu.memory_space<vmem>> -> memref<1x2x1x160xi32, #tpu.memory_space<vmem>>
    %dma_start3A_86 = tpu.memref_squeeze %dma_start3A_85 : memref<1x2x1x160xi32, #tpu.memory_space<vmem>> -> memref<2x1x160xi32, #tpu.memory_space<vmem>>
    %dma_start3A_87 = arith.constant 0 : i32
    %dma_start3A_88 = arith.constant 0 : i32
    %dma_start3A_89 = arith.constant 0 : i32
    %dma_start3A_90 = tpu.memref_slice %arg3[%add3A, %dma_start3A_70, %dma_start3A_87, %dma_start3A_88, %dma_start3A_89] : memref<32x68x2x1x160xi32, #tpu.memory_space<hbm>> -> memref<1x1x2x1x160xi32, #tpu.memory_space<hbm>>
    %dma_start3A_91 = tpu.memref_squeeze %dma_start3A_90 : memref<1x1x2x1x160xi32, #tpu.memory_space<hbm>> -> memref<2x1x160xi32, #tpu.memory_space<hbm>>
    tpu.enqueue_dma source(%dma_start3A_91 : memref<2x1x160xi32, #tpu.memory_space<hbm>>) target(%dma_start3A_86 : memref<2x1x160xi32, #tpu.memory_space<vmem>>) target_semaphore(%arg11 : memref<!tpu.dma_semaphore, #tpu.memory_space<semaphore_mem>>)
    %dma_wait3A = arith.constant 0 : i32
    %dma_wait3A_92 = arith.constant 0 : i32
    %dma_wait3A_93 = arith.constant 0 : i32
    %dma_wait3A_94 = arith.constant 0 : i32
    %dma_wait3A_95 = arith.constant 0 : i32
    %dma_wait3A_96 = tpu.memref_slice %arg5[%dma_wait3A_92, %dma_wait3A_93, %dma_wait3A_94, %dma_wait3A_95] : memref<4x2x1x160xi32, #tpu.memory_space<vmem>> -> memref<1x2x1x160xi32, #tpu.memory_space<vmem>>
    %dma_wait3A_97 = tpu.memref_squeeze %dma_wait3A_96 : memref<1x2x1x160xi32, #tpu.memory_space<vmem>> -> memref<2x1x160xi32, #tpu.memory_space<vmem>>
    %dma_wait3A_98 = arith.constant 0 : i32
    %dma_wait3A_99 = arith.constant 0 : i32
    %dma_wait3A_100 = arith.constant 0 : i32
    %dma_wait3A_101 = tpu.memref_slice %arg3[%add3A, %dma_wait3A, %dma_wait3A_98, %dma_wait3A_99, %dma_wait3A_100] : memref<32x68x2x1x160xi32, #tpu.memory_space<hbm>> -> memref<1x1x2x1x160xi32, #tpu.memory_space<hbm>>
    %dma_wait3A_102 = tpu.memref_squeeze %dma_wait3A_101 : memref<1x1x2x1x160xi32, #tpu.memory_space<hbm>> -> memref<2x1x160xi32, #tpu.memory_space<hbm>>
    %dma_wait3A_103 = arith.constant 0 : i32
    %dma_wait3A_104 = arith.constant 0 : i32
    %dma_wait3A_105 = arith.constant 0 : i32
    %dma_wait3A_106 = tpu.memref_slice %arg5[%dma_wait3A_92, %dma_wait3A_103, %dma_wait3A_104, %dma_wait3A_105] : memref<4x2x1x160xi32, #tpu.memory_space<vmem>> -> memref<1x2x1x160xi32, #tpu.memory_space<vmem>>
    %dma_wait3A_107 = tpu.memref_squeeze %dma_wait3A_106 : memref<1x2x1x160xi32, #tpu.memory_space<vmem>> -> memref<2x1x160xi32, #tpu.memory_space<vmem>>
    %dma_wait3A_108 = arith.constant 0 : i32
    %dma_wait3A_109 = arith.constant 0 : i32
    %dma_wait3A_110 = arith.constant 0 : i32
    %dma_wait3A_111 = tpu.memref_slice %arg3[%add3A, %dma_wait3A, %dma_wait3A_108, %dma_wait3A_109, %dma_wait3A_110] : memref<32x68x2x1x160xi32, #tpu.memory_space<hbm>> -> memref<1x1x2x1x160xi32, #tpu.memory_space<hbm>>
    %dma_wait3A_112 = tpu.memref_squeeze %dma_wait3A_111 : memref<1x1x2x1x160xi32, #tpu.memory_space<hbm>> -> memref<2x1x160xi32, #tpu.memory_space<hbm>>
    tpu.wait_dma2 semaphore(%arg8 : memref<!tpu.dma_semaphore, #tpu.memory_space<semaphore_mem>>) src(%dma_wait3A_112 : memref<2x1x160xi32, #tpu.memory_space<hbm>>) dst(%dma_wait3A_107 : memref<2x1x160xi32, #tpu.memory_space<vmem>>)
    %dma_start3A_113 = arith.constant 0 : i32
    %dma_start3A_114 = arith.constant 0 : i32
    %dma_start3A_115 = arith.constant 0 : i32
    %dma_start3A_116 = arith.constant 0 : i32
    %dma_start3A_117 = arith.constant 0 : i32
    %dma_start3A_118 = arith.constant 0 : i32
    %dma_start3A_119 = tpu.memref_slice %arg6[%dma_start3A_116, %dma_start3A_117, %dma_start3A_118] : memref<2x160x128xf32, #tpu.memory_space<vmem>> -> memref<1x160x128xf32, #tpu.memory_space<vmem>>
    %dma_start3A_120 = tpu.memref_squeeze %dma_start3A_119 : memref<1x160x128xf32, #tpu.memory_space<vmem>> -> memref<160x128xf32, #tpu.memory_space<vmem>>
    %dma_start3A_121 = arith.constant 0 : i32
    %dma_start3A_122 = tpu.memref_slice %arg5[%dma_start3A_113, %dma_start3A_114, %dma_start3A_115, %dma_start3A_121] : memref<4x2x1x160xi32, #tpu.memory_space<vmem>> -> memref<1x1x1x160xi32, #tpu.memory_space<vmem>>
    %dma_start3A_123 = tpu.memref_squeeze %dma_start3A_122 : memref<1x1x1x160xi32, #tpu.memory_space<vmem>> -> memref<160xi32, #tpu.memory_space<vmem>>
    %dma_start3A_124 = arith.constant 0 : i32
    %dma_start3A_125 = arith.constant 0 : i32
    %dma_start3A_126 = tpu.memref_slice %arg2[%dma_start3A_124, %dma_start3A_125] : memref<10240x128xf32, #tpu.memory_space<hbm>> -> memref<10240x128xf32, #tpu.memory_space<hbm>>
    tpu.enqueue_indirect_dma source(%dma_start3A_126 : memref<10240x128xf32, #tpu.memory_space<hbm>>) target(%dma_start3A_120 : memref<160x128xf32, #tpu.memory_space<vmem>>) offsets(%dma_start3A_123 : memref<160xi32, #tpu.memory_space<vmem>>) semaphore(%arg12 : memref<!tpu.dma_semaphore, #tpu.memory_space<semaphore_mem>>)
    %dma_wait3A_127 = arith.constant 1 : i32
    %dma_wait3A_128 = arith.constant 1 : i32
    %dma_wait3A_129 = arith.constant 0 : i32
    %dma_wait3A_130 = arith.constant 0 : i32
    %dma_wait3A_131 = arith.constant 0 : i32
    %dma_wait3A_132 = tpu.memref_slice %arg5[%dma_wait3A_128, %dma_wait3A_129, %dma_wait3A_130, %dma_wait3A_131] : memref<4x2x1x160xi32, #tpu.memory_space<vmem>> -> memref<1x2x1x160xi32, #tpu.memory_space<vmem>>
    %dma_wait3A_133 = tpu.memref_squeeze %dma_wait3A_132 : memref<1x2x1x160xi32, #tpu.memory_space<vmem>> -> memref<2x1x160xi32, #tpu.memory_space<vmem>>
    %dma_wait3A_134 = arith.constant 0 : i32
    %dma_wait3A_135 = arith.constant 0 : i32
    %dma_wait3A_136 = arith.constant 0 : i32
    %dma_wait3A_137 = tpu.memref_slice %arg3[%add3A, %dma_wait3A_127, %dma_wait3A_134, %dma_wait3A_135, %dma_wait3A_136] : memref<32x68x2x1x160xi32, #tpu.memory_space<hbm>> -> memref<1x1x2x1x160xi32, #tpu.memory_space<hbm>>
    %dma_wait3A_138 = tpu.memref_squeeze %dma_wait3A_137 : memref<1x1x2x1x160xi32, #tpu.memory_space<hbm>> -> memref<2x1x160xi32, #tpu.memory_space<hbm>>
    %dma_wait3A_139 = arith.constant 0 : i32
    %dma_wait3A_140 = arith.constant 0 : i32
    %dma_wait3A_141 = arith.constant 0 : i32
    %dma_wait3A_142 = tpu.memref_slice %arg5[%dma_wait3A_128, %dma_wait3A_139, %dma_wait3A_140, %dma_wait3A_141] : memref<4x2x1x160xi32, #tpu.memory_space<vmem>> -> memref<1x2x1x160xi32, #tpu.memory_space<vmem>>
    %dma_wait3A_143 = tpu.memref_squeeze %dma_wait3A_142 : memref<1x2x1x160xi32, #tpu.memory_space<vmem>> -> memref<2x1x160xi32, #tpu.memory_space<vmem>>
    %dma_wait3A_144 = arith.constant 0 : i32
    %dma_wait3A_145 = arith.constant 0 : i32
    %dma_wait3A_146 = arith.constant 0 : i32
    %dma_wait3A_147 = tpu.memref_slice %arg3[%add3A, %dma_wait3A_127, %dma_wait3A_144, %dma_wait3A_145, %dma_wait3A_146] : memref<32x68x2x1x160xi32, #tpu.memory_space<hbm>> -> memref<1x1x2x1x160xi32, #tpu.memory_space<hbm>>
    %dma_wait3A_148 = tpu.memref_squeeze %dma_wait3A_147 : memref<1x1x2x1x160xi32, #tpu.memory_space<hbm>> -> memref<2x1x160xi32, #tpu.memory_space<hbm>>
    tpu.wait_dma2 semaphore(%arg9 : memref<!tpu.dma_semaphore, #tpu.memory_space<semaphore_mem>>) src(%dma_wait3A_148 : memref<2x1x160xi32, #tpu.memory_space<hbm>>) dst(%dma_wait3A_143 : memref<2x1x160xi32, #tpu.memory_space<vmem>>)
    %dma_start3A_149 = arith.constant 1 : i32
    %dma_start3A_150 = arith.constant 0 : i32
    %dma_start3A_151 = arith.constant 0 : i32
    %dma_start3A_152 = arith.constant 1 : i32
    %dma_start3A_153 = arith.constant 0 : i32
    %dma_start3A_154 = arith.constant 0 : i32
    %dma_start3A_155 = tpu.memref_slice %arg6[%dma_start3A_152, %dma_start3A_153, %dma_start3A_154] : memref<2x160x128xf32, #tpu.memory_space<vmem>> -> memref<1x160x128xf32, #tpu.memory_space<vmem>>
    %dma_start3A_156 = tpu.memref_squeeze %dma_start3A_155 : memref<1x160x128xf32, #tpu.memory_space<vmem>> -> memref<160x128xf32, #tpu.memory_space<vmem>>
    %dma_start3A_157 = arith.constant 0 : i32
    %dma_start3A_158 = tpu.memref_slice %arg5[%dma_start3A_149, %dma_start3A_150, %dma_start3A_151, %dma_start3A_157] : memref<4x2x1x160xi32, #tpu.memory_space<vmem>> -> memref<1x1x1x160xi32, #tpu.memory_space<vmem>>
    %dma_start3A_159 = tpu.memref_squeeze %dma_start3A_158 : memref<1x1x1x160xi32, #tpu.memory_space<vmem>> -> memref<160xi32, #tpu.memory_space<vmem>>
    %dma_start3A_160 = arith.constant 0 : i32
    %dma_start3A_161 = arith.constant 0 : i32
    %dma_start3A_162 = tpu.memref_slice %arg2[%dma_start3A_160, %dma_start3A_161] : memref<10240x128xf32, #tpu.memory_space<hbm>> -> memref<10240x128xf32, #tpu.memory_space<hbm>>
    tpu.enqueue_indirect_dma source(%dma_start3A_162 : memref<10240x128xf32, #tpu.memory_space<hbm>>) target(%dma_start3A_156 : memref<160x128xf32, #tpu.memory_space<vmem>>) offsets(%dma_start3A_159 : memref<160xi32, #tpu.memory_space<vmem>>) semaphore(%arg13 : memref<!tpu.dma_semaphore, #tpu.memory_space<semaphore_mem>>)
    %scan3A = arith.constant 0 : i32
    %scan3A_163 = arith.constant 0 : i32
    %scan3A_164 = arith.constant 16 : i32
    %scan3A_165 = arith.addi %scan3A_163, %scan3A_164 : i32
    %scan3A_166 = arith.constant 1 : i32
    scf.for %scan3A_245 = %scan3A_163 to %scan3A_165 step %scan3A_166  : i32 {
      %mul3A_246 = arith.constant 4 : i32
      %mul3A_247 = arith.muli %mul3A_246, %scan3A_245 : i32
      %add3A_248 = arith.constant 0 : i32
      %add3A_249 = arith.addi %mul3A_247, %add3A_248 : i32
      %dma_wait3A_250 = arith.constant 0 : i32
      %dma_wait3A_251 = arith.constant 0 : i32
      %dma_wait3A_252 = arith.constant 0 : i32
      %dma_wait3A_253 = arith.constant 0 : i32
      %dma_wait3A_254 = arith.constant 0 : i32
      %dma_wait3A_255 = arith.constant 0 : i32
      %dma_wait3A_256 = tpu.memref_slice %arg6[%dma_wait3A_253, %dma_wait3A_254, %dma_wait3A_255] : memref<2x160x128xf32, #tpu.memory_space<vmem>> -> memref<1x160x128xf32, #tpu.memory_space<vmem>>
      %dma_wait3A_257 = tpu.memref_squeeze %dma_wait3A_256 : memref<1x160x128xf32, #tpu.memory_space<vmem>> -> memref<160x128xf32, #tpu.memory_space<vmem>>
      %dma_wait3A_258 = arith.constant 0 : i32
      %dma_wait3A_259 = tpu.memref_slice %arg5[%dma_wait3A_250, %dma_wait3A_251, %dma_wait3A_252, %dma_wait3A_258] : memref<4x2x1x160xi32, #tpu.memory_space<vmem>> -> memref<1x1x1x160xi32, #tpu.memory_space<vmem>>
      %dma_wait3A_260 = tpu.memref_squeeze %dma_wait3A_259 : memref<1x1x1x160xi32, #tpu.memory_space<vmem>> -> memref<160xi32, #tpu.memory_space<vmem>>
      %dma_wait3A_261 = arith.constant 0 : i32
      %dma_wait3A_262 = arith.constant 0 : i32
      %dma_wait3A_263 = tpu.memref_slice %arg2[%dma_wait3A_261, %dma_wait3A_262] : memref<10240x128xf32, #tpu.memory_space<hbm>> -> memref<10240x128xf32, #tpu.memory_space<hbm>>
      tpu.wait_indirect_dma semaphore(%arg12 : memref<!tpu.dma_semaphore, #tpu.memory_space<semaphore_mem>>) src(%dma_wait3A_263 : memref<10240x128xf32, #tpu.memory_space<hbm>>) dst(%dma_wait3A_257 : memref<160x128xf32, #tpu.memory_space<vmem>>)
      %run_scoped3A = arith.constant 0 : i32
      %run_scoped3A_264 = arith.constant 0 : i32
      %run_scoped3A_265 = arith.constant 1 : i32
      %run_scoped3A_266 = arith.constant 0 : i32
      "tpu.region"() ({
        %run_scoped3A_573 = tpu.sem_alloc : memref<!tpu.dma_semaphore, #tpu.memory_space<semaphore_mem>>
        %dma_start3A_574 = arith.constant 0 : i32
        %dma_start3A_575 = arith.constant 0 : i32
        %dma_start3A_576 = tpu.memref_slice %arg6[%run_scoped3A, %dma_start3A_574, %dma_start3A_575] : memref<2x160x128xf32, #tpu.memory_space<vmem>> -> memref<1x160x128xf32, #tpu.memory_space<vmem>>
        %dma_start3A_577 = tpu.memref_squeeze %dma_start3A_576 : memref<1x160x128xf32, #tpu.memory_space<vmem>> -> memref<160x128xf32, #tpu.memory_space<vmem>>
        %dma_start3A_578 = arith.constant 0 : i32
        %dma_start3A_579 = tpu.memref_slice %arg5[%run_scoped3A_264, %run_scoped3A_265, %run_scoped3A_266, %dma_start3A_578] : memref<4x2x1x160xi32, #tpu.memory_space<vmem>> -> memref<1x1x1x160xi32, #tpu.memory_space<vmem>>
        %dma_start3A_580 = tpu.memref_squeeze %dma_start3A_579 : memref<1x1x1x160xi32, #tpu.memory_space<vmem>> -> memref<160xi32, #tpu.memory_space<vmem>>
        %dma_start3A_581 = arith.constant 0 : i32
        %dma_start3A_582 = arith.constant 0 : i32
        %dma_start3A_583 = tpu.memref_slice %arg7[%dma_start3A_581, %dma_start3A_582] : memref<10240x128xf32, #tpu.memory_space<vmem_shared>> -> memref<10240x128xf32, #tpu.memory_space<vmem_shared>>
        tpu.enqueue_indirect_dma source(%dma_start3A_577 : memref<160x128xf32, #tpu.memory_space<vmem>>) target(%dma_start3A_583 : memref<10240x128xf32, #tpu.memory_space<vmem_shared>>) offsets(%dma_start3A_580 : memref<160xi32, #tpu.memory_space<vmem>>) semaphore(%run_scoped3A_573 : memref<!tpu.dma_semaphore, #tpu.memory_space<semaphore_mem>>) {add = true}
        %dma_wait3A_584 = arith.constant 0 : i32
        %dma_wait3A_585 = arith.constant 0 : i32
        %dma_wait3A_586 = tpu.memref_slice %arg6[%run_scoped3A, %dma_wait3A_584, %dma_wait3A_585] : memref<2x160x128xf32, #tpu.memory_space<vmem>> -> memref<1x160x128xf32, #tpu.memory_space<vmem>>
        %dma_wait3A_587 = tpu.memref_squeeze %dma_wait3A_586 : memref<1x160x128xf32, #tpu.memory_space<vmem>> -> memref<160x128xf32, #tpu.memory_space<vmem>>
        %dma_wait3A_588 = arith.constant 0 : i32
        %dma_wait3A_589 = tpu.memref_slice %arg5[%run_scoped3A_264, %run_scoped3A_265, %run_scoped3A_266, %dma_wait3A_588] : memref<4x2x1x160xi32, #tpu.memory_space<vmem>> -> memref<1x1x1x160xi32, #tpu.memory_space<vmem>>
        %dma_wait3A_590 = tpu.memref_squeeze %dma_wait3A_589 : memref<1x1x1x160xi32, #tpu.memory_space<vmem>> -> memref<160xi32, #tpu.memory_space<vmem>>
        %dma_wait3A_591 = arith.constant 0 : i32
        %dma_wait3A_592 = arith.constant 0 : i32
        %dma_wait3A_593 = tpu.memref_slice %arg7[%dma_wait3A_591, %dma_wait3A_592] : memref<10240x128xf32, #tpu.memory_space<vmem_shared>> -> memref<10240x128xf32, #tpu.memory_space<vmem_shared>>
        tpu.wait_indirect_dma semaphore(%run_scoped3A_573 : memref<!tpu.dma_semaphore, #tpu.memory_space<semaphore_mem>>) src(%dma_wait3A_587 : memref<160x128xf32, #tpu.memory_space<vmem>>) dst(%dma_wait3A_593 : memref<10240x128xf32, #tpu.memory_space<vmem_shared>>)
        tpu.yield
      }) : () -> ()
      %add3A_267 = arith.constant 4 : i32
      %add3A_268 = arith.addi %add3A_249, %add3A_267 : i32
      %dma_start3A_269 = arith.constant 0 : i32
      %dma_start3A_270 = arith.constant 0 : i32
      %dma_start3A_271 = arith.constant 0 : i32
      %dma_start3A_272 = arith.constant 0 : i32
      %dma_start3A_273 = tpu.memref_slice %arg5[%dma_start3A_269, %dma_start3A_270, %dma_start3A_271, %dma_start3A_272] : memref<4x2x1x160xi32, #tpu.memory_space<vmem>> -> memref<1x2x1x160xi32, #tpu.memory_space<vmem>>
      %dma_start3A_274 = tpu.memref_squeeze %dma_start3A_273 : memref<1x2x1x160xi32, #tpu.memory_space<vmem>> -> memref<2x1x160xi32, #tpu.memory_space<vmem>>
      %dma_start3A_275 = arith.constant 0 : i32
      %dma_start3A_276 = arith.constant 0 : i32
      %dma_start3A_277 = arith.constant 0 : i32
      %dma_start3A_278 = tpu.memref_slice %arg3[%add3A, %add3A_268, %dma_start3A_275, %dma_start3A_276, %dma_start3A_277] : memref<32x68x2x1x160xi32, #tpu.memory_space<hbm>> -> memref<1x1x2x1x160xi32, #tpu.memory_space<hbm>>
      %dma_start3A_279 = tpu.memref_squeeze %dma_start3A_278 : memref<1x1x2x1x160xi32, #tpu.memory_space<hbm>> -> memref<2x1x160xi32, #tpu.memory_space<hbm>>
      %dma_start3A_280 = arith.constant 0 : i32
      %dma_start3A_281 = arith.constant 0 : i32
      %dma_start3A_282 = arith.constant 0 : i32
      %dma_start3A_283 = tpu.memref_slice %arg5[%dma_start3A_269, %dma_start3A_280, %dma_start3A_281, %dma_start3A_282] : memref<4x2x1x160xi32, #tpu.memory_space<vmem>> -> memref<1x2x1x160xi32, #tpu.memory_space<vmem>>
      %dma_start3A_284 = tpu.memref_squeeze %dma_start3A_283 : memref<1x2x1x160xi32, #tpu.memory_space<vmem>> -> memref<2x1x160xi32, #tpu.memory_space<vmem>>
      %dma_start3A_285 = arith.constant 0 : i32
      %dma_start3A_286 = arith.constant 0 : i32
      %dma_start3A_287 = arith.constant 0 : i32
      %dma_start3A_288 = tpu.memref_slice %arg3[%add3A, %add3A_268, %dma_start3A_285, %dma_start3A_286, %dma_start3A_287] : memref<32x68x2x1x160xi32, #tpu.memory_space<hbm>> -> memref<1x1x2x1x160xi32, #tpu.memory_space<hbm>>
      %dma_start3A_289 = tpu.memref_squeeze %dma_start3A_288 : memref<1x1x2x1x160xi32, #tpu.memory_space<hbm>> -> memref<2x1x160xi32, #tpu.memory_space<hbm>>
      tpu.enqueue_dma source(%dma_start3A_289 : memref<2x1x160xi32, #tpu.memory_space<hbm>>) target(%dma_start3A_284 : memref<2x1x160xi32, #tpu.memory_space<vmem>>) target_semaphore(%arg8 : memref<!tpu.dma_semaphore, #tpu.memory_space<semaphore_mem>>)
      %add3A_290 = arith.constant 2 : i32
      %add3A_291 = arith.addi %add3A_249, %add3A_290 : i32
      %dma_wait3A_292 = arith.constant 2 : i32
      %dma_wait3A_293 = arith.constant 0 : i32
      %dma_wait3A_294 = arith.constant 0 : i32
      %dma_wait3A_295 = arith.constant 0 : i32
      %dma_wait3A_296 = tpu.memref_slice %arg5[%dma_wait3A_292, %dma_wait3A_293, %dma_wait3A_294, %dma_wait3A_295] : memref<4x2x1x160xi32, #tpu.memory_space<vmem>> -> memref<1x2x1x160xi32, #tpu.memory_space<vmem>>
      %dma_wait3A_297 = tpu.memref_squeeze %dma_wait3A_296 : memref<1x2x1x160xi32, #tpu.memory_space<vmem>> -> memref<2x1x160xi32, #tpu.memory_space<vmem>>
      %dma_wait3A_298 = arith.constant 0 : i32
      %dma_wait3A_299 = arith.constant 0 : i32
      %dma_wait3A_300 = arith.constant 0 : i32
      %dma_wait3A_301 = tpu.memref_slice %arg3[%add3A, %add3A_291, %dma_wait3A_298, %dma_wait3A_299, %dma_wait3A_300] : memref<32x68x2x1x160xi32, #tpu.memory_space<hbm>> -> memref<1x1x2x1x160xi32, #tpu.memory_space<hbm>>
      %dma_wait3A_302 = tpu.memref_squeeze %dma_wait3A_301 : memref<1x1x2x1x160xi32, #tpu.memory_space<hbm>> -> memref<2x1x160xi32, #tpu.memory_space<hbm>>
      %dma_wait3A_303 = arith.constant 0 : i32
      %dma_wait3A_304 = arith.constant 0 : i32
      %dma_wait3A_305 = arith.constant 0 : i32
      %dma_wait3A_306 = tpu.memref_slice %arg5[%dma_wait3A_292, %dma_wait3A_303, %dma_wait3A_304, %dma_wait3A_305] : memref<4x2x1x160xi32, #tpu.memory_space<vmem>> -> memref<1x2x1x160xi32, #tpu.memory_space<vmem>>
      %dma_wait3A_307 = tpu.memref_squeeze %dma_wait3A_306 : memref<1x2x1x160xi32, #tpu.memory_space<vmem>> -> memref<2x1x160xi32, #tpu.memory_space<vmem>>
      %dma_wait3A_308 = arith.constant 0 : i32
      %dma_wait3A_309 = arith.constant 0 : i32
      %dma_wait3A_310 = arith.constant 0 : i32
      %dma_wait3A_311 = tpu.memref_slice %arg3[%add3A, %add3A_291, %dma_wait3A_308, %dma_wait3A_309, %dma_wait3A_310] : memref<32x68x2x1x160xi32, #tpu.memory_space<hbm>> -> memref<1x1x2x1x160xi32, #tpu.memory_space<hbm>>
      %dma_wait3A_312 = tpu.memref_squeeze %dma_wait3A_311 : memref<1x1x2x1x160xi32, #tpu.memory_space<hbm>> -> memref<2x1x160xi32, #tpu.memory_space<hbm>>
      tpu.wait_dma2 semaphore(%arg10 : memref<!tpu.dma_semaphore, #tpu.memory_space<semaphore_mem>>) src(%dma_wait3A_312 : memref<2x1x160xi32, #tpu.memory_space<hbm>>) dst(%dma_wait3A_307 : memref<2x1x160xi32, #tpu.memory_space<vmem>>)
      %dma_start3A_313 = arith.constant 2 : i32
      %dma_start3A_314 = arith.constant 0 : i32
      %dma_start3A_315 = arith.constant 0 : i32
      %dma_start3A_316 = arith.constant 0 : i32
      %dma_start3A_317 = arith.constant 0 : i32
      %dma_start3A_318 = arith.constant 0 : i32
      %dma_start3A_319 = tpu.memref_slice %arg6[%dma_start3A_316, %dma_start3A_317, %dma_start3A_318] : memref<2x160x128xf32, #tpu.memory_space<vmem>> -> memref<1x160x128xf32, #tpu.memory_space<vmem>>
      %dma_start3A_320 = tpu.memref_squeeze %dma_start3A_319 : memref<1x160x128xf32, #tpu.memory_space<vmem>> -> memref<160x128xf32, #tpu.memory_space<vmem>>
      %dma_start3A_321 = arith.constant 0 : i32
      %dma_start3A_322 = tpu.memref_slice %arg5[%dma_start3A_313, %dma_start3A_314, %dma_start3A_315, %dma_start3A_321] : memref<4x2x1x160xi32, #tpu.memory_space<vmem>> -> memref<1x1x1x160xi32, #tpu.memory_space<vmem>>
      %dma_start3A_323 = tpu.memref_squeeze %dma_start3A_322 : memref<1x1x1x160xi32, #tpu.memory_space<vmem>> -> memref<160xi32, #tpu.memory_space<vmem>>
      %dma_start3A_324 = arith.constant 0 : i32
      %dma_start3A_325 = arith.constant 0 : i32
      %dma_start3A_326 = tpu.memref_slice %arg2[%dma_start3A_324, %dma_start3A_325] : memref<10240x128xf32, #tpu.memory_space<hbm>> -> memref<10240x128xf32, #tpu.memory_space<hbm>>
      tpu.enqueue_indirect_dma source(%dma_start3A_326 : memref<10240x128xf32, #tpu.memory_space<hbm>>) target(%dma_start3A_320 : memref<160x128xf32, #tpu.memory_space<vmem>>) offsets(%dma_start3A_323 : memref<160xi32, #tpu.memory_space<vmem>>) semaphore(%arg12 : memref<!tpu.dma_semaphore, #tpu.memory_space<semaphore_mem>>)
      %mul3A_327 = arith.constant 4 : i32
      %mul3A_328 = arith.muli %mul3A_327, %scan3A_245 : i32
      %add3A_329 = arith.constant 1 : i32
      %add3A_330 = arith.addi %mul3A_328, %add3A_329 : i32
      %dma_wait3A_331 = arith.constant 1 : i32
      %dma_wait3A_332 = arith.constant 0 : i32
      %dma_wait3A_333 = arith.constant 0 : i32
      %dma_wait3A_334 = arith.constant 1 : i32
      %dma_wait3A_335 = arith.constant 0 : i32
      %dma_wait3A_336 = arith.constant 0 : i32
      %dma_wait3A_337 = tpu.memref_slice %arg6[%dma_wait3A_334, %dma_wait3A_335, %dma_wait3A_336] : memref<2x160x128xf32, #tpu.memory_space<vmem>> -> memref<1x160x128xf32, #tpu.memory_space<vmem>>
      %dma_wait3A_338 = tpu.memref_squeeze %dma_wait3A_337 : memref<1x160x128xf32, #tpu.memory_space<vmem>> -> memref<160x128xf32, #tpu.memory_space<vmem>>
      %dma_wait3A_339 = arith.constant 0 : i32
      %dma_wait3A_340 = tpu.memref_slice %arg5[%dma_wait3A_331, %dma_wait3A_332, %dma_wait3A_333, %dma_wait3A_339] : memref<4x2x1x160xi32, #tpu.memory_space<vmem>> -> memref<1x1x1x160xi32, #tpu.memory_space<vmem>>
      %dma_wait3A_341 = tpu.memref_squeeze %dma_wait3A_340 : memref<1x1x1x160xi32, #tpu.memory_space<vmem>> -> memref<160xi32, #tpu.memory_space<vmem>>
      %dma_wait3A_342 = arith.constant 0 : i32
      %dma_wait3A_343 = arith.constant 0 : i32
      %dma_wait3A_344 = tpu.memref_slice %arg2[%dma_wait3A_342, %dma_wait3A_343] : memref<10240x128xf32, #tpu.memory_space<hbm>> -> memref<10240x128xf32, #tpu.memory_space<hbm>>
      tpu.wait_indirect_dma semaphore(%arg13 : memref<!tpu.dma_semaphore, #tpu.memory_space<semaphore_mem>>) src(%dma_wait3A_344 : memref<10240x128xf32, #tpu.memory_space<hbm>>) dst(%dma_wait3A_338 : memref<160x128xf32, #tpu.memory_space<vmem>>)
      %run_scoped3A_345 = arith.constant 1 : i32
      %run_scoped3A_346 = arith.constant 1 : i32
      %run_scoped3A_347 = arith.constant 1 : i32
      %run_scoped3A_348 = arith.constant 0 : i32
      "tpu.region"() ({
        %run_scoped3A_573 = tpu.sem_alloc : memref<!tpu.dma_semaphore, #tpu.memory_space<semaphore_mem>>
        %dma_start3A_574 = arith.constant 0 : i32
        %dma_start3A_575 = arith.constant 0 : i32
        %dma_start3A_576 = tpu.memref_slice %arg6[%run_scoped3A_345, %dma_start3A_574, %dma_start3A_575] : memref<2x160x128xf32, #tpu.memory_space<vmem>> -> memref<1x160x128xf32, #tpu.memory_space<vmem>>
        %dma_start3A_577 = tpu.memref_squeeze %dma_start3A_576 : memref<1x160x128xf32, #tpu.memory_space<vmem>> -> memref<160x128xf32, #tpu.memory_space<vmem>>
        %dma_start3A_578 = arith.constant 0 : i32
        %dma_start3A_579 = tpu.memref_slice %arg5[%run_scoped3A_346, %run_scoped3A_347, %run_scoped3A_348, %dma_start3A_578] : memref<4x2x1x160xi32, #tpu.memory_space<vmem>> -> memref<1x1x1x160xi32, #tpu.memory_space<vmem>>
        %dma_start3A_580 = tpu.memref_squeeze %dma_start3A_579 : memref<1x1x1x160xi32, #tpu.memory_space<vmem>> -> memref<160xi32, #tpu.memory_space<vmem>>
        %dma_start3A_581 = arith.constant 0 : i32
        %dma_start3A_582 = arith.constant 0 : i32
        %dma_start3A_583 = tpu.memref_slice %arg7[%dma_start3A_581, %dma_start3A_582] : memref<10240x128xf32, #tpu.memory_space<vmem_shared>> -> memref<10240x128xf32, #tpu.memory_space<vmem_shared>>
        tpu.enqueue_indirect_dma source(%dma_start3A_577 : memref<160x128xf32, #tpu.memory_space<vmem>>) target(%dma_start3A_583 : memref<10240x128xf32, #tpu.memory_space<vmem_shared>>) offsets(%dma_start3A_580 : memref<160xi32, #tpu.memory_space<vmem>>) semaphore(%run_scoped3A_573 : memref<!tpu.dma_semaphore, #tpu.memory_space<semaphore_mem>>) {add = true}
        %dma_wait3A_584 = arith.constant 0 : i32
        %dma_wait3A_585 = arith.constant 0 : i32
        %dma_wait3A_586 = tpu.memref_slice %arg6[%run_scoped3A_345, %dma_wait3A_584, %dma_wait3A_585] : memref<2x160x128xf32, #tpu.memory_space<vmem>> -> memref<1x160x128xf32, #tpu.memory_space<vmem>>
        %dma_wait3A_587 = tpu.memref_squeeze %dma_wait3A_586 : memref<1x160x128xf32, #tpu.memory_space<vmem>> -> memref<160x128xf32, #tpu.memory_space<vmem>>
        %dma_wait3A_588 = arith.constant 0 : i32
        %dma_wait3A_589 = tpu.memref_slice %arg5[%run_scoped3A_346, %run_scoped3A_347, %run_scoped3A_348, %dma_wait3A_588] : memref<4x2x1x160xi32, #tpu.memory_space<vmem>> -> memref<1x1x1x160xi32, #tpu.memory_space<vmem>>
        %dma_wait3A_590 = tpu.memref_squeeze %dma_wait3A_589 : memref<1x1x1x160xi32, #tpu.memory_space<vmem>> -> memref<160xi32, #tpu.memory_space<vmem>>
        %dma_wait3A_591 = arith.constant 0 : i32
        %dma_wait3A_592 = arith.constant 0 : i32
        %dma_wait3A_593 = tpu.memref_slice %arg7[%dma_wait3A_591, %dma_wait3A_592] : memref<10240x128xf32, #tpu.memory_space<vmem_shared>> -> memref<10240x128xf32, #tpu.memory_space<vmem_shared>>
        tpu.wait_indirect_dma semaphore(%run_scoped3A_573 : memref<!tpu.dma_semaphore, #tpu.memory_space<semaphore_mem>>) src(%dma_wait3A_587 : memref<160x128xf32, #tpu.memory_space<vmem>>) dst(%dma_wait3A_593 : memref<10240x128xf32, #tpu.memory_space<vmem_shared>>)
        tpu.yield
      }) : () -> ()
      %add3A_349 = arith.constant 4 : i32
      %add3A_350 = arith.addi %add3A_330, %add3A_349 : i32
      %dma_start3A_351 = arith.constant 1 : i32
      %dma_start3A_352 = arith.constant 0 : i32
      %dma_start3A_353 = arith.constant 0 : i32
      %dma_start3A_354 = arith.constant 0 : i32
      %dma_start3A_355 = tpu.memref_slice %arg5[%dma_start3A_351, %dma_start3A_352, %dma_start3A_353, %dma_start3A_354] : memref<4x2x1x160xi32, #tpu.memory_space<vmem>> -> memref<1x2x1x160xi32, #tpu.memory_space<vmem>>
      %dma_start3A_356 = tpu.memref_squeeze %dma_start3A_355 : memref<1x2x1x160xi32, #tpu.memory_space<vmem>> -> memref<2x1x160xi32, #tpu.memory_space<vmem>>
      %dma_start3A_357 = arith.constant 0 : i32
      %dma_start3A_358 = arith.constant 0 : i32
      %dma_start3A_359 = arith.constant 0 : i32
      %dma_start3A_360 = tpu.memref_slice %arg3[%add3A, %add3A_350, %dma_start3A_357, %dma_start3A_358, %dma_start3A_359] : memref<32x68x2x1x160xi32, #tpu.memory_space<hbm>> -> memref<1x1x2x1x160xi32, #tpu.memory_space<hbm>>
      %dma_start3A_361 = tpu.memref_squeeze %dma_start3A_360 : memref<1x1x2x1x160xi32, #tpu.memory_space<hbm>> -> memref<2x1x160xi32, #tpu.memory_space<hbm>>
      %dma_start3A_362 = arith.constant 0 : i32
      %dma_start3A_363 = arith.constant 0 : i32
      %dma_start3A_364 = arith.constant 0 : i32
      %dma_start3A_365 = tpu.memref_slice %arg5[%dma_start3A_351, %dma_start3A_362, %dma_start3A_363, %dma_start3A_364] : memref<4x2x1x160xi32, #tpu.memory_space<vmem>> -> memref<1x2x1x160xi32, #tpu.memory_space<vmem>>
      %dma_start3A_366 = tpu.memref_squeeze %dma_start3A_365 : memref<1x2x1x160xi32, #tpu.memory_space<vmem>> -> memref<2x1x160xi32, #tpu.memory_space<vmem>>
      %dma_start3A_367 = arith.constant 0 : i32
      %dma_start3A_368 = arith.constant 0 : i32
      %dma_start3A_369 = arith.constant 0 : i32
      %dma_start3A_370 = tpu.memref_slice %arg3[%add3A, %add3A_350, %dma_start3A_367, %dma_start3A_368, %dma_start3A_369] : memref<32x68x2x1x160xi32, #tpu.memory_space<hbm>> -> memref<1x1x2x1x160xi32, #tpu.memory_space<hbm>>
      %dma_start3A_371 = tpu.memref_squeeze %dma_start3A_370 : memref<1x1x2x1x160xi32, #tpu.memory_space<hbm>> -> memref<2x1x160xi32, #tpu.memory_space<hbm>>
      tpu.enqueue_dma source(%dma_start3A_371 : memref<2x1x160xi32, #tpu.memory_space<hbm>>) target(%dma_start3A_366 : memref<2x1x160xi32, #tpu.memory_space<vmem>>) target_semaphore(%arg9 : memref<!tpu.dma_semaphore, #tpu.memory_space<semaphore_mem>>)
      %add3A_372 = arith.constant 2 : i32
      %add3A_373 = arith.addi %add3A_330, %add3A_372 : i32
      %dma_wait3A_374 = arith.constant 3 : i32
      %dma_wait3A_375 = arith.constant 0 : i32
      %dma_wait3A_376 = arith.constant 0 : i32
      %dma_wait3A_377 = arith.constant 0 : i32
      %dma_wait3A_378 = tpu.memref_slice %arg5[%dma_wait3A_374, %dma_wait3A_375, %dma_wait3A_376, %dma_wait3A_377] : memref<4x2x1x160xi32, #tpu.memory_space<vmem>> -> memref<1x2x1x160xi32, #tpu.memory_space<vmem>>
      %dma_wait3A_379 = tpu.memref_squeeze %dma_wait3A_378 : memref<1x2x1x160xi32, #tpu.memory_space<vmem>> -> memref<2x1x160xi32, #tpu.memory_space<vmem>>
      %dma_wait3A_380 = arith.constant 0 : i32
      %dma_wait3A_381 = arith.constant 0 : i32
      %dma_wait3A_382 = arith.constant 0 : i32
      %dma_wait3A_383 = tpu.memref_slice %arg3[%add3A, %add3A_373, %dma_wait3A_380, %dma_wait3A_381, %dma_wait3A_382] : memref<32x68x2x1x160xi32, #tpu.memory_space<hbm>> -> memref<1x1x2x1x160xi32, #tpu.memory_space<hbm>>
      %dma_wait3A_384 = tpu.memref_squeeze %dma_wait3A_383 : memref<1x1x2x1x160xi32, #tpu.memory_space<hbm>> -> memref<2x1x160xi32, #tpu.memory_space<hbm>>
      %dma_wait3A_385 = arith.constant 0 : i32
      %dma_wait3A_386 = arith.constant 0 : i32
      %dma_wait3A_387 = arith.constant 0 : i32
      %dma_wait3A_388 = tpu.memref_slice %arg5[%dma_wait3A_374, %dma_wait3A_385, %dma_wait3A_386, %dma_wait3A_387] : memref<4x2x1x160xi32, #tpu.memory_space<vmem>> -> memref<1x2x1x160xi32, #tpu.memory_space<vmem>>
      %dma_wait3A_389 = tpu.memref_squeeze %dma_wait3A_388 : memref<1x2x1x160xi32, #tpu.memory_space<vmem>> -> memref<2x1x160xi32, #tpu.memory_space<vmem>>
      %dma_wait3A_390 = arith.constant 0 : i32
      %dma_wait3A_391 = arith.constant 0 : i32
      %dma_wait3A_392 = arith.constant 0 : i32
      %dma_wait3A_393 = tpu.memref_slice %arg3[%add3A, %add3A_373, %dma_wait3A_390, %dma_wait3A_391, %dma_wait3A_392] : memref<32x68x2x1x160xi32, #tpu.memory_space<hbm>> -> memref<1x1x2x1x160xi32, #tpu.memory_space<hbm>>
      %dma_wait3A_394 = tpu.memref_squeeze %dma_wait3A_393 : memref<1x1x2x1x160xi32, #tpu.memory_space<hbm>> -> memref<2x1x160xi32, #tpu.memory_space<hbm>>
      tpu.wait_dma2 semaphore(%arg11 : memref<!tpu.dma_semaphore, #tpu.memory_space<semaphore_mem>>) src(%dma_wait3A_394 : memref<2x1x160xi32, #tpu.memory_space<hbm>>) dst(%dma_wait3A_389 : memref<2x1x160xi32, #tpu.memory_space<vmem>>)
      %dma_start3A_395 = arith.constant 3 : i32
      %dma_start3A_396 = arith.constant 0 : i32
      %dma_start3A_397 = arith.constant 0 : i32
      %dma_start3A_398 = arith.constant 1 : i32
      %dma_start3A_399 = arith.constant 0 : i32
      %dma_start3A_400 = arith.constant 0 : i32
      %dma_start3A_401 = tpu.memref_slice %arg6[%dma_start3A_398, %dma_start3A_399, %dma_start3A_400] : memref<2x160x128xf32, #tpu.memory_space<vmem>> -> memref<1x160x128xf32, #tpu.memory_space<vmem>>
      %dma_start3A_402 = tpu.memref_squeeze %dma_start3A_401 : memref<1x160x128xf32, #tpu.memory_space<vmem>> -> memref<160x128xf32, #tpu.memory_space<vmem>>
      %dma_start3A_403 = arith.constant 0 : i32
      %dma_start3A_404 = tpu.memref_slice %arg5[%dma_start3A_395, %dma_start3A_396, %dma_start3A_397, %dma_start3A_403] : memref<4x2x1x160xi32, #tpu.memory_space<vmem>> -> memref<1x1x1x160xi32, #tpu.memory_space<vmem>>
      %dma_start3A_405 = tpu.memref_squeeze %dma_start3A_404 : memref<1x1x1x160xi32, #tpu.memory_space<vmem>> -> memref<160xi32, #tpu.memory_space<vmem>>
      %dma_start3A_406 = arith.constant 0 : i32
      %dma_start3A_407 = arith.constant 0 : i32
      %dma_start3A_408 = tpu.memref_slice %arg2[%dma_start3A_406, %dma_start3A_407] : memref<10240x128xf32, #tpu.memory_space<hbm>> -> memref<10240x128xf32, #tpu.memory_space<hbm>>
      tpu.enqueue_indirect_dma source(%dma_start3A_408 : memref<10240x128xf32, #tpu.memory_space<hbm>>) target(%dma_start3A_402 : memref<160x128xf32, #tpu.memory_space<vmem>>) offsets(%dma_start3A_405 : memref<160xi32, #tpu.memory_space<vmem>>) semaphore(%arg13 : memref<!tpu.dma_semaphore, #tpu.memory_space<semaphore_mem>>)
      %mul3A_409 = arith.constant 4 : i32
      %mul3A_410 = arith.muli %mul3A_409, %scan3A_245 : i32
      %add3A_411 = arith.constant 2 : i32
      %add3A_412 = arith.addi %mul3A_410, %add3A_411 : i32
      %dma_wait3A_413 = arith.constant 2 : i32
      %dma_wait3A_414 = arith.constant 0 : i32
      %dma_wait3A_415 = arith.constant 0 : i32
      %dma_wait3A_416 = arith.constant 0 : i32
      %dma_wait3A_417 = arith.constant 0 : i32
      %dma_wait3A_418 = arith.constant 0 : i32
      %dma_wait3A_419 = tpu.memref_slice %arg6[%dma_wait3A_416, %dma_wait3A_417, %dma_wait3A_418] : memref<2x160x128xf32, #tpu.memory_space<vmem>> -> memref<1x160x128xf32, #tpu.memory_space<vmem>>
      %dma_wait3A_420 = tpu.memref_squeeze %dma_wait3A_419 : memref<1x160x128xf32, #tpu.memory_space<vmem>> -> memref<160x128xf32, #tpu.memory_space<vmem>>
      %dma_wait3A_421 = arith.constant 0 : i32
      %dma_wait3A_422 = tpu.memref_slice %arg5[%dma_wait3A_413, %dma_wait3A_414, %dma_wait3A_415, %dma_wait3A_421] : memref<4x2x1x160xi32, #tpu.memory_space<vmem>> -> memref<1x1x1x160xi32, #tpu.memory_space<vmem>>
      %dma_wait3A_423 = tpu.memref_squeeze %dma_wait3A_422 : memref<1x1x1x160xi32, #tpu.memory_space<vmem>> -> memref<160xi32, #tpu.memory_space<vmem>>
      %dma_wait3A_424 = arith.constant 0 : i32
      %dma_wait3A_425 = arith.constant 0 : i32
      %dma_wait3A_426 = tpu.memref_slice %arg2[%dma_wait3A_424, %dma_wait3A_425] : memref<10240x128xf32, #tpu.memory_space<hbm>> -> memref<10240x128xf32, #tpu.memory_space<hbm>>
      tpu.wait_indirect_dma semaphore(%arg12 : memref<!tpu.dma_semaphore, #tpu.memory_space<semaphore_mem>>) src(%dma_wait3A_426 : memref<10240x128xf32, #tpu.memory_space<hbm>>) dst(%dma_wait3A_420 : memref<160x128xf32, #tpu.memory_space<vmem>>)
      %run_scoped3A_427 = arith.constant 0 : i32
      %run_scoped3A_428 = arith.constant 2 : i32
      %run_scoped3A_429 = arith.constant 1 : i32
      %run_scoped3A_430 = arith.constant 0 : i32
      "tpu.region"() ({
        %run_scoped3A_573 = tpu.sem_alloc : memref<!tpu.dma_semaphore, #tpu.memory_space<semaphore_mem>>
        %dma_start3A_574 = arith.constant 0 : i32
        %dma_start3A_575 = arith.constant 0 : i32
        %dma_start3A_576 = tpu.memref_slice %arg6[%run_scoped3A_427, %dma_start3A_574, %dma_start3A_575] : memref<2x160x128xf32, #tpu.memory_space<vmem>> -> memref<1x160x128xf32, #tpu.memory_space<vmem>>
        %dma_start3A_577 = tpu.memref_squeeze %dma_start3A_576 : memref<1x160x128xf32, #tpu.memory_space<vmem>> -> memref<160x128xf32, #tpu.memory_space<vmem>>
        %dma_start3A_578 = arith.constant 0 : i32
        %dma_start3A_579 = tpu.memref_slice %arg5[%run_scoped3A_428, %run_scoped3A_429, %run_scoped3A_430, %dma_start3A_578] : memref<4x2x1x160xi32, #tpu.memory_space<vmem>> -> memref<1x1x1x160xi32, #tpu.memory_space<vmem>>
        %dma_start3A_580 = tpu.memref_squeeze %dma_start3A_579 : memref<1x1x1x160xi32, #tpu.memory_space<vmem>> -> memref<160xi32, #tpu.memory_space<vmem>>
        %dma_start3A_581 = arith.constant 0 : i32
        %dma_start3A_582 = arith.constant 0 : i32
        %dma_start3A_583 = tpu.memref_slice %arg7[%dma_start3A_581, %dma_start3A_582] : memref<10240x128xf32, #tpu.memory_space<vmem_shared>> -> memref<10240x128xf32, #tpu.memory_space<vmem_shared>>
        tpu.enqueue_indirect_dma source(%dma_start3A_577 : memref<160x128xf32, #tpu.memory_space<vmem>>) target(%dma_start3A_583 : memref<10240x128xf32, #tpu.memory_space<vmem_shared>>) offsets(%dma_start3A_580 : memref<160xi32, #tpu.memory_space<vmem>>) semaphore(%run_scoped3A_573 : memref<!tpu.dma_semaphore, #tpu.memory_space<semaphore_mem>>) {add = true}
        %dma_wait3A_584 = arith.constant 0 : i32
        %dma_wait3A_585 = arith.constant 0 : i32
        %dma_wait3A_586 = tpu.memref_slice %arg6[%run_scoped3A_427, %dma_wait3A_584, %dma_wait3A_585] : memref<2x160x128xf32, #tpu.memory_space<vmem>> -> memref<1x160x128xf32, #tpu.memory_space<vmem>>
        %dma_wait3A_587 = tpu.memref_squeeze %dma_wait3A_586 : memref<1x160x128xf32, #tpu.memory_space<vmem>> -> memref<160x128xf32, #tpu.memory_space<vmem>>
        %dma_wait3A_588 = arith.constant 0 : i32
        %dma_wait3A_589 = tpu.memref_slice %arg5[%run_scoped3A_428, %run_scoped3A_429, %run_scoped3A_430, %dma_wait3A_588] : memref<4x2x1x160xi32, #tpu.memory_space<vmem>> -> memref<1x1x1x160xi32, #tpu.memory_space<vmem>>
        %dma_wait3A_590 = tpu.memref_squeeze %dma_wait3A_589 : memref<1x1x1x160xi32, #tpu.memory_space<vmem>> -> memref<160xi32, #tpu.memory_space<vmem>>
        %dma_wait3A_591 = arith.constant 0 : i32
        %dma_wait3A_592 = arith.constant 0 : i32
        %dma_wait3A_593 = tpu.memref_slice %arg7[%dma_wait3A_591, %dma_wait3A_592] : memref<10240x128xf32, #tpu.memory_space<vmem_shared>> -> memref<10240x128xf32, #tpu.memory_space<vmem_shared>>
        tpu.wait_indirect_dma semaphore(%run_scoped3A_573 : memref<!tpu.dma_semaphore, #tpu.memory_space<semaphore_mem>>) src(%dma_wait3A_587 : memref<160x128xf32, #tpu.memory_space<vmem>>) dst(%dma_wait3A_593 : memref<10240x128xf32, #tpu.memory_space<vmem_shared>>)
        tpu.yield
      }) : () -> ()
      %add3A_431 = arith.constant 4 : i32
      %add3A_432 = arith.addi %add3A_412, %add3A_431 : i32
      %dma_start3A_433 = arith.constant 2 : i32
      %dma_start3A_434 = arith.constant 0 : i32
      %dma_start3A_435 = arith.constant 0 : i32
      %dma_start3A_436 = arith.constant 0 : i32
      %dma_start3A_437 = tpu.memref_slice %arg5[%dma_start3A_433, %dma_start3A_434, %dma_start3A_435, %dma_start3A_436] : memref<4x2x1x160xi32, #tpu.memory_space<vmem>> -> memref<1x2x1x160xi32, #tpu.memory_space<vmem>>
      %dma_start3A_438 = tpu.memref_squeeze %dma_start3A_437 : memref<1x2x1x160xi32, #tpu.memory_space<vmem>> -> memref<2x1x160xi32, #tpu.memory_space<vmem>>
      %dma_start3A_439 = arith.constant 0 : i32
      %dma_start3A_440 = arith.constant 0 : i32
      %dma_start3A_441 = arith.constant 0 : i32
      %dma_start3A_442 = tpu.memref_slice %arg3[%add3A, %add3A_432, %dma_start3A_439, %dma_start3A_440, %dma_start3A_441] : memref<32x68x2x1x160xi32, #tpu.memory_space<hbm>> -> memref<1x1x2x1x160xi32, #tpu.memory_space<hbm>>
      %dma_start3A_443 = tpu.memref_squeeze %dma_start3A_442 : memref<1x1x2x1x160xi32, #tpu.memory_space<hbm>> -> memref<2x1x160xi32, #tpu.memory_space<hbm>>
      %dma_start3A_444 = arith.constant 0 : i32
      %dma_start3A_445 = arith.constant 0 : i32
      %dma_start3A_446 = arith.constant 0 : i32
      %dma_start3A_447 = tpu.memref_slice %arg5[%dma_start3A_433, %dma_start3A_444, %dma_start3A_445, %dma_start3A_446] : memref<4x2x1x160xi32, #tpu.memory_space<vmem>> -> memref<1x2x1x160xi32, #tpu.memory_space<vmem>>
      %dma_start3A_448 = tpu.memref_squeeze %dma_start3A_447 : memref<1x2x1x160xi32, #tpu.memory_space<vmem>> -> memref<2x1x160xi32, #tpu.memory_space<vmem>>
      %dma_start3A_449 = arith.constant 0 : i32
      %dma_start3A_450 = arith.constant 0 : i32
      %dma_start3A_451 = arith.constant 0 : i32
      %dma_start3A_452 = tpu.memref_slice %arg3[%add3A, %add3A_432, %dma_start3A_449, %dma_start3A_450, %dma_start3A_451] : memref<32x68x2x1x160xi32, #tpu.memory_space<hbm>> -> memref<1x1x2x1x160xi32, #tpu.memory_space<hbm>>
      %dma_start3A_453 = tpu.memref_squeeze %dma_start3A_452 : memref<1x1x2x1x160xi32, #tpu.memory_space<hbm>> -> memref<2x1x160xi32, #tpu.memory_space<hbm>>
      tpu.enqueue_dma source(%dma_start3A_453 : memref<2x1x160xi32, #tpu.memory_space<hbm>>) target(%dma_start3A_448 : memref<2x1x160xi32, #tpu.memory_space<vmem>>) target_semaphore(%arg10 : memref<!tpu.dma_semaphore, #tpu.memory_space<semaphore_mem>>)
      %add3A_454 = arith.constant 2 : i32
      %add3A_455 = arith.addi %add3A_412, %add3A_454 : i32
      %dma_wait3A_456 = arith.constant 0 : i32
      %dma_wait3A_457 = arith.constant 0 : i32
      %dma_wait3A_458 = arith.constant 0 : i32
      %dma_wait3A_459 = arith.constant 0 : i32
      %dma_wait3A_460 = tpu.memref_slice %arg5[%dma_wait3A_456, %dma_wait3A_457, %dma_wait3A_458, %dma_wait3A_459] : memref<4x2x1x160xi32, #tpu.memory_space<vmem>> -> memref<1x2x1x160xi32, #tpu.memory_space<vmem>>
      %dma_wait3A_461 = tpu.memref_squeeze %dma_wait3A_460 : memref<1x2x1x160xi32, #tpu.memory_space<vmem>> -> memref<2x1x160xi32, #tpu.memory_space<vmem>>
      %dma_wait3A_462 = arith.constant 0 : i32
      %dma_wait3A_463 = arith.constant 0 : i32
      %dma_wait3A_464 = arith.constant 0 : i32
      %dma_wait3A_465 = tpu.memref_slice %arg3[%add3A, %add3A_455, %dma_wait3A_462, %dma_wait3A_463, %dma_wait3A_464] : memref<32x68x2x1x160xi32, #tpu.memory_space<hbm>> -> memref<1x1x2x1x160xi32, #tpu.memory_space<hbm>>
      %dma_wait3A_466 = tpu.memref_squeeze %dma_wait3A_465 : memref<1x1x2x1x160xi32, #tpu.memory_space<hbm>> -> memref<2x1x160xi32, #tpu.memory_space<hbm>>
      %dma_wait3A_467 = arith.constant 0 : i32
      %dma_wait3A_468 = arith.constant 0 : i32
      %dma_wait3A_469 = arith.constant 0 : i32
      %dma_wait3A_470 = tpu.memref_slice %arg5[%dma_wait3A_456, %dma_wait3A_467, %dma_wait3A_468, %dma_wait3A_469] : memref<4x2x1x160xi32, #tpu.memory_space<vmem>> -> memref<1x2x1x160xi32, #tpu.memory_space<vmem>>
      %dma_wait3A_471 = tpu.memref_squeeze %dma_wait3A_470 : memref<1x2x1x160xi32, #tpu.memory_space<vmem>> -> memref<2x1x160xi32, #tpu.memory_space<vmem>>
      %dma_wait3A_472 = arith.constant 0 : i32
      %dma_wait3A_473 = arith.constant 0 : i32
      %dma_wait3A_474 = arith.constant 0 : i32
      %dma_wait3A_475 = tpu.memref_slice %arg3[%add3A, %add3A_455, %dma_wait3A_472, %dma_wait3A_473, %dma_wait3A_474] : memref<32x68x2x1x160xi32, #tpu.memory_space<hbm>> -> memref<1x1x2x1x160xi32, #tpu.memory_space<hbm>>
      %dma_wait3A_476 = tpu.memref_squeeze %dma_wait3A_475 : memref<1x1x2x1x160xi32, #tpu.memory_space<hbm>> -> memref<2x1x160xi32, #tpu.memory_space<hbm>>
      tpu.wait_dma2 semaphore(%arg8 : memref<!tpu.dma_semaphore, #tpu.memory_space<semaphore_mem>>) src(%dma_wait3A_476 : memref<2x1x160xi32, #tpu.memory_space<hbm>>) dst(%dma_wait3A_471 : memref<2x1x160xi32, #tpu.memory_space<vmem>>)
      %dma_start3A_477 = arith.constant 0 : i32
      %dma_start3A_478 = arith.constant 0 : i32
      %dma_start3A_479 = arith.constant 0 : i32
      %dma_start3A_480 = arith.constant 0 : i32
      %dma_start3A_481 = arith.constant 0 : i32
      %dma_start3A_482 = arith.constant 0 : i32
      %dma_start3A_483 = tpu.memref_slice %arg6[%dma_start3A_480, %dma_start3A_481, %dma_start3A_482] : memref<2x160x128xf32, #tpu.memory_space<vmem>> -> memref<1x160x128xf32, #tpu.memory_space<vmem>>
      %dma_start3A_484 = tpu.memref_squeeze %dma_start3A_483 : memref<1x160x128xf32, #tpu.memory_space<vmem>> -> memref<160x128xf32, #tpu.memory_space<vmem>>
      %dma_start3A_485 = arith.constant 0 : i32
      %dma_start3A_486 = tpu.memref_slice %arg5[%dma_start3A_477, %dma_start3A_478, %dma_start3A_479, %dma_start3A_485] : memref<4x2x1x160xi32, #tpu.memory_space<vmem>> -> memref<1x1x1x160xi32, #tpu.memory_space<vmem>>
      %dma_start3A_487 = tpu.memref_squeeze %dma_start3A_486 : memref<1x1x1x160xi32, #tpu.memory_space<vmem>> -> memref<160xi32, #tpu.memory_space<vmem>>
      %dma_start3A_488 = arith.constant 0 : i32
      %dma_start3A_489 = arith.constant 0 : i32
      %dma_start3A_490 = tpu.memref_slice %arg2[%dma_start3A_488, %dma_start3A_489] : memref<10240x128xf32, #tpu.memory_space<hbm>> -> memref<10240x128xf32, #tpu.memory_space<hbm>>
      tpu.enqueue_indirect_dma source(%dma_start3A_490 : memref<10240x128xf32, #tpu.memory_space<hbm>>) target(%dma_start3A_484 : memref<160x128xf32, #tpu.memory_space<vmem>>) offsets(%dma_start3A_487 : memref<160xi32, #tpu.memory_space<vmem>>) semaphore(%arg12 : memref<!tpu.dma_semaphore, #tpu.memory_space<semaphore_mem>>)
      %mul3A_491 = arith.constant 4 : i32
      %mul3A_492 = arith.muli %mul3A_491, %scan3A_245 : i32
      %add3A_493 = arith.constant 3 : i32
      %add3A_494 = arith.addi %mul3A_492, %add3A_493 : i32
      %dma_wait3A_495 = arith.constant 3 : i32
      %dma_wait3A_496 = arith.constant 0 : i32
      %dma_wait3A_497 = arith.constant 0 : i32
      %dma_wait3A_498 = arith.constant 1 : i32
      %dma_wait3A_499 = arith.constant 0 : i32
      %dma_wait3A_500 = arith.constant 0 : i32
      %dma_wait3A_501 = tpu.memref_slice %arg6[%dma_wait3A_498, %dma_wait3A_499, %dma_wait3A_500] : memref<2x160x128xf32, #tpu.memory_space<vmem>> -> memref<1x160x128xf32, #tpu.memory_space<vmem>>
      %dma_wait3A_502 = tpu.memref_squeeze %dma_wait3A_501 : memref<1x160x128xf32, #tpu.memory_space<vmem>> -> memref<160x128xf32, #tpu.memory_space<vmem>>
      %dma_wait3A_503 = arith.constant 0 : i32
      %dma_wait3A_504 = tpu.memref_slice %arg5[%dma_wait3A_495, %dma_wait3A_496, %dma_wait3A_497, %dma_wait3A_503] : memref<4x2x1x160xi32, #tpu.memory_space<vmem>> -> memref<1x1x1x160xi32, #tpu.memory_space<vmem>>
      %dma_wait3A_505 = tpu.memref_squeeze %dma_wait3A_504 : memref<1x1x1x160xi32, #tpu.memory_space<vmem>> -> memref<160xi32, #tpu.memory_space<vmem>>
      %dma_wait3A_506 = arith.constant 0 : i32
      %dma_wait3A_507 = arith.constant 0 : i32
      %dma_wait3A_508 = tpu.memref_slice %arg2[%dma_wait3A_506, %dma_wait3A_507] : memref<10240x128xf32, #tpu.memory_space<hbm>> -> memref<10240x128xf32, #tpu.memory_space<hbm>>
      tpu.wait_indirect_dma semaphore(%arg13 : memref<!tpu.dma_semaphore, #tpu.memory_space<semaphore_mem>>) src(%dma_wait3A_508 : memref<10240x128xf32, #tpu.memory_space<hbm>>) dst(%dma_wait3A_502 : memref<160x128xf32, #tpu.memory_space<vmem>>)
      %run_scoped3A_509 = arith.constant 1 : i32
      %run_scoped3A_510 = arith.constant 3 : i32
      %run_scoped3A_511 = arith.constant 1 : i32
      %run_scoped3A_512 = arith.constant 0 : i32
      "tpu.region"() ({
        %run_scoped3A_573 = tpu.sem_alloc : memref<!tpu.dma_semaphore, #tpu.memory_space<semaphore_mem>>
        %dma_start3A_574 = arith.constant 0 : i32
        %dma_start3A_575 = arith.constant 0 : i32
        %dma_start3A_576 = tpu.memref_slice %arg6[%run_scoped3A_509, %dma_start3A_574, %dma_start3A_575] : memref<2x160x128xf32, #tpu.memory_space<vmem>> -> memref<1x160x128xf32, #tpu.memory_space<vmem>>
        %dma_start3A_577 = tpu.memref_squeeze %dma_start3A_576 : memref<1x160x128xf32, #tpu.memory_space<vmem>> -> memref<160x128xf32, #tpu.memory_space<vmem>>
        %dma_start3A_578 = arith.constant 0 : i32
        %dma_start3A_579 = tpu.memref_slice %arg5[%run_scoped3A_510, %run_scoped3A_511, %run_scoped3A_512, %dma_start3A_578] : memref<4x2x1x160xi32, #tpu.memory_space<vmem>> -> memref<1x1x1x160xi32, #tpu.memory_space<vmem>>
        %dma_start3A_580 = tpu.memref_squeeze %dma_start3A_579 : memref<1x1x1x160xi32, #tpu.memory_space<vmem>> -> memref<160xi32, #tpu.memory_space<vmem>>
        %dma_start3A_581 = arith.constant 0 : i32
        %dma_start3A_582 = arith.constant 0 : i32
        %dma_start3A_583 = tpu.memref_slice %arg7[%dma_start3A_581, %dma_start3A_582] : memref<10240x128xf32, #tpu.memory_space<vmem_shared>> -> memref<10240x128xf32, #tpu.memory_space<vmem_shared>>
        tpu.enqueue_indirect_dma source(%dma_start3A_577 : memref<160x128xf32, #tpu.memory_space<vmem>>) target(%dma_start3A_583 : memref<10240x128xf32, #tpu.memory_space<vmem_shared>>) offsets(%dma_start3A_580 : memref<160xi32, #tpu.memory_space<vmem>>) semaphore(%run_scoped3A_573 : memref<!tpu.dma_semaphore, #tpu.memory_space<semaphore_mem>>) {add = true}
        %dma_wait3A_584 = arith.constant 0 : i32
        %dma_wait3A_585 = arith.constant 0 : i32
        %dma_wait3A_586 = tpu.memref_slice %arg6[%run_scoped3A_509, %dma_wait3A_584, %dma_wait3A_585] : memref<2x160x128xf32, #tpu.memory_space<vmem>> -> memref<1x160x128xf32, #tpu.memory_space<vmem>>
        %dma_wait3A_587 = tpu.memref_squeeze %dma_wait3A_586 : memref<1x160x128xf32, #tpu.memory_space<vmem>> -> memref<160x128xf32, #tpu.memory_space<vmem>>
        %dma_wait3A_588 = arith.constant 0 : i32
        %dma_wait3A_589 = tpu.memref_slice %arg5[%run_scoped3A_510, %run_scoped3A_511, %run_scoped3A_512, %dma_wait3A_588] : memref<4x2x1x160xi32, #tpu.memory_space<vmem>> -> memref<1x1x1x160xi32, #tpu.memory_space<vmem>>
        %dma_wait3A_590 = tpu.memref_squeeze %dma_wait3A_589 : memref<1x1x1x160xi32, #tpu.memory_space<vmem>> -> memref<160xi32, #tpu.memory_space<vmem>>
        %dma_wait3A_591 = arith.constant 0 : i32
        %dma_wait3A_592 = arith.constant 0 : i32
        %dma_wait3A_593 = tpu.memref_slice %arg7[%dma_wait3A_591, %dma_wait3A_592] : memref<10240x128xf32, #tpu.memory_space<vmem_shared>> -> memref<10240x128xf32, #tpu.memory_space<vmem_shared>>
        tpu.wait_indirect_dma semaphore(%run_scoped3A_573 : memref<!tpu.dma_semaphore, #tpu.memory_space<semaphore_mem>>) src(%dma_wait3A_587 : memref<160x128xf32, #tpu.memory_space<vmem>>) dst(%dma_wait3A_593 : memref<10240x128xf32, #tpu.memory_space<vmem_shared>>)
        tpu.yield
      }) : () -> ()
      %add3A_513 = arith.constant 4 : i32
      %add3A_514 = arith.addi %add3A_494, %add3A_513 : i32
      %dma_start3A_515 = arith.constant 3 : i32
      %dma_start3A_516 = arith.constant 0 : i32
      %dma_start3A_517 = arith.constant 0 : i32
      %dma_start3A_518 = arith.constant 0 : i32
      %dma_start3A_519 = tpu.memref_slice %arg5[%dma_start3A_515, %dma_start3A_516, %dma_start3A_517, %dma_start3A_518] : memref<4x2x1x160xi32, #tpu.memory_space<vmem>> -> memref<1x2x1x160xi32, #tpu.memory_space<vmem>>
      %dma_start3A_520 = tpu.memref_squeeze %dma_start3A_519 : memref<1x2x1x160xi32, #tpu.memory_space<vmem>> -> memref<2x1x160xi32, #tpu.memory_space<vmem>>
      %dma_start3A_521 = arith.constant 0 : i32
      %dma_start3A_522 = arith.constant 0 : i32
      %dma_start3A_523 = arith.constant 0 : i32
      %dma_start3A_524 = tpu.memref_slice %arg3[%add3A, %add3A_514, %dma_start3A_521, %dma_start3A_522, %dma_start3A_523] : memref<32x68x2x1x160xi32, #tpu.memory_space<hbm>> -> memref<1x1x2x1x160xi32, #tpu.memory_space<hbm>>
      %dma_start3A_525 = tpu.memref_squeeze %dma_start3A_524 : memref<1x1x2x1x160xi32, #tpu.memory_space<hbm>> -> memref<2x1x160xi32, #tpu.memory_space<hbm>>
      %dma_start3A_526 = arith.constant 0 : i32
      %dma_start3A_527 = arith.constant 0 : i32
      %dma_start3A_528 = arith.constant 0 : i32
      %dma_start3A_529 = tpu.memref_slice %arg5[%dma_start3A_515, %dma_start3A_526, %dma_start3A_527, %dma_start3A_528] : memref<4x2x1x160xi32, #tpu.memory_space<vmem>> -> memref<1x2x1x160xi32, #tpu.memory_space<vmem>>
      %dma_start3A_530 = tpu.memref_squeeze %dma_start3A_529 : memref<1x2x1x160xi32, #tpu.memory_space<vmem>> -> memref<2x1x160xi32, #tpu.memory_space<vmem>>
      %dma_start3A_531 = arith.constant 0 : i32
      %dma_start3A_532 = arith.constant 0 : i32
      %dma_start3A_533 = arith.constant 0 : i32
      %dma_start3A_534 = tpu.memref_slice %arg3[%add3A, %add3A_514, %dma_start3A_531, %dma_start3A_532, %dma_start3A_533] : memref<32x68x2x1x160xi32, #tpu.memory_space<hbm>> -> memref<1x1x2x1x160xi32, #tpu.memory_space<hbm>>
      %dma_start3A_535 = tpu.memref_squeeze %dma_start3A_534 : memref<1x1x2x1x160xi32, #tpu.memory_space<hbm>> -> memref<2x1x160xi32, #tpu.memory_space<hbm>>
      tpu.enqueue_dma source(%dma_start3A_535 : memref<2x1x160xi32, #tpu.memory_space<hbm>>) target(%dma_start3A_530 : memref<2x1x160xi32, #tpu.memory_space<vmem>>) target_semaphore(%arg11 : memref<!tpu.dma_semaphore, #tpu.memory_space<semaphore_mem>>)
      %add3A_536 = arith.constant 2 : i32
      %add3A_537 = arith.addi %add3A_494, %add3A_536 : i32
      %dma_wait3A_538 = arith.constant 1 : i32
      %dma_wait3A_539 = arith.constant 0 : i32
      %dma_wait3A_540 = arith.constant 0 : i32
      %dma_wait3A_541 = arith.constant 0 : i32
      %dma_wait3A_542 = tpu.memref_slice %arg5[%dma_wait3A_538, %dma_wait3A_539, %dma_wait3A_540, %dma_wait3A_541] : memref<4x2x1x160xi32, #tpu.memory_space<vmem>> -> memref<1x2x1x160xi32, #tpu.memory_space<vmem>>
      %dma_wait3A_543 = tpu.memref_squeeze %dma_wait3A_542 : memref<1x2x1x160xi32, #tpu.memory_space<vmem>> -> memref<2x1x160xi32, #tpu.memory_space<vmem>>
      %dma_wait3A_544 = arith.constant 0 : i32
      %dma_wait3A_545 = arith.constant 0 : i32
      %dma_wait3A_546 = arith.constant 0 : i32
      %dma_wait3A_547 = tpu.memref_slice %arg3[%add3A, %add3A_537, %dma_wait3A_544, %dma_wait3A_545, %dma_wait3A_546] : memref<32x68x2x1x160xi32, #tpu.memory_space<hbm>> -> memref<1x1x2x1x160xi32, #tpu.memory_space<hbm>>
      %dma_wait3A_548 = tpu.memref_squeeze %dma_wait3A_547 : memref<1x1x2x1x160xi32, #tpu.memory_space<hbm>> -> memref<2x1x160xi32, #tpu.memory_space<hbm>>
      %dma_wait3A_549 = arith.constant 0 : i32
      %dma_wait3A_550 = arith.constant 0 : i32
      %dma_wait3A_551 = arith.constant 0 : i32
      %dma_wait3A_552 = tpu.memref_slice %arg5[%dma_wait3A_538, %dma_wait3A_549, %dma_wait3A_550, %dma_wait3A_551] : memref<4x2x1x160xi32, #tpu.memory_space<vmem>> -> memref<1x2x1x160xi32, #tpu.memory_space<vmem>>
      %dma_wait3A_553 = tpu.memref_squeeze %dma_wait3A_552 : memref<1x2x1x160xi32, #tpu.memory_space<vmem>> -> memref<2x1x160xi32, #tpu.memory_space<vmem>>
      %dma_wait3A_554 = arith.constant 0 : i32
      %dma_wait3A_555 = arith.constant 0 : i32
      %dma_wait3A_556 = arith.constant 0 : i32
      %dma_wait3A_557 = tpu.memref_slice %arg3[%add3A, %add3A_537, %dma_wait3A_554, %dma_wait3A_555, %dma_wait3A_556] : memref<32x68x2x1x160xi32, #tpu.memory_space<hbm>> -> memref<1x1x2x1x160xi32, #tpu.memory_space<hbm>>
      %dma_wait3A_558 = tpu.memref_squeeze %dma_wait3A_557 : memref<1x1x2x1x160xi32, #tpu.memory_space<hbm>> -> memref<2x1x160xi32, #tpu.memory_space<hbm>>
      tpu.wait_dma2 semaphore(%arg9 : memref<!tpu.dma_semaphore, #tpu.memory_space<semaphore_mem>>) src(%dma_wait3A_558 : memref<2x1x160xi32, #tpu.memory_space<hbm>>) dst(%dma_wait3A_553 : memref<2x1x160xi32, #tpu.memory_space<vmem>>)
      %dma_start3A_559 = arith.constant 1 : i32
      %dma_start3A_560 = arith.constant 0 : i32
      %dma_start3A_561 = arith.constant 0 : i32
      %dma_start3A_562 = arith.constant 1 : i32
      %dma_start3A_563 = arith.constant 0 : i32
      %dma_start3A_564 = arith.constant 0 : i32
      %dma_start3A_565 = tpu.memref_slice %arg6[%dma_start3A_562, %dma_start3A_563, %dma_start3A_564] : memref<2x160x128xf32, #tpu.memory_space<vmem>> -> memref<1x160x128xf32, #tpu.memory_space<vmem>>
      %dma_start3A_566 = tpu.memref_squeeze %dma_start3A_565 : memref<1x160x128xf32, #tpu.memory_space<vmem>> -> memref<160x128xf32, #tpu.memory_space<vmem>>
      %dma_start3A_567 = arith.constant 0 : i32
      %dma_start3A_568 = tpu.memref_slice %arg5[%dma_start3A_559, %dma_start3A_560, %dma_start3A_561, %dma_start3A_567] : memref<4x2x1x160xi32, #tpu.memory_space<vmem>> -> memref<1x1x1x160xi32, #tpu.memory_space<vmem>>
      %dma_start3A_569 = tpu.memref_squeeze %dma_start3A_568 : memref<1x1x1x160xi32, #tpu.memory_space<vmem>> -> memref<160xi32, #tpu.memory_space<vmem>>
      %dma_start3A_570 = arith.constant 0 : i32
      %dma_start3A_571 = arith.constant 0 : i32
      %dma_start3A_572 = tpu.memref_slice %arg2[%dma_start3A_570, %dma_start3A_571] : memref<10240x128xf32, #tpu.memory_space<hbm>> -> memref<10240x128xf32, #tpu.memory_space<hbm>>
      tpu.enqueue_indirect_dma source(%dma_start3A_572 : memref<10240x128xf32, #tpu.memory_space<hbm>>) target(%dma_start3A_566 : memref<160x128xf32, #tpu.memory_space<vmem>>) offsets(%dma_start3A_569 : memref<160xi32, #tpu.memory_space<vmem>>) semaphore(%arg13 : memref<!tpu.dma_semaphore, #tpu.memory_space<semaphore_mem>>)
    }
    %scan3A_167 = arith.constant 16 : i32
    %dma_wait3A_168 = arith.constant 0 : i32
    %dma_wait3A_169 = arith.constant 0 : i32
    %dma_wait3A_170 = arith.constant 0 : i32
    %dma_wait3A_171 = arith.constant 0 : i32
    %dma_wait3A_172 = arith.constant 0 : i32
    %dma_wait3A_173 = arith.constant 0 : i32
    %dma_wait3A_174 = tpu.memref_slice %arg6[%dma_wait3A_171, %dma_wait3A_172, %dma_wait3A_173] : memref<2x160x128xf32, #tpu.memory_space<vmem>> -> memref<1x160x128xf32, #tpu.memory_space<vmem>>
    %dma_wait3A_175 = tpu.memref_squeeze %dma_wait3A_174 : memref<1x160x128xf32, #tpu.memory_space<vmem>> -> memref<160x128xf32, #tpu.memory_space<vmem>>
    %dma_wait3A_176 = arith.constant 0 : i32
    %dma_wait3A_177 = tpu.memref_slice %arg5[%dma_wait3A_168, %dma_wait3A_169, %dma_wait3A_170, %dma_wait3A_176] : memref<4x2x1x160xi32, #tpu.memory_space<vmem>> -> memref<1x1x1x160xi32, #tpu.memory_space<vmem>>
    %dma_wait3A_178 = tpu.memref_squeeze %dma_wait3A_177 : memref<1x1x1x160xi32, #tpu.memory_space<vmem>> -> memref<160xi32, #tpu.memory_space<vmem>>
    %dma_wait3A_179 = arith.constant 0 : i32
    %dma_wait3A_180 = arith.constant 0 : i32
    %dma_wait3A_181 = tpu.memref_slice %arg2[%dma_wait3A_179, %dma_wait3A_180] : memref<10240x128xf32, #tpu.memory_space<hbm>> -> memref<10240x128xf32, #tpu.memory_space<hbm>>
    tpu.wait_indirect_dma semaphore(%arg12 : memref<!tpu.dma_semaphore, #tpu.memory_space<semaphore_mem>>) src(%dma_wait3A_181 : memref<10240x128xf32, #tpu.memory_space<hbm>>) dst(%dma_wait3A_175 : memref<160x128xf32, #tpu.memory_space<vmem>>)
    %dma_wait3A_182 = arith.constant 1 : i32
    %dma_wait3A_183 = arith.constant 0 : i32
    %dma_wait3A_184 = arith.constant 0 : i32
    %dma_wait3A_185 = arith.constant 1 : i32
    %dma_wait3A_186 = arith.constant 0 : i32
    %dma_wait3A_187 = arith.constant 0 : i32
    %dma_wait3A_188 = tpu.memref_slice %arg6[%dma_wait3A_185, %dma_wait3A_186, %dma_wait3A_187] : memref<2x160x128xf32, #tpu.memory_space<vmem>> -> memref<1x160x128xf32, #tpu.memory_space<vmem>>
    %dma_wait3A_189 = tpu.memref_squeeze %dma_wait3A_188 : memref<1x160x128xf32, #tpu.memory_space<vmem>> -> memref<160x128xf32, #tpu.memory_space<vmem>>
    %dma_wait3A_190 = arith.constant 0 : i32
    %dma_wait3A_191 = tpu.memref_slice %arg5[%dma_wait3A_182, %dma_wait3A_183, %dma_wait3A_184, %dma_wait3A_190] : memref<4x2x1x160xi32, #tpu.memory_space<vmem>> -> memref<1x1x1x160xi32, #tpu.memory_space<vmem>>
    %dma_wait3A_192 = tpu.memref_squeeze %dma_wait3A_191 : memref<1x1x1x160xi32, #tpu.memory_space<vmem>> -> memref<160xi32, #tpu.memory_space<vmem>>
    %dma_wait3A_193 = arith.constant 0 : i32
    %dma_wait3A_194 = arith.constant 0 : i32
    %dma_wait3A_195 = tpu.memref_slice %arg2[%dma_wait3A_193, %dma_wait3A_194] : memref<10240x128xf32, #tpu.memory_space<hbm>> -> memref<10240x128xf32, #tpu.memory_space<hbm>>
    tpu.wait_indirect_dma semaphore(%arg13 : memref<!tpu.dma_semaphore, #tpu.memory_space<semaphore_mem>>) src(%dma_wait3A_195 : memref<10240x128xf32, #tpu.memory_space<hbm>>) dst(%dma_wait3A_189 : memref<160x128xf32, #tpu.memory_space<vmem>>)
    %dma_wait3A_196 = arith.constant 0 : i32
    %dma_wait3A_197 = arith.constant 2 : i32
    %dma_wait3A_198 = arith.constant 0 : i32
    %dma_wait3A_199 = arith.constant 0 : i32
    %dma_wait3A_200 = arith.constant 0 : i32
    %dma_wait3A_201 = tpu.memref_slice %arg5[%dma_wait3A_197, %dma_wait3A_198, %dma_wait3A_199, %dma_wait3A_200] : memref<4x2x1x160xi32, #tpu.memory_space<vmem>> -> memref<1x2x1x160xi32, #tpu.memory_space<vmem>>
    %dma_wait3A_202 = tpu.memref_squeeze %dma_wait3A_201 : memref<1x2x1x160xi32, #tpu.memory_space<vmem>> -> memref<2x1x160xi32, #tpu.memory_space<vmem>>
    %dma_wait3A_203 = arith.constant 0 : i32
    %dma_wait3A_204 = arith.constant 0 : i32
    %dma_wait3A_205 = arith.constant 0 : i32
    %dma_wait3A_206 = tpu.memref_slice %arg3[%add3A, %dma_wait3A_196, %dma_wait3A_203, %dma_wait3A_204, %dma_wait3A_205] : memref<32x68x2x1x160xi32, #tpu.memory_space<hbm>> -> memref<1x1x2x1x160xi32, #tpu.memory_space<hbm>>
    %dma_wait3A_207 = tpu.memref_squeeze %dma_wait3A_206 : memref<1x1x2x1x160xi32, #tpu.memory_space<hbm>> -> memref<2x1x160xi32, #tpu.memory_space<hbm>>
    %dma_wait3A_208 = arith.constant 0 : i32
    %dma_wait3A_209 = arith.constant 0 : i32
    %dma_wait3A_210 = arith.constant 0 : i32
    %dma_wait3A_211 = tpu.memref_slice %arg5[%dma_wait3A_197, %dma_wait3A_208, %dma_wait3A_209, %dma_wait3A_210] : memref<4x2x1x160xi32, #tpu.memory_space<vmem>> -> memref<1x2x1x160xi32, #tpu.memory_space<vmem>>
    %dma_wait3A_212 = tpu.memref_squeeze %dma_wait3A_211 : memref<1x2x1x160xi32, #tpu.memory_space<vmem>> -> memref<2x1x160xi32, #tpu.memory_space<vmem>>
    %dma_wait3A_213 = arith.constant 0 : i32
    %dma_wait3A_214 = arith.constant 0 : i32
    %dma_wait3A_215 = arith.constant 0 : i32
    %dma_wait3A_216 = tpu.memref_slice %arg3[%add3A, %dma_wait3A_196, %dma_wait3A_213, %dma_wait3A_214, %dma_wait3A_215] : memref<32x68x2x1x160xi32, #tpu.memory_space<hbm>> -> memref<1x1x2x1x160xi32, #tpu.memory_space<hbm>>
    %dma_wait3A_217 = tpu.memref_squeeze %dma_wait3A_216 : memref<1x1x2x1x160xi32, #tpu.memory_space<hbm>> -> memref<2x1x160xi32, #tpu.memory_space<hbm>>
    tpu.wait_dma2 semaphore(%arg10 : memref<!tpu.dma_semaphore, #tpu.memory_space<semaphore_mem>>) src(%dma_wait3A_217 : memref<2x1x160xi32, #tpu.memory_space<hbm>>) dst(%dma_wait3A_212 : memref<2x1x160xi32, #tpu.memory_space<vmem>>)
    %dma_wait3A_218 = arith.constant 0 : i32
    %dma_wait3A_219 = arith.constant 3 : i32
    %dma_wait3A_220 = arith.constant 0 : i32
    %dma_wait3A_221 = arith.constant 0 : i32
    %dma_wait3A_222 = arith.constant 0 : i32
    %dma_wait3A_223 = tpu.memref_slice %arg5[%dma_wait3A_219, %dma_wait3A_220, %dma_wait3A_221, %dma_wait3A_222] : memref<4x2x1x160xi32, #tpu.memory_space<vmem>> -> memref<1x2x1x160xi32, #tpu.memory_space<vmem>>
    %dma_wait3A_224 = tpu.memref_squeeze %dma_wait3A_223 : memref<1x2x1x160xi32, #tpu.memory_space<vmem>> -> memref<2x1x160xi32, #tpu.memory_space<vmem>>
    %dma_wait3A_225 = arith.constant 0 : i32
    %dma_wait3A_226 = arith.constant 0 : i32
    %dma_wait3A_227 = arith.constant 0 : i32
    %dma_wait3A_228 = tpu.memref_slice %arg3[%add3A, %dma_wait3A_218, %dma_wait3A_225, %dma_wait3A_226, %dma_wait3A_227] : memref<32x68x2x1x160xi32, #tpu.memory_space<hbm>> -> memref<1x1x2x1x160xi32, #tpu.memory_space<hbm>>
    %dma_wait3A_229 = tpu.memref_squeeze %dma_wait3A_228 : memref<1x1x2x1x160xi32, #tpu.memory_space<hbm>> -> memref<2x1x160xi32, #tpu.memory_space<hbm>>
    %dma_wait3A_230 = arith.constant 0 : i32
    %dma_wait3A_231 = arith.constant 0 : i32
    %dma_wait3A_232 = arith.constant 0 : i32
    %dma_wait3A_233 = tpu.memref_slice %arg5[%dma_wait3A_219, %dma_wait3A_230, %dma_wait3A_231, %dma_wait3A_232] : memref<4x2x1x160xi32, #tpu.memory_space<vmem>> -> memref<1x2x1x160xi32, #tpu.memory_space<vmem>>
    %dma_wait3A_234 = tpu.memref_squeeze %dma_wait3A_233 : memref<1x2x1x160xi32, #tpu.memory_space<vmem>> -> memref<2x1x160xi32, #tpu.memory_space<vmem>>
    %dma_wait3A_235 = arith.constant 0 : i32
    %dma_wait3A_236 = arith.constant 0 : i32
    %dma_wait3A_237 = arith.constant 0 : i32
    %dma_wait3A_238 = tpu.memref_slice %arg3[%add3A, %dma_wait3A_218, %dma_wait3A_235, %dma_wait3A_236, %dma_wait3A_237] : memref<32x68x2x1x160xi32, #tpu.memory_space<hbm>> -> memref<1x1x2x1x160xi32, #tpu.memory_space<hbm>>
    %dma_wait3A_239 = tpu.memref_squeeze %dma_wait3A_238 : memref<1x1x2x1x160xi32, #tpu.memory_space<hbm>> -> memref<2x1x160xi32, #tpu.memory_space<hbm>>
    tpu.wait_dma2 semaphore(%arg11 : memref<!tpu.dma_semaphore, #tpu.memory_space<semaphore_mem>>) src(%dma_wait3A_239 : memref<2x1x160xi32, #tpu.memory_space<hbm>>) dst(%dma_wait3A_234 : memref<2x1x160xi32, #tpu.memory_space<vmem>>)
    %barrier3A_240 = arith.constant 0 : index
    tpu.barrier barrier_id(%barrier3A_240)
    %mul3A_241 = arith.constant 640 : i32
    %mul3A_242 = arith.muli %arg1, %mul3A_241 : i32
    %mul3A_243 = arith.constant 640 : i32
    %mul3A_244 = arith.muli %arg1, %mul3A_243 : i32
    "tpu.region"() ({
      %run_scoped3A = tpu.sem_alloc : memref<!tpu.dma_semaphore, #tpu.memory_space<semaphore_mem>>
      %dma_start3A_245 = arith.constant 0 : i32
      %dma_start3A_246 = tpu.memref_slice %arg4[%arg0, %mul3A_244, %dma_start3A_245] : memref<2x10240x128xf32, #tpu.memory_space<hbm>> -> memref<1x640x128xf32, #tpu.memory_space<hbm>>
      %dma_start3A_247 = tpu.memref_squeeze %dma_start3A_246 : memref<1x640x128xf32, #tpu.memory_space<hbm>> -> memref<640x128xf32, #tpu.memory_space<hbm>>
      %dma_start3A_248 = arith.constant 0 : i32
      %dma_start3A_249 = tpu.memref_slice %arg7[%mul3A_242, %dma_start3A_248] : memref<10240x128xf32, #tpu.memory_space<vmem_shared>> -> memref<640x128xf32, #tpu.memory_space<vmem_shared>>
      tpu.enqueue_dma source(%dma_start3A_249 : memref<640x128xf32, #tpu.memory_space<vmem_shared>>) target(%dma_start3A_247 : memref<640x128xf32, #tpu.memory_space<hbm>>) target_semaphore(%run_scoped3A : memref<!tpu.dma_semaphore, #tpu.memory_space<semaphore_mem>>)
      %dma_wait3A_250 = arith.constant 0 : i32
      %dma_wait3A_251 = tpu.memref_slice %arg4[%arg0, %mul3A_244, %dma_wait3A_250] : memref<2x10240x128xf32, #tpu.memory_space<hbm>> -> memref<1x640x128xf32, #tpu.memory_space<hbm>>
      %dma_wait3A_252 = tpu.memref_squeeze %dma_wait3A_251 : memref<1x640x128xf32, #tpu.memory_space<hbm>> -> memref<640x128xf32, #tpu.memory_space<hbm>>
      %dma_wait3A_253 = arith.constant 0 : i32
      %dma_wait3A_254 = tpu.memref_slice %arg7[%mul3A_242, %dma_wait3A_253] : memref<10240x128xf32, #tpu.memory_space<vmem_shared>> -> memref<640x128xf32, #tpu.memory_space<vmem_shared>>
      tpu.wait_dma2 semaphore(%run_scoped3A : memref<!tpu.dma_semaphore, #tpu.memory_space<semaphore_mem>>) src(%dma_wait3A_254 : memref<640x128xf32, #tpu.memory_space<vmem_shared>>) dst(%dma_wait3A_252 : memref<640x128xf32, #tpu.memory_space<hbm>>)
      tpu.yield
    }) : () -> ()
    return
  }
}

module attributes {stable_mosaic.version = 14 : i64} {
  func.func @_prep_body(%arg0: memref<2x80x128xf32, #tpu.memory_space<vmem>>, %arg1: memref<80x128xf32, #tpu.memory_space<vmem>>) attributes {dimension_semantics = [], scalar_prefetch = 0 : i64, scratch_operands = 0 : i64, tpu.core_type = #tpu.core_type<tc>} {
    %get3A = arith.constant 0 : index
    %get3A_0 = arith.constant 0 : index
    %get3A_1 = arith.constant 0 : index
    %get3A_2 = vector.load %arg0[%get3A, %get3A_0, %get3A_1] : memref<2x80x128xf32, #tpu.memory_space<vmem>>, vector<1x80x128xf32>
    %get3A_3 = vector.shape_cast %get3A_2 : vector<1x80x128xf32> to vector<80x128xf32>
    %get3A_4 = arith.constant 1 : index
    %get3A_5 = arith.constant 0 : index
    %get3A_6 = arith.constant 0 : index
    %get3A_7 = vector.load %arg0[%get3A_4, %get3A_5, %get3A_6] : memref<2x80x128xf32, #tpu.memory_space<vmem>>, vector<1x80x128xf32>
    %get3A_8 = vector.shape_cast %get3A_7 : vector<1x80x128xf32> to vector<80x128xf32>
    %add3A = arith.addf %get3A_3, %get3A_8 : vector<80x128xf32>
    %add3A_9 = arith.constant 1.000000e+00 : f32
    %add3A_10 = vector.broadcast %add3A_9 : f32 to vector<80x128xf32>
    %add3A_11 = arith.addf %add3A, %add3A_10 : vector<80x128xf32>
    %rsqrt3A = math.rsqrt %add3A_11 : vector<80x128xf32>
    %iota3A = tpu.iota {dimensions = array<i32: 0>} : vector<80x128xi32>
    %iota3A_12 = tpu.iota {dimensions = array<i32: 1>} : vector<80x128xi32>
    %mul3A = arith.constant 128 : i32
    %mul3A_13 = vector.broadcast %mul3A : i32 to vector<80x128xi32>
    %mul3A_14 = arith.muli %iota3A, %mul3A_13 : vector<80x128xi32>
    %add3A_15 = arith.addi %mul3A_14, %iota3A_12 : vector<80x128xi32>
    %lt3A = arith.constant 10000 : i32
    %lt3A_16 = vector.broadcast %lt3A : i32 to vector<80x128xi32>
    %lt3A_17 = arith.cmpi slt, %add3A_15, %lt3A_16 : vector<80x128xi32>
    %jit3A = arith.constant 0.000000e+00 : f32
    %broadcast_in_dim3A = vector.broadcast %jit3A : f32 to vector<80x128xf32>
    %select_n3A = arith.select %lt3A_17, %rsqrt3A, %broadcast_in_dim3A : vector<80x128xi1>, vector<80x128xf32>
    %swap3A = arith.constant 0 : index
    %swap3A_18 = arith.constant 0 : index
    %swap3A_19 = vector.load %arg1[%swap3A, %swap3A_18] : memref<80x128xf32, #tpu.memory_space<vmem>>, vector<80x128xf32>
    tpu.vector_store %arg1[%swap3A, %swap3A_18], %select_n3A {strides = array<i32>} : memref<80x128xf32, #tpu.memory_space<vmem>>, vector<80x128xf32>,
    return
  }
}

module attributes {stable_mosaic.version = 14 : i64} {
  func.func @_y1_body(%arg0: i32, %arg1: memref<256x128xf32, #tpu.memory_space<vmem>>, %arg2: memref<256x1xf32, #tpu.memory_space<vmem>>, %arg3: memref<128x128xf32, #tpu.memory_space<vmem>>, %arg4: memref<256x128xf32, #tpu.memory_space<vmem>>) attributes {dimension_semantics = [#tpu.dimension_semantics<arbitrary>], iteration_bounds = array<i64: 40>, scalar_prefetch = 0 : i64, scratch_operands = 0 : i64, tpu.core_type = #tpu.core_type<tc>, window_params = [{transform_indices = @transform_0, window_bounds = array<i64: 256, 128>}, {transform_indices = @transform_1, window_bounds = array<i64: 256, 1>}, {pipeline_mode = #tpu.pipeline_mode<synchronous>, transform_indices = @transform_2, window_bounds = array<i64: 128, 128>}, {transform_indices = @transform_3, window_bounds = array<i64: 256, 128>}]} {
    %get3A = arith.constant 0 : index
    %get3A_0 = arith.constant 0 : index
    %get3A_1 = vector.load %arg1[%get3A, %get3A_0] : memref<256x128xf32, #tpu.memory_space<vmem>>, vector<256x128xf32>
    %get3A_2 = arith.constant 0 : index
    %get3A_3 = arith.constant 0 : index
    %get3A_4 = vector.load %arg2[%get3A_2, %get3A_3] : memref<256x1xf32, #tpu.memory_space<vmem>>, vector<256x1xf32>
    %mul3A = vector.broadcast %get3A_4 : vector<256x1xf32> to vector<256x128xf32>
    %mul3A_5 = arith.mulf %get3A_1, %mul3A : vector<256x128xf32>
    %get3A_6 = arith.constant 0 : index
    %get3A_7 = arith.constant 0 : index
    %get3A_8 = vector.load %arg3[%get3A_6, %get3A_7] : memref<128x128xf32, #tpu.memory_space<vmem>>, vector<128x128xf32>
    %dot_general3A = arith.constant dense<0.000000e+00> : vector<256x128xf32>
    %dot_general3A_9 = tpu.matmul %mul3A_5, %get3A_8, %dot_general3A {dimension_numbers = #tpu.dot_dimension_numbers<[1], [0], [0], [1], [0, 0, 1, 1], [], []>, transpose_lhs_hint = false} : vector<256x128xf32>, vector<128x128xf32>, vector<256x128xf32> -> vector<256x128xf32>
    %swap3A = arith.constant 0 : index
    %swap3A_10 = arith.constant 0 : index
    %swap3A_11 = vector.load %arg4[%swap3A, %swap3A_10] : memref<256x128xf32, #tpu.memory_space<vmem>>, vector<256x128xf32>
    tpu.vector_store %arg4[%swap3A, %swap3A_10], %dot_general3A_9 {strides = array<i32>} : memref<256x128xf32, #tpu.memory_space<vmem>>, vector<256x128xf32>,
    return
  }
  func.func @transform_0(%arg0: i32) -> (i32, i32) {
    %c0_i32 = arith.constant 0 : i32
    %c0_i32_0 = arith.constant 0 : i32
    return %arg0, %c0_i32 : i32, i32
  }
  func.func @transform_1(%arg0: i32) -> (i32, i32) {
    %c0_i32 = arith.constant 0 : i32
    %c0_i32_0 = arith.constant 0 : i32
    return %arg0, %c0_i32 : i32, i32
  }
  func.func @transform_2(%arg0: i32) -> (i32, i32) {
    %c0_i32 = arith.constant 0 : i32
    %c0_i32_0 = arith.constant 0 : i32
    %c0_i32_1 = arith.constant 0 : i32
    return %c0_i32, %c0_i32_0 : i32, i32
  }
  func.func @transform_3(%arg0: i32) -> (i32, i32) {
    %c0_i32 = arith.constant 0 : i32
    %c0_i32_0 = arith.constant 0 : i32
    return %arg0, %c0_i32 : i32, i32
  }
}

module attributes {stable_mosaic.version = 14 : i64} {
  func.func @_mid_body(%arg0: i32, %arg1: memref<2x256x128xf32, #tpu.memory_space<vmem>>, %arg2: memref<256x128xf32, #tpu.memory_space<vmem>>, %arg3: memref<256x1xf32, #tpu.memory_space<vmem>>, %arg4: memref<1x128xf32, #tpu.memory_space<vmem>>, %arg5: memref<128x128xf32, #tpu.memory_space<vmem>>, %arg6: memref<256x128xf32, #tpu.memory_space<vmem>>) attributes {dimension_semantics = [#tpu.dimension_semantics<arbitrary>], iteration_bounds = array<i64: 40>, scalar_prefetch = 0 : i64, scratch_operands = 0 : i64, tpu.core_type = #tpu.core_type<tc>, window_params = [{transform_indices = @transform_0, window_bounds = array<i64: 2, 256, 128>}, {transform_indices = @transform_1, window_bounds = array<i64: 256, 128>}, {transform_indices = @transform_2, window_bounds = array<i64: 256, 1>}, {pipeline_mode = #tpu.pipeline_mode<synchronous>, transform_indices = @transform_3, window_bounds = array<i64: 1, 128>}, {pipeline_mode = #tpu.pipeline_mode<synchronous>, transform_indices = @transform_4, window_bounds = array<i64: 128, 128>}, {transform_indices = @transform_5, window_bounds = array<i64: 256, 128>}]} {
    %get3A = arith.constant 0 : index
    %get3A_0 = arith.constant 0 : index
    %get3A_1 = arith.constant 0 : index
    %get3A_2 = vector.load %arg1[%get3A, %get3A_0, %get3A_1] : memref<2x256x128xf32, #tpu.memory_space<vmem>>, vector<1x256x128xf32>
    %get3A_3 = vector.shape_cast %get3A_2 : vector<1x256x128xf32> to vector<256x128xf32>
    %get3A_4 = arith.constant 1 : index
    %get3A_5 = arith.constant 0 : index
    %get3A_6 = arith.constant 0 : index
    %get3A_7 = vector.load %arg1[%get3A_4, %get3A_5, %get3A_6] : memref<2x256x128xf32, #tpu.memory_space<vmem>>, vector<1x256x128xf32>
    %get3A_8 = vector.shape_cast %get3A_7 : vector<1x256x128xf32> to vector<256x128xf32>
    %add3A = arith.addf %get3A_3, %get3A_8 : vector<256x128xf32>
    %get3A_9 = arith.constant 0 : index
    %get3A_10 = arith.constant 0 : index
    %get3A_11 = vector.load %arg2[%get3A_9, %get3A_10] : memref<256x128xf32, #tpu.memory_space<vmem>>, vector<256x128xf32>
    %sub3A = arith.subf %add3A, %get3A_11 : vector<256x128xf32>
    %get3A_12 = arith.constant 0 : index
    %get3A_13 = arith.constant 0 : index
    %get3A_14 = vector.load %arg3[%get3A_12, %get3A_13] : memref<256x1xf32, #tpu.memory_space<vmem>>, vector<256x1xf32>
    %mul3A = vector.broadcast %get3A_14 : vector<256x1xf32> to vector<256x128xf32>
    %mul3A_15 = arith.mulf %sub3A, %mul3A : vector<256x128xf32>
    %get3A_16 = arith.constant 0 : index
    %get3A_17 = arith.constant 0 : index
    %get3A_18 = vector.load %arg4[%get3A_16, %get3A_17] : memref<1x128xf32, #tpu.memory_space<vmem>>, vector<1x128xf32>
    %add3A_19 = vector.broadcast %get3A_18 : vector<1x128xf32> to vector<256x128xf32>
    %add3A_20 = arith.addf %mul3A_15, %add3A_19 : vector<256x128xf32>
    %max3A = arith.constant 0.000000e+00 : f32
    %max3A_21 = vector.broadcast %max3A : f32 to vector<256x128xf32>
    %max3A_22 = arith.maximumf %add3A_20, %max3A_21 : vector<256x128xf32>
    %get3A_23 = arith.constant 0 : index
    %get3A_24 = arith.constant 0 : index
    %get3A_25 = vector.load %arg3[%get3A_23, %get3A_24] : memref<256x1xf32, #tpu.memory_space<vmem>>, vector<256x1xf32>
    %mul3A_26 = vector.broadcast %get3A_25 : vector<256x1xf32> to vector<256x128xf32>
    %mul3A_27 = arith.mulf %max3A_22, %mul3A_26 : vector<256x128xf32>
    %get3A_28 = arith.constant 0 : index
    %get3A_29 = arith.constant 0 : index
    %get3A_30 = vector.load %arg5[%get3A_28, %get3A_29] : memref<128x128xf32, #tpu.memory_space<vmem>>, vector<128x128xf32>
    %dot_general3A = arith.constant dense<0.000000e+00> : vector<256x128xf32>
    %dot_general3A_31 = tpu.matmul %mul3A_27, %get3A_30, %dot_general3A {dimension_numbers = #tpu.dot_dimension_numbers<[1], [0], [0], [1], [0, 0, 1, 1], [], []>, transpose_lhs_hint = false} : vector<256x128xf32>, vector<128x128xf32>, vector<256x128xf32> -> vector<256x128xf32>
    %swap3A = arith.constant 0 : index
    %swap3A_32 = arith.constant 0 : index
    %swap3A_33 = vector.load %arg6[%swap3A, %swap3A_32] : memref<256x128xf32, #tpu.memory_space<vmem>>, vector<256x128xf32>
    tpu.vector_store %arg6[%swap3A, %swap3A_32], %dot_general3A_31 {strides = array<i32>} : memref<256x128xf32, #tpu.memory_space<vmem>>, vector<256x128xf32>,
    return
  }
  func.func @transform_0(%arg0: i32) -> (i32, i32, i32) {
    %c0_i32 = arith.constant 0 : i32
    %c0_i32_0 = arith.constant 0 : i32
    %c0_i32_1 = arith.constant 0 : i32
    return %c0_i32, %arg0, %c0_i32_0 : i32, i32, i32
  }
  func.func @transform_1(%arg0: i32) -> (i32, i32) {
    %c0_i32 = arith.constant 0 : i32
    %c0_i32_0 = arith.constant 0 : i32
    return %arg0, %c0_i32 : i32, i32
  }
  func.func @transform_2(%arg0: i32) -> (i32, i32) {
    %c0_i32 = arith.constant 0 : i32
    %c0_i32_0 = arith.constant 0 : i32
    return %arg0, %c0_i32 : i32, i32
  }
  func.func @transform_3(%arg0: i32) -> (i32, i32) {
    %c0_i32 = arith.constant 0 : i32
    %c0_i32_0 = arith.constant 0 : i32
    %c0_i32_1 = arith.constant 0 : i32
    return %c0_i32, %c0_i32_0 : i32, i32
  }
  func.func @transform_4(%arg0: i32) -> (i32, i32) {
    %c0_i32 = arith.constant 0 : i32
    %c0_i32_0 = arith.constant 0 : i32
    %c0_i32_1 = arith.constant 0 : i32
    return %c0_i32, %c0_i32_0 : i32, i32
  }
  func.func @transform_5(%arg0: i32) -> (i32, i32) {
    %c0_i32 = arith.constant 0 : i32
    %c0_i32_0 = arith.constant 0 : i32
    return %arg0, %c0_i32 : i32, i32
  }
}

module attributes {stable_mosaic.version = 14 : i64} {
  func.func @_fin_body(%arg0: i32, %arg1: memref<2x256x128xf32, #tpu.memory_space<vmem>>, %arg2: memref<256x128xf32, #tpu.memory_space<vmem>>, %arg3: memref<256x1xf32, #tpu.memory_space<vmem>>, %arg4: memref<1x128xf32, #tpu.memory_space<vmem>>, %arg5: memref<256x128xf32, #tpu.memory_space<vmem>>) attributes {dimension_semantics = [#tpu.dimension_semantics<arbitrary>], iteration_bounds = array<i64: 40>, scalar_prefetch = 0 : i64, scratch_operands = 0 : i64, tpu.core_type = #tpu.core_type<tc>, window_params = [{transform_indices = @transform_0, window_bounds = array<i64: 2, 256, 128>}, {transform_indices = @transform_1, window_bounds = array<i64: 256, 128>}, {transform_indices = @transform_2, window_bounds = array<i64: 256, 1>}, {pipeline_mode = #tpu.pipeline_mode<synchronous>, transform_indices = @transform_3, window_bounds = array<i64: 1, 128>}, {transform_indices = @transform_4, window_bounds = array<i64: 256, 128>}]} {
    %get3A = arith.constant 0 : index
    %get3A_0 = arith.constant 0 : index
    %get3A_1 = arith.constant 0 : index
    %get3A_2 = vector.load %arg1[%get3A, %get3A_0, %get3A_1] : memref<2x256x128xf32, #tpu.memory_space<vmem>>, vector<1x256x128xf32>
    %get3A_3 = vector.shape_cast %get3A_2 : vector<1x256x128xf32> to vector<256x128xf32>
    %get3A_4 = arith.constant 1 : index
    %get3A_5 = arith.constant 0 : index
    %get3A_6 = arith.constant 0 : index
    %get3A_7 = vector.load %arg1[%get3A_4, %get3A_5, %get3A_6] : memref<2x256x128xf32, #tpu.memory_space<vmem>>, vector<1x256x128xf32>
    %get3A_8 = vector.shape_cast %get3A_7 : vector<1x256x128xf32> to vector<256x128xf32>
    %add3A = arith.addf %get3A_3, %get3A_8 : vector<256x128xf32>
    %get3A_9 = arith.constant 0 : index
    %get3A_10 = arith.constant 0 : index
    %get3A_11 = vector.load %arg2[%get3A_9, %get3A_10] : memref<256x128xf32, #tpu.memory_space<vmem>>, vector<256x128xf32>
    %sub3A = arith.subf %add3A, %get3A_11 : vector<256x128xf32>
    %get3A_12 = arith.constant 0 : index
    %get3A_13 = arith.constant 0 : index
    %get3A_14 = vector.load %arg3[%get3A_12, %get3A_13] : memref<256x1xf32, #tpu.memory_space<vmem>>, vector<256x1xf32>
    %mul3A = vector.broadcast %get3A_14 : vector<256x1xf32> to vector<256x128xf32>
    %mul3A_15 = arith.mulf %sub3A, %mul3A : vector<256x128xf32>
    %get3A_16 = arith.constant 0 : index
    %get3A_17 = arith.constant 0 : index
    %get3A_18 = vector.load %arg4[%get3A_16, %get3A_17] : memref<1x128xf32, #tpu.memory_space<vmem>>, vector<1x128xf32>
    %add3A_19 = vector.broadcast %get3A_18 : vector<1x128xf32> to vector<256x128xf32>
    %add3A_20 = arith.addf %mul3A_15, %add3A_19 : vector<256x128xf32>
    %swap3A = arith.constant 0 : index
    %swap3A_21 = arith.constant 0 : index
    %swap3A_22 = vector.load %arg5[%swap3A, %swap3A_21] : memref<256x128xf32, #tpu.memory_space<vmem>>, vector<256x128xf32>
    tpu.vector_store %arg5[%swap3A, %swap3A_21], %add3A_20 {strides = array<i32>} : memref<256x128xf32, #tpu.memory_space<vmem>>, vector<256x128xf32>,
    return
  }
  func.func @transform_0(%arg0: i32) -> (i32, i32, i32) {
    %c0_i32 = arith.constant 0 : i32
    %c0_i32_0 = arith.constant 0 : i32
    %c0_i32_1 = arith.constant 0 : i32
    return %c0_i32, %arg0, %c0_i32_0 : i32, i32, i32
  }
  func.func @transform_1(%arg0: i32) -> (i32, i32) {
    %c0_i32 = arith.constant 0 : i32
    %c0_i32_0 = arith.constant 0 : i32
    return %arg0, %c0_i32 : i32, i32
  }
  func.func @transform_2(%arg0: i32) -> (i32, i32) {
    %c0_i32 = arith.constant 0 : i32
    %c0_i32_0 = arith.constant 0 : i32
    return %arg0, %c0_i32 : i32, i32
  }
  func.func @transform_3(%arg0: i32) -> (i32, i32) {
    %c0_i32 = arith.constant 0 : i32
    %c0_i32_0 = arith.constant 0 : i32
    %c0_i32_1 = arith.constant 0 : i32
    return %c0_i32, %c0_i32_0 : i32, i32
  }
  func.func @transform_4(%arg0: i32) -> (i32, i32) {
    %c0_i32 = arith.constant 0 : i32
    %c0_i32_0 = arith.constant 0 : i32
    return %arg0, %c0_i32 : i32, i32
  }
}

</mosaic_0001>

<sc_bundles>
// kernel: kernel.11.cloned.1.call-start
scs
__scs_entry_jumppad:
0x0: {  	(pc) =	sbr.rel $0x88, $3  }
0x1: {  	(tag) =	ssettag $0x0;
	lr =	simm.s32 $0x1  }
0x2: {  	[smem:$0x3F99] =	sst lr;
	_ =	strace $0xD0000000  }
0x3: {  	_ = 	snop  }
0x4: {  	_ = 	snop  }
0x5: {  	_ = 	snop  }
0x6: {  	_ = 	snop  }
0x7: {  	_ = 	snop  }
__scs_overlays_trampoline_lowered:
0x8: {  	[smem:$0x3FA8] =	sst s0  }
0x9: {  	[smem:$0x3FA9] =	sst s1  }
0xa: {  	[smem:$0x3FAA] =	sst s2  }
0xb: {  	[smem:$0x3FAB] =	sst s3  }
0xc: {  	[smem:$0x3FAC] =	sst s4  }
0xd: {  	[smem:$0x3FAD] =	sst s5  }
0xe: {  	[smem:$0x3FAE] =	sst s6  }
0xf: {  	[smem:$0x3FAF] =	sst s7  }
0x10: {  	[smem:$0x3FB0] =	sst s8  }
0x11: {  	[smem:$0x3FB1] =	sst s9;
	s0 =	simm.s32 @!p0 $0x0  }
0x12: {  	s1 =	sld [smem:$0x3F97];
	s0 =	simm.s32 @p0 $0x1  }
0x13: {  	[smem:$0x3FB2] =	sst s0;
	s0 =	simm.s32 @!p1 $0x0  }
0x14: {  	s2 =	sld [smem:$0x3F96];
	s0 =	simm.s32 @p1 $0x1  }
0x15: {  	[smem:$0x3FB3] =	sst s0;
	s0 =	simm.s32 @!p2 $0x0  }
0x16: {  	s3 =	sld [smem:$0x3FDB];
	s0 =	simm.s32 @p2 $0x1  }
0x17: {  	s4 =	simm.s32 $0x1BF5;
	[smem:$0x3FB5] =	sst s0  }
0x18: {  	s0 =	sld [smem:$0x3F98];
	_ =	swait.ge [sflag:s4], $0x0  }
0x19: {  	s7 =	sld [smem:$0x3F99]  }
0x1a: {  	s8 =	sadd.s32 $0xFFFFE003, lr  }
0x1b: {  	s9 =	sadd.s32 $0xFFFFFEF7, lr;
	s5 =	simm.s32 $0xFFFFFFFF;
	p2 =	slt.u32 s8, $0xFFFFF086  }
0x1c: {  	p1 =	slt.u32 s9, $0xF7A;
	s5 =	simm.s32 @!p2 $0x0  }
0x1d: {  	s5 =	simm.s32 @p1 $0x1;
	p0 =	seq.s32 s7, s2  }
0x1e: {  	s7 =	smul.u32 @!p0 $0xF7A, s2;
	p2 =	seq.s32 @!p0 s5, $0x0  }
0x1f: {  	s9 =	smul.u32 $0xF7A, s1;
	s8 =	simm.s32 @!p0 $0x1BF5;
	p2 =	por !p2, p0  }
0x20: {  	[sflag:s8] =	ssyncset.s32 @!p0 $0xFFFFF086;
	s6 =	sadd.s32 @!p0 s3, s7;
	s7 =	simm.s32 @!p0 $0x108  }
0x21: {  	s3 =	sadd.s32 s3, s9;
	s6 =	sadd.s32 @!p0 $0x88, s6;
	s7 =	simm.s32 @p2 $0x1082  }
0x22: {  	[simem:s7], [sflag:s8] =	dma.local @!p0 [hbm:s6], $0xF7A  }
0x23: {  	s9 =	sor.u32 $0xD0000000, s2;
	s6 =	simm.s32 $0x108;
	_ =	swait.ge @!p0 [sflag:s8], $0x0  }
0x24: {  	s3 =	sadd.s32 $0x88, s3;
	s6 =	simm.s32 @!p1 $0x1082;
	[sflag:s4] =	ssyncset.s32 $0xFFFFF086  }
0x25: {  	[simem:s6], [sflag:s4] =	dma.local [hbm:s3], $0xF7A  }
0x26: {  	[smem:$0x3F99] =	sst s1;
	(tag) =	ssettag s2;
	_ =	strace s9  }
0x27: {  	s1 =	sld [smem:$0x3FA9]  }
0x28: {  	s2 =	sld [smem:$0x3FAA]  }
0x29: {  	s4 =	sld [smem:$0x3FAC]  }
0x2a: {  	p0 =	seq.s32 s5, $0x0;
	s5 =	sld [smem:$0x3FAD]  }
0x2b: {  	s6 =	sld [smem:$0x3FAE]  }
0x2c: {  	s7 =	sld [smem:$0x3FAF]  }
0x2d: {  	s3 =	simm.s32 $0x108;
	s8 =	sld [smem:$0x3FB0]  }
0x2e: {  	s3 =	simm.s32 @!p0 $0x1082;
	s9 =	sld [smem:$0x3FB1]  }
0x2f: {  	lr =	sadd.s32 s0, s3;
	s0 =	sld [smem:$0x3FA8]  }
0x30: {  	s3 =	sld [smem:$0x3FAB]  }
0x31: {  	[smem:$0x3FB4] =	sst s10  }
0x32: {  	s10 =	sld [smem:$0x3FB2];
	_ =	sdelay $0x3  }
0x33: {  	p0 =	seq.s32 s10, $0x1;
	s10 =	sld [smem:$0x3FB4];
	_ =	sdelay $0x3  }
0x34: {  	[smem:$0x3FB4] =	sst s10  }
0x35: {  	s10 =	sld [smem:$0x3FB3];
	_ =	sdelay $0x3  }
0x36: {  	p1 =	seq.s32 s10, $0x1;
	s10 =	sld [smem:$0x3FB4];
	_ =	sdelay $0x3  }
0x37: {  	[smem:$0x3FB4] =	sst s10  }
0x38: {  	s10 =	sld [smem:$0x3FB5]  }
0x39: {  	_ = 	snop;
	(pc) =	sbr.ind lr, $3  }
0x3a: {  	_ = 	snop  }
0x3b: {  	_ = 	snop  }
0x3c: {  	p2 =	seq.s32 s10, $0x1;
	s10 =	sld [smem:$0x3FB4]  }
0x3d: {  	_ =	shalt  }
0x3e: {  	_ =	shalt  }
0x3f: {  	_ =	shalt  }
0x40: {  	_ =	shalt  }
0x41: {  	_ =	shalt  }
0x42: {  	_ =	shalt  }
0x43: {  	_ =	shalt  }
0x44: {  	_ =	shalt  }
0x45: {  	_ =	shalt  }
0x46: {  	_ =	shalt  }
0x47: {  	_ =	shalt  }
0x48: {  	_ =	shalt  }
0x49: {  	_ =	shalt  }
0x4a: {  	_ =	shalt  }
0x4b: {  	_ =	shalt  }
0x4c: {  	_ =	shalt  }
0x4d: {  	_ =	shalt  }
0x4e: {  	_ =	shalt  }
0x4f: {  	_ =	shalt  }
0x50: {  	_ =	shalt  }
0x51: {  	_ =	shalt  }
0x52: {  	_ =	shalt  }
0x53: {  	_ =	shalt  }
0x54: {  	_ =	shalt  }
0x55: {  	_ =	shalt  }
0x56: {  	_ =	shalt  }
0x57: {  	_ =	shalt  }
0x58: {  	_ =	shalt  }
0x59: {  	_ =	shalt  }
0x5a: {  	_ =	shalt  }
0x5b: {  	_ =	shalt  }
0x5c: {  	_ =	shalt  }
0x5d: {  	_ =	shalt  }
0x5e: {  	_ =	shalt  }
0x5f: {  	_ =	shalt  }
0x60: {  	_ =	shalt  }
0x61: {  	_ =	shalt  }
0x62: {  	_ =	shalt  }
0x63: {  	_ =	shalt  }
0x64: {  	_ =	shalt  }
0x65: {  	_ =	shalt  }
0x66: {  	_ =	shalt  }
0x67: {  	_ =	shalt  }
0x68: {  	_ =	shalt  }
0x69: {  	_ =	shalt  }
0x6a: {  	_ =	shalt  }
0x6b: {  	_ =	shalt  }
0x6c: {  	_ =	shalt  }
0x6d: {  	_ =	shalt  }
0x6e: {  	_ =	shalt  }
0x6f: {  	_ =	shalt  }
0x70: {  	_ =	shalt  }
0x71: {  	_ =	shalt  }
0x72: {  	_ =	shalt  }
0x73: {  	_ =	shalt  }
0x74: {  	_ =	shalt  }
0x75: {  	_ =	shalt  }
0x76: {  	_ =	shalt  }
0x77: {  	_ =	shalt  }
0x78: {  	_ =	shalt  }
0x79: {  	_ =	shalt  }
0x7a: {  	_ =	shalt  }
0x7b: {  	_ =	shalt  }
0x7c: {  	_ =	shalt  }
0x7d: {  	_ =	shalt  }
0x7e: {  	_ =	shalt  }
0x7f: {  	_ =	shalt  }
0x80: {  	_ =	shalt  }
0x81: {  	_ =	shalt  }
0x82: {  	_ =	shalt  }
0x83: {  	_ =	shalt  }
0x84: {  	_ =	shalt  }
0x85: {  	_ =	shalt  }
0x86: {  	_ =	shalt  }
0x87: {  	_ =	shalt  }
.Lfunc_end0:
.L_simem_size_0:
called_computation_lowered:
.L_overlay_start_0:
0x88: {  	s2 =	sld [smem:$0x3FD9]  }
0x89: {  	s3 =	sld [smem:$0x3FFE];
	_ =	sdelay $0x1  }
0x8a: {  	s1 =	srdreg.scid  }
0x8b: {  	s0 =	sand.u32 $0x1, s1  }
0x8c: {  	s17 =	sshll.u32 s0, $0xA;
	s2 =	sadd.s32 s3, s2  }
0x8d: {  	s2 =	sadd.s32 s2, s17  }
0x8e: {  	[smem:$0x3FC0] =	sst s2  }
0x8f: {  	_ = 	snop  }
0x90: {  	s2 =	sld [smem:$0x3FD0];
	(tm) =	ssettm $0x1  }
0x91: {  	s18 =	sld [smem:$0x3FFB];
	_ =	sdelay $0x3  }
0x92: {  	_ =	strace s18  }
0x93: {  	s3 =	sld [smem:$0x3FFC];
	_ =	sdelay $0x3  }
0x94: {  	_ =	strace s3  }
0x95: {  	s3 =	sld [smem:$0x3FFD];
	_ =	sdelay $0x3  }
0x96: {  	_ =	strace s3  }
0x97: {  	_ =	strace $0x8FFFFFFF  }
0x98: {  	s19 =	sld [smem:$0x3FDB];
	_ =	sdelay $0x1  }
0x99: {  	s4 =	simm.s32 $_scs_section_size  }
0x9a: {  	s5 =	simm.s32 $_size__tile_overlayer_lowered;
	s6 =	simm.s32 $_tile_overlayer_lowered  }
0x9b: {  	s22 =	simm.s32 $0x1BFF;
	s21 =	sshll.u32 s6, $0x1;
	s3 =	sadd.s32 s4, s19  }
0x9c: {  	s7 =	simm.s32 $0x0;
	s20 =	sshll.u32 s5, $0x1;
	s5 =	sadd.s32 s21, s3  }
0x9d: {  	[timem:s7], [sflag:s22] =	dma.local [hbm:s5], s20  }
0x9e: {  	_ =	swait.ge [sflag:s22], s20  }
0x9f: {  	s4 =	ssub.s32 $0x0, s20;
	[sflag:s22] =	ssyncset.done $0x0  }
0xa0: {  	[sflag:s22] =	ssyncadd.s32 s4;
	_ =	sdelay $0x1  }
0xa1: {  	s23 =	simm.s32 $0x1B8B  }
0xa2: {  	_ =	swait.ge [sflag:s23], $0x1  }
0xa3: {  	[sflag:s23] =	ssyncset.done $0x0  }
0xa4: {  	s25 =	simm.s32 $0x1B8E;
	s24 =	sld [smem:$0x3FFE];
	[sflag:s23] =	ssyncadd.s32 $0xFFFFFFFF  }
0xa5: {  	s26 =	simm.s32 $execute0_lowered;
	[smem:$0x3FD2] =	sst s25  }
0xa6: {  	s5 =	sshll.u32 s26, $0x1;
	_ =	strace $0x80000046;
	[dreg:$0x1] =	wrdreg $0xFFFFFFFF  }
0xa7: {  	s28 =	simm.s32 $_size_execute0_lowered;
	s3 =	sadd.s32 s3, s5;
	[dreg:$0x0] =	wrdreg $0x0  }
0xa8: {  	s5 =	sshll.u32 s28, $0x1;
	[dreg:$0x2] =	wrdreg s3  }
0xa9: {  	[dreg:$0x3] =	wrdreg s5  }
0xaa: {  	[dreg:$0x4] =	wrdreg $0xC0  }
0xab: {  	_ =	task [dreg:s7], $0x5FFFF  }
0xac: {  	[dreg:$0x1] =	wrdreg $0xFFFFFFFF  }
0xad: {  	[dreg:$0x0] =	wrdreg $0x60  }
0xae: {  	[dreg:$0x2] =	wrdreg s2  }
0xaf: {  	[dreg:$0x3] =	wrdreg s24  }
0xb0: {  	[dreg:$0x4] =	wrdreg $0x89000  }
0xb1: {  	[dreg:$0x5] =	wrdreg $0x9  }
0xb2: {  	_ =	task.clear_ibuf [dreg:s7], $0x6FFFF;
	_ =	strace $0x90000046  }
0xb3: {  	s29 =	simm.s32 $0x9;
	_ =	strace $0x80000048  }
0xb4: {  	_ =	swait.ge [sflag:s29], $0x1  }
0xb5: {  	[sflag:s29] =	ssyncadd.s32 $0xFFFFFFFF  }
0xb6: {  	_ =	strace $0x90000048  }
0xb7: {  	_ =	sfence  }
0xb8: {  	s30 =	sld [smem:$0x0];
	_ =	sdelay $0x2  }
0xb9: {  	s31 =	sshll.u32 s1, $0xD;
	s1 =	sshrl.u32 s1, $0x2  }
0xba: {  	s3 =	sand.u32 $0x4000, s31;
	s1 =	sadd.s32 s1, s30  }
0xbb: {  	s0 =	sor.u32 s3, s0;
	s1 =	sshll.u32 s1, $0x11  }
0xbc: {  	s0 =	sor.u32 s1, s0  }
0xbd: {  	s0 =	sadd.s32 $0x8F2B, s0  }
0xbe: {  	[sflag:s0] =	ssyncadd.remote.s32 $0x1  }
0xbf: {  	_ =	sfence.sel $0xFFFF  }
0xc0: {  	[dreg:$0x0] =	wrdreg $0xFFFFFFFF;
	(pc) =	sbr.abs _section_cstart, $3  }
0xc1: {  	[dreg:$0x1] =	wrdreg $0xFFFFFFFF  }
0xc2: {  	_ =	task.clear_ibuf [dreg:s7], $0x2FFFF;
	_ =	strace $0x9FFFFFFF  }
0xc3: {  	(tm) =	ssettm $0x7FFFFFFF  }
tec
execute0_lowered:
.L_overlay_start_1:
0x0: {  	(tag) =	ssettag $0x1  }
0x1: {  	s6 =	rddreg [dreg:$0x0]  }
0x2: {  	s4 =	rddreg [dreg:$0x1]  }
0x3: {  	s2 =	rddreg [dreg:$0x2]  }
0x4: {  	s0 =	rddreg [dreg:$0x3];
	s1 =	stileid.u32  }
0x5: {  	s3 =	simm.s32 $0x0;
	s7 =	srdreg.scid;
	s13 =	simm.s32 $0x20  }
0x6: {  	s14 =	simm.s32 $0x10;
	s15 =	simm.s32 $0x0;
	s5 =	smul.u32 $0x280, s1  }
0x7: {  	[smem:$0x7FF] =	sst s3;
	s7 =	sand.u32 $0x1, s7;
	s8 =	smul.u32 $0x500, s1  }
0x8: {  	s31 =	sshll.u32 s1, $0x6;
	_ =	strace $0x80000047;
	s10 =	sshll.u32 s7, $0x7  }
0x9: {  	s29 =	sshll.u32 s7, $0x4;
	s7 =	ssub.s32 $0x2, s7;
	s9 =	sshrl.u32 s5, $0x3  }
0xa: {  	s8 =	sor.u32 s10, s8;
	s10 =	sor.u32 s1, s29;
	s30 =	sshrl.u32 s7, $0x1  }
0xb: {  	s12 =	sadd.s32 s5, s2;
	s5 =	sor.u32 $0x1C01, s31;
	s9 =	sadd.s32 s9, s4  }
0xc: {  	s8 =	sshrl.u32 s8, $0x3;
	s10 =	smul.u32 $0x1100, s10;
	s11 =	ssub.s32 s7, s30  }
0xd: {  	s8 =	sadd.s32 s8, s4;
	s4 =	sadd.s32 $0x2C00, s9;
	s9 =	sshrl.u32 s12, $0x3  }
0xe: {  	s12 =	simm.s32 $0x8800;
	s6 =	sadd.s32 s6, s10;
	s7 =	sadd.s32 $0x3200, s8  }
0xf: {  	v0 =	vimm.f32 $1.000000000e+00;
	s8 =	smax.u32 s11, $0x1;
	s10 =	simm.s32 $0x1;
	s11 =	simm.s32 $0xA0  }
.LBB2_1:
0x10: {  	[tilespmem:$0x8800] =	vst v0  }
0x11: {  	[tilespmem:$0x8810] =	vst v0  }
0x12: {  	[tilespmem:$0x8820] =	vst v0  }
0x13: {  	[tilespmem:$0x8830] =	vst v0  }
0x14: {  	[tilespmem:$0x8840] =	vst v0  }
0x15: {  	[tilespmem:$0x8850] =	vst v0  }
0x16: {  	[tilespmem:$0x8860] =	vst v0  }
0x17: {  	[tilespmem:$0x8870] =	vst v0  }
0x18: {  	[tilespmem:$0x8880] =	vst v0  }
0x19: {  	[tilespmem:$0x8890] =	vst v0  }
0x1a: {  	[spmem:s9], [sflag:s5] =	dma.local [hbm:s4], $0x50  }
0x1b: {  	_ =	swait.ge [sflag:s10], $0x50  }
0x1c: {  	[sflag:s10] =	ssyncset.done $0x0  }
0x1d: {  	[sflag:s10] =	ssyncadd.s32 $0xFFFFFFB0  }
0x1e: {  	[tilespmem:s3], [sflag:$0x1] =	stream.linear.gather [hbm4b:s6+s3], $0x8800, $0x38;
	[tilespmem:$0x8B80] =	vst v63  }
0x1f: {  	_ =	swait.ge [sflag:s10], $0x8800  }
0x20: {  	[sflag:s10] =	ssyncset.done $0x0  }
0x21: {  	[sflag:s10] =	ssyncadd.s32 $0xFFFF7800  }
0x22: {  	s16 =	simm.s32 $0x100;
	[bflag:$0x0] =	sbarrier.arrive $0xFFFF  }
0x23: {  	[spmem:s2] =	stream.indirect.scatter.add.f32 [tilespmem:s12], [sflag:$0x1], $0x1, s16, s11, $0xb8;
	[tilespmem:$0x8B80] =	vst v63  }
0x24: {  	s16 =	simm.s32 $0x800;
	_ =	swait.ge [sflag:s10], $0xA0  }
.LBB2_2:
0x25: {  	s17 =	sshra.s32 s16, $0x2;
	[sflag:s10] =	ssyncset.done $0x0;
	p0 =	sne.s32 s16, $0x1F800  }
.Ltmp0:
0x26: {  	s17 =	sadd.s32 $0x100, s17;
	[sflag:s10] =	ssyncadd.s32 $0xFFFFFF60;
	(pc) =	sbr.rel @p0 .LBB2_2-.Ltmp0, $3  }
0x27: {  	[spmem:s2] =	stream.indirect.scatter.add.f32 [tilespmem:s12], [sflag:$0x1], $0x1, s17, s11, $0xb8;
	[tilespmem:$0x8B80] =	vst v63  }
0x28: {  	s16 =	sadd.s32 $0x800, s16;
	_ =	sdelay $0x1  }
0x29: {  	_ =	swait.ge [sflag:s10], $0xA0  }
0x2a: {  	[sflag:s10] =	ssyncset.done $0x0;
	s15 =	sadd.s32 $0x1, s15  }
0x2b: {  	[sflag:s10] =	ssyncadd.s32 $0xFFFFFF60;
	p0 =	sne.s32 s15, s8  }
.Ltmp1:
0x2c: {  	[bflag:$0x0] =	sbarrier.arrive $0xFFFF;
	(pc) =	sbr.rel @p0 .LBB2_1-.Ltmp1, $4  }
0x2d: {  	[hbm:s7@s13], [sflag:s5] =	dma.strided [spmem:s9@s14], $0x50, s10, $0x10   }
0x2e: {  	_ =	swait.ge [sflag:s10], $0x50  }
0x2f: {  	[sflag:s10] =	ssyncset.done $0x0  }
0x30: {  	[sflag:s10] =	ssyncadd.s32 $0xFFFFFFB0  }
0x31: {  	_ =	sfence.sel $0x180000  }
0x32: {  	[bflag:$0x0] =	sbarrier.arrive $0xFFFF  }
0x33: {  	p0 =	sne.s32 s1, $0x0;
	_ =	strace $0x90000047  }
0x34: {  	s0 =	sadd.s32 @!p0 $0x100000, s0;
	[bflag:$0x2] =	sbarrier.arrive $0xFFFF  }
0x35: {  	[sflag:s0] =	ssyncadd.tile.s32 @!p0 $0x1;
	_ =	shalt  }
.Lfunc_end2:
_tile_overlayer_lowered:
.L_overlay_start_2:
0x36: {  	(tag) =	ssettag $0x2  }
0x37: {  	s0 =	rddreg [dreg:$0x0];
	s2 =	stileid.u32  }
0x38: {  	s1 =	rddreg [dreg:$0x1];
	p0 =	sne.s32 s2, $0x0  }
0x39: {  	s3 =	rddreg [dreg:$0x2];
	[bflag:$0x3] =	sbarrier.arrive $0xFFFF;
	s2 =	simm.s32 @!p0 $0x1C01  }
0x3a: {  	[timem:s3], [sflag:s2] =	dma.local @!p0 [hbm:s0], s1  }
0x3b: {  	s0 =	simm.s32 @!p0 $0x1  }
0x3c: {  	_ =	swait.ge @!p0 [sflag:s0], s1  }
0x3d: {  	s1 =	ssub.s32 @!p0 $0x0, s1;
	[sflag:s0] =	ssyncset.done @!p0 $0x0  }
0x3e: {  	[sflag:s0] =	ssyncadd.s32 @!p0 s1  }
0x3f: {  	[bflag:$0x3] =	sbarrier.arrive $0xFFFF  }
0x40: {  	_ =	shalt  }

// kernel: kernel.14.cloned.1.call-start
scs
__scs_entry_jumppad:
0x0: {  	(pc) =	sbr.rel $0x88, $3  }
0x1: {  	(tag) =	ssettag $0x0;
	lr =	simm.s32 $0x1  }
0x2: {  	[smem:$0x3F99] =	sst lr;
	_ =	strace $0xD0000000  }
0x3: {  	_ = 	snop  }
0x4: {  	_ = 	snop  }
0x5: {  	_ = 	snop  }
0x6: {  	_ = 	snop  }
0x7: {  	_ = 	snop  }
__scs_overlays_trampoline_lowered:
0x8: {  	[smem:$0x3FA8] =	sst s0  }
0x9: {  	[smem:$0x3FA9] =	sst s1  }
0xa: {  	[smem:$0x3FAA] =	sst s2  }
0xb: {  	[smem:$0x3FAB] =	sst s3  }
0xc: {  	[smem:$0x3FAC] =	sst s4  }
0xd: {  	[smem:$0x3FAD] =	sst s5  }
0xe: {  	[smem:$0x3FAE] =	sst s6  }
0xf: {  	[smem:$0x3FAF] =	sst s7  }
0x10: {  	[smem:$0x3FB0] =	sst s8  }
0x11: {  	[smem:$0x3FB1] =	sst s9;
	s0 =	simm.s32 @!p0 $0x0  }
0x12: {  	s1 =	sld [smem:$0x3F97];
	s0 =	simm.s32 @p0 $0x1  }
0x13: {  	[smem:$0x3FB2] =	sst s0;
	s0 =	simm.s32 @!p1 $0x0  }
0x14: {  	s2 =	sld [smem:$0x3F96];
	s0 =	simm.s32 @p1 $0x1  }
0x15: {  	[smem:$0x3FB3] =	sst s0;
	s0 =	simm.s32 @!p2 $0x0  }
0x16: {  	s3 =	sld [smem:$0x3FDB];
	s0 =	simm.s32 @p2 $0x1  }
0x17: {  	s4 =	simm.s32 $0x1BF5;
	[smem:$0x3FB5] =	sst s0  }
0x18: {  	s0 =	sld [smem:$0x3F98];
	_ =	swait.ge [sflag:s4], $0x0  }
0x19: {  	s7 =	sld [smem:$0x3F99]  }
0x1a: {  	s8 =	sadd.s32 $0xFFFFE003, lr  }
0x1b: {  	s9 =	sadd.s32 $0xFFFFFEF7, lr;
	s5 =	simm.s32 $0xFFFFFFFF;
	p2 =	slt.u32 s8, $0xFFFFF086  }
0x1c: {  	p1 =	slt.u32 s9, $0xF7A;
	s5 =	simm.s32 @!p2 $0x0  }
0x1d: {  	s5 =	simm.s32 @p1 $0x1;
	p0 =	seq.s32 s7, s2  }
0x1e: {  	s7 =	smul.u32 @!p0 $0xF7A, s2;
	p2 =	seq.s32 @!p0 s5, $0x0  }
0x1f: {  	s9 =	smul.u32 $0xF7A, s1;
	s8 =	simm.s32 @!p0 $0x1BF5;
	p2 =	por !p2, p0  }
0x20: {  	[sflag:s8] =	ssyncset.s32 @!p0 $0xFFFFF086;
	s6 =	sadd.s32 @!p0 s3, s7;
	s7 =	simm.s32 @!p0 $0x108  }
0x21: {  	s3 =	sadd.s32 s3, s9;
	s6 =	sadd.s32 @!p0 $0x88, s6;
	s7 =	simm.s32 @p2 $0x1082  }
0x22: {  	[simem:s7], [sflag:s8] =	dma.local @!p0 [hbm:s6], $0xF7A  }
0x23: {  	s9 =	sor.u32 $0xD0000000, s2;
	s6 =	simm.s32 $0x108;
	_ =	swait.ge @!p0 [sflag:s8], $0x0  }
0x24: {  	s3 =	sadd.s32 $0x88, s3;
	s6 =	simm.s32 @!p1 $0x1082;
	[sflag:s4] =	ssyncset.s32 $0xFFFFF086  }
0x25: {  	[simem:s6], [sflag:s4] =	dma.local [hbm:s3], $0xF7A  }
0x26: {  	[smem:$0x3F99] =	sst s1;
	(tag) =	ssettag s2;
	_ =	strace s9  }
0x27: {  	s1 =	sld [smem:$0x3FA9]  }
0x28: {  	s2 =	sld [smem:$0x3FAA]  }
0x29: {  	s4 =	sld [smem:$0x3FAC]  }
0x2a: {  	p0 =	seq.s32 s5, $0x0;
	s5 =	sld [smem:$0x3FAD]  }
0x2b: {  	s6 =	sld [smem:$0x3FAE]  }
0x2c: {  	s7 =	sld [smem:$0x3FAF]  }
0x2d: {  	s3 =	simm.s32 $0x108;
	s8 =	sld [smem:$0x3FB0]  }
0x2e: {  	s3 =	simm.s32 @!p0 $0x1082;
	s9 =	sld [smem:$0x3FB1]  }
0x2f: {  	lr =	sadd.s32 s0, s3;
	s0 =	sld [smem:$0x3FA8]  }
0x30: {  	s3 =	sld [smem:$0x3FAB]  }
0x31: {  	[smem:$0x3FB4] =	sst s10  }
0x32: {  	s10 =	sld [smem:$0x3FB2];
	_ =	sdelay $0x3  }
0x33: {  	p0 =	seq.s32 s10, $0x1;
	s10 =	sld [smem:$0x3FB4];
	_ =	sdelay $0x3  }
0x34: {  	[smem:$0x3FB4] =	sst s10  }
0x35: {  	s10 =	sld [smem:$0x3FB3];
	_ =	sdelay $0x3  }
0x36: {  	p1 =	seq.s32 s10, $0x1;
	s10 =	sld [smem:$0x3FB4];
	_ =	sdelay $0x3  }
0x37: {  	[smem:$0x3FB4] =	sst s10  }
0x38: {  	s10 =	sld [smem:$0x3FB5]  }
0x39: {  	_ = 	snop;
	(pc) =	sbr.ind lr, $3  }
0x3a: {  	_ = 	snop  }
0x3b: {  	_ = 	snop  }
0x3c: {  	p2 =	seq.s32 s10, $0x1;
	s10 =	sld [smem:$0x3FB4]  }
0x3d: {  	_ =	shalt  }
0x3e: {  	_ =	shalt  }
0x3f: {  	_ =	shalt  }
0x40: {  	_ =	shalt  }
0x41: {  	_ =	shalt  }
0x42: {  	_ =	shalt  }
0x43: {  	_ =	shalt  }
0x44: {  	_ =	shalt  }
0x45: {  	_ =	shalt  }
0x46: {  	_ =	shalt  }
0x47: {  	_ =	shalt  }
0x48: {  	_ =	shalt  }
0x49: {  	_ =	shalt  }
0x4a: {  	_ =	shalt  }
0x4b: {  	_ =	shalt  }
0x4c: {  	_ =	shalt  }
0x4d: {  	_ =	shalt  }
0x4e: {  	_ =	shalt  }
0x4f: {  	_ =	shalt  }
0x50: {  	_ =	shalt  }
0x51: {  	_ =	shalt  }
0x52: {  	_ =	shalt  }
0x53: {  	_ =	shalt  }
0x54: {  	_ =	shalt  }
0x55: {  	_ =	shalt  }
0x56: {  	_ =	shalt  }
0x57: {  	_ =	shalt  }
0x58: {  	_ =	shalt  }
0x59: {  	_ =	shalt  }
0x5a: {  	_ =	shalt  }
0x5b: {  	_ =	shalt  }
0x5c: {  	_ =	shalt  }
0x5d: {  	_ =	shalt  }
0x5e: {  	_ =	shalt  }
0x5f: {  	_ =	shalt  }
0x60: {  	_ =	shalt  }
0x61: {  	_ =	shalt  }
0x62: {  	_ =	shalt  }
0x63: {  	_ =	shalt  }
0x64: {  	_ =	shalt  }
0x65: {  	_ =	shalt  }
0x66: {  	_ =	shalt  }
0x67: {  	_ =	shalt  }
0x68: {  	_ =	shalt  }
0x69: {  	_ =	shalt  }
0x6a: {  	_ =	shalt  }
0x6b: {  	_ =	shalt  }
0x6c: {  	_ =	shalt  }
0x6d: {  	_ =	shalt  }
0x6e: {  	_ =	shalt  }
0x6f: {  	_ =	shalt  }
0x70: {  	_ =	shalt  }
0x71: {  	_ =	shalt  }
0x72: {  	_ =	shalt  }
0x73: {  	_ =	shalt  }
0x74: {  	_ =	shalt  }
0x75: {  	_ =	shalt  }
0x76: {  	_ =	shalt  }
0x77: {  	_ =	shalt  }
0x78: {  	_ =	shalt  }
0x79: {  	_ =	shalt  }
0x7a: {  	_ =	shalt  }
0x7b: {  	_ =	shalt  }
0x7c: {  	_ =	shalt  }
0x7d: {  	_ =	shalt  }
0x7e: {  	_ =	shalt  }
0x7f: {  	_ =	shalt  }
0x80: {  	_ =	shalt  }
0x81: {  	_ =	shalt  }
0x82: {  	_ =	shalt  }
0x83: {  	_ =	shalt  }
0x84: {  	_ =	shalt  }
0x85: {  	_ =	shalt  }
0x86: {  	_ =	shalt  }
0x87: {  	_ =	shalt  }
.Lfunc_end0:
.L_simem_size_0:
called_computation.1_lowered:
.L_overlay_start_0:
0x88: {  	s2 =	sld [smem:$0x3FD9]  }
0x89: {  	s3 =	sld [smem:$0x3FFE];
	_ =	sdelay $0x1  }
0x8a: {  	s1 =	srdreg.scid  }
0x8b: {  	s0 =	sand.u32 $0x1, s1  }
0x8c: {  	s17 =	sshll.u32 s0, $0xA;
	s2 =	sadd.s32 s3, s2  }
0x8d: {  	s2 =	sadd.s32 s2, s17  }
0x8e: {  	[smem:$0x3FC0] =	sst s2  }
0x8f: {  	_ = 	snop  }
0x90: {  	s2 =	sld [smem:$0x3FD0];
	(tm) =	ssettm $0x1  }
0x91: {  	s18 =	sld [smem:$0x3FFB];
	_ =	sdelay $0x3  }
0x92: {  	_ =	strace s18  }
0x93: {  	s3 =	sld [smem:$0x3FFC];
	_ =	sdelay $0x3  }
0x94: {  	_ =	strace s3  }
0x95: {  	s3 =	sld [smem:$0x3FFD];
	_ =	sdelay $0x3  }
0x96: {  	_ =	strace s3  }
0x97: {  	_ =	strace $0x8FFFFFFF  }
0x98: {  	s19 =	sld [smem:$0x3FDB];
	_ =	sdelay $0x1  }
0x99: {  	s4 =	simm.s32 $_scs_section_size  }
0x9a: {  	s5 =	simm.s32 $_size__tile_overlayer_lowered;
	s6 =	simm.s32 $_tile_overlayer_lowered  }
0x9b: {  	s22 =	simm.s32 $0x1BFF;
	s21 =	sshll.u32 s6, $0x1;
	s3 =	sadd.s32 s4, s19  }
0x9c: {  	s7 =	simm.s32 $0x0;
	s20 =	sshll.u32 s5, $0x1;
	s5 =	sadd.s32 s21, s3  }
0x9d: {  	[timem:s7], [sflag:s22] =	dma.local [hbm:s5], s20  }
0x9e: {  	_ =	swait.ge [sflag:s22], s20  }
0x9f: {  	s4 =	ssub.s32 $0x0, s20;
	[sflag:s22] =	ssyncset.done $0x0  }
0xa0: {  	[sflag:s22] =	ssyncadd.s32 s4;
	_ =	sdelay $0x1  }
0xa1: {  	s23 =	simm.s32 $0x1B8B  }
0xa2: {  	_ =	swait.ge [sflag:s23], $0x1  }
0xa3: {  	[sflag:s23] =	ssyncset.done $0x0  }
0xa4: {  	s25 =	simm.s32 $0x1B8E;
	s24 =	sld [smem:$0x3FFE];
	[sflag:s23] =	ssyncadd.s32 $0xFFFFFFFF  }
0xa5: {  	s26 =	simm.s32 $execute0_lowered;
	[smem:$0x3FD2] =	sst s25  }
0xa6: {  	s5 =	sshll.u32 s26, $0x1;
	_ =	strace $0x80000049;
	[dreg:$0x1] =	wrdreg $0xFFFFFFFF  }
0xa7: {  	s28 =	simm.s32 $_size_execute0_lowered;
	s3 =	sadd.s32 s3, s5;
	[dreg:$0x0] =	wrdreg $0x0  }
0xa8: {  	s5 =	sshll.u32 s28, $0x1;
	[dreg:$0x2] =	wrdreg s3  }
0xa9: {  	[dreg:$0x3] =	wrdreg s5  }
0xaa: {  	[dreg:$0x4] =	wrdreg $0xC0  }
0xab: {  	_ =	task [dreg:s7], $0x5FFFF  }
0xac: {  	[dreg:$0x1] =	wrdreg $0xFFFFFFFF  }
0xad: {  	[dreg:$0x0] =	wrdreg $0x60  }
0xae: {  	[dreg:$0x2] =	wrdreg s24  }
0xaf: {  	[dreg:$0x3] =	wrdreg s2  }
0xb0: {  	[dreg:$0x4] =	wrdreg $0xA8000  }
0xb1: {  	[dreg:$0x5] =	wrdreg $0x9  }
0xb2: {  	_ =	task.clear_ibuf [dreg:s7], $0x6FFFF;
	_ =	strace $0x90000049  }
0xb3: {  	s29 =	simm.s32 $0x9;
	_ =	strace $0x8000004B  }
0xb4: {  	_ =	swait.ge [sflag:s29], $0x1  }
0xb5: {  	[sflag:s29] =	ssyncadd.s32 $0xFFFFFFFF  }
0xb6: {  	_ =	strace $0x9000004B  }
0xb7: {  	_ =	sfence  }
0xb8: {  	s30 =	sld [smem:$0x0];
	_ =	sdelay $0x2  }
0xb9: {  	s31 =	sshll.u32 s1, $0xD;
	s1 =	sshrl.u32 s1, $0x2  }
0xba: {  	s3 =	sand.u32 $0x4000, s31;
	s1 =	sadd.s32 s1, s30  }
0xbb: {  	s0 =	sor.u32 s3, s0;
	s1 =	sshll.u32 s1, $0x11  }
0xbc: {  	s0 =	sor.u32 s1, s0  }
0xbd: {  	s0 =	sadd.s32 $0x8F2B, s0  }
0xbe: {  	[sflag:s0] =	ssyncadd.remote.s32 $0x1  }
0xbf: {  	_ =	sfence.sel $0xFFFF  }
0xc0: {  	[dreg:$0x0] =	wrdreg $0xFFFFFFFF;
	(pc) =	sbr.abs _section_cstart, $3  }
0xc1: {  	[dreg:$0x1] =	wrdreg $0xFFFFFFFF  }
0xc2: {  	_ =	task.clear_ibuf [dreg:s7], $0x2FFFF;
	_ =	strace $0x9FFFFFFF  }
0xc3: {  	(tm) =	ssettm $0x7FFFFFFF  }
tec
execute0_lowered:
.L_overlay_start_1:
0x0: {  	(tag) =	ssettag $0x1  }
0x1: {  	s0 =	rddreg [dreg:$0x0]  }
0x2: {  	s1 =	srdreg.scid;
	s2 =	rddreg [dreg:$0x1]  }
0x3: {  	s12 =	stileid.u32;
	s3 =	rddreg [dreg:$0x2];
	s4 =	simm.s32 $0x0  }
0x4: {  	s28 =	simm.s32 $0x5;
	s29 =	simm.s32 $0x100;
	s6 =	smul.u32 $0x14000, s12  }
0x5: {  	s30 =	simm.s32 $0x3;
	s31 =	simm.s32 $0x6;
	s9 =	smul.u32 $0x50000, s12  }
0x6: {  	s1 =	sand.u32 $0x1, s1;
	[smem:$0x7FF] =	sst s4;
	s20 =	smul.u32 $0x8800, s12  }
0x7: {  	s19 =	sshll.u32 s12, $0x6;
	s5 =	smul.u32 $0x140000, s1;
	_ =	strace $0x8000004A  }
0x8: {  	s8 =	ssub.s32 $0x2, s1;
	s10 =	sshll.u32 s1, $0x4;
	s1 =	smul.u32 $0x88000, s1  }
0x9: {  	s16 =	sshrl.u32 s8, $0x1;
	s10 =	sor.u32 s12, s10;
	s17 =	sshrl.u32 s9, $0x2  }
0xa: {  	s7 =	sadd.s32 s6, s5;
	s5 =	sadd.s32 $0x2C00, s0;
	s11 =	ssub.s32 s8, s16  }
0xb: {  	s18 =	smul.u32 $0x8800, s10;
	s9 =	sadd.s32 s17, s3;
	s6 =	sshrl.u32 s6, $0x3  }
0xc: {  	s1 =	sadd.s32 s20, s1;
	s20 =	simm.s32 $0x400;
	s7 =	sshrl.u32 s7, $0x3  }
0xd: {  	s6 =	sadd.s32 s5, s6;
	s23 =	sadd.s32 $0xE00, s1;
	s24 =	smax.u32 s11, $0x1  }
0xe: {  	s25 =	sadd.s32 $0xC00, s1;
	s10 =	sadd.s32 $0xA00, s1;
	s16 =	sadd.s32 $0x800, s1  }
0xf: {  	s17 =	sshrl.u32 s9, $0x3;
	s1 =	simm.s32 $0x300;
	s9 =	simm.s32 $0x700  }
0x10: {  	s0 =	sadd.s32 s7, s0;
	s8 =	sshrl.u32 s18, $0x3;
	[dreg:$0x5] =	wrdreg s6  }
0x11: {  	s7 =	sor.u32 $0x1C07, s19;
	[dreg:$0xb] =	wrdreg s24;
	s26 =	sshrl.u32 s10, $0x3  }
0x12: {  	s18 =	simm.s32 $0x7;
	s19 =	simm.s32 $0x200;
	s24 =	simm.s32 $0x800  }
0x13: {  	s10 =	simm.s32 $0x0;
	s21 =	sadd.s32 s2, s8;
	s0 =	sadd.s32 $0x2AC00, s0  }
0x14: {  	s15 =	sadd.s32 s26, s2;
	s26 =	simm.s32 $0x5800;
	[dreg:$0x6] =	wrdreg s21  }
0x15: {  	s8 =	sadd.s32 $0x40, s21;
	s22 =	sadd.s32 $0x80, s21;
	[dreg:$0xa] =	wrdreg s0  }
0x16: {  	s6 =	sadd.s32 $0xC0, s21;
	s0 =	sshrl.u32 s23, $0x3;
	[dreg:$0x7] =	wrdreg s8  }
0x17: {  	s21 =	simm.s32 $0x600;
	s23 =	simm.s32 $0xA0;
	[dreg:$0x8] =	wrdreg s22  }
0x18: {  	[dreg:$0x9] =	wrdreg s6;
	s0 =	sadd.s32 s0, s2;
	s6 =	sshrl.u32 s25, $0x3  }
0x19: {  	s22 =	simm.s32 $0x1;
	s25 =	simm.s32 $0x2;
	[dreg:$0x4] =	wrdreg s0  }
0x1a: {  	s14 =	sadd.s32 s6, s2;
	s0 =	simm.s32 $0x4;
	s6 =	simm.s32 $0x500  }
.LBB2_1:
0x1b: {  	s8 =	rddreg [dreg:$0x5]  }
0x1c: {  	[spmem:s17], [sflag:s7] =	dma.local [hbm:s8], $0x2800  }
0x1d: {  	_ =	swait.ge [sflag:s18], $0x2800  }
0x1e: {  	[sflag:s18] =	ssyncset.done $0x0  }
0x1f: {  	[sflag:s18] =	ssyncadd.s32 $0xFFFFD800  }
0x20: {  	[bflag:$0x0] =	sbarrier.arrive $0xFFFF  }
0x21: {  	s13 =	rddreg [dreg:$0x6]  }
0x22: {  	[tilespmem:s4], [sflag:$0x1] =	stream.linear.gather [hbm4b:s13+s4], $0x200, $0x38;
	[tilespmem:$0x1E800] =	vst v63  }
0x23: {  	s11 =	rddreg [dreg:$0x7]  }
0x24: {  	[tilespmem:s19], [sflag:$0x2] =	stream.linear.gather [hbm4b:s11+s4], $0x200, $0x38;
	[tilespmem:$0x1E800] =	vst v63  }
0x25: {  	s12 =	rddreg [dreg:$0x8]  }
0x26: {  	[tilespmem:s20], [sflag:$0x3] =	stream.linear.gather [hbm4b:s12+s4], $0x200, $0x38;
	[tilespmem:$0x1E800] =	vst v63  }
0x27: {  	s13 =	rddreg [dreg:$0x9]  }
0x28: {  	[tilespmem:s21], [sflag:$0x4] =	stream.linear.gather [hbm4b:s13+s4], $0x200, $0x38;
	[tilespmem:$0x1E800] =	vst v63  }
0x29: {  	_ =	swait.ge [sflag:s22], $0x200  }
0x2a: {  	[sflag:s22] =	ssyncset.done $0x0  }
0x2b: {  	[sflag:s22] =	ssyncadd.s32 $0xFFFFFE00  }
0x2c: {  	[tilespmem:s24], [sflag:$0x5] =	stream.indirect.gather [hbm4b:s5+s23], $0x80, s4, s23, $0xb8;
	[tilespmem:$0x1E800] =	vst v63  }
0x2d: {  	_ =	swait.ge [sflag:s25], $0x200  }
0x2e: {  	[sflag:s25] =	ssyncset.done $0x0  }
0x2f: {  	[sflag:s25] =	ssyncadd.s32 $0xFFFFFE00  }
0x30: {  	[tilespmem:s26], [sflag:$0x6] =	stream.indirect.gather [hbm4b:s5+s23], $0x80, s19, s23, $0xb8;
	[tilespmem:$0x1E800] =	vst v63  }
0x31: {  	_ =	swait.ge [sflag:s28], $0x5000  }
0x32: {  	[sflag:s28] =	ssyncset.done $0x0  }
0x33: {  	[sflag:s28] =	ssyncadd.s32 $0xFFFFB000  }
0x34: {  	[spmem:s3] =	stream.indirect.scatter.add.f32 [tilespmem:s24], [sflag:$0x7], $0x80, s29, s23, $0xb8;
	[tilespmem:$0x1E800] =	vst v63  }
0x35: {  	_ =	swait.ge [sflag:s18], $0x5000  }
0x36: {  	s11 =	sshrl.u32 s16, $0x3;
	[sflag:s18] =	ssyncset.done $0x0  }
0x37: {  	s11 =	sadd.s32 s2, s11;
	[sflag:s18] =	ssyncadd.s32 $0xFFFFB000  }
0x38: {  	[tilespmem:s4], [sflag:$0x1] =	stream.linear.gather [hbm4b:s11+s4], $0x200, $0x38;
	[tilespmem:$0x1E800] =	vst v63  }
0x39: {  	_ =	swait.ge [sflag:s30], $0x200  }
0x3a: {  	[sflag:s30] =	ssyncset.done $0x0  }
0x3b: {  	[sflag:s30] =	ssyncadd.s32 $0xFFFFFE00  }
0x3c: {  	[tilespmem:s24], [sflag:$0x5] =	stream.indirect.gather [hbm4b:s5+s23], $0x80, s20, s23, $0xb8;
	[tilespmem:$0x1E800] =	vst v63  }
0x3d: {  	_ =	swait.ge [sflag:s31], $0x5000  }
0x3e: {  	[sflag:s31] =	ssyncset.done $0x0  }
0x3f: {  	[sflag:s31] =	ssyncadd.s32 $0xFFFFB000  }
0x40: {  	[spmem:s3] =	stream.indirect.scatter.add.f32 [tilespmem:s26], [sflag:$0x7], $0x80, s1, s23, $0xb8;
	[tilespmem:$0x1E800] =	vst v63  }
0x41: {  	_ =	swait.ge [sflag:s18], $0x5000  }
0x42: {  	[sflag:s18] =	ssyncset.done $0x0  }
0x43: {  	s8 =	sadd.s32 $0x0, s15;
	[sflag:s18] =	ssyncadd.s32 $0xFFFFB000  }
0x44: {  	[tilespmem:s19], [sflag:$0x2] =	stream.linear.gather [hbm4b:s8+s4], $0x200, $0x38;
	[tilespmem:$0x1E800] =	vst v63  }
0x45: {  	_ =	swait.ge [sflag:s0], $0x200  }
0x46: {  	[sflag:s0] =	ssyncset.done $0x0  }
0x47: {  	[sflag:s0] =	ssyncadd.s32 $0xFFFFFE00  }
0x48: {  	[tilespmem:s26], [sflag:$0x6] =	stream.indirect.gather [hbm4b:s5+s23], $0x80, s21, s23, $0xb8;
	[tilespmem:$0x1E800] =	vst v63  }
0x49: {  	_ =	swait.ge [sflag:s28], $0x5000  }
0x4a: {  	[sflag:s28] =	ssyncset.done $0x0  }
0x4b: {  	[sflag:s28] =	ssyncadd.s32 $0xFFFFB000  }
0x4c: {  	[spmem:s3] =	stream.indirect.scatter.add.f32 [tilespmem:s24], [sflag:$0x7], $0x80, s6, s23, $0xb8;
	[tilespmem:$0x1E800] =	vst v63  }
0x4d: {  	_ =	swait.ge [sflag:s18], $0x5000  }
0x4e: {  	[sflag:s18] =	ssyncset.done $0x0  }
0x4f: {  	s12 =	sadd.s32 $0x0, s14;
	[sflag:s18] =	ssyncadd.s32 $0xFFFFB000  }
0x50: {  	[tilespmem:s20], [sflag:$0x3] =	stream.linear.gather [hbm4b:s12+s4], $0x200, $0x38;
	[tilespmem:$0x1E800] =	vst v63  }
0x51: {  	_ =	swait.ge [sflag:s22], $0x200  }
0x52: {  	[sflag:s22] =	ssyncset.done $0x0  }
0x53: {  	[sflag:s22] =	ssyncadd.s32 $0xFFFFFE00  }
0x54: {  	[tilespmem:s24], [sflag:$0x5] =	stream.indirect.gather [hbm4b:s5+s23], $0x80, s4, s23, $0xb8;
	[tilespmem:$0x1E800] =	vst v63  }
0x55: {  	_ =	swait.ge [sflag:s31], $0x5000  }
0x56: {  	[sflag:s31] =	ssyncset.done $0x0  }
0x57: {  	[sflag:s31] =	ssyncadd.s32 $0xFFFFB000  }
0x58: {  	[spmem:s3] =	stream.indirect.scatter.add.f32 [tilespmem:s26], [sflag:$0x7], $0x80, s9, s23, $0xb8;
	[tilespmem:$0x1E800] =	vst v63  }
0x59: {  	_ =	swait.ge [sflag:s18], $0x5000  }
0x5a: {  	s13 =	rddreg [dreg:$0x4];
	[sflag:s18] =	ssyncset.done $0x0  }
0x5b: {  	[sflag:s18] =	ssyncadd.s32 $0xFFFFB000;
	s11 =	sadd.s32 $0x0, s13  }
0x5c: {  	[tilespmem:s21], [sflag:$0x4] =	stream.linear.gather [hbm4b:s11+s4], $0x200, $0x38;
	[tilespmem:$0x1E800] =	vst v63  }
0x5d: {  	_ =	swait.ge [sflag:s25], $0x200  }
0x5e: {  	[sflag:s25] =	ssyncset.done $0x0  }
0x5f: {  	s12 =	sadd.s32 $0x800, s16;
	s11 =	simm.s32 $0x100;
	[sflag:s25] =	ssyncadd.s32 $0xFFFFFE00  }
.LBB2_2:
0x60: {  	[tilespmem:s26], [sflag:$0x6] =	stream.indirect.gather [hbm4b:s5+s23], $0x80, s19, s23, $0xb8;
	[tilespmem:$0x1E800] =	vst v63  }
0x61: {  	_ =	swait.ge [sflag:s28], $0x5000  }
0x62: {  	[sflag:s28] =	ssyncset.done $0x0  }
0x63: {  	[sflag:s28] =	ssyncadd.s32 $0xFFFFB000  }
0x64: {  	[spmem:s3] =	stream.indirect.scatter.add.f32 [tilespmem:s24], [sflag:$0x7], $0x80, s29, s23, $0xb8;
	[tilespmem:$0x1E800] =	vst v63  }
0x65: {  	_ =	swait.ge [sflag:s18], $0x5000  }
0x66: {  	s8 =	sshrl.u32 s12, $0x3;
	[sflag:s18] =	ssyncset.done $0x0  }
0x67: {  	s8 =	sadd.s32 s2, s8;
	[sflag:s18] =	ssyncadd.s32 $0xFFFFB000  }
0x68: {  	[tilespmem:s4], [sflag:$0x1] =	stream.linear.gather [hbm4b:s8+s4], $0x200, $0x38;
	[tilespmem:$0x1E800] =	vst v63  }
0x69: {  	_ =	swait.ge [sflag:s30], $0x200  }
0x6a: {  	[sflag:s30] =	ssyncset.done $0x0  }
0x6b: {  	[sflag:s30] =	ssyncadd.s32 $0xFFFFFE00  }
0x6c: {  	[tilespmem:s24], [sflag:$0x5] =	stream.indirect.gather [hbm4b:s5+s23], $0x80, s20, s23, $0xb8;
	[tilespmem:$0x1E800] =	vst v63  }
0x6d: {  	_ =	swait.ge [sflag:s31], $0x5000  }
0x6e: {  	[sflag:s31] =	ssyncset.done $0x0  }
0x6f: {  	[sflag:s31] =	ssyncadd.s32 $0xFFFFB000  }
0x70: {  	[spmem:s3] =	stream.indirect.scatter.add.f32 [tilespmem:s26], [sflag:$0x7], $0x80, s1, s23, $0xb8;
	[tilespmem:$0x1E800] =	vst v63  }
0x71: {  	_ =	swait.ge [sflag:s18], $0x5000  }
0x72: {  	s13 =	smov.u32 s11;
	[sflag:s18] =	ssyncset.done $0x0  }
0x73: {  	s8 =	sadd.s32 s13, s15;
	[sflag:s18] =	ssyncadd.s32 $0xFFFFB000  }
0x74: {  	[tilespmem:s19], [sflag:$0x2] =	stream.linear.gather [hbm4b:s8+s4], $0x200, $0x38;
	[tilespmem:$0x1E800] =	vst v63  }
0x75: {  	_ =	swait.ge [sflag:s0], $0x200  }
0x76: {  	[sflag:s0] =	ssyncset.done $0x0  }
0x77: {  	[sflag:s0] =	ssyncadd.s32 $0xFFFFFE00  }
0x78: {  	[tilespmem:s26], [sflag:$0x6] =	stream.indirect.gather [hbm4b:s5+s23], $0x80, s21, s23, $0xb8;
	[tilespmem:$0x1E800] =	vst v63  }
0x79: {  	_ =	swait.ge [sflag:s28], $0x5000  }
0x7a: {  	[sflag:s28] =	ssyncset.done $0x0  }
0x7b: {  	[sflag:s28] =	ssyncadd.s32 $0xFFFFB000  }
0x7c: {  	[spmem:s3] =	stream.indirect.scatter.add.f32 [tilespmem:s24], [sflag:$0x7], $0x80, s6, s23, $0xb8;
	[tilespmem:$0x1E800] =	vst v63  }
0x7d: {  	_ =	swait.ge [sflag:s18], $0x5000  }
0x7e: {  	[sflag:s18] =	ssyncset.done $0x0  }
0x7f: {  	s8 =	sadd.s32 s13, s14;
	[sflag:s18] =	ssyncadd.s32 $0xFFFFB000  }
0x80: {  	[tilespmem:s20], [sflag:$0x3] =	stream.linear.gather [hbm4b:s8+s4], $0x200, $0x38;
	[tilespmem:$0x1E800] =	vst v63  }
0x81: {  	_ =	swait.ge [sflag:s22], $0x200  }
0x82: {  	[sflag:s22] =	ssyncset.done $0x0  }
0x83: {  	[sflag:s22] =	ssyncadd.s32 $0xFFFFFE00  }
0x84: {  	[tilespmem:s24], [sflag:$0x5] =	stream.indirect.gather [hbm4b:s5+s23], $0x80, s4, s23, $0xb8;
	[tilespmem:$0x1E800] =	vst v63  }
0x85: {  	_ =	swait.ge [sflag:s31], $0x5000  }
0x86: {  	[sflag:s31] =	ssyncset.done $0x0  }
0x87: {  	[sflag:s31] =	ssyncadd.s32 $0xFFFFB000  }
0x88: {  	[spmem:s3] =	stream.indirect.scatter.add.f32 [tilespmem:s26], [sflag:$0x7], $0x80, s9, s23, $0xb8;
	[tilespmem:$0x1E800] =	vst v63  }
0x89: {  	_ =	swait.ge [sflag:s18], $0x5000  }
0x8a: {  	p0 =	sne.s32 s11, $0xF00;
	s8 =	rddreg [dreg:$0x4];
	[sflag:s18] =	ssyncset.done $0x0  }
.Ltmp0:
0x8b: {  	[sflag:s18] =	ssyncadd.s32 $0xFFFFB000;
	s8 =	sadd.s32 s13, s8;
	(pc) =	sbr.rel @p0 .LBB2_2-.Ltmp0, $4  }
0x8c: {  	[tilespmem:s21], [sflag:$0x4] =	stream.linear.gather [hbm4b:s8+s4], $0x200, $0x38;
	[tilespmem:$0x1E800] =	vst v63  }
0x8d: {  	_ =	swait.ge [sflag:s25], $0x200  }
0x8e: {  	[sflag:s25] =	ssyncset.done $0x0  }
0x8f: {  	s11 =	sadd.s32 $0x100, s11;
	s12 =	sadd.s32 $0x800, s12;
	[sflag:s25] =	ssyncadd.s32 $0xFFFFFE00  }
0x90: {  	[tilespmem:s26], [sflag:$0x6] =	stream.indirect.gather [hbm4b:s5+s23], $0x80, s19, s23, $0xb8;
	[tilespmem:$0x1E800] =	vst v63  }
0x91: {  	_ =	swait.ge [sflag:s28], $0x5000  }
0x92: {  	[sflag:s28] =	ssyncset.done $0x0  }
0x93: {  	[sflag:s28] =	ssyncadd.s32 $0xFFFFB000  }
0x94: {  	_ =	swait.ge [sflag:s31], $0x5000  }
0x95: {  	[sflag:s31] =	ssyncset.done $0x0  }
0x96: {  	[sflag:s31] =	ssyncadd.s32 $0xFFFFB000  }
0x97: {  	_ =	swait.ge [sflag:s30], $0x200  }
0x98: {  	[sflag:s30] =	ssyncset.done $0x0  }
0x99: {  	[sflag:s30] =	ssyncadd.s32 $0xFFFFFE00  }
0x9a: {  	_ =	swait.ge [sflag:s0], $0x200  }
0x9b: {  	[sflag:s0] =	ssyncset.done $0x0  }
0x9c: {  	[sflag:s0] =	ssyncadd.s32 $0xFFFFFE00  }
0x9d: {  	[bflag:$0x0] =	sbarrier.arrive $0xFFFF  }
0x9e: {  	s8 =	rddreg [dreg:$0xa]  }
0x9f: {  	[hbm:s8], [sflag:s7] =	dma.local [spmem:s17], $0x2800  }
0xa0: {  	_ =	swait.ge [sflag:s18], $0x2800  }
0xa1: {  	s10 =	sadd.s32 $0x1, s10;
	s13 =	rddreg [dreg:$0xb]  }
0xa2: {  	p0 =	sne.s32 s10, s13  }
.Ltmp1:
0xa3: {  	_ = 	snop;
	(pc) =	sbr.rel @p0 .LBB2_1-.Ltmp1, $3  }
0xa4: {  	_ =	sdelay $0x1  }
0xa5: {  	[sflag:s18] =	ssyncset.done $0x0  }
0xa6: {  	[sflag:s18] =	ssyncadd.s32 $0xFFFFD800  }
0xa7: {  	_ =	sfence.sel $0x180000  }
0xa8: {  	[bflag:$0x0] =	sbarrier.arrive $0xFFFF  }
0xa9: {  	_ =	strace $0x9000004A  }
0xaa: {  	s0 =	stileid.u32;
	[bflag:$0x2] =	sbarrier.arrive $0xFFFF  }
0xab: {  	p0 =	sne.s32 s0, $0x0;
	s0 =	rddreg [dreg:$0x3]  }
0xac: {  	s0 =	sadd.s32 @!p0 $0x100000, s0  }
0xad: {  	[sflag:s0] =	ssyncadd.tile.s32 @!p0 $0x1;
	_ =	shalt  }
.Lfunc_end2:
_tile_overlayer_lowered:
.L_overlay_start_2:
0xae: {  	(tag) =	ssettag $0x2  }
0xaf: {  	s0 =	rddreg [dreg:$0x0];
	s2 =	stileid.u32  }
0xb0: {  	s1 =	rddreg [dreg:$0x1];
	p0 =	sne.s32 s2, $0x0  }
0xb1: {  	s3 =	rddreg [dreg:$0x2];
	[bflag:$0x3] =	sbarrier.arrive $0xFFFF;
	s2 =	simm.s32 @!p0 $0x1C07  }
0xb2: {  	[timem:s3], [sflag:s2] =	dma.local @!p0 [hbm:s0], s1  }
0xb3: {  	s0 =	simm.s32 @!p0 $0x7  }
0xb4: {  	_ =	swait.ge @!p0 [sflag:s0], s1  }
0xb5: {  	s1 =	ssub.s32 @!p0 $0x0, s1;
	[sflag:s0] =	ssyncset.done @!p0 $0x0  }
0xb6: {  	[sflag:s0] =	ssyncadd.s32 @!p0 s1  }
0xb7: {  	[bflag:$0x3] =	sbarrier.arrive $0xFFFF  }
0xb8: {  	_ =	shalt  }

// kernel: kernel.17.cloned.1.call-start
scs
__scs_entry_jumppad:
0x0: {  	(pc) =	sbr.rel $0x88, $3  }
0x1: {  	(tag) =	ssettag $0x0;
	lr =	simm.s32 $0x1  }
0x2: {  	[smem:$0x3F99] =	sst lr;
	_ =	strace $0xD0000000  }
0x3: {  	_ = 	snop  }
0x4: {  	_ = 	snop  }
0x5: {  	_ = 	snop  }
0x6: {  	_ = 	snop  }
0x7: {  	_ = 	snop  }
__scs_overlays_trampoline_lowered:
0x8: {  	[smem:$0x3FA8] =	sst s0  }
0x9: {  	[smem:$0x3FA9] =	sst s1  }
0xa: {  	[smem:$0x3FAA] =	sst s2  }
0xb: {  	[smem:$0x3FAB] =	sst s3  }
0xc: {  	[smem:$0x3FAC] =	sst s4  }
0xd: {  	[smem:$0x3FAD] =	sst s5  }
0xe: {  	[smem:$0x3FAE] =	sst s6  }
0xf: {  	[smem:$0x3FAF] =	sst s7  }
0x10: {  	[smem:$0x3FB0] =	sst s8  }
0x11: {  	[smem:$0x3FB1] =	sst s9;
	s0 =	simm.s32 @!p0 $0x0  }
0x12: {  	s1 =	sld [smem:$0x3F97];
	s0 =	simm.s32 @p0 $0x1  }
0x13: {  	[smem:$0x3FB2] =	sst s0;
	s0 =	simm.s32 @!p1 $0x0  }
0x14: {  	s2 =	sld [smem:$0x3F96];
	s0 =	simm.s32 @p1 $0x1  }
0x15: {  	[smem:$0x3FB3] =	sst s0;
	s0 =	simm.s32 @!p2 $0x0  }
0x16: {  	s3 =	sld [smem:$0x3FDB];
	s0 =	simm.s32 @p2 $0x1  }
0x17: {  	s4 =	simm.s32 $0x1BF5;
	[smem:$0x3FB5] =	sst s0  }
0x18: {  	s0 =	sld [smem:$0x3F98];
	_ =	swait.ge [sflag:s4], $0x0  }
0x19: {  	s7 =	sld [smem:$0x3F99]  }
0x1a: {  	s8 =	sadd.s32 $0xFFFFE003, lr  }
0x1b: {  	s9 =	sadd.s32 $0xFFFFFEF7, lr;
	s5 =	simm.s32 $0xFFFFFFFF;
	p2 =	slt.u32 s8, $0xFFFFF086  }
0x1c: {  	p1 =	slt.u32 s9, $0xF7A;
	s5 =	simm.s32 @!p2 $0x0  }
0x1d: {  	s5 =	simm.s32 @p1 $0x1;
	p0 =	seq.s32 s7, s2  }
0x1e: {  	s7 =	smul.u32 @!p0 $0xF7A, s2;
	p2 =	seq.s32 @!p0 s5, $0x0  }
0x1f: {  	s9 =	smul.u32 $0xF7A, s1;
	s8 =	simm.s32 @!p0 $0x1BF5;
	p2 =	por !p2, p0  }
0x20: {  	[sflag:s8] =	ssyncset.s32 @!p0 $0xFFFFF086;
	s6 =	sadd.s32 @!p0 s3, s7;
	s7 =	simm.s32 @!p0 $0x108  }
0x21: {  	s3 =	sadd.s32 s3, s9;
	s6 =	sadd.s32 @!p0 $0x88, s6;
	s7 =	simm.s32 @p2 $0x1082  }
0x22: {  	[simem:s7], [sflag:s8] =	dma.local @!p0 [hbm:s6], $0xF7A  }
0x23: {  	s9 =	sor.u32 $0xD0000000, s2;
	s6 =	simm.s32 $0x108;
	_ =	swait.ge @!p0 [sflag:s8], $0x0  }
0x24: {  	s3 =	sadd.s32 $0x88, s3;
	s6 =	simm.s32 @!p1 $0x1082;
	[sflag:s4] =	ssyncset.s32 $0xFFFFF086  }
0x25: {  	[simem:s6], [sflag:s4] =	dma.local [hbm:s3], $0xF7A  }
0x26: {  	[smem:$0x3F99] =	sst s1;
	(tag) =	ssettag s2;
	_ =	strace s9  }
0x27: {  	s1 =	sld [smem:$0x3FA9]  }
0x28: {  	s2 =	sld [smem:$0x3FAA]  }
0x29: {  	s4 =	sld [smem:$0x3FAC]  }
0x2a: {  	p0 =	seq.s32 s5, $0x0;
	s5 =	sld [smem:$0x3FAD]  }
0x2b: {  	s6 =	sld [smem:$0x3FAE]  }
0x2c: {  	s7 =	sld [smem:$0x3FAF]  }
0x2d: {  	s3 =	simm.s32 $0x108;
	s8 =	sld [smem:$0x3FB0]  }
0x2e: {  	s3 =	simm.s32 @!p0 $0x1082;
	s9 =	sld [smem:$0x3FB1]  }
0x2f: {  	lr =	sadd.s32 s0, s3;
	s0 =	sld [smem:$0x3FA8]  }
0x30: {  	s3 =	sld [smem:$0x3FAB]  }
0x31: {  	[smem:$0x3FB4] =	sst s10  }
0x32: {  	s10 =	sld [smem:$0x3FB2];
	_ =	sdelay $0x3  }
0x33: {  	p0 =	seq.s32 s10, $0x1;
	s10 =	sld [smem:$0x3FB4];
	_ =	sdelay $0x3  }
0x34: {  	[smem:$0x3FB4] =	sst s10  }
0x35: {  	s10 =	sld [smem:$0x3FB3];
	_ =	sdelay $0x3  }
0x36: {  	p1 =	seq.s32 s10, $0x1;
	s10 =	sld [smem:$0x3FB4];
	_ =	sdelay $0x3  }
0x37: {  	[smem:$0x3FB4] =	sst s10  }
0x38: {  	s10 =	sld [smem:$0x3FB5]  }
0x39: {  	_ = 	snop;
	(pc) =	sbr.ind lr, $3  }
0x3a: {  	_ = 	snop  }
0x3b: {  	_ = 	snop  }
0x3c: {  	p2 =	seq.s32 s10, $0x1;
	s10 =	sld [smem:$0x3FB4]  }
0x3d: {  	_ =	shalt  }
0x3e: {  	_ =	shalt  }
0x3f: {  	_ =	shalt  }
0x40: {  	_ =	shalt  }
0x41: {  	_ =	shalt  }
0x42: {  	_ =	shalt  }
0x43: {  	_ =	shalt  }
0x44: {  	_ =	shalt  }
0x45: {  	_ =	shalt  }
0x46: {  	_ =	shalt  }
0x47: {  	_ =	shalt  }
0x48: {  	_ =	shalt  }
0x49: {  	_ =	shalt  }
0x4a: {  	_ =	shalt  }
0x4b: {  	_ =	shalt  }
0x4c: {  	_ =	shalt  }
0x4d: {  	_ =	shalt  }
0x4e: {  	_ =	shalt  }
0x4f: {  	_ =	shalt  }
0x50: {  	_ =	shalt  }
0x51: {  	_ =	shalt  }
0x52: {  	_ =	shalt  }
0x53: {  	_ =	shalt  }
0x54: {  	_ =	shalt  }
0x55: {  	_ =	shalt  }
0x56: {  	_ =	shalt  }
0x57: {  	_ =	shalt  }
0x58: {  	_ =	shalt  }
0x59: {  	_ =	shalt  }
0x5a: {  	_ =	shalt  }
0x5b: {  	_ =	shalt  }
0x5c: {  	_ =	shalt  }
0x5d: {  	_ =	shalt  }
0x5e: {  	_ =	shalt  }
0x5f: {  	_ =	shalt  }
0x60: {  	_ =	shalt  }
0x61: {  	_ =	shalt  }
0x62: {  	_ =	shalt  }
0x63: {  	_ =	shalt  }
0x64: {  	_ =	shalt  }
0x65: {  	_ =	shalt  }
0x66: {  	_ =	shalt  }
0x67: {  	_ =	shalt  }
0x68: {  	_ =	shalt  }
0x69: {  	_ =	shalt  }
0x6a: {  	_ =	shalt  }
0x6b: {  	_ =	shalt  }
0x6c: {  	_ =	shalt  }
0x6d: {  	_ =	shalt  }
0x6e: {  	_ =	shalt  }
0x6f: {  	_ =	shalt  }
0x70: {  	_ =	shalt  }
0x71: {  	_ =	shalt  }
0x72: {  	_ =	shalt  }
0x73: {  	_ =	shalt  }
0x74: {  	_ =	shalt  }
0x75: {  	_ =	shalt  }
0x76: {  	_ =	shalt  }
0x77: {  	_ =	shalt  }
0x78: {  	_ =	shalt  }
0x79: {  	_ =	shalt  }
0x7a: {  	_ =	shalt  }
0x7b: {  	_ =	shalt  }
0x7c: {  	_ =	shalt  }
0x7d: {  	_ =	shalt  }
0x7e: {  	_ =	shalt  }
0x7f: {  	_ =	shalt  }
0x80: {  	_ =	shalt  }
0x81: {  	_ =	shalt  }
0x82: {  	_ =	shalt  }
0x83: {  	_ =	shalt  }
0x84: {  	_ =	shalt  }
0x85: {  	_ =	shalt  }
0x86: {  	_ =	shalt  }
0x87: {  	_ =	shalt  }
.Lfunc_end0:
.L_simem_size_0:
called_computation.2_lowered:
.L_overlay_start_0:
0x88: {  	s2 =	sld [smem:$0x3FD9]  }
0x89: {  	s3 =	sld [smem:$0x3FFE];
	_ =	sdelay $0x1  }
0x8a: {  	s1 =	srdreg.scid  }
0x8b: {  	s0 =	sand.u32 $0x1, s1  }
0x8c: {  	s17 =	sshll.u32 s0, $0xA;
	s2 =	sadd.s32 s3, s2  }
0x8d: {  	s2 =	sadd.s32 s2, s17  }
0x8e: {  	[smem:$0x3FC0] =	sst s2  }
0x8f: {  	_ = 	snop  }
0x90: {  	s2 =	sld [smem:$0x3FD0];
	(tm) =	ssettm $0x1  }
0x91: {  	s18 =	sld [smem:$0x3FFB];
	_ =	sdelay $0x3  }
0x92: {  	_ =	strace s18  }
0x93: {  	s3 =	sld [smem:$0x3FFC];
	_ =	sdelay $0x3  }
0x94: {  	_ =	strace s3  }
0x95: {  	s3 =	sld [smem:$0x3FFD];
	_ =	sdelay $0x3  }
0x96: {  	_ =	strace s3  }
0x97: {  	_ =	strace $0x8FFFFFFF  }
0x98: {  	s19 =	sld [smem:$0x3FDB];
	_ =	sdelay $0x1  }
0x99: {  	s4 =	simm.s32 $_scs_section_size  }
0x9a: {  	s5 =	simm.s32 $_size__tile_overlayer_lowered;
	s6 =	simm.s32 $_tile_overlayer_lowered  }
0x9b: {  	s22 =	simm.s32 $0x1BFF;
	s21 =	sshll.u32 s6, $0x1;
	s3 =	sadd.s32 s4, s19  }
0x9c: {  	s7 =	simm.s32 $0x0;
	s20 =	sshll.u32 s5, $0x1;
	s5 =	sadd.s32 s21, s3  }
0x9d: {  	[timem:s7], [sflag:s22] =	dma.local [hbm:s5], s20  }
0x9e: {  	_ =	swait.ge [sflag:s22], s20  }
0x9f: {  	s4 =	ssub.s32 $0x0, s20;
	[sflag:s22] =	ssyncset.done $0x0  }
0xa0: {  	[sflag:s22] =	ssyncadd.s32 s4;
	_ =	sdelay $0x1  }
0xa1: {  	s23 =	simm.s32 $0x1B8B  }
0xa2: {  	_ =	swait.ge [sflag:s23], $0x1  }
0xa3: {  	[sflag:s23] =	ssyncset.done $0x0  }
0xa4: {  	s25 =	simm.s32 $0x1B8E;
	s24 =	sld [smem:$0x3FFE];
	[sflag:s23] =	ssyncadd.s32 $0xFFFFFFFF  }
0xa5: {  	s26 =	simm.s32 $execute0_lowered;
	[smem:$0x3FD2] =	sst s25  }
0xa6: {  	s5 =	sshll.u32 s26, $0x1;
	_ =	strace $0x8000004C;
	[dreg:$0x1] =	wrdreg $0xFFFFFFFF  }
0xa7: {  	s28 =	simm.s32 $_size_execute0_lowered;
	s3 =	sadd.s32 s3, s5;
	[dreg:$0x0] =	wrdreg $0x0  }
0xa8: {  	s5 =	sshll.u32 s28, $0x1;
	[dreg:$0x2] =	wrdreg s3  }
0xa9: {  	[dreg:$0x3] =	wrdreg s5  }
0xaa: {  	[dreg:$0x4] =	wrdreg $0xC0  }
0xab: {  	_ =	task [dreg:s7], $0x5FFFF  }
0xac: {  	[dreg:$0x1] =	wrdreg $0xFFFFFFFF  }
0xad: {  	[dreg:$0x0] =	wrdreg $0x60  }
0xae: {  	[dreg:$0x2] =	wrdreg s24  }
0xaf: {  	[dreg:$0x3] =	wrdreg s2  }
0xb0: {  	[dreg:$0x4] =	wrdreg $0xA8000  }
0xb1: {  	[dreg:$0x5] =	wrdreg $0x9  }
0xb2: {  	_ =	task.clear_ibuf [dreg:s7], $0x6FFFF;
	_ =	strace $0x9000004C  }
0xb3: {  	s29 =	simm.s32 $0x9;
	_ =	strace $0x8000004E  }
0xb4: {  	_ =	swait.ge [sflag:s29], $0x1  }
0xb5: {  	[sflag:s29] =	ssyncadd.s32 $0xFFFFFFFF  }
0xb6: {  	_ =	strace $0x9000004E  }
0xb7: {  	_ =	sfence  }
0xb8: {  	s30 =	sld [smem:$0x0];
	_ =	sdelay $0x2  }
0xb9: {  	s31 =	sshll.u32 s1, $0xD;
	s1 =	sshrl.u32 s1, $0x2  }
0xba: {  	s3 =	sand.u32 $0x4000, s31;
	s1 =	sadd.s32 s1, s30  }
0xbb: {  	s0 =	sor.u32 s3, s0;
	s1 =	sshll.u32 s1, $0x11  }
0xbc: {  	s0 =	sor.u32 s1, s0  }
0xbd: {  	s0 =	sadd.s32 $0x8F2B, s0  }
0xbe: {  	[sflag:s0] =	ssyncadd.remote.s32 $0x1  }
0xbf: {  	_ =	sfence.sel $0xFFFF  }
0xc0: {  	[dreg:$0x0] =	wrdreg $0xFFFFFFFF;
	(pc) =	sbr.abs _section_cstart, $3  }
0xc1: {  	[dreg:$0x1] =	wrdreg $0xFFFFFFFF  }
0xc2: {  	_ =	task.clear_ibuf [dreg:s7], $0x2FFFF;
	_ =	strace $0x9FFFFFFF  }
0xc3: {  	(tm) =	ssettm $0x7FFFFFFF  }
tec
execute0_lowered:
.L_overlay_start_1:
0x0: {  	(tag) =	ssettag $0x1  }
0x1: {  	s0 =	rddreg [dreg:$0x0]  }
0x2: {  	s1 =	srdreg.scid;
	s2 =	rddreg [dreg:$0x1]  }
0x3: {  	s12 =	stileid.u32;
	s3 =	rddreg [dreg:$0x2];
	s4 =	simm.s32 $0x0  }
0x4: {  	s28 =	simm.s32 $0x5;
	s29 =	simm.s32 $0x100;
	s6 =	smul.u32 $0x14000, s12  }
0x5: {  	s30 =	simm.s32 $0x3;
	s31 =	simm.s32 $0x6;
	s9 =	smul.u32 $0x50000, s12  }
0x6: {  	s1 =	sand.u32 $0x1, s1;
	[smem:$0x7FF] =	sst s4;
	s20 =	smul.u32 $0x8800, s12  }
0x7: {  	s19 =	sshll.u32 s12, $0x6;
	s5 =	smul.u32 $0x140000, s1;
	_ =	strace $0x8000004D  }
0x8: {  	s8 =	ssub.s32 $0x2, s1;
	s10 =	sshll.u32 s1, $0x4;
	s1 =	smul.u32 $0x88000, s1  }
0x9: {  	s16 =	sshrl.u32 s8, $0x1;
	s10 =	sor.u32 s12, s10;
	s17 =	sshrl.u32 s9, $0x2  }
0xa: {  	s7 =	sadd.s32 s6, s5;
	s5 =	sadd.s32 $0x2C00, s0;
	s11 =	ssub.s32 s8, s16  }
0xb: {  	s18 =	smul.u32 $0x8800, s10;
	s9 =	sadd.s32 s17, s3;
	s6 =	sshrl.u32 s6, $0x3  }
0xc: {  	s1 =	sadd.s32 s20, s1;
	s20 =	simm.s32 $0x400;
	s7 =	sshrl.u32 s7, $0x3  }
0xd: {  	s6 =	sadd.s32 s5, s6;
	s23 =	sadd.s32 $0xE00, s1;
	s24 =	smax.u32 s11, $0x1  }
0xe: {  	s25 =	sadd.s32 $0xC00, s1;
	s10 =	sadd.s32 $0xA00, s1;
	s16 =	sadd.s32 $0x800, s1  }
0xf: {  	s17 =	sshrl.u32 s9, $0x3;
	s1 =	simm.s32 $0x300;
	s9 =	simm.s32 $0x700  }
0x10: {  	s0 =	sadd.s32 s7, s0;
	s8 =	sshrl.u32 s18, $0x3;
	[dreg:$0x5] =	wrdreg s6  }
0x11: {  	s7 =	sor.u32 $0x1C07, s19;
	[dreg:$0xb] =	wrdreg s24;
	s26 =	sshrl.u32 s10, $0x3  }
0x12: {  	s18 =	simm.s32 $0x7;
	s19 =	simm.s32 $0x200;
	s24 =	simm.s32 $0x800  }
0x13: {  	s10 =	simm.s32 $0x0;
	s21 =	sadd.s32 s2, s8;
	s0 =	sadd.s32 $0x2AC00, s0  }
0x14: {  	s15 =	sadd.s32 s26, s2;
	s26 =	simm.s32 $0x5800;
	[dreg:$0x6] =	wrdreg s21  }
0x15: {  	s8 =	sadd.s32 $0x40, s21;
	s22 =	sadd.s32 $0x80, s21;
	[dreg:$0xa] =	wrdreg s0  }
0x16: {  	s6 =	sadd.s32 $0xC0, s21;
	s0 =	sshrl.u32 s23, $0x3;
	[dreg:$0x7] =	wrdreg s8  }
0x17: {  	s21 =	simm.s32 $0x600;
	s23 =	simm.s32 $0xA0;
	[dreg:$0x8] =	wrdreg s22  }
0x18: {  	[dreg:$0x9] =	wrdreg s6;
	s0 =	sadd.s32 s0, s2;
	s6 =	sshrl.u32 s25, $0x3  }
0x19: {  	s22 =	simm.s32 $0x1;
	s25 =	simm.s32 $0x2;
	[dreg:$0x4] =	wrdreg s0  }
0x1a: {  	s14 =	sadd.s32 s6, s2;
	s0 =	simm.s32 $0x4;
	s6 =	simm.s32 $0x500  }
.LBB2_1:
0x1b: {  	s8 =	rddreg [dreg:$0x5]  }
0x1c: {  	[spmem:s17], [sflag:s7] =	dma.local [hbm:s8], $0x2800  }
0x1d: {  	_ =	swait.ge [sflag:s18], $0x2800  }
0x1e: {  	[sflag:s18] =	ssyncset.done $0x0  }
0x1f: {  	[sflag:s18] =	ssyncadd.s32 $0xFFFFD800  }
0x20: {  	[bflag:$0x0] =	sbarrier.arrive $0xFFFF  }
0x21: {  	s13 =	rddreg [dreg:$0x6]  }
0x22: {  	[tilespmem:s4], [sflag:$0x1] =	stream.linear.gather [hbm4b:s13+s4], $0x200, $0x38;
	[tilespmem:$0x1E800] =	vst v63  }
0x23: {  	s11 =	rddreg [dreg:$0x7]  }
0x24: {  	[tilespmem:s19], [sflag:$0x2] =	stream.linear.gather [hbm4b:s11+s4], $0x200, $0x38;
	[tilespmem:$0x1E800] =	vst v63  }
0x25: {  	s12 =	rddreg [dreg:$0x8]  }
0x26: {  	[tilespmem:s20], [sflag:$0x3] =	stream.linear.gather [hbm4b:s12+s4], $0x200, $0x38;
	[tilespmem:$0x1E800] =	vst v63  }
0x27: {  	s13 =	rddreg [dreg:$0x9]  }
0x28: {  	[tilespmem:s21], [sflag:$0x4] =	stream.linear.gather [hbm4b:s13+s4], $0x200, $0x38;
	[tilespmem:$0x1E800] =	vst v63  }
0x29: {  	_ =	swait.ge [sflag:s22], $0x200  }
0x2a: {  	[sflag:s22] =	ssyncset.done $0x0  }
0x2b: {  	[sflag:s22] =	ssyncadd.s32 $0xFFFFFE00  }
0x2c: {  	[tilespmem:s24], [sflag:$0x5] =	stream.indirect.gather [hbm4b:s5+s23], $0x80, s4, s23, $0xb8;
	[tilespmem:$0x1E800] =	vst v63  }
0x2d: {  	_ =	swait.ge [sflag:s25], $0x200  }
0x2e: {  	[sflag:s25] =	ssyncset.done $0x0  }
0x2f: {  	[sflag:s25] =	ssyncadd.s32 $0xFFFFFE00  }
0x30: {  	[tilespmem:s26], [sflag:$0x6] =	stream.indirect.gather [hbm4b:s5+s23], $0x80, s19, s23, $0xb8;
	[tilespmem:$0x1E800] =	vst v63  }
0x31: {  	_ =	swait.ge [sflag:s28], $0x5000  }
0x32: {  	[sflag:s28] =	ssyncset.done $0x0  }
0x33: {  	[sflag:s28] =	ssyncadd.s32 $0xFFFFB000  }
0x34: {  	[spmem:s3] =	stream.indirect.scatter.add.f32 [tilespmem:s24], [sflag:$0x7], $0x80, s29, s23, $0xb8;
	[tilespmem:$0x1E800] =	vst v63  }
0x35: {  	_ =	swait.ge [sflag:s18], $0x5000  }
0x36: {  	s11 =	sshrl.u32 s16, $0x3;
	[sflag:s18] =	ssyncset.done $0x0  }
0x37: {  	s11 =	sadd.s32 s2, s11;
	[sflag:s18] =	ssyncadd.s32 $0xFFFFB000  }
0x38: {  	[tilespmem:s4], [sflag:$0x1] =	stream.linear.gather [hbm4b:s11+s4], $0x200, $0x38;
	[tilespmem:$0x1E800] =	vst v63  }
0x39: {  	_ =	swait.ge [sflag:s30], $0x200  }
0x3a: {  	[sflag:s30] =	ssyncset.done $0x0  }
0x3b: {  	[sflag:s30] =	ssyncadd.s32 $0xFFFFFE00  }
0x3c: {  	[tilespmem:s24], [sflag:$0x5] =	stream.indirect.gather [hbm4b:s5+s23], $0x80, s20, s23, $0xb8;
	[tilespmem:$0x1E800] =	vst v63  }
0x3d: {  	_ =	swait.ge [sflag:s31], $0x5000  }
0x3e: {  	[sflag:s31] =	ssyncset.done $0x0  }
0x3f: {  	[sflag:s31] =	ssyncadd.s32 $0xFFFFB000  }
0x40: {  	[spmem:s3] =	stream.indirect.scatter.add.f32 [tilespmem:s26], [sflag:$0x7], $0x80, s1, s23, $0xb8;
	[tilespmem:$0x1E800] =	vst v63  }
0x41: {  	_ =	swait.ge [sflag:s18], $0x5000  }
0x42: {  	[sflag:s18] =	ssyncset.done $0x0  }
0x43: {  	s8 =	sadd.s32 $0x0, s15;
	[sflag:s18] =	ssyncadd.s32 $0xFFFFB000  }
0x44: {  	[tilespmem:s19], [sflag:$0x2] =	stream.linear.gather [hbm4b:s8+s4], $0x200, $0x38;
	[tilespmem:$0x1E800] =	vst v63  }
0x45: {  	_ =	swait.ge [sflag:s0], $0x200  }
0x46: {  	[sflag:s0] =	ssyncset.done $0x0  }
0x47: {  	[sflag:s0] =	ssyncadd.s32 $0xFFFFFE00  }
0x48: {  	[tilespmem:s26], [sflag:$0x6] =	stream.indirect.gather [hbm4b:s5+s23], $0x80, s21, s23, $0xb8;
	[tilespmem:$0x1E800] =	vst v63  }
0x49: {  	_ =	swait.ge [sflag:s28], $0x5000  }
0x4a: {  	[sflag:s28] =	ssyncset.done $0x0  }
0x4b: {  	[sflag:s28] =	ssyncadd.s32 $0xFFFFB000  }
0x4c: {  	[spmem:s3] =	stream.indirect.scatter.add.f32 [tilespmem:s24], [sflag:$0x7], $0x80, s6, s23, $0xb8;
	[tilespmem:$0x1E800] =	vst v63  }
0x4d: {  	_ =	swait.ge [sflag:s18], $0x5000  }
0x4e: {  	[sflag:s18] =	ssyncset.done $0x0  }
0x4f: {  	s12 =	sadd.s32 $0x0, s14;
	[sflag:s18] =	ssyncadd.s32 $0xFFFFB000  }
0x50: {  	[tilespmem:s20], [sflag:$0x3] =	stream.linear.gather [hbm4b:s12+s4], $0x200, $0x38;
	[tilespmem:$0x1E800] =	vst v63  }
0x51: {  	_ =	swait.ge [sflag:s22], $0x200  }
0x52: {  	[sflag:s22] =	ssyncset.done $0x0  }
0x53: {  	[sflag:s22] =	ssyncadd.s32 $0xFFFFFE00  }
0x54: {  	[tilespmem:s24], [sflag:$0x5] =	stream.indirect.gather [hbm4b:s5+s23], $0x80, s4, s23, $0xb8;
	[tilespmem:$0x1E800] =	vst v63  }
0x55: {  	_ =	swait.ge [sflag:s31], $0x5000  }
0x56: {  	[sflag:s31] =	ssyncset.done $0x0  }
0x57: {  	[sflag:s31] =	ssyncadd.s32 $0xFFFFB000  }
0x58: {  	[spmem:s3] =	stream.indirect.scatter.add.f32 [tilespmem:s26], [sflag:$0x7], $0x80, s9, s23, $0xb8;
	[tilespmem:$0x1E800] =	vst v63  }
0x59: {  	_ =	swait.ge [sflag:s18], $0x5000  }
0x5a: {  	s13 =	rddreg [dreg:$0x4];
	[sflag:s18] =	ssyncset.done $0x0  }
0x5b: {  	[sflag:s18] =	ssyncadd.s32 $0xFFFFB000;
	s11 =	sadd.s32 $0x0, s13  }
0x5c: {  	[tilespmem:s21], [sflag:$0x4] =	stream.linear.gather [hbm4b:s11+s4], $0x200, $0x38;
	[tilespmem:$0x1E800] =	vst v63  }
0x5d: {  	_ =	swait.ge [sflag:s25], $0x200  }
0x5e: {  	[sflag:s25] =	ssyncset.done $0x0  }
0x5f: {  	s12 =	sadd.s32 $0x800, s16;
	s11 =	simm.s32 $0x100;
	[sflag:s25] =	ssyncadd.s32 $0xFFFFFE00  }
.LBB2_2:
0x60: {  	[tilespmem:s26], [sflag:$0x6] =	stream.indirect.gather [hbm4b:s5+s23], $0x80, s19, s23, $0xb8;
	[tilespmem:$0x1E800] =	vst v63  }
0x61: {  	_ =	swait.ge [sflag:s28], $0x5000  }
0x62: {  	[sflag:s28] =	ssyncset.done $0x0  }
0x63: {  	[sflag:s28] =	ssyncadd.s32 $0xFFFFB000  }
0x64: {  	[spmem:s3] =	stream.indirect.scatter.add.f32 [tilespmem:s24], [sflag:$0x7], $0x80, s29, s23, $0xb8;
	[tilespmem:$0x1E800] =	vst v63  }
0x65: {  	_ =	swait.ge [sflag:s18], $0x5000  }
0x66: {  	s8 =	sshrl.u32 s12, $0x3;
	[sflag:s18] =	ssyncset.done $0x0  }
0x67: {  	s8 =	sadd.s32 s2, s8;
	[sflag:s18] =	ssyncadd.s32 $0xFFFFB000  }
0x68: {  	[tilespmem:s4], [sflag:$0x1] =	stream.linear.gather [hbm4b:s8+s4], $0x200, $0x38;
	[tilespmem:$0x1E800] =	vst v63  }
0x69: {  	_ =	swait.ge [sflag:s30], $0x200  }
0x6a: {  	[sflag:s30] =	ssyncset.done $0x0  }
0x6b: {  	[sflag:s30] =	ssyncadd.s32 $0xFFFFFE00  }
0x6c: {  	[tilespmem:s24], [sflag:$0x5] =	stream.indirect.gather [hbm4b:s5+s23], $0x80, s20, s23, $0xb8;
	[tilespmem:$0x1E800] =	vst v63  }
0x6d: {  	_ =	swait.ge [sflag:s31], $0x5000  }
0x6e: {  	[sflag:s31] =	ssyncset.done $0x0  }
0x6f: {  	[sflag:s31] =	ssyncadd.s32 $0xFFFFB000  }
0x70: {  	[spmem:s3] =	stream.indirect.scatter.add.f32 [tilespmem:s26], [sflag:$0x7], $0x80, s1, s23, $0xb8;
	[tilespmem:$0x1E800] =	vst v63  }
0x71: {  	_ =	swait.ge [sflag:s18], $0x5000  }
0x72: {  	s13 =	smov.u32 s11;
	[sflag:s18] =	ssyncset.done $0x0  }
0x73: {  	s8 =	sadd.s32 s13, s15;
	[sflag:s18] =	ssyncadd.s32 $0xFFFFB000  }
0x74: {  	[tilespmem:s19], [sflag:$0x2] =	stream.linear.gather [hbm4b:s8+s4], $0x200, $0x38;
	[tilespmem:$0x1E800] =	vst v63  }
0x75: {  	_ =	swait.ge [sflag:s0], $0x200  }
0x76: {  	[sflag:s0] =	ssyncset.done $0x0  }
0x77: {  	[sflag:s0] =	ssyncadd.s32 $0xFFFFFE00  }
0x78: {  	[tilespmem:s26], [sflag:$0x6] =	stream.indirect.gather [hbm4b:s5+s23], $0x80, s21, s23, $0xb8;
	[tilespmem:$0x1E800] =	vst v63  }
0x79: {  	_ =	swait.ge [sflag:s28], $0x5000  }
0x7a: {  	[sflag:s28] =	ssyncset.done $0x0  }
0x7b: {  	[sflag:s28] =	ssyncadd.s32 $0xFFFFB000  }
0x7c: {  	[spmem:s3] =	stream.indirect.scatter.add.f32 [tilespmem:s24], [sflag:$0x7], $0x80, s6, s23, $0xb8;
	[tilespmem:$0x1E800] =	vst v63  }
0x7d: {  	_ =	swait.ge [sflag:s18], $0x5000  }
0x7e: {  	[sflag:s18] =	ssyncset.done $0x0  }
0x7f: {  	s8 =	sadd.s32 s13, s14;
	[sflag:s18] =	ssyncadd.s32 $0xFFFFB000  }
0x80: {  	[tilespmem:s20], [sflag:$0x3] =	stream.linear.gather [hbm4b:s8+s4], $0x200, $0x38;
	[tilespmem:$0x1E800] =	vst v63  }
0x81: {  	_ =	swait.ge [sflag:s22], $0x200  }
0x82: {  	[sflag:s22] =	ssyncset.done $0x0  }
0x83: {  	[sflag:s22] =	ssyncadd.s32 $0xFFFFFE00  }
0x84: {  	[tilespmem:s24], [sflag:$0x5] =	stream.indirect.gather [hbm4b:s5+s23], $0x80, s4, s23, $0xb8;
	[tilespmem:$0x1E800] =	vst v63  }
0x85: {  	_ =	swait.ge [sflag:s31], $0x5000  }
0x86: {  	[sflag:s31] =	ssyncset.done $0x0  }
0x87: {  	[sflag:s31] =	ssyncadd.s32 $0xFFFFB000  }
0x88: {  	[spmem:s3] =	stream.indirect.scatter.add.f32 [tilespmem:s26], [sflag:$0x7], $0x80, s9, s23, $0xb8;
	[tilespmem:$0x1E800] =	vst v63  }
0x89: {  	_ =	swait.ge [sflag:s18], $0x5000  }
0x8a: {  	p0 =	sne.s32 s11, $0xF00;
	s8 =	rddreg [dreg:$0x4];
	[sflag:s18] =	ssyncset.done $0x0  }
.Ltmp0:
0x8b: {  	[sflag:s18] =	ssyncadd.s32 $0xFFFFB000;
	s8 =	sadd.s32 s13, s8;
	(pc) =	sbr.rel @p0 .LBB2_2-.Ltmp0, $4  }
0x8c: {  	[tilespmem:s21], [sflag:$0x4] =	stream.linear.gather [hbm4b:s8+s4], $0x200, $0x38;
	[tilespmem:$0x1E800] =	vst v63  }
0x8d: {  	_ =	swait.ge [sflag:s25], $0x200  }
0x8e: {  	[sflag:s25] =	ssyncset.done $0x0  }
0x8f: {  	s11 =	sadd.s32 $0x100, s11;
	s12 =	sadd.s32 $0x800, s12;
	[sflag:s25] =	ssyncadd.s32 $0xFFFFFE00  }
0x90: {  	[tilespmem:s26], [sflag:$0x6] =	stream.indirect.gather [hbm4b:s5+s23], $0x80, s19, s23, $0xb8;
	[tilespmem:$0x1E800] =	vst v63  }
0x91: {  	_ =	swait.ge [sflag:s28], $0x5000  }
0x92: {  	[sflag:s28] =	ssyncset.done $0x0  }
0x93: {  	[sflag:s28] =	ssyncadd.s32 $0xFFFFB000  }
0x94: {  	_ =	swait.ge [sflag:s31], $0x5000  }
0x95: {  	[sflag:s31] =	ssyncset.done $0x0  }
0x96: {  	[sflag:s31] =	ssyncadd.s32 $0xFFFFB000  }
0x97: {  	_ =	swait.ge [sflag:s30], $0x200  }
0x98: {  	[sflag:s30] =	ssyncset.done $0x0  }
0x99: {  	[sflag:s30] =	ssyncadd.s32 $0xFFFFFE00  }
0x9a: {  	_ =	swait.ge [sflag:s0], $0x200  }
0x9b: {  	[sflag:s0] =	ssyncset.done $0x0  }
0x9c: {  	[sflag:s0] =	ssyncadd.s32 $0xFFFFFE00  }
0x9d: {  	[bflag:$0x0] =	sbarrier.arrive $0xFFFF  }
0x9e: {  	s8 =	rddreg [dreg:$0xa]  }
0x9f: {  	[hbm:s8], [sflag:s7] =	dma.local [spmem:s17], $0x2800  }
0xa0: {  	_ =	swait.ge [sflag:s18], $0x2800  }
0xa1: {  	s10 =	sadd.s32 $0x1, s10;
	s13 =	rddreg [dreg:$0xb]  }
0xa2: {  	p0 =	sne.s32 s10, s13  }
.Ltmp1:
0xa3: {  	_ = 	snop;
	(pc) =	sbr.rel @p0 .LBB2_1-.Ltmp1, $3  }
0xa4: {  	_ =	sdelay $0x1  }
0xa5: {  	[sflag:s18] =	ssyncset.done $0x0  }
0xa6: {  	[sflag:s18] =	ssyncadd.s32 $0xFFFFD800  }
0xa7: {  	_ =	sfence.sel $0x180000  }
0xa8: {  	[bflag:$0x0] =	sbarrier.arrive $0xFFFF  }
0xa9: {  	_ =	strace $0x9000004D  }
0xaa: {  	s0 =	stileid.u32;
	[bflag:$0x2] =	sbarrier.arrive $0xFFFF  }
0xab: {  	p0 =	sne.s32 s0, $0x0;
	s0 =	rddreg [dreg:$0x3]  }
0xac: {  	s0 =	sadd.s32 @!p0 $0x100000, s0  }
0xad: {  	[sflag:s0] =	ssyncadd.tile.s32 @!p0 $0x1;
	_ =	shalt  }
.Lfunc_end2:
_tile_overlayer_lowered:
.L_overlay_start_2:
0xae: {  	(tag) =	ssettag $0x2  }
0xaf: {  	s0 =	rddreg [dreg:$0x0];
	s2 =	stileid.u32  }
0xb0: {  	s1 =	rddreg [dreg:$0x1];
	p0 =	sne.s32 s2, $0x0  }
0xb1: {  	s3 =	rddreg [dreg:$0x2];
	[bflag:$0x3] =	sbarrier.arrive $0xFFFF;
	s2 =	simm.s32 @!p0 $0x1C07  }
0xb2: {  	[timem:s3], [sflag:s2] =	dma.local @!p0 [hbm:s0], s1  }
0xb3: {  	s0 =	simm.s32 @!p0 $0x7  }
0xb4: {  	_ =	swait.ge @!p0 [sflag:s0], s1  }
0xb5: {  	s1 =	ssub.s32 @!p0 $0x0, s1;
	[sflag:s0] =	ssyncset.done @!p0 $0x0  }
0xb6: {  	[sflag:s0] =	ssyncadd.s32 @!p0 s1  }
0xb7: {  	[bflag:$0x3] =	sbarrier.arrive $0xFFFF  }
0xb8: {  	_ =	shalt  }

// kernel: kernel.20.cloned.1.call-start
scs
__scs_entry_jumppad:
0x0: {  	(pc) =	sbr.rel $0x88, $3  }
0x1: {  	(tag) =	ssettag $0x0;
	lr =	simm.s32 $0x1  }
0x2: {  	[smem:$0x3F99] =	sst lr;
	_ =	strace $0xD0000000  }
0x3: {  	_ = 	snop  }
0x4: {  	_ = 	snop  }
0x5: {  	_ = 	snop  }
0x6: {  	_ = 	snop  }
0x7: {  	_ = 	snop  }
__scs_overlays_trampoline_lowered:
0x8: {  	[smem:$0x3FA8] =	sst s0  }
0x9: {  	[smem:$0x3FA9] =	sst s1  }
0xa: {  	[smem:$0x3FAA] =	sst s2  }
0xb: {  	[smem:$0x3FAB] =	sst s3  }
0xc: {  	[smem:$0x3FAC] =	sst s4  }
0xd: {  	[smem:$0x3FAD] =	sst s5  }
0xe: {  	[smem:$0x3FAE] =	sst s6  }
0xf: {  	[smem:$0x3FAF] =	sst s7  }
0x10: {  	[smem:$0x3FB0] =	sst s8  }
0x11: {  	[smem:$0x3FB1] =	sst s9;
	s0 =	simm.s32 @!p0 $0x0  }
0x12: {  	s1 =	sld [smem:$0x3F97];
	s0 =	simm.s32 @p0 $0x1  }
0x13: {  	[smem:$0x3FB2] =	sst s0;
	s0 =	simm.s32 @!p1 $0x0  }
0x14: {  	s2 =	sld [smem:$0x3F96];
	s0 =	simm.s32 @p1 $0x1  }
0x15: {  	[smem:$0x3FB3] =	sst s0;
	s0 =	simm.s32 @!p2 $0x0  }
0x16: {  	s3 =	sld [smem:$0x3FDB];
	s0 =	simm.s32 @p2 $0x1  }
0x17: {  	s4 =	simm.s32 $0x1BF5;
	[smem:$0x3FB5] =	sst s0  }
0x18: {  	s0 =	sld [smem:$0x3F98];
	_ =	swait.ge [sflag:s4], $0x0  }
0x19: {  	s7 =	sld [smem:$0x3F99]  }
0x1a: {  	s8 =	sadd.s32 $0xFFFFE003, lr  }
0x1b: {  	s9 =	sadd.s32 $0xFFFFFEF7, lr;
	s5 =	simm.s32 $0xFFFFFFFF;
	p2 =	slt.u32 s8, $0xFFFFF086  }
0x1c: {  	p1 =	slt.u32 s9, $0xF7A;
	s5 =	simm.s32 @!p2 $0x0  }
0x1d: {  	s5 =	simm.s32 @p1 $0x1;
	p0 =	seq.s32 s7, s2  }
0x1e: {  	s7 =	smul.u32 @!p0 $0xF7A, s2;
	p2 =	seq.s32 @!p0 s5, $0x0  }
0x1f: {  	s9 =	smul.u32 $0xF7A, s1;
	s8 =	simm.s32 @!p0 $0x1BF5;
	p2 =	por !p2, p0  }
0x20: {  	[sflag:s8] =	ssyncset.s32 @!p0 $0xFFFFF086;
	s6 =	sadd.s32 @!p0 s3, s7;
	s7 =	simm.s32 @!p0 $0x108  }
0x21: {  	s3 =	sadd.s32 s3, s9;
	s6 =	sadd.s32 @!p0 $0x88, s6;
	s7 =	simm.s32 @p2 $0x1082  }
0x22: {  	[simem:s7], [sflag:s8] =	dma.local @!p0 [hbm:s6], $0xF7A  }
0x23: {  	s9 =	sor.u32 $0xD0000000, s2;
	s6 =	simm.s32 $0x108;
	_ =	swait.ge @!p0 [sflag:s8], $0x0  }
0x24: {  	s3 =	sadd.s32 $0x88, s3;
	s6 =	simm.s32 @!p1 $0x1082;
	[sflag:s4] =	ssyncset.s32 $0xFFFFF086  }
0x25: {  	[simem:s6], [sflag:s4] =	dma.local [hbm:s3], $0xF7A  }
0x26: {  	[smem:$0x3F99] =	sst s1;
	(tag) =	ssettag s2;
	_ =	strace s9  }
0x27: {  	s1 =	sld [smem:$0x3FA9]  }
0x28: {  	s2 =	sld [smem:$0x3FAA]  }
0x29: {  	s4 =	sld [smem:$0x3FAC]  }
0x2a: {  	p0 =	seq.s32 s5, $0x0;
	s5 =	sld [smem:$0x3FAD]  }
0x2b: {  	s6 =	sld [smem:$0x3FAE]  }
0x2c: {  	s7 =	sld [smem:$0x3FAF]  }
0x2d: {  	s3 =	simm.s32 $0x108;
	s8 =	sld [smem:$0x3FB0]  }
0x2e: {  	s3 =	simm.s32 @!p0 $0x1082;
	s9 =	sld [smem:$0x3FB1]  }
0x2f: {  	lr =	sadd.s32 s0, s3;
	s0 =	sld [smem:$0x3FA8]  }
0x30: {  	s3 =	sld [smem:$0x3FAB]  }
0x31: {  	[smem:$0x3FB4] =	sst s10  }
0x32: {  	s10 =	sld [smem:$0x3FB2];
	_ =	sdelay $0x3  }
0x33: {  	p0 =	seq.s32 s10, $0x1;
	s10 =	sld [smem:$0x3FB4];
	_ =	sdelay $0x3  }
0x34: {  	[smem:$0x3FB4] =	sst s10  }
0x35: {  	s10 =	sld [smem:$0x3FB3];
	_ =	sdelay $0x3  }
0x36: {  	p1 =	seq.s32 s10, $0x1;
	s10 =	sld [smem:$0x3FB4];
	_ =	sdelay $0x3  }
0x37: {  	[smem:$0x3FB4] =	sst s10  }
0x38: {  	s10 =	sld [smem:$0x3FB5]  }
0x39: {  	_ = 	snop;
	(pc) =	sbr.ind lr, $3  }
0x3a: {  	_ = 	snop  }
0x3b: {  	_ = 	snop  }
0x3c: {  	p2 =	seq.s32 s10, $0x1;
	s10 =	sld [smem:$0x3FB4]  }
0x3d: {  	_ =	shalt  }
0x3e: {  	_ =	shalt  }
0x3f: {  	_ =	shalt  }
0x40: {  	_ =	shalt  }
0x41: {  	_ =	shalt  }
0x42: {  	_ =	shalt  }
0x43: {  	_ =	shalt  }
0x44: {  	_ =	shalt  }
0x45: {  	_ =	shalt  }
0x46: {  	_ =	shalt  }
0x47: {  	_ =	shalt  }
0x48: {  	_ =	shalt  }
0x49: {  	_ =	shalt  }
0x4a: {  	_ =	shalt  }
0x4b: {  	_ =	shalt  }
0x4c: {  	_ =	shalt  }
0x4d: {  	_ =	shalt  }
0x4e: {  	_ =	shalt  }
0x4f: {  	_ =	shalt  }
0x50: {  	_ =	shalt  }
0x51: {  	_ =	shalt  }
0x52: {  	_ =	shalt  }
0x53: {  	_ =	shalt  }
0x54: {  	_ =	shalt  }
0x55: {  	_ =	shalt  }
0x56: {  	_ =	shalt  }
0x57: {  	_ =	shalt  }
0x58: {  	_ =	shalt  }
0x59: {  	_ =	shalt  }
0x5a: {  	_ =	shalt  }
0x5b: {  	_ =	shalt  }
0x5c: {  	_ =	shalt  }
0x5d: {  	_ =	shalt  }
0x5e: {  	_ =	shalt  }
0x5f: {  	_ =	shalt  }
0x60: {  	_ =	shalt  }
0x61: {  	_ =	shalt  }
0x62: {  	_ =	shalt  }
0x63: {  	_ =	shalt  }
0x64: {  	_ =	shalt  }
0x65: {  	_ =	shalt  }
0x66: {  	_ =	shalt  }
0x67: {  	_ =	shalt  }
0x68: {  	_ =	shalt  }
0x69: {  	_ =	shalt  }
0x6a: {  	_ =	shalt  }
0x6b: {  	_ =	shalt  }
0x6c: {  	_ =	shalt  }
0x6d: {  	_ =	shalt  }
0x6e: {  	_ =	shalt  }
0x6f: {  	_ =	shalt  }
0x70: {  	_ =	shalt  }
0x71: {  	_ =	shalt  }
0x72: {  	_ =	shalt  }
0x73: {  	_ =	shalt  }
0x74: {  	_ =	shalt  }
0x75: {  	_ =	shalt  }
0x76: {  	_ =	shalt  }
0x77: {  	_ =	shalt  }
0x78: {  	_ =	shalt  }
0x79: {  	_ =	shalt  }
0x7a: {  	_ =	shalt  }
0x7b: {  	_ =	shalt  }
0x7c: {  	_ =	shalt  }
0x7d: {  	_ =	shalt  }
0x7e: {  	_ =	shalt  }
0x7f: {  	_ =	shalt  }
0x80: {  	_ =	shalt  }
0x81: {  	_ =	shalt  }
0x82: {  	_ =	shalt  }
0x83: {  	_ =	shalt  }
0x84: {  	_ =	shalt  }
0x85: {  	_ =	shalt  }
0x86: {  	_ =	shalt  }
0x87: {  	_ =	shalt  }
.Lfunc_end0:
.L_simem_size_0:
called_computation.3_lowered:
.L_overlay_start_0:
0x88: {  	s2 =	sld [smem:$0x3FD9]  }
0x89: {  	s3 =	sld [smem:$0x3FFE];
	_ =	sdelay $0x1  }
0x8a: {  	s1 =	srdreg.scid  }
0x8b: {  	s0 =	sand.u32 $0x1, s1  }
0x8c: {  	s17 =	sshll.u32 s0, $0xA;
	s2 =	sadd.s32 s3, s2  }
0x8d: {  	s2 =	sadd.s32 s2, s17  }
0x8e: {  	[smem:$0x3FC0] =	sst s2  }
0x8f: {  	_ = 	snop  }
0x90: {  	s2 =	sld [smem:$0x3FD0];
	(tm) =	ssettm $0x1  }
0x91: {  	s18 =	sld [smem:$0x3FFB];
	_ =	sdelay $0x3  }
0x92: {  	_ =	strace s18  }
0x93: {  	s3 =	sld [smem:$0x3FFC];
	_ =	sdelay $0x3  }
0x94: {  	_ =	strace s3  }
0x95: {  	s3 =	sld [smem:$0x3FFD];
	_ =	sdelay $0x3  }
0x96: {  	_ =	strace s3  }
0x97: {  	_ =	strace $0x8FFFFFFF  }
0x98: {  	s19 =	sld [smem:$0x3FDB];
	_ =	sdelay $0x1  }
0x99: {  	s4 =	simm.s32 $_scs_section_size  }
0x9a: {  	s5 =	simm.s32 $_size__tile_overlayer_lowered;
	s6 =	simm.s32 $_tile_overlayer_lowered  }
0x9b: {  	s22 =	simm.s32 $0x1BFF;
	s21 =	sshll.u32 s6, $0x1;
	s3 =	sadd.s32 s4, s19  }
0x9c: {  	s7 =	simm.s32 $0x0;
	s20 =	sshll.u32 s5, $0x1;
	s5 =	sadd.s32 s21, s3  }
0x9d: {  	[timem:s7], [sflag:s22] =	dma.local [hbm:s5], s20  }
0x9e: {  	_ =	swait.ge [sflag:s22], s20  }
0x9f: {  	s4 =	ssub.s32 $0x0, s20;
	[sflag:s22] =	ssyncset.done $0x0  }
0xa0: {  	[sflag:s22] =	ssyncadd.s32 s4;
	_ =	sdelay $0x1  }
0xa1: {  	s23 =	simm.s32 $0x1B8B  }
0xa2: {  	_ =	swait.ge [sflag:s23], $0x1  }
0xa3: {  	[sflag:s23] =	ssyncset.done $0x0  }
0xa4: {  	s25 =	simm.s32 $0x1B8E;
	s24 =	sld [smem:$0x3FFE];
	[sflag:s23] =	ssyncadd.s32 $0xFFFFFFFF  }
0xa5: {  	s26 =	simm.s32 $execute0_lowered;
	[smem:$0x3FD2] =	sst s25  }
0xa6: {  	s5 =	sshll.u32 s26, $0x1;
	_ =	strace $0x8000004F;
	[dreg:$0x1] =	wrdreg $0xFFFFFFFF  }
0xa7: {  	s28 =	simm.s32 $_size_execute0_lowered;
	s3 =	sadd.s32 s3, s5;
	[dreg:$0x0] =	wrdreg $0x0  }
0xa8: {  	s5 =	sshll.u32 s28, $0x1;
	[dreg:$0x2] =	wrdreg s3  }
0xa9: {  	[dreg:$0x3] =	wrdreg s5  }
0xaa: {  	[dreg:$0x4] =	wrdreg $0xC0  }
0xab: {  	_ =	task [dreg:s7], $0x5FFFF  }
0xac: {  	[dreg:$0x1] =	wrdreg $0xFFFFFFFF  }
0xad: {  	[dreg:$0x0] =	wrdreg $0x60  }
0xae: {  	[dreg:$0x2] =	wrdreg s24  }
0xaf: {  	[dreg:$0x3] =	wrdreg s2  }
0xb0: {  	[dreg:$0x4] =	wrdreg $0xA8000  }
0xb1: {  	[dreg:$0x5] =	wrdreg $0x9  }
0xb2: {  	_ =	task.clear_ibuf [dreg:s7], $0x6FFFF;
	_ =	strace $0x9000004F  }
0xb3: {  	s29 =	simm.s32 $0x9;
	_ =	strace $0x80000051  }
0xb4: {  	_ =	swait.ge [sflag:s29], $0x1  }
0xb5: {  	[sflag:s29] =	ssyncadd.s32 $0xFFFFFFFF  }
0xb6: {  	_ =	strace $0x90000051  }
0xb7: {  	_ =	sfence  }
0xb8: {  	s30 =	sld [smem:$0x0];
	_ =	sdelay $0x2  }
0xb9: {  	s31 =	sshll.u32 s1, $0xD;
	s1 =	sshrl.u32 s1, $0x2  }
0xba: {  	s3 =	sand.u32 $0x4000, s31;
	s1 =	sadd.s32 s1, s30  }
0xbb: {  	s0 =	sor.u32 s3, s0;
	s1 =	sshll.u32 s1, $0x11  }
0xbc: {  	s0 =	sor.u32 s1, s0  }
0xbd: {  	s0 =	sadd.s32 $0x8F2B, s0  }
0xbe: {  	[sflag:s0] =	ssyncadd.remote.s32 $0x1  }
0xbf: {  	_ =	sfence.sel $0xFFFF  }
0xc0: {  	[dreg:$0x0] =	wrdreg $0xFFFFFFFF;
	(pc) =	sbr.abs _section_cstart, $3  }
0xc1: {  	[dreg:$0x1] =	wrdreg $0xFFFFFFFF  }
0xc2: {  	_ =	task.clear_ibuf [dreg:s7], $0x2FFFF;
	_ =	strace $0x9FFFFFFF  }
0xc3: {  	(tm) =	ssettm $0x7FFFFFFF  }
tec
execute0_lowered:
.L_overlay_start_1:
0x0: {  	(tag) =	ssettag $0x1  }
0x1: {  	s0 =	rddreg [dreg:$0x0]  }
0x2: {  	s1 =	srdreg.scid;
	s2 =	rddreg [dreg:$0x1]  }
0x3: {  	s12 =	stileid.u32;
	s3 =	rddreg [dreg:$0x2];
	s4 =	simm.s32 $0x0  }
0x4: {  	s28 =	simm.s32 $0x5;
	s29 =	simm.s32 $0x100;
	s6 =	smul.u32 $0x14000, s12  }
0x5: {  	s30 =	simm.s32 $0x3;
	s31 =	simm.s32 $0x6;
	s9 =	smul.u32 $0x50000, s12  }
0x6: {  	s1 =	sand.u32 $0x1, s1;
	[smem:$0x7FF] =	sst s4;
	s20 =	smul.u32 $0x8800, s12  }
0x7: {  	s19 =	sshll.u32 s12, $0x6;
	s5 =	smul.u32 $0x140000, s1;
	_ =	strace $0x80000050  }
0x8: {  	s8 =	ssub.s32 $0x2, s1;
	s10 =	sshll.u32 s1, $0x4;
	s1 =	smul.u32 $0x88000, s1  }
0x9: {  	s16 =	sshrl.u32 s8, $0x1;
	s10 =	sor.u32 s12, s10;
	s17 =	sshrl.u32 s9, $0x2  }
0xa: {  	s7 =	sadd.s32 s6, s5;
	s5 =	sadd.s32 $0x2C00, s0;
	s11 =	ssub.s32 s8, s16  }
0xb: {  	s18 =	smul.u32 $0x8800, s10;
	s9 =	sadd.s32 s17, s3;
	s6 =	sshrl.u32 s6, $0x3  }
0xc: {  	s1 =	sadd.s32 s20, s1;
	s20 =	simm.s32 $0x400;
	s7 =	sshrl.u32 s7, $0x3  }
0xd: {  	s6 =	sadd.s32 s5, s6;
	s23 =	sadd.s32 $0xE00, s1;
	s24 =	smax.u32 s11, $0x1  }
0xe: {  	s25 =	sadd.s32 $0xC00, s1;
	s10 =	sadd.s32 $0xA00, s1;
	s16 =	sadd.s32 $0x800, s1  }
0xf: {  	s17 =	sshrl.u32 s9, $0x3;
	s1 =	simm.s32 $0x300;
	s9 =	simm.s32 $0x700  }
0x10: {  	s0 =	sadd.s32 s7, s0;
	s8 =	sshrl.u32 s18, $0x3;
	[dreg:$0x5] =	wrdreg s6  }
0x11: {  	s7 =	sor.u32 $0x1C07, s19;
	[dreg:$0xb] =	wrdreg s24;
	s26 =	sshrl.u32 s10, $0x3  }
0x12: {  	s18 =	simm.s32 $0x7;
	s19 =	simm.s32 $0x200;
	s24 =	simm.s32 $0x800  }
0x13: {  	s10 =	simm.s32 $0x0;
	s21 =	sadd.s32 s2, s8;
	s0 =	sadd.s32 $0x2AC00, s0  }
0x14: {  	s15 =	sadd.s32 s26, s2;
	s26 =	simm.s32 $0x5800;
	[dreg:$0x6] =	wrdreg s21  }
0x15: {  	s8 =	sadd.s32 $0x40, s21;
	s22 =	sadd.s32 $0x80, s21;
	[dreg:$0xa] =	wrdreg s0  }
0x16: {  	s6 =	sadd.s32 $0xC0, s21;
	s0 =	sshrl.u32 s23, $0x3;
	[dreg:$0x7] =	wrdreg s8  }
0x17: {  	s21 =	simm.s32 $0x600;
	s23 =	simm.s32 $0xA0;
	[dreg:$0x8] =	wrdreg s22  }
0x18: {  	[dreg:$0x9] =	wrdreg s6;
	s0 =	sadd.s32 s0, s2;
	s6 =	sshrl.u32 s25, $0x3  }
0x19: {  	s22 =	simm.s32 $0x1;
	s25 =	simm.s32 $0x2;
	[dreg:$0x4] =	wrdreg s0  }
0x1a: {  	s14 =	sadd.s32 s6, s2;
	s0 =	simm.s32 $0x4;
	s6 =	simm.s32 $0x500  }
.LBB2_1:
0x1b: {  	s8 =	rddreg [dreg:$0x5]  }
0x1c: {  	[spmem:s17], [sflag:s7] =	dma.local [hbm:s8], $0x2800  }
0x1d: {  	_ =	swait.ge [sflag:s18], $0x2800  }
0x1e: {  	[sflag:s18] =	ssyncset.done $0x0  }
0x1f: {  	[sflag:s18] =	ssyncadd.s32 $0xFFFFD800  }
0x20: {  	[bflag:$0x0] =	sbarrier.arrive $0xFFFF  }
0x21: {  	s13 =	rddreg [dreg:$0x6]  }
0x22: {  	[tilespmem:s4], [sflag:$0x1] =	stream.linear.gather [hbm4b:s13+s4], $0x200, $0x38;
	[tilespmem:$0x1E800] =	vst v63  }
0x23: {  	s11 =	rddreg [dreg:$0x7]  }
0x24: {  	[tilespmem:s19], [sflag:$0x2] =	stream.linear.gather [hbm4b:s11+s4], $0x200, $0x38;
	[tilespmem:$0x1E800] =	vst v63  }
0x25: {  	s12 =	rddreg [dreg:$0x8]  }
0x26: {  	[tilespmem:s20], [sflag:$0x3] =	stream.linear.gather [hbm4b:s12+s4], $0x200, $0x38;
	[tilespmem:$0x1E800] =	vst v63  }
0x27: {  	s13 =	rddreg [dreg:$0x9]  }
0x28: {  	[tilespmem:s21], [sflag:$0x4] =	stream.linear.gather [hbm4b:s13+s4], $0x200, $0x38;
	[tilespmem:$0x1E800] =	vst v63  }
0x29: {  	_ =	swait.ge [sflag:s22], $0x200  }
0x2a: {  	[sflag:s22] =	ssyncset.done $0x0  }
0x2b: {  	[sflag:s22] =	ssyncadd.s32 $0xFFFFFE00  }
0x2c: {  	[tilespmem:s24], [sflag:$0x5] =	stream.indirect.gather [hbm4b:s5+s23], $0x80, s4, s23, $0xb8;
	[tilespmem:$0x1E800] =	vst v63  }
0x2d: {  	_ =	swait.ge [sflag:s25], $0x200  }
0x2e: {  	[sflag:s25] =	ssyncset.done $0x0  }
0x2f: {  	[sflag:s25] =	ssyncadd.s32 $0xFFFFFE00  }
0x30: {  	[tilespmem:s26], [sflag:$0x6] =	stream.indirect.gather [hbm4b:s5+s23], $0x80, s19, s23, $0xb8;
	[tilespmem:$0x1E800] =	vst v63  }
0x31: {  	_ =	swait.ge [sflag:s28], $0x5000  }
0x32: {  	[sflag:s28] =	ssyncset.done $0x0  }
0x33: {  	[sflag:s28] =	ssyncadd.s32 $0xFFFFB000  }
0x34: {  	[spmem:s3] =	stream.indirect.scatter.add.f32 [tilespmem:s24], [sflag:$0x7], $0x80, s29, s23, $0xb8;
	[tilespmem:$0x1E800] =	vst v63  }
0x35: {  	_ =	swait.ge [sflag:s18], $0x5000  }
0x36: {  	s11 =	sshrl.u32 s16, $0x3;
	[sflag:s18] =	ssyncset.done $0x0  }
0x37: {  	s11 =	sadd.s32 s2, s11;
	[sflag:s18] =	ssyncadd.s32 $0xFFFFB000  }
0x38: {  	[tilespmem:s4], [sflag:$0x1] =	stream.linear.gather [hbm4b:s11+s4], $0x200, $0x38;
	[tilespmem:$0x1E800] =	vst v63  }
0x39: {  	_ =	swait.ge [sflag:s30], $0x200  }
0x3a: {  	[sflag:s30] =	ssyncset.done $0x0  }
0x3b: {  	[sflag:s30] =	ssyncadd.s32 $0xFFFFFE00  }
0x3c: {  	[tilespmem:s24], [sflag:$0x5] =	stream.indirect.gather [hbm4b:s5+s23], $0x80, s20, s23, $0xb8;
	[tilespmem:$0x1E800] =	vst v63  }
0x3d: {  	_ =	swait.ge [sflag:s31], $0x5000  }
0x3e: {  	[sflag:s31] =	ssyncset.done $0x0  }
0x3f: {  	[sflag:s31] =	ssyncadd.s32 $0xFFFFB000  }
0x40: {  	[spmem:s3] =	stream.indirect.scatter.add.f32 [tilespmem:s26], [sflag:$0x7], $0x80, s1, s23, $0xb8;
	[tilespmem:$0x1E800] =	vst v63  }
0x41: {  	_ =	swait.ge [sflag:s18], $0x5000  }
0x42: {  	[sflag:s18] =	ssyncset.done $0x0  }
0x43: {  	s8 =	sadd.s32 $0x0, s15;
	[sflag:s18] =	ssyncadd.s32 $0xFFFFB000  }
0x44: {  	[tilespmem:s19], [sflag:$0x2] =	stream.linear.gather [hbm4b:s8+s4], $0x200, $0x38;
	[tilespmem:$0x1E800] =	vst v63  }
0x45: {  	_ =	swait.ge [sflag:s0], $0x200  }
0x46: {  	[sflag:s0] =	ssyncset.done $0x0  }
0x47: {  	[sflag:s0] =	ssyncadd.s32 $0xFFFFFE00  }
0x48: {  	[tilespmem:s26], [sflag:$0x6] =	stream.indirect.gather [hbm4b:s5+s23], $0x80, s21, s23, $0xb8;
	[tilespmem:$0x1E800] =	vst v63  }
0x49: {  	_ =	swait.ge [sflag:s28], $0x5000  }
0x4a: {  	[sflag:s28] =	ssyncset.done $0x0  }
0x4b: {  	[sflag:s28] =	ssyncadd.s32 $0xFFFFB000  }
0x4c: {  	[spmem:s3] =	stream.indirect.scatter.add.f32 [tilespmem:s24], [sflag:$0x7], $0x80, s6, s23, $0xb8;
	[tilespmem:$0x1E800] =	vst v63  }
0x4d: {  	_ =	swait.ge [sflag:s18], $0x5000  }
0x4e: {  	[sflag:s18] =	ssyncset.done $0x0  }
0x4f: {  	s12 =	sadd.s32 $0x0, s14;
	[sflag:s18] =	ssyncadd.s32 $0xFFFFB000  }
0x50: {  	[tilespmem:s20], [sflag:$0x3] =	stream.linear.gather [hbm4b:s12+s4], $0x200, $0x38;
	[tilespmem:$0x1E800] =	vst v63  }
0x51: {  	_ =	swait.ge [sflag:s22], $0x200  }
0x52: {  	[sflag:s22] =	ssyncset.done $0x0  }
0x53: {  	[sflag:s22] =	ssyncadd.s32 $0xFFFFFE00  }
0x54: {  	[tilespmem:s24], [sflag:$0x5] =	stream.indirect.gather [hbm4b:s5+s23], $0x80, s4, s23, $0xb8;
	[tilespmem:$0x1E800] =	vst v63  }
0x55: {  	_ =	swait.ge [sflag:s31], $0x5000  }
0x56: {  	[sflag:s31] =	ssyncset.done $0x0  }
0x57: {  	[sflag:s31] =	ssyncadd.s32 $0xFFFFB000  }
0x58: {  	[spmem:s3] =	stream.indirect.scatter.add.f32 [tilespmem:s26], [sflag:$0x7], $0x80, s9, s23, $0xb8;
	[tilespmem:$0x1E800] =	vst v63  }
0x59: {  	_ =	swait.ge [sflag:s18], $0x5000  }
0x5a: {  	s13 =	rddreg [dreg:$0x4];
	[sflag:s18] =	ssyncset.done $0x0  }
0x5b: {  	[sflag:s18] =	ssyncadd.s32 $0xFFFFB000;
	s11 =	sadd.s32 $0x0, s13  }
0x5c: {  	[tilespmem:s21], [sflag:$0x4] =	stream.linear.gather [hbm4b:s11+s4], $0x200, $0x38;
	[tilespmem:$0x1E800] =	vst v63  }
0x5d: {  	_ =	swait.ge [sflag:s25], $0x200  }
0x5e: {  	[sflag:s25] =	ssyncset.done $0x0  }
0x5f: {  	s12 =	sadd.s32 $0x800, s16;
	s11 =	simm.s32 $0x100;
	[sflag:s25] =	ssyncadd.s32 $0xFFFFFE00  }
.LBB2_2:
0x60: {  	[tilespmem:s26], [sflag:$0x6] =	stream.indirect.gather [hbm4b:s5+s23], $0x80, s19, s23, $0xb8;
	[tilespmem:$0x1E800] =	vst v63  }
0x61: {  	_ =	swait.ge [sflag:s28], $0x5000  }
0x62: {  	[sflag:s28] =	ssyncset.done $0x0  }
0x63: {  	[sflag:s28] =	ssyncadd.s32 $0xFFFFB000  }
0x64: {  	[spmem:s3] =	stream.indirect.scatter.add.f32 [tilespmem:s24], [sflag:$0x7], $0x80, s29, s23, $0xb8;
	[tilespmem:$0x1E800] =	vst v63  }
0x65: {  	_ =	swait.ge [sflag:s18], $0x5000  }
0x66: {  	s8 =	sshrl.u32 s12, $0x3;
	[sflag:s18] =	ssyncset.done $0x0  }
0x67: {  	s8 =	sadd.s32 s2, s8;
	[sflag:s18] =	ssyncadd.s32 $0xFFFFB000  }
0x68: {  	[tilespmem:s4], [sflag:$0x1] =	stream.linear.gather [hbm4b:s8+s4], $0x200, $0x38;
	[tilespmem:$0x1E800] =	vst v63  }
0x69: {  	_ =	swait.ge [sflag:s30], $0x200  }
0x6a: {  	[sflag:s30] =	ssyncset.done $0x0  }
0x6b: {  	[sflag:s30] =	ssyncadd.s32 $0xFFFFFE00  }
0x6c: {  	[tilespmem:s24], [sflag:$0x5] =	stream.indirect.gather [hbm4b:s5+s23], $0x80, s20, s23, $0xb8;
	[tilespmem:$0x1E800] =	vst v63  }
0x6d: {  	_ =	swait.ge [sflag:s31], $0x5000  }
0x6e: {  	[sflag:s31] =	ssyncset.done $0x0  }
0x6f: {  	[sflag:s31] =	ssyncadd.s32 $0xFFFFB000  }
0x70: {  	[spmem:s3] =	stream.indirect.scatter.add.f32 [tilespmem:s26], [sflag:$0x7], $0x80, s1, s23, $0xb8;
	[tilespmem:$0x1E800] =	vst v63  }
0x71: {  	_ =	swait.ge [sflag:s18], $0x5000  }
0x72: {  	s13 =	smov.u32 s11;
	[sflag:s18] =	ssyncset.done $0x0  }
0x73: {  	s8 =	sadd.s32 s13, s15;
	[sflag:s18] =	ssyncadd.s32 $0xFFFFB000  }
0x74: {  	[tilespmem:s19], [sflag:$0x2] =	stream.linear.gather [hbm4b:s8+s4], $0x200, $0x38;
	[tilespmem:$0x1E800] =	vst v63  }
0x75: {  	_ =	swait.ge [sflag:s0], $0x200  }
0x76: {  	[sflag:s0] =	ssyncset.done $0x0  }
0x77: {  	[sflag:s0] =	ssyncadd.s32 $0xFFFFFE00  }
0x78: {  	[tilespmem:s26], [sflag:$0x6] =	stream.indirect.gather [hbm4b:s5+s23], $0x80, s21, s23, $0xb8;
	[tilespmem:$0x1E800] =	vst v63  }
0x79: {  	_ =	swait.ge [sflag:s28], $0x5000  }
0x7a: {  	[sflag:s28] =	ssyncset.done $0x0  }
0x7b: {  	[sflag:s28] =	ssyncadd.s32 $0xFFFFB000  }
0x7c: {  	[spmem:s3] =	stream.indirect.scatter.add.f32 [tilespmem:s24], [sflag:$0x7], $0x80, s6, s23, $0xb8;
	[tilespmem:$0x1E800] =	vst v63  }
0x7d: {  	_ =	swait.ge [sflag:s18], $0x5000  }
0x7e: {  	[sflag:s18] =	ssyncset.done $0x0  }
0x7f: {  	s8 =	sadd.s32 s13, s14;
	[sflag:s18] =	ssyncadd.s32 $0xFFFFB000  }
0x80: {  	[tilespmem:s20], [sflag:$0x3] =	stream.linear.gather [hbm4b:s8+s4], $0x200, $0x38;
	[tilespmem:$0x1E800] =	vst v63  }
0x81: {  	_ =	swait.ge [sflag:s22], $0x200  }
0x82: {  	[sflag:s22] =	ssyncset.done $0x0  }
0x83: {  	[sflag:s22] =	ssyncadd.s32 $0xFFFFFE00  }
0x84: {  	[tilespmem:s24], [sflag:$0x5] =	stream.indirect.gather [hbm4b:s5+s23], $0x80, s4, s23, $0xb8;
	[tilespmem:$0x1E800] =	vst v63  }
0x85: {  	_ =	swait.ge [sflag:s31], $0x5000  }
0x86: {  	[sflag:s31] =	ssyncset.done $0x0  }
0x87: {  	[sflag:s31] =	ssyncadd.s32 $0xFFFFB000  }
0x88: {  	[spmem:s3] =	stream.indirect.scatter.add.f32 [tilespmem:s26], [sflag:$0x7], $0x80, s9, s23, $0xb8;
	[tilespmem:$0x1E800] =	vst v63  }
0x89: {  	_ =	swait.ge [sflag:s18], $0x5000  }
0x8a: {  	p0 =	sne.s32 s11, $0xF00;
	s8 =	rddreg [dreg:$0x4];
	[sflag:s18] =	ssyncset.done $0x0  }
.Ltmp0:
0x8b: {  	[sflag:s18] =	ssyncadd.s32 $0xFFFFB000;
	s8 =	sadd.s32 s13, s8;
	(pc) =	sbr.rel @p0 .LBB2_2-.Ltmp0, $4  }
0x8c: {  	[tilespmem:s21], [sflag:$0x4] =	stream.linear.gather [hbm4b:s8+s4], $0x200, $0x38;
	[tilespmem:$0x1E800] =	vst v63  }
0x8d: {  	_ =	swait.ge [sflag:s25], $0x200  }
0x8e: {  	[sflag:s25] =	ssyncset.done $0x0  }
0x8f: {  	s11 =	sadd.s32 $0x100, s11;
	s12 =	sadd.s32 $0x800, s12;
	[sflag:s25] =	ssyncadd.s32 $0xFFFFFE00  }
0x90: {  	[tilespmem:s26], [sflag:$0x6] =	stream.indirect.gather [hbm4b:s5+s23], $0x80, s19, s23, $0xb8;
	[tilespmem:$0x1E800] =	vst v63  }
0x91: {  	_ =	swait.ge [sflag:s28], $0x5000  }
0x92: {  	[sflag:s28] =	ssyncset.done $0x0  }
0x93: {  	[sflag:s28] =	ssyncadd.s32 $0xFFFFB000  }
0x94: {  	_ =	swait.ge [sflag:s31], $0x5000  }
0x95: {  	[sflag:s31] =	ssyncset.done $0x0  }
0x96: {  	[sflag:s31] =	ssyncadd.s32 $0xFFFFB000  }
0x97: {  	_ =	swait.ge [sflag:s30], $0x200  }
0x98: {  	[sflag:s30] =	ssyncset.done $0x0  }
0x99: {  	[sflag:s30] =	ssyncadd.s32 $0xFFFFFE00  }
0x9a: {  	_ =	swait.ge [sflag:s0], $0x200  }
0x9b: {  	[sflag:s0] =	ssyncset.done $0x0  }
0x9c: {  	[sflag:s0] =	ssyncadd.s32 $0xFFFFFE00  }
0x9d: {  	[bflag:$0x0] =	sbarrier.arrive $0xFFFF  }
0x9e: {  	s8 =	rddreg [dreg:$0xa]  }
0x9f: {  	[hbm:s8], [sflag:s7] =	dma.local [spmem:s17], $0x2800  }
0xa0: {  	_ =	swait.ge [sflag:s18], $0x2800  }
0xa1: {  	s10 =	sadd.s32 $0x1, s10;
	s13 =	rddreg [dreg:$0xb]  }
0xa2: {  	p0 =	sne.s32 s10, s13  }
.Ltmp1:
0xa3: {  	_ = 	snop;
	(pc) =	sbr.rel @p0 .LBB2_1-.Ltmp1, $3  }
0xa4: {  	_ =	sdelay $0x1  }
0xa5: {  	[sflag:s18] =	ssyncset.done $0x0  }
0xa6: {  	[sflag:s18] =	ssyncadd.s32 $0xFFFFD800  }
0xa7: {  	_ =	sfence.sel $0x180000  }
0xa8: {  	[bflag:$0x0] =	sbarrier.arrive $0xFFFF  }
0xa9: {  	_ =	strace $0x90000050  }
0xaa: {  	s0 =	stileid.u32;
	[bflag:$0x2] =	sbarrier.arrive $0xFFFF  }
0xab: {  	p0 =	sne.s32 s0, $0x0;
	s0 =	rddreg [dreg:$0x3]  }
0xac: {  	s0 =	sadd.s32 @!p0 $0x100000, s0  }
0xad: {  	[sflag:s0] =	ssyncadd.tile.s32 @!p0 $0x1;
	_ =	shalt  }
.Lfunc_end2:
_tile_overlayer_lowered:
.L_overlay_start_2:
0xae: {  	(tag) =	ssettag $0x2  }
0xaf: {  	s0 =	rddreg [dreg:$0x0];
	s2 =	stileid.u32  }
0xb0: {  	s1 =	rddreg [dreg:$0x1];
	p0 =	sne.s32 s2, $0x0  }
0xb1: {  	s3 =	rddreg [dreg:$0x2];
	[bflag:$0x3] =	sbarrier.arrive $0xFFFF;
	s2 =	simm.s32 @!p0 $0x1C07  }
0xb2: {  	[timem:s3], [sflag:s2] =	dma.local @!p0 [hbm:s0], s1  }
0xb3: {  	s0 =	simm.s32 @!p0 $0x7  }
0xb4: {  	_ =	swait.ge @!p0 [sflag:s0], s1  }
0xb5: {  	s1 =	ssub.s32 @!p0 $0x0, s1;
	[sflag:s0] =	ssyncset.done @!p0 $0x0  }
0xb6: {  	[sflag:s0] =	ssyncadd.s32 @!p0 s1  }
0xb7: {  	[bflag:$0x3] =	sbarrier.arrive $0xFFFF  }
0xb8: {  	_ =	shalt  }

</sc_bundles>
